<compile_context>
chip_gen: v7x
topology: tpu7x:2x2x1
jax: 0.10.2.dev20260603
libtpu: 0.0.44.dev20260713+nightly
codegen_flags: <defaults>
</compile_context>

<pallas_src>
import functools

import jax
import jax.numpy as jnp
from jax import lax
from jax.experimental import pallas as pl
from jax.experimental.pallas import tpu as pltpu
from jax.experimental.pallas import tpu_sc as plsc

N = 10000
E = 160000

NT = 16
NC = 2
K = 128
W = 128
EPAD = 163840
CH2 = EPAD // (NT * NC * K)
NA = 10112
RPT = NA // NT
WPT = 624
TAIL = N - NT * WPT

_MESH = dict(core_axis_name="c", subcore_axis_name="s")


def _edge_pipeline(table, acc, src_v, dst_v, gbuf0, gbuf1,
                   sg0, sg1, ss0, ss1, nch):

    def fire_g(j, gbuf, sem):
        pltpu.async_copy(table.at[src_v.at[j]], gbuf, sem)

    def wait_g(j, gbuf, sem):
        pltpu.make_async_copy(table.at[src_v.at[j]], gbuf, sem).wait()

    def fire_s(j, gbuf, sem):
        pltpu.async_copy(gbuf, acc.at[dst_v.at[j]], sem, add=True)

    def wait_s(j, gbuf, sem):
        pltpu.make_async_copy(gbuf, acc.at[dst_v.at[j]], sem).wait()

    fire_g(0, gbuf0, sg0)

    def body(i, carry):
        j = 2 * i
        wait_g(j, gbuf0, sg0)
        fire_s(j, gbuf0, ss0)

        @pl.when(i > 0)
        def _():
            wait_s(j - 1, gbuf1, ss1)

        fire_g(j + 1, gbuf1, sg1)
        wait_g(j + 1, gbuf1, sg1)
        fire_s(j + 1, gbuf1, ss1)
        wait_s(j, gbuf0, ss0)

        @pl.when(i < nch // 2 - 1)
        def _():
            fire_g(j + 2, gbuf0, sg0)

        return carry

    lax.fori_loop(0, nch // 2, body, 0)
    wait_s(nch - 1, gbuf1, ss1)


def _zero_acc(zer_hbm, acc, s):
    pltpu.sync_copy(zer_hbm, acc.at[pl.ds(s * RPT, RPT)])


def _writeout(acc, o, s):
    w0 = s * WPT
    pltpu.sync_copy(acc.at[pl.ds(w0, WPT)], o.at[pl.ds(w0, WPT)])

    @pl.when(s == NT - 1)
    def _():
        pltpu.sync_copy(acc.at[pl.ds(NT * WPT, TAIL)],
                        o.at[pl.ds(NT * WPT, TAIL)])


def _make_segsum_colsplit():
    mesh = plsc.VectorSubcoreMesh(**_MESH)

    @functools.partial(
        pl.kernel,
        mesh=mesh,
        out_type=(
            jax.ShapeDtypeStruct((N, W), jnp.float32),
            jax.ShapeDtypeStruct((N, W), jnp.float32),
        ),
        scratch_types=[
            pltpu.VMEM_SHARED((NA, W), jnp.float32),
            pltpu.VMEM((CH2, K), jnp.int32),
            pltpu.VMEM((CH2, K), jnp.int32),
            pltpu.VMEM((K, W), jnp.float32),
            pltpu.VMEM((K, W), jnp.float32),
            pltpu.SemaphoreType.DMA,
            pltpu.SemaphoreType.DMA,
            pltpu.SemaphoreType.DMA,
            pltpu.SemaphoreType.DMA,
        ],
    )
    def seg(y_a, y_b, src_hbm, dst_hbm, zer_hbm,
            o_a, o_b, acc, src_v, dst_v, gbuf0, gbuf1, sg0, sg1, ss0, ss1):
        c = lax.axis_index("c")
        s = lax.axis_index("s")

        _zero_acc(zer_hbm, acc, s)
        plsc.subcore_barrier()

        def run(table):
            for ph in range(2):
                pltpu.sync_copy(src_hbm.at[2 * s + ph], src_v)
                pltpu.sync_copy(dst_hbm.at[2 * s + ph], dst_v)
                _edge_pipeline(table, acc, src_v, dst_v,
                               gbuf0, gbuf1, sg0, sg1, ss0, ss1, CH2)

        @pl.when(c == 0)
        def _():
            run(y_a)

        @pl.when(c == 1)
        def _():
            run(y_b)

        plsc.subcore_barrier()

        @pl.when(c == 0)
        def _():
            _writeout(acc, o_a, s)

        @pl.when(c == 1)
        def _():
            _writeout(acc, o_b, s)

    return seg


def _make_segsum_edgesplit():
    mesh = plsc.VectorSubcoreMesh(**_MESH)

    @functools.partial(
        pl.kernel,
        mesh=mesh,
        out_type=(
            jax.ShapeDtypeStruct((N, W), jnp.float32),
            jax.ShapeDtypeStruct((N, W), jnp.float32),
        ),
        scratch_types=[
            pltpu.VMEM_SHARED((NA, W), jnp.float32),
            pltpu.VMEM((CH2, K), jnp.int32),
            pltpu.VMEM((CH2, K), jnp.int32),
            pltpu.VMEM((K, W), jnp.float32),
            pltpu.VMEM((K, W), jnp.float32),
            pltpu.SemaphoreType.DMA,
            pltpu.SemaphoreType.DMA,
            pltpu.SemaphoreType.DMA,
            pltpu.SemaphoreType.DMA,
        ],
    )
    def seg(yp, src_hbm, dst_hbm, zer_hbm,
            o_a, o_b, acc, src_v, dst_v, gbuf0, gbuf1, sg0, sg1, ss0, ss1):
        c = lax.axis_index("c")
        s = lax.axis_index("s")
        w = c * NT + s

        pltpu.sync_copy(src_hbm.at[w], src_v)
        pltpu.sync_copy(dst_hbm.at[w], dst_v)
        _zero_acc(zer_hbm, acc, s)
        plsc.subcore_barrier()

        _edge_pipeline(yp, acc, src_v, dst_v, gbuf0, gbuf1,
                       sg0, sg1, ss0, ss1, CH2)

        plsc.subcore_barrier()

        @pl.when(c == 0)
        def _():
            _writeout(acc, o_a, s)

        @pl.when(c == 1)
        def _():
            _writeout(acc, o_b, s)

    return seg


def _make_count():
    mesh = plsc.VectorSubcoreMesh(**_MESH)

    @functools.partial(
        pl.kernel,
        mesh=mesh,
        out_type=(
            jax.ShapeDtypeStruct((N, W), jnp.float32),
            jax.ShapeDtypeStruct((N, W), jnp.float32),
        ),
        scratch_types=[
            pltpu.VMEM_SHARED((NA, W), jnp.float32),
            pltpu.VMEM((CH2, K), jnp.int32),
            pltpu.VMEM((K, W), jnp.float32),
        ],
    )
    def cnt(dst_hbm, ones_hbm, zer_hbm, o_a, o_b, acc, dst_v, ones_v):
        c = lax.axis_index("c")
        s = lax.axis_index("s")
        w = c * NT + s

        pltpu.sync_copy(dst_hbm.at[w], dst_v)
        pltpu.sync_copy(ones_hbm, ones_v)
        _zero_acc(zer_hbm, acc, s)
        plsc.subcore_barrier()

        def body(j, carry):
            pltpu.sync_copy(ones_v, acc.at[dst_v.at[j]], add=True)
            return carry
        lax.fori_loop(0, CH2, body, 0)

        plsc.subcore_barrier()

        @pl.when(c == 0)
        def _():
            _writeout(acc, o_a, s)

        @pl.when(c == 1)
        def _():
            _writeout(acc, o_b, s)

    return cnt


_seg_col = _make_segsum_colsplit()
_seg_edge = _make_segsum_edgesplit()
_count = _make_count()

_BR = 1000


def _tc_inv(ca, cb):

    def body(ca_ref, cb_ref, o_ref):
        cnt16 = ca_ref[:, 0:16] + cb_ref[:, 0:16]
        o_ref[...] = 1.0 / jnp.maximum(cnt16, 1.0)

    return pl.pallas_call(
        body,
        grid=(N // _BR,),
        in_specs=[
            pl.BlockSpec((_BR, W), lambda i: (i, 0)),
            pl.BlockSpec((_BR, W), lambda i: (i, 0)),
        ],
        out_specs=pl.BlockSpec((_BR, 16), lambda i: (i, 0)),
        out_shape=jax.ShapeDtypeStruct((N, 16), jnp.float32),
    )(ca, cb)


def _tc_in(x, Wl, Wr, b):
    D = Wl.shape[1]
    Wc = D // 2

    def body(x_ref, wl_ref, wr_ref, b_ref, ya_ref, yb_ref, r_ref):
        xb = x_ref[...]
        y = jnp.dot(xb, wl_ref[...], preferred_element_type=jnp.float32)
        ya_ref[...] = y[:, :Wc]
        yb_ref[...] = y[:, Wc:]
        r_ref[...] = (jnp.dot(xb, wr_ref[...],
                              preferred_element_type=jnp.float32) + b_ref[...])

    Din = x.shape[1]
    return pl.pallas_call(
        body,
        grid=(N // _BR,),
        in_specs=[
            pl.BlockSpec((_BR, Din), lambda i: (i, 0)),
            pl.BlockSpec((Din, D), lambda i: (0, 0)),
            pl.BlockSpec((Din, D), lambda i: (0, 0)),
            pl.BlockSpec((1, D), lambda i: (0, 0)),
        ],
        out_specs=[
            pl.BlockSpec((_BR, Wc), lambda i: (i, 0)),
            pl.BlockSpec((_BR, Wc), lambda i: (i, 0)),
            pl.BlockSpec((_BR, D), lambda i: (i, 0)),
        ],
        out_shape=[
            jax.ShapeDtypeStruct((N, Wc), jnp.float32),
            jax.ShapeDtypeStruct((N, Wc), jnp.float32),
            jax.ShapeDtypeStruct((N, D), jnp.float32),
        ],
    )(x, Wl, Wr, b.reshape(1, D))


def _tc_mid(aa, ab, inv, r_prev, Wl, Wr, b, pad_single):
    Dp = r_prev.shape[1]
    D = Wl.shape[1]
    Wc = D // 2

    def body(aa_ref, ab_ref, inv_ref, r_ref, wl_ref, wr_ref, b_ref,
             ya_ref, yb_ref, ro_ref):
        invv = inv_ref[:, 0:1]
        agg = jnp.concatenate([aa_ref[...], ab_ref[...]], axis=1)
        h = jnp.maximum(agg * invv + r_ref[...], 0.0)
        y = jnp.dot(h, wl_ref[...], preferred_element_type=jnp.float32)
        if pad_single:
            ya_ref[...] = jnp.concatenate(
                [y, jnp.zeros((_BR, W - D), jnp.float32)], axis=1)
            yb_ref[...] = jnp.zeros((_BR, 8), jnp.float32)
        else:
            ya_ref[...] = y[:, :Wc]
            yb_ref[...] = y[:, Wc:]
        ro_ref[...] = (jnp.dot(h, wr_ref[...],
                               preferred_element_type=jnp.float32) + b_ref[...])

    Wa = W if pad_single else Wc
    Wb = 8 if pad_single else Wc
    return pl.pallas_call(
        body,
        grid=(N // _BR,),
        in_specs=[
            pl.BlockSpec((_BR, Dp // 2), lambda i: (i, 0)),
            pl.BlockSpec((_BR, Dp // 2), lambda i: (i, 0)),
            pl.BlockSpec((_BR, 16), lambda i: (i, 0)),
            pl.BlockSpec((_BR, Dp), lambda i: (i, 0)),
            pl.BlockSpec((Dp, D), lambda i: (0, 0)),
            pl.BlockSpec((Dp, D), lambda i: (0, 0)),
            pl.BlockSpec((1, D), lambda i: (0, 0)),
        ],
        out_specs=[
            pl.BlockSpec((_BR, Wa), lambda i: (i, 0)),
            pl.BlockSpec((_BR, Wb), lambda i: (i, 0)),
            pl.BlockSpec((_BR, D), lambda i: (i, 0)),
        ],
        out_shape=[
            jax.ShapeDtypeStruct((N, Wa), jnp.float32),
            jax.ShapeDtypeStruct((N, Wb), jnp.float32),
            jax.ShapeDtypeStruct((N, D), jnp.float32),
        ],
    )(aa, ab, inv, r_prev, Wl, Wr, b.reshape(1, D))


def _tc_out(aa, ab, inv, r_prev):
    D = r_prev.shape[1]

    def body(aa_ref, ab_ref, inv_ref, r_ref, o_ref):
        agg = (aa_ref[...] + ab_ref[...])[:, :D]
        h = agg * inv_ref[:, 0:1] + r_ref[...]
        m = jnp.max(h, axis=1, keepdims=True)
        ex = jnp.exp(h - m)
        lse = jnp.log(jnp.sum(ex, axis=1, keepdims=True)) + m
        o_ref[...] = h - lse

    return pl.pallas_call(
        body,
        grid=(N // _BR,),
        in_specs=[
            pl.BlockSpec((_BR, W), lambda i: (i, 0)),
            pl.BlockSpec((_BR, W), lambda i: (i, 0)),
            pl.BlockSpec((_BR, 16), lambda i: (i, 0)),
            pl.BlockSpec((_BR, D), lambda i: (i, 0)),
        ],
        out_specs=pl.BlockSpec((_BR, D), lambda i: (i, 0)),
        out_shape=jax.ShapeDtypeStruct((N, D), jnp.float32),
    )(aa, ab, inv, r_prev)


def kernel(x, edge_index, W_l0, W_r0, b0, W_l1, W_r1, b1, W_l2, W_r2, b2):
    src = edge_index[0].astype(jnp.int32)
    dst = edge_index[1].astype(jnp.int32)
    pad = EPAD - E
    padv = jnp.arange(pad, dtype=jnp.int32)
    srcp = jnp.concatenate([src, padv % N])
    dstp = jnp.concatenate([dst, N + padv % (NA - N)])
    src_e = srcp.reshape(NT * NC, CH2, K)
    dst_e = dstp.reshape(NT * NC, CH2, K)

    zer = jnp.zeros((RPT, W), jnp.float32)
    ones = jnp.ones((K, W), jnp.float32)

    ca, cb = _count(dst_e, ones, zer)
    inv = _tc_inv(ca, cb)

    y0a, y0b, r0 = _tc_in(x, W_l0, W_r0, b0)
    a0a, a0b = _seg_col(y0a, y0b, src_e, dst_e, zer)
    y1a, y1b, r1 = _tc_mid(a0a, a0b, inv, r0, W_l1, W_r1, b1,
                           pad_single=False)
    a1a, a1b = _seg_col(y1a, y1b, src_e, dst_e, zer)
    y2p, _u2, r2 = _tc_mid(a1a, a1b, inv, r1, W_l2, W_r2, b2,
                           pad_single=True)
    a2a, a2b = _seg_edge(y2p, src_e, dst_e, zer)
    return _tc_out(a2a, a2b, inv, r2)

# --- scband reference (transcript-rebuilt; emitter-appended) ---
"""Pipeline reference for scband-graph-sage-4080218931426 (READ-ONLY COPY).

The authoritative reference and input builder live on the scoring server;
editing this copy changes nothing except your own understanding.
"""

import jax, jax.numpy as jnp
import numpy as np

N_NODES = 10000
N_EDGES = 160000
D_IN = 256
D_HID = 256
D_OUT = 64


def setup_inputs(seed: int = 0) -> dict:
    key = jax.random.key(seed)
    ks = jax.random.split(key, 12)
    x = jax.random.normal(ks[0], (N_NODES, D_IN), dtype=jnp.float32)
    edge_index = jax.random.randint(ks[1], (2, N_EDGES), 0, N_NODES, dtype=jnp.int64)
    # SAGEConv params: lin_l applied to aggregated neighbors (with bias), lin_r applied to root.
    def w(k, fan_in, fan_out):
        return jax.random.normal(k, (fan_in, fan_out), dtype=jnp.float32) * (1.0 / np.sqrt(fan_in))
    W_l0 = w(ks[2], D_IN, D_HID)
    W_r0 = w(ks[3], D_IN, D_HID)
    b0 = jnp.zeros((D_HID,), dtype=jnp.float32)
    W_l1 = w(ks[4], D_HID, D_HID)
    W_r1 = w(ks[5], D_HID, D_HID)
    b1 = jnp.zeros((D_HID,), dtype=jnp.float32)
    W_l2 = w(ks[6], D_HID, D_OUT)
    W_r2 = w(ks[7], D_HID, D_OUT)
    b2 = jnp.zeros((D_OUT,), dtype=jnp.float32)
    return {"x": x, "edge_index": edge_index,
            "W_l0": W_l0, "W_r0": W_r0, "b0": b0,
            "W_l1": W_l1, "W_r1": W_r1, "b1": b1,
            "W_l2": W_l2, "W_r2": W_r2, "b2": b2}


def _sage_conv(x, edge_index, W_l, W_r, b):
    src = edge_index[0]
    dst = edge_index[1]
    n = x.shape[0]
    msg = jnp.take(x, src, axis=0)                      # gather source features
    agg = jax.ops.segment_sum(msg, dst, num_segments=n) # scatter-add to dst
    cnt = jax.ops.segment_sum(jnp.ones((src.shape[0],), x.dtype), dst, num_segments=n)
    agg = agg / jnp.maximum(cnt, 1.0)[:, None]          # mean aggregation
    return agg @ W_l + x @ W_r + b


def reference(x, edge_index, W_l0, W_r0, b0, W_l1, W_r1, b1, W_l2, W_r2, b2):
    # dropout is identity in eval mode
    h = _sage_conv(x, edge_index, W_l0, W_r0, b0)
    h = jax.nn.relu(h)
    h = _sage_conv(h, edge_index, W_l1, W_r1, b1)
    h = jax.nn.relu(h)
    h = _sage_conv(h, edge_index, W_l2, W_r2, b2)
    return jax.nn.log_softmax(h, axis=1)

if __name__ == "__main__":
    import jax
    _d = setup_inputs()
    print(jax.jit(kernel)(*tuple(_d.values())))

</pallas_src>

<mosaic_0001>
#map = affine_map<(d0, d1) -> (0, 0)>
#map1 = affine_map<(d0, d1) -> (0, 0, 0)>
module attributes {stable_mosaic.version = 14 : i64} {
  func.func @seg(%arg0: i32, %arg1: i32, %arg2: memref<10000x128xf32, #tpu.memory_space<hbm>>, %arg3: memref<10000x128xf32, #tpu.memory_space<hbm>>, %arg4: memref<32x40x128xi32, #tpu.memory_space<hbm>>, %arg5: memref<32x40x128xi32, #tpu.memory_space<hbm>>, %arg6: memref<632x128xf32, #tpu.memory_space<hbm>>, %arg7: memref<10000x128xf32, #tpu.memory_space<hbm>>, %arg8: memref<10000x128xf32, #tpu.memory_space<hbm>>, %arg9: memref<10112x128xf32, #tpu.memory_space<vmem_shared>>, %arg10: memref<40x128xi32, #tpu.memory_space<vmem>>, %arg11: memref<40x128xi32, #tpu.memory_space<vmem>>, %arg12: memref<128x128xf32, #tpu.memory_space<vmem>>, %arg13: memref<128x128xf32, #tpu.memory_space<vmem>>, %arg14: memref<!tpu.dma_semaphore, #tpu.memory_space<semaphore_mem>>, %arg15: memref<!tpu.dma_semaphore, #tpu.memory_space<semaphore_mem>>, %arg16: memref<!tpu.dma_semaphore, #tpu.memory_space<semaphore_mem>>, %arg17: memref<!tpu.dma_semaphore, #tpu.memory_space<semaphore_mem>>) attributes {dimension_semantics = [#tpu.dimension_semantics<core_parallel>, #tpu.dimension_semantics<subcore_parallel>], iteration_bounds = array<i64: 2, 16>, scalar_prefetch = 0 : i64, scratch_operands = 9 : i64, tpu.core_type = #tpu.core_type<sc_vector_subcore>, window_params = [{transform_indices = #map}, {transform_indices = #map}, {transform_indices = #map1}, {transform_indices = #map1}, {transform_indices = #map}, {transform_indices = #map}, {transform_indices = #map}]} {
    %mul3A = arith.constant 632 : i32
    %mul3A_0 = arith.muli %arg1, %mul3A : i32
    "tpu.region"() ({
      %run_scoped3A = tpu.sem_alloc : memref<!tpu.dma_semaphore, #tpu.memory_space<semaphore_mem>>
      %dma_start3A = arith.constant 0 : i32
      %dma_start3A_19 = tpu.memref_slice %arg9[%mul3A_0, %dma_start3A] : memref<10112x128xf32, #tpu.memory_space<vmem_shared>> -> memref<632x128xf32, #tpu.memory_space<vmem_shared>>
      tpu.enqueue_dma source(%arg6 : memref<632x128xf32, #tpu.memory_space<hbm>>) target(%dma_start3A_19 : memref<632x128xf32, #tpu.memory_space<vmem_shared>>) target_semaphore(%run_scoped3A : memref<!tpu.dma_semaphore, #tpu.memory_space<semaphore_mem>>)
      %dma_wait3A = arith.constant 0 : i32
      %dma_wait3A_20 = tpu.memref_slice %arg9[%mul3A_0, %dma_wait3A] : memref<10112x128xf32, #tpu.memory_space<vmem_shared>> -> memref<632x128xf32, #tpu.memory_space<vmem_shared>>
      tpu.wait_dma2 semaphore(%run_scoped3A : memref<!tpu.dma_semaphore, #tpu.memory_space<semaphore_mem>>) src(%arg6 : memref<632x128xf32, #tpu.memory_space<hbm>>) dst(%dma_wait3A_20 : memref<632x128xf32, #tpu.memory_space<vmem_shared>>)
      tpu.yield
    }) : () -> ()
    %barrier3A = arith.constant 0 : index
    tpu.barrier barrier_id(%barrier3A)
    %eq3A = arith.constant 0 : i32
    %eq3A_1 = arith.cmpi eq, %arg0, %eq3A : i32
    %convert_element_type3A = arith.extui %eq3A_1 : i1 to i32
    %cond3A = arith.constant 0 : i32
    %cond3A_2 = arith.cmpi ne, %convert_element_type3A, %cond3A : i32
    scf.if %cond3A_2 {
      %mul3A_19 = arith.constant 2 : i32
      %mul3A_20 = arith.muli %mul3A_19, %arg1 : i32
      %add3A = arith.constant 0 : i32
      %add3A_21 = arith.addi %mul3A_20, %add3A : i32
      "tpu.region"() ({
        %run_scoped3A = tpu.sem_alloc : memref<!tpu.dma_semaphore, #tpu.memory_space<semaphore_mem>>
        %dma_start3A_71 = arith.constant 0 : i32
        %dma_start3A_72 = arith.constant 0 : i32
        %dma_start3A_73 = tpu.memref_slice %arg4[%add3A_21, %dma_start3A_71, %dma_start3A_72] : memref<32x40x128xi32, #tpu.memory_space<hbm>> -> memref<1x40x128xi32, #tpu.memory_space<hbm>>
        %dma_start3A_74 = tpu.memref_squeeze %dma_start3A_73 : memref<1x40x128xi32, #tpu.memory_space<hbm>> -> memref<40x128xi32, #tpu.memory_space<hbm>>
        %dma_start3A_75 = arith.constant 0 : i32
        %dma_start3A_76 = arith.constant 0 : i32
        %dma_start3A_77 = tpu.memref_slice %arg4[%add3A_21, %dma_start3A_75, %dma_start3A_76] : memref<32x40x128xi32, #tpu.memory_space<hbm>> -> memref<1x40x128xi32, #tpu.memory_space<hbm>>
        %dma_start3A_78 = tpu.memref_squeeze %dma_start3A_77 : memref<1x40x128xi32, #tpu.memory_space<hbm>> -> memref<40x128xi32, #tpu.memory_space<hbm>>
        tpu.enqueue_dma source(%dma_start3A_78 : memref<40x128xi32, #tpu.memory_space<hbm>>) target(%arg10 : memref<40x128xi32, #tpu.memory_space<vmem>>) target_semaphore(%run_scoped3A : memref<!tpu.dma_semaphore, #tpu.memory_space<semaphore_mem>>)
        %dma_wait3A_79 = arith.constant 0 : i32
        %dma_wait3A_80 = arith.constant 0 : i32
        %dma_wait3A_81 = tpu.memref_slice %arg4[%add3A_21, %dma_wait3A_79, %dma_wait3A_80] : memref<32x40x128xi32, #tpu.memory_space<hbm>> -> memref<1x40x128xi32, #tpu.memory_space<hbm>>
        %dma_wait3A_82 = tpu.memref_squeeze %dma_wait3A_81 : memref<1x40x128xi32, #tpu.memory_space<hbm>> -> memref<40x128xi32, #tpu.memory_space<hbm>>
        %dma_wait3A_83 = arith.constant 0 : i32
        %dma_wait3A_84 = arith.constant 0 : i32
        %dma_wait3A_85 = tpu.memref_slice %arg4[%add3A_21, %dma_wait3A_83, %dma_wait3A_84] : memref<32x40x128xi32, #tpu.memory_space<hbm>> -> memref<1x40x128xi32, #tpu.memory_space<hbm>>
        %dma_wait3A_86 = tpu.memref_squeeze %dma_wait3A_85 : memref<1x40x128xi32, #tpu.memory_space<hbm>> -> memref<40x128xi32, #tpu.memory_space<hbm>>
        tpu.wait_dma2 semaphore(%run_scoped3A : memref<!tpu.dma_semaphore, #tpu.memory_space<semaphore_mem>>) src(%dma_wait3A_86 : memref<40x128xi32, #tpu.memory_space<hbm>>) dst(%arg10 : memref<40x128xi32, #tpu.memory_space<vmem>>)
        tpu.yield
      }) : () -> ()
      %mul3A_22 = arith.constant 2 : i32
      %mul3A_23 = arith.muli %mul3A_22, %arg1 : i32
      %add3A_24 = arith.constant 0 : i32
      %add3A_25 = arith.addi %mul3A_23, %add3A_24 : i32
      "tpu.region"() ({
        %run_scoped3A = tpu.sem_alloc : memref<!tpu.dma_semaphore, #tpu.memory_space<semaphore_mem>>
        %dma_start3A_71 = arith.constant 0 : i32
        %dma_start3A_72 = arith.constant 0 : i32
        %dma_start3A_73 = tpu.memref_slice %arg5[%add3A_25, %dma_start3A_71, %dma_start3A_72] : memref<32x40x128xi32, #tpu.memory_space<hbm>> -> memref<1x40x128xi32, #tpu.memory_space<hbm>>
        %dma_start3A_74 = tpu.memref_squeeze %dma_start3A_73 : memref<1x40x128xi32, #tpu.memory_space<hbm>> -> memref<40x128xi32, #tpu.memory_space<hbm>>
        %dma_start3A_75 = arith.constant 0 : i32
        %dma_start3A_76 = arith.constant 0 : i32
        %dma_start3A_77 = tpu.memref_slice %arg5[%add3A_25, %dma_start3A_75, %dma_start3A_76] : memref<32x40x128xi32, #tpu.memory_space<hbm>> -> memref<1x40x128xi32, #tpu.memory_space<hbm>>
        %dma_start3A_78 = tpu.memref_squeeze %dma_start3A_77 : memref<1x40x128xi32, #tpu.memory_space<hbm>> -> memref<40x128xi32, #tpu.memory_space<hbm>>
        tpu.enqueue_dma source(%dma_start3A_78 : memref<40x128xi32, #tpu.memory_space<hbm>>) target(%arg11 : memref<40x128xi32, #tpu.memory_space<vmem>>) target_semaphore(%run_scoped3A : memref<!tpu.dma_semaphore, #tpu.memory_space<semaphore_mem>>)
        %dma_wait3A_79 = arith.constant 0 : i32
        %dma_wait3A_80 = arith.constant 0 : i32
        %dma_wait3A_81 = tpu.memref_slice %arg5[%add3A_25, %dma_wait3A_79, %dma_wait3A_80] : memref<32x40x128xi32, #tpu.memory_space<hbm>> -> memref<1x40x128xi32, #tpu.memory_space<hbm>>
        %dma_wait3A_82 = tpu.memref_squeeze %dma_wait3A_81 : memref<1x40x128xi32, #tpu.memory_space<hbm>> -> memref<40x128xi32, #tpu.memory_space<hbm>>
        %dma_wait3A_83 = arith.constant 0 : i32
        %dma_wait3A_84 = arith.constant 0 : i32
        %dma_wait3A_85 = tpu.memref_slice %arg5[%add3A_25, %dma_wait3A_83, %dma_wait3A_84] : memref<32x40x128xi32, #tpu.memory_space<hbm>> -> memref<1x40x128xi32, #tpu.memory_space<hbm>>
        %dma_wait3A_86 = tpu.memref_squeeze %dma_wait3A_85 : memref<1x40x128xi32, #tpu.memory_space<hbm>> -> memref<40x128xi32, #tpu.memory_space<hbm>>
        tpu.wait_dma2 semaphore(%run_scoped3A : memref<!tpu.dma_semaphore, #tpu.memory_space<semaphore_mem>>) src(%dma_wait3A_86 : memref<40x128xi32, #tpu.memory_space<hbm>>) dst(%arg11 : memref<40x128xi32, #tpu.memory_space<vmem>>)
        tpu.yield
      }) : () -> ()
      %dma_start3A = arith.constant 0 : i32
      %dma_start3A_26 = arith.constant 0 : i32
      %dma_start3A_27 = tpu.memref_slice %arg10[%dma_start3A, %dma_start3A_26] : memref<40x128xi32, #tpu.memory_space<vmem>> -> memref<1x128xi32, #tpu.memory_space<vmem>>
      %dma_start3A_28 = tpu.memref_squeeze %dma_start3A_27 : memref<1x128xi32, #tpu.memory_space<vmem>> -> memref<128xi32, #tpu.memory_space<vmem>>
      %dma_start3A_29 = arith.constant 0 : i32
      %dma_start3A_30 = arith.constant 0 : i32
      %dma_start3A_31 = tpu.memref_slice %arg2[%dma_start3A_29, %dma_start3A_30] : memref<10000x128xf32, #tpu.memory_space<hbm>> -> memref<10000x128xf32, #tpu.memory_space<hbm>>
      tpu.enqueue_indirect_dma source(%dma_start3A_31 : memref<10000x128xf32, #tpu.memory_space<hbm>>) target(%arg12 : memref<128x128xf32, #tpu.memory_space<vmem>>) offsets(%dma_start3A_28 : memref<128xi32, #tpu.memory_space<vmem>>) semaphore(%arg14 : memref<!tpu.dma_semaphore, #tpu.memory_space<semaphore_mem>>)
      %scan3A = arith.constant 0 : i32
      %scan3A_32 = arith.constant 0 : i32
      %scan3A_33 = arith.constant 20 : i32
      %scan3A_34 = arith.addi %scan3A_32, %scan3A_33 : i32
      %scan3A_35 = arith.constant 1 : i32
      scf.for %scan3A_71 = %scan3A_32 to %scan3A_34 step %scan3A_35  : i32 {
        %mul3A_72 = arith.constant 2 : i32
        %mul3A_73 = arith.muli %mul3A_72, %scan3A_71 : i32
        %dma_wait3A_74 = arith.constant 0 : i32
        %dma_wait3A_75 = tpu.memref_slice %arg10[%mul3A_73, %dma_wait3A_74] : memref<40x128xi32, #tpu.memory_space<vmem>> -> memref<1x128xi32, #tpu.memory_space<vmem>>
        %dma_wait3A_76 = tpu.memref_squeeze %dma_wait3A_75 : memref<1x128xi32, #tpu.memory_space<vmem>> -> memref<128xi32, #tpu.memory_space<vmem>>
        %dma_wait3A_77 = arith.constant 0 : i32
        %dma_wait3A_78 = arith.constant 0 : i32
        %dma_wait3A_79 = tpu.memref_slice %arg2[%dma_wait3A_77, %dma_wait3A_78] : memref<10000x128xf32, #tpu.memory_space<hbm>> -> memref<10000x128xf32, #tpu.memory_space<hbm>>
        tpu.wait_indirect_dma semaphore(%arg14 : memref<!tpu.dma_semaphore, #tpu.memory_space<semaphore_mem>>) src(%dma_wait3A_79 : memref<10000x128xf32, #tpu.memory_space<hbm>>) dst(%arg12 : memref<128x128xf32, #tpu.memory_space<vmem>>)
        %dma_start3A_80 = arith.constant 0 : i32
        %dma_start3A_81 = tpu.memref_slice %arg11[%mul3A_73, %dma_start3A_80] : memref<40x128xi32, #tpu.memory_space<vmem>> -> memref<1x128xi32, #tpu.memory_space<vmem>>
        %dma_start3A_82 = tpu.memref_squeeze %dma_start3A_81 : memref<1x128xi32, #tpu.memory_space<vmem>> -> memref<128xi32, #tpu.memory_space<vmem>>
        %dma_start3A_83 = arith.constant 0 : i32
        %dma_start3A_84 = arith.constant 0 : i32
        %dma_start3A_85 = tpu.memref_slice %arg9[%dma_start3A_83, %dma_start3A_84] : memref<10112x128xf32, #tpu.memory_space<vmem_shared>> -> memref<10112x128xf32, #tpu.memory_space<vmem_shared>>
        tpu.enqueue_indirect_dma source(%arg12 : memref<128x128xf32, #tpu.memory_space<vmem>>) target(%dma_start3A_85 : memref<10112x128xf32, #tpu.memory_space<vmem_shared>>) offsets(%dma_start3A_82 : memref<128xi32, #tpu.memory_space<vmem>>) semaphore(%arg16 : memref<!tpu.dma_semaphore, #tpu.memory_space<semaphore_mem>>) {add = true}
        %gt3A = arith.constant 0 : i32
        %gt3A_86 = arith.cmpi sgt, %scan3A_71, %gt3A : i32
        %convert_element_type3A_87 = arith.extui %gt3A_86 : i1 to i32
        %cond3A_88 = arith.constant 0 : i32
        %cond3A_89 = arith.cmpi ne, %convert_element_type3A_87, %cond3A_88 : i32
        scf.if %cond3A_89 {
          %sub3A = arith.constant 1 : i32
          %sub3A_124 = arith.subi %mul3A_73, %sub3A : i32
          %dma_wait3A_125 = arith.constant 0 : i32
          %dma_wait3A_126 = tpu.memref_slice %arg11[%sub3A_124, %dma_wait3A_125] : memref<40x128xi32, #tpu.memory_space<vmem>> -> memref<1x128xi32, #tpu.memory_space<vmem>>
          %dma_wait3A_127 = tpu.memref_squeeze %dma_wait3A_126 : memref<1x128xi32, #tpu.memory_space<vmem>> -> memref<128xi32, #tpu.memory_space<vmem>>
          %dma_wait3A_128 = arith.constant 0 : i32
          %dma_wait3A_129 = arith.constant 0 : i32
          %dma_wait3A_130 = tpu.memref_slice %arg9[%dma_wait3A_128, %dma_wait3A_129] : memref<10112x128xf32, #tpu.memory_space<vmem_shared>> -> memref<10112x128xf32, #tpu.memory_space<vmem_shared>>
          tpu.wait_indirect_dma semaphore(%arg17 : memref<!tpu.dma_semaphore, #tpu.memory_space<semaphore_mem>>) src(%arg13 : memref<128x128xf32, #tpu.memory_space<vmem>>) dst(%dma_wait3A_130 : memref<10112x128xf32, #tpu.memory_space<vmem_shared>>)
        } else {
        }
        %add3A_90 = arith.constant 1 : i32
        %add3A_91 = arith.addi %mul3A_73, %add3A_90 : i32
        %dma_start3A_92 = arith.constant 0 : i32
        %dma_start3A_93 = tpu.memref_slice %arg10[%add3A_91, %dma_start3A_92] : memref<40x128xi32, #tpu.memory_space<vmem>> -> memref<1x128xi32, #tpu.memory_space<vmem>>
        %dma_start3A_94 = tpu.memref_squeeze %dma_start3A_93 : memref<1x128xi32, #tpu.memory_space<vmem>> -> memref<128xi32, #tpu.memory_space<vmem>>
        %dma_start3A_95 = arith.constant 0 : i32
        %dma_start3A_96 = arith.constant 0 : i32
        %dma_start3A_97 = tpu.memref_slice %arg2[%dma_start3A_95, %dma_start3A_96] : memref<10000x128xf32, #tpu.memory_space<hbm>> -> memref<10000x128xf32, #tpu.memory_space<hbm>>
        tpu.enqueue_indirect_dma source(%dma_start3A_97 : memref<10000x128xf32, #tpu.memory_space<hbm>>) target(%arg13 : memref<128x128xf32, #tpu.memory_space<vmem>>) offsets(%dma_start3A_94 : memref<128xi32, #tpu.memory_space<vmem>>) semaphore(%arg15 : memref<!tpu.dma_semaphore, #tpu.memory_space<semaphore_mem>>)
        %add3A_98 = arith.constant 1 : i32
        %add3A_99 = arith.addi %mul3A_73, %add3A_98 : i32
        %dma_wait3A_100 = arith.constant 0 : i32
        %dma_wait3A_101 = tpu.memref_slice %arg10[%add3A_99, %dma_wait3A_100] : memref<40x128xi32, #tpu.memory_space<vmem>> -> memref<1x128xi32, #tpu.memory_space<vmem>>
        %dma_wait3A_102 = tpu.memref_squeeze %dma_wait3A_101 : memref<1x128xi32, #tpu.memory_space<vmem>> -> memref<128xi32, #tpu.memory_space<vmem>>
        %dma_wait3A_103 = arith.constant 0 : i32
        %dma_wait3A_104 = arith.constant 0 : i32
        %dma_wait3A_105 = tpu.memref_slice %arg2[%dma_wait3A_103, %dma_wait3A_104] : memref<10000x128xf32, #tpu.memory_space<hbm>> -> memref<10000x128xf32, #tpu.memory_space<hbm>>
        tpu.wait_indirect_dma semaphore(%arg15 : memref<!tpu.dma_semaphore, #tpu.memory_space<semaphore_mem>>) src(%dma_wait3A_105 : memref<10000x128xf32, #tpu.memory_space<hbm>>) dst(%arg13 : memref<128x128xf32, #tpu.memory_space<vmem>>)
        %add3A_106 = arith.constant 1 : i32
        %add3A_107 = arith.addi %mul3A_73, %add3A_106 : i32
        %dma_start3A_108 = arith.constant 0 : i32
        %dma_start3A_109 = tpu.memref_slice %arg11[%add3A_107, %dma_start3A_108] : memref<40x128xi32, #tpu.memory_space<vmem>> -> memref<1x128xi32, #tpu.memory_space<vmem>>
        %dma_start3A_110 = tpu.memref_squeeze %dma_start3A_109 : memref<1x128xi32, #tpu.memory_space<vmem>> -> memref<128xi32, #tpu.memory_space<vmem>>
        %dma_start3A_111 = arith.constant 0 : i32
        %dma_start3A_112 = arith.constant 0 : i32
        %dma_start3A_113 = tpu.memref_slice %arg9[%dma_start3A_111, %dma_start3A_112] : memref<10112x128xf32, #tpu.memory_space<vmem_shared>> -> memref<10112x128xf32, #tpu.memory_space<vmem_shared>>
        tpu.enqueue_indirect_dma source(%arg13 : memref<128x128xf32, #tpu.memory_space<vmem>>) target(%dma_start3A_113 : memref<10112x128xf32, #tpu.memory_space<vmem_shared>>) offsets(%dma_start3A_110 : memref<128xi32, #tpu.memory_space<vmem>>) semaphore(%arg17 : memref<!tpu.dma_semaphore, #tpu.memory_space<semaphore_mem>>) {add = true}
        %dma_wait3A_114 = arith.constant 0 : i32
        %dma_wait3A_115 = tpu.memref_slice %arg11[%mul3A_73, %dma_wait3A_114] : memref<40x128xi32, #tpu.memory_space<vmem>> -> memref<1x128xi32, #tpu.memory_space<vmem>>
        %dma_wait3A_116 = tpu.memref_squeeze %dma_wait3A_115 : memref<1x128xi32, #tpu.memory_space<vmem>> -> memref<128xi32, #tpu.memory_space<vmem>>
        %dma_wait3A_117 = arith.constant 0 : i32
        %dma_wait3A_118 = arith.constant 0 : i32
        %dma_wait3A_119 = tpu.memref_slice %arg9[%dma_wait3A_117, %dma_wait3A_118] : memref<10112x128xf32, #tpu.memory_space<vmem_shared>> -> memref<10112x128xf32, #tpu.memory_space<vmem_shared>>
        tpu.wait_indirect_dma semaphore(%arg16 : memref<!tpu.dma_semaphore, #tpu.memory_space<semaphore_mem>>) src(%arg12 : memref<128x128xf32, #tpu.memory_space<vmem>>) dst(%dma_wait3A_119 : memref<10112x128xf32, #tpu.memory_space<vmem_shared>>)
        %lt3A = arith.constant 19 : i32
        %lt3A_120 = arith.cmpi slt, %scan3A_71, %lt3A : i32
        %convert_element_type3A_121 = arith.extui %lt3A_120 : i1 to i32
        %cond3A_122 = arith.constant 0 : i32
        %cond3A_123 = arith.cmpi ne, %convert_element_type3A_121, %cond3A_122 : i32
        scf.if %cond3A_123 {
          %add3A_124 = arith.constant 2 : i32
          %add3A_125 = arith.addi %mul3A_73, %add3A_124 : i32
          %dma_start3A_126 = arith.constant 0 : i32
          %dma_start3A_127 = tpu.memref_slice %arg10[%add3A_125, %dma_start3A_126] : memref<40x128xi32, #tpu.memory_space<vmem>> -> memref<1x128xi32, #tpu.memory_space<vmem>>
          %dma_start3A_128 = tpu.memref_squeeze %dma_start3A_127 : memref<1x128xi32, #tpu.memory_space<vmem>> -> memref<128xi32, #tpu.memory_space<vmem>>
          %dma_start3A_129 = arith.constant 0 : i32
          %dma_start3A_130 = arith.constant 0 : i32
          %dma_start3A_131 = tpu.memref_slice %arg2[%dma_start3A_129, %dma_start3A_130] : memref<10000x128xf32, #tpu.memory_space<hbm>> -> memref<10000x128xf32, #tpu.memory_space<hbm>>
          tpu.enqueue_indirect_dma source(%dma_start3A_131 : memref<10000x128xf32, #tpu.memory_space<hbm>>) target(%arg12 : memref<128x128xf32, #tpu.memory_space<vmem>>) offsets(%dma_start3A_128 : memref<128xi32, #tpu.memory_space<vmem>>) semaphore(%arg14 : memref<!tpu.dma_semaphore, #tpu.memory_space<semaphore_mem>>)
        } else {
        }
      }
      %scan3A_36 = arith.constant 20 : i32
      %dma_wait3A = arith.constant 39 : i32
      %dma_wait3A_37 = arith.constant 0 : i32
      %dma_wait3A_38 = tpu.memref_slice %arg11[%dma_wait3A, %dma_wait3A_37] : memref<40x128xi32, #tpu.memory_space<vmem>> -> memref<1x128xi32, #tpu.memory_space<vmem>>
      %dma_wait3A_39 = tpu.memref_squeeze %dma_wait3A_38 : memref<1x128xi32, #tpu.memory_space<vmem>> -> memref<128xi32, #tpu.memory_space<vmem>>
      %dma_wait3A_40 = arith.constant 0 : i32
      %dma_wait3A_41 = arith.constant 0 : i32
      %dma_wait3A_42 = tpu.memref_slice %arg9[%dma_wait3A_40, %dma_wait3A_41] : memref<10112x128xf32, #tpu.memory_space<vmem_shared>> -> memref<10112x128xf32, #tpu.memory_space<vmem_shared>>
      tpu.wait_indirect_dma semaphore(%arg17 : memref<!tpu.dma_semaphore, #tpu.memory_space<semaphore_mem>>) src(%arg13 : memref<128x128xf32, #tpu.memory_space<vmem>>) dst(%dma_wait3A_42 : memref<10112x128xf32, #tpu.memory_space<vmem_shared>>)
      %mul3A_43 = arith.constant 2 : i32
      %mul3A_44 = arith.muli %mul3A_43, %arg1 : i32
      %add3A_45 = arith.constant 1 : i32
      %add3A_46 = arith.addi %mul3A_44, %add3A_45 : i32
      "tpu.region"() ({
        %run_scoped3A = tpu.sem_alloc : memref<!tpu.dma_semaphore, #tpu.memory_space<semaphore_mem>>
        %dma_start3A_71 = arith.constant 0 : i32
        %dma_start3A_72 = arith.constant 0 : i32
        %dma_start3A_73 = tpu.memref_slice %arg4[%add3A_46, %dma_start3A_71, %dma_start3A_72] : memref<32x40x128xi32, #tpu.memory_space<hbm>> -> memref<1x40x128xi32, #tpu.memory_space<hbm>>
        %dma_start3A_74 = tpu.memref_squeeze %dma_start3A_73 : memref<1x40x128xi32, #tpu.memory_space<hbm>> -> memref<40x128xi32, #tpu.memory_space<hbm>>
        %dma_start3A_75 = arith.constant 0 : i32
        %dma_start3A_76 = arith.constant 0 : i32
        %dma_start3A_77 = tpu.memref_slice %arg4[%add3A_46, %dma_start3A_75, %dma_start3A_76] : memref<32x40x128xi32, #tpu.memory_space<hbm>> -> memref<1x40x128xi32, #tpu.memory_space<hbm>>
        %dma_start3A_78 = tpu.memref_squeeze %dma_start3A_77 : memref<1x40x128xi32, #tpu.memory_space<hbm>> -> memref<40x128xi32, #tpu.memory_space<hbm>>
        tpu.enqueue_dma source(%dma_start3A_78 : memref<40x128xi32, #tpu.memory_space<hbm>>) target(%arg10 : memref<40x128xi32, #tpu.memory_space<vmem>>) target_semaphore(%run_scoped3A : memref<!tpu.dma_semaphore, #tpu.memory_space<semaphore_mem>>)
        %dma_wait3A_79 = arith.constant 0 : i32
        %dma_wait3A_80 = arith.constant 0 : i32
        %dma_wait3A_81 = tpu.memref_slice %arg4[%add3A_46, %dma_wait3A_79, %dma_wait3A_80] : memref<32x40x128xi32, #tpu.memory_space<hbm>> -> memref<1x40x128xi32, #tpu.memory_space<hbm>>
        %dma_wait3A_82 = tpu.memref_squeeze %dma_wait3A_81 : memref<1x40x128xi32, #tpu.memory_space<hbm>> -> memref<40x128xi32, #tpu.memory_space<hbm>>
        %dma_wait3A_83 = arith.constant 0 : i32
        %dma_wait3A_84 = arith.constant 0 : i32
        %dma_wait3A_85 = tpu.memref_slice %arg4[%add3A_46, %dma_wait3A_83, %dma_wait3A_84] : memref<32x40x128xi32, #tpu.memory_space<hbm>> -> memref<1x40x128xi32, #tpu.memory_space<hbm>>
        %dma_wait3A_86 = tpu.memref_squeeze %dma_wait3A_85 : memref<1x40x128xi32, #tpu.memory_space<hbm>> -> memref<40x128xi32, #tpu.memory_space<hbm>>
        tpu.wait_dma2 semaphore(%run_scoped3A : memref<!tpu.dma_semaphore, #tpu.memory_space<semaphore_mem>>) src(%dma_wait3A_86 : memref<40x128xi32, #tpu.memory_space<hbm>>) dst(%arg10 : memref<40x128xi32, #tpu.memory_space<vmem>>)
        tpu.yield
      }) : () -> ()
      %mul3A_47 = arith.constant 2 : i32
      %mul3A_48 = arith.muli %mul3A_47, %arg1 : i32
      %add3A_49 = arith.constant 1 : i32
      %add3A_50 = arith.addi %mul3A_48, %add3A_49 : i32
      "tpu.region"() ({
        %run_scoped3A = tpu.sem_alloc : memref<!tpu.dma_semaphore, #tpu.memory_space<semaphore_mem>>
        %dma_start3A_71 = arith.constant 0 : i32
        %dma_start3A_72 = arith.constant 0 : i32
        %dma_start3A_73 = tpu.memref_slice %arg5[%add3A_50, %dma_start3A_71, %dma_start3A_72] : memref<32x40x128xi32, #tpu.memory_space<hbm>> -> memref<1x40x128xi32, #tpu.memory_space<hbm>>
        %dma_start3A_74 = tpu.memref_squeeze %dma_start3A_73 : memref<1x40x128xi32, #tpu.memory_space<hbm>> -> memref<40x128xi32, #tpu.memory_space<hbm>>
        %dma_start3A_75 = arith.constant 0 : i32
        %dma_start3A_76 = arith.constant 0 : i32
        %dma_start3A_77 = tpu.memref_slice %arg5[%add3A_50, %dma_start3A_75, %dma_start3A_76] : memref<32x40x128xi32, #tpu.memory_space<hbm>> -> memref<1x40x128xi32, #tpu.memory_space<hbm>>
        %dma_start3A_78 = tpu.memref_squeeze %dma_start3A_77 : memref<1x40x128xi32, #tpu.memory_space<hbm>> -> memref<40x128xi32, #tpu.memory_space<hbm>>
        tpu.enqueue_dma source(%dma_start3A_78 : memref<40x128xi32, #tpu.memory_space<hbm>>) target(%arg11 : memref<40x128xi32, #tpu.memory_space<vmem>>) target_semaphore(%run_scoped3A : memref<!tpu.dma_semaphore, #tpu.memory_space<semaphore_mem>>)
        %dma_wait3A_79 = arith.constant 0 : i32
        %dma_wait3A_80 = arith.constant 0 : i32
        %dma_wait3A_81 = tpu.memref_slice %arg5[%add3A_50, %dma_wait3A_79, %dma_wait3A_80] : memref<32x40x128xi32, #tpu.memory_space<hbm>> -> memref<1x40x128xi32, #tpu.memory_space<hbm>>
        %dma_wait3A_82 = tpu.memref_squeeze %dma_wait3A_81 : memref<1x40x128xi32, #tpu.memory_space<hbm>> -> memref<40x128xi32, #tpu.memory_space<hbm>>
        %dma_wait3A_83 = arith.constant 0 : i32
        %dma_wait3A_84 = arith.constant 0 : i32
        %dma_wait3A_85 = tpu.memref_slice %arg5[%add3A_50, %dma_wait3A_83, %dma_wait3A_84] : memref<32x40x128xi32, #tpu.memory_space<hbm>> -> memref<1x40x128xi32, #tpu.memory_space<hbm>>
        %dma_wait3A_86 = tpu.memref_squeeze %dma_wait3A_85 : memref<1x40x128xi32, #tpu.memory_space<hbm>> -> memref<40x128xi32, #tpu.memory_space<hbm>>
        tpu.wait_dma2 semaphore(%run_scoped3A : memref<!tpu.dma_semaphore, #tpu.memory_space<semaphore_mem>>) src(%dma_wait3A_86 : memref<40x128xi32, #tpu.memory_space<hbm>>) dst(%arg11 : memref<40x128xi32, #tpu.memory_space<vmem>>)
        tpu.yield
      }) : () -> ()
      %dma_start3A_51 = arith.constant 0 : i32
      %dma_start3A_52 = arith.constant 0 : i32
      %dma_start3A_53 = tpu.memref_slice %arg10[%dma_start3A_51, %dma_start3A_52] : memref<40x128xi32, #tpu.memory_space<vmem>> -> memref<1x128xi32, #tpu.memory_space<vmem>>
      %dma_start3A_54 = tpu.memref_squeeze %dma_start3A_53 : memref<1x128xi32, #tpu.memory_space<vmem>> -> memref<128xi32, #tpu.memory_space<vmem>>
      %dma_start3A_55 = arith.constant 0 : i32
      %dma_start3A_56 = arith.constant 0 : i32
      %dma_start3A_57 = tpu.memref_slice %arg2[%dma_start3A_55, %dma_start3A_56] : memref<10000x128xf32, #tpu.memory_space<hbm>> -> memref<10000x128xf32, #tpu.memory_space<hbm>>
      tpu.enqueue_indirect_dma source(%dma_start3A_57 : memref<10000x128xf32, #tpu.memory_space<hbm>>) target(%arg12 : memref<128x128xf32, #tpu.memory_space<vmem>>) offsets(%dma_start3A_54 : memref<128xi32, #tpu.memory_space<vmem>>) semaphore(%arg14 : memref<!tpu.dma_semaphore, #tpu.memory_space<semaphore_mem>>)
      %scan3A_58 = arith.constant 0 : i32
      %scan3A_59 = arith.constant 0 : i32
      %scan3A_60 = arith.constant 20 : i32
      %scan3A_61 = arith.addi %scan3A_59, %scan3A_60 : i32
      %scan3A_62 = arith.constant 1 : i32
      scf.for %scan3A_71 = %scan3A_59 to %scan3A_61 step %scan3A_62  : i32 {
        %mul3A_72 = arith.constant 2 : i32
        %mul3A_73 = arith.muli %mul3A_72, %scan3A_71 : i32
        %dma_wait3A_74 = arith.constant 0 : i32
        %dma_wait3A_75 = tpu.memref_slice %arg10[%mul3A_73, %dma_wait3A_74] : memref<40x128xi32, #tpu.memory_space<vmem>> -> memref<1x128xi32, #tpu.memory_space<vmem>>
        %dma_wait3A_76 = tpu.memref_squeeze %dma_wait3A_75 : memref<1x128xi32, #tpu.memory_space<vmem>> -> memref<128xi32, #tpu.memory_space<vmem>>
        %dma_wait3A_77 = arith.constant 0 : i32
        %dma_wait3A_78 = arith.constant 0 : i32
        %dma_wait3A_79 = tpu.memref_slice %arg2[%dma_wait3A_77, %dma_wait3A_78] : memref<10000x128xf32, #tpu.memory_space<hbm>> -> memref<10000x128xf32, #tpu.memory_space<hbm>>
        tpu.wait_indirect_dma semaphore(%arg14 : memref<!tpu.dma_semaphore, #tpu.memory_space<semaphore_mem>>) src(%dma_wait3A_79 : memref<10000x128xf32, #tpu.memory_space<hbm>>) dst(%arg12 : memref<128x128xf32, #tpu.memory_space<vmem>>)
        %dma_start3A_80 = arith.constant 0 : i32
        %dma_start3A_81 = tpu.memref_slice %arg11[%mul3A_73, %dma_start3A_80] : memref<40x128xi32, #tpu.memory_space<vmem>> -> memref<1x128xi32, #tpu.memory_space<vmem>>
        %dma_start3A_82 = tpu.memref_squeeze %dma_start3A_81 : memref<1x128xi32, #tpu.memory_space<vmem>> -> memref<128xi32, #tpu.memory_space<vmem>>
        %dma_start3A_83 = arith.constant 0 : i32
        %dma_start3A_84 = arith.constant 0 : i32
        %dma_start3A_85 = tpu.memref_slice %arg9[%dma_start3A_83, %dma_start3A_84] : memref<10112x128xf32, #tpu.memory_space<vmem_shared>> -> memref<10112x128xf32, #tpu.memory_space<vmem_shared>>
        tpu.enqueue_indirect_dma source(%arg12 : memref<128x128xf32, #tpu.memory_space<vmem>>) target(%dma_start3A_85 : memref<10112x128xf32, #tpu.memory_space<vmem_shared>>) offsets(%dma_start3A_82 : memref<128xi32, #tpu.memory_space<vmem>>) semaphore(%arg16 : memref<!tpu.dma_semaphore, #tpu.memory_space<semaphore_mem>>) {add = true}
        %gt3A = arith.constant 0 : i32
        %gt3A_86 = arith.cmpi sgt, %scan3A_71, %gt3A : i32
        %convert_element_type3A_87 = arith.extui %gt3A_86 : i1 to i32
        %cond3A_88 = arith.constant 0 : i32
        %cond3A_89 = arith.cmpi ne, %convert_element_type3A_87, %cond3A_88 : i32
        scf.if %cond3A_89 {
          %sub3A = arith.constant 1 : i32
          %sub3A_124 = arith.subi %mul3A_73, %sub3A : i32
          %dma_wait3A_125 = arith.constant 0 : i32
          %dma_wait3A_126 = tpu.memref_slice %arg11[%sub3A_124, %dma_wait3A_125] : memref<40x128xi32, #tpu.memory_space<vmem>> -> memref<1x128xi32, #tpu.memory_space<vmem>>
          %dma_wait3A_127 = tpu.memref_squeeze %dma_wait3A_126 : memref<1x128xi32, #tpu.memory_space<vmem>> -> memref<128xi32, #tpu.memory_space<vmem>>
          %dma_wait3A_128 = arith.constant 0 : i32
          %dma_wait3A_129 = arith.constant 0 : i32
          %dma_wait3A_130 = tpu.memref_slice %arg9[%dma_wait3A_128, %dma_wait3A_129] : memref<10112x128xf32, #tpu.memory_space<vmem_shared>> -> memref<10112x128xf32, #tpu.memory_space<vmem_shared>>
          tpu.wait_indirect_dma semaphore(%arg17 : memref<!tpu.dma_semaphore, #tpu.memory_space<semaphore_mem>>) src(%arg13 : memref<128x128xf32, #tpu.memory_space<vmem>>) dst(%dma_wait3A_130 : memref<10112x128xf32, #tpu.memory_space<vmem_shared>>)
        } else {
        }
        %add3A_90 = arith.constant 1 : i32
        %add3A_91 = arith.addi %mul3A_73, %add3A_90 : i32
        %dma_start3A_92 = arith.constant 0 : i32
        %dma_start3A_93 = tpu.memref_slice %arg10[%add3A_91, %dma_start3A_92] : memref<40x128xi32, #tpu.memory_space<vmem>> -> memref<1x128xi32, #tpu.memory_space<vmem>>
        %dma_start3A_94 = tpu.memref_squeeze %dma_start3A_93 : memref<1x128xi32, #tpu.memory_space<vmem>> -> memref<128xi32, #tpu.memory_space<vmem>>
        %dma_start3A_95 = arith.constant 0 : i32
        %dma_start3A_96 = arith.constant 0 : i32
        %dma_start3A_97 = tpu.memref_slice %arg2[%dma_start3A_95, %dma_start3A_96] : memref<10000x128xf32, #tpu.memory_space<hbm>> -> memref<10000x128xf32, #tpu.memory_space<hbm>>
        tpu.enqueue_indirect_dma source(%dma_start3A_97 : memref<10000x128xf32, #tpu.memory_space<hbm>>) target(%arg13 : memref<128x128xf32, #tpu.memory_space<vmem>>) offsets(%dma_start3A_94 : memref<128xi32, #tpu.memory_space<vmem>>) semaphore(%arg15 : memref<!tpu.dma_semaphore, #tpu.memory_space<semaphore_mem>>)
        %add3A_98 = arith.constant 1 : i32
        %add3A_99 = arith.addi %mul3A_73, %add3A_98 : i32
        %dma_wait3A_100 = arith.constant 0 : i32
        %dma_wait3A_101 = tpu.memref_slice %arg10[%add3A_99, %dma_wait3A_100] : memref<40x128xi32, #tpu.memory_space<vmem>> -> memref<1x128xi32, #tpu.memory_space<vmem>>
        %dma_wait3A_102 = tpu.memref_squeeze %dma_wait3A_101 : memref<1x128xi32, #tpu.memory_space<vmem>> -> memref<128xi32, #tpu.memory_space<vmem>>
        %dma_wait3A_103 = arith.constant 0 : i32
        %dma_wait3A_104 = arith.constant 0 : i32
        %dma_wait3A_105 = tpu.memref_slice %arg2[%dma_wait3A_103, %dma_wait3A_104] : memref<10000x128xf32, #tpu.memory_space<hbm>> -> memref<10000x128xf32, #tpu.memory_space<hbm>>
        tpu.wait_indirect_dma semaphore(%arg15 : memref<!tpu.dma_semaphore, #tpu.memory_space<semaphore_mem>>) src(%dma_wait3A_105 : memref<10000x128xf32, #tpu.memory_space<hbm>>) dst(%arg13 : memref<128x128xf32, #tpu.memory_space<vmem>>)
        %add3A_106 = arith.constant 1 : i32
        %add3A_107 = arith.addi %mul3A_73, %add3A_106 : i32
        %dma_start3A_108 = arith.constant 0 : i32
        %dma_start3A_109 = tpu.memref_slice %arg11[%add3A_107, %dma_start3A_108] : memref<40x128xi32, #tpu.memory_space<vmem>> -> memref<1x128xi32, #tpu.memory_space<vmem>>
        %dma_start3A_110 = tpu.memref_squeeze %dma_start3A_109 : memref<1x128xi32, #tpu.memory_space<vmem>> -> memref<128xi32, #tpu.memory_space<vmem>>
        %dma_start3A_111 = arith.constant 0 : i32
        %dma_start3A_112 = arith.constant 0 : i32
        %dma_start3A_113 = tpu.memref_slice %arg9[%dma_start3A_111, %dma_start3A_112] : memref<10112x128xf32, #tpu.memory_space<vmem_shared>> -> memref<10112x128xf32, #tpu.memory_space<vmem_shared>>
        tpu.enqueue_indirect_dma source(%arg13 : memref<128x128xf32, #tpu.memory_space<vmem>>) target(%dma_start3A_113 : memref<10112x128xf32, #tpu.memory_space<vmem_shared>>) offsets(%dma_start3A_110 : memref<128xi32, #tpu.memory_space<vmem>>) semaphore(%arg17 : memref<!tpu.dma_semaphore, #tpu.memory_space<semaphore_mem>>) {add = true}
        %dma_wait3A_114 = arith.constant 0 : i32
        %dma_wait3A_115 = tpu.memref_slice %arg11[%mul3A_73, %dma_wait3A_114] : memref<40x128xi32, #tpu.memory_space<vmem>> -> memref<1x128xi32, #tpu.memory_space<vmem>>
        %dma_wait3A_116 = tpu.memref_squeeze %dma_wait3A_115 : memref<1x128xi32, #tpu.memory_space<vmem>> -> memref<128xi32, #tpu.memory_space<vmem>>
        %dma_wait3A_117 = arith.constant 0 : i32
        %dma_wait3A_118 = arith.constant 0 : i32
        %dma_wait3A_119 = tpu.memref_slice %arg9[%dma_wait3A_117, %dma_wait3A_118] : memref<10112x128xf32, #tpu.memory_space<vmem_shared>> -> memref<10112x128xf32, #tpu.memory_space<vmem_shared>>
        tpu.wait_indirect_dma semaphore(%arg16 : memref<!tpu.dma_semaphore, #tpu.memory_space<semaphore_mem>>) src(%arg12 : memref<128x128xf32, #tpu.memory_space<vmem>>) dst(%dma_wait3A_119 : memref<10112x128xf32, #tpu.memory_space<vmem_shared>>)
        %lt3A = arith.constant 19 : i32
        %lt3A_120 = arith.cmpi slt, %scan3A_71, %lt3A : i32
        %convert_element_type3A_121 = arith.extui %lt3A_120 : i1 to i32
        %cond3A_122 = arith.constant 0 : i32
        %cond3A_123 = arith.cmpi ne, %convert_element_type3A_121, %cond3A_122 : i32
        scf.if %cond3A_123 {
          %add3A_124 = arith.constant 2 : i32
          %add3A_125 = arith.addi %mul3A_73, %add3A_124 : i32
          %dma_start3A_126 = arith.constant 0 : i32
          %dma_start3A_127 = tpu.memref_slice %arg10[%add3A_125, %dma_start3A_126] : memref<40x128xi32, #tpu.memory_space<vmem>> -> memref<1x128xi32, #tpu.memory_space<vmem>>
          %dma_start3A_128 = tpu.memref_squeeze %dma_start3A_127 : memref<1x128xi32, #tpu.memory_space<vmem>> -> memref<128xi32, #tpu.memory_space<vmem>>
          %dma_start3A_129 = arith.constant 0 : i32
          %dma_start3A_130 = arith.constant 0 : i32
          %dma_start3A_131 = tpu.memref_slice %arg2[%dma_start3A_129, %dma_start3A_130] : memref<10000x128xf32, #tpu.memory_space<hbm>> -> memref<10000x128xf32, #tpu.memory_space<hbm>>
          tpu.enqueue_indirect_dma source(%dma_start3A_131 : memref<10000x128xf32, #tpu.memory_space<hbm>>) target(%arg12 : memref<128x128xf32, #tpu.memory_space<vmem>>) offsets(%dma_start3A_128 : memref<128xi32, #tpu.memory_space<vmem>>) semaphore(%arg14 : memref<!tpu.dma_semaphore, #tpu.memory_space<semaphore_mem>>)
        } else {
        }
      }
      %scan3A_63 = arith.constant 20 : i32
      %dma_wait3A_64 = arith.constant 39 : i32
      %dma_wait3A_65 = arith.constant 0 : i32
      %dma_wait3A_66 = tpu.memref_slice %arg11[%dma_wait3A_64, %dma_wait3A_65] : memref<40x128xi32, #tpu.memory_space<vmem>> -> memref<1x128xi32, #tpu.memory_space<vmem>>
      %dma_wait3A_67 = tpu.memref_squeeze %dma_wait3A_66 : memref<1x128xi32, #tpu.memory_space<vmem>> -> memref<128xi32, #tpu.memory_space<vmem>>
      %dma_wait3A_68 = arith.constant 0 : i32
      %dma_wait3A_69 = arith.constant 0 : i32
      %dma_wait3A_70 = tpu.memref_slice %arg9[%dma_wait3A_68, %dma_wait3A_69] : memref<10112x128xf32, #tpu.memory_space<vmem_shared>> -> memref<10112x128xf32, #tpu.memory_space<vmem_shared>>
      tpu.wait_indirect_dma semaphore(%arg17 : memref<!tpu.dma_semaphore, #tpu.memory_space<semaphore_mem>>) src(%arg13 : memref<128x128xf32, #tpu.memory_space<vmem>>) dst(%dma_wait3A_70 : memref<10112x128xf32, #tpu.memory_space<vmem_shared>>)
    } else {
    }
    %eq3A_3 = arith.constant 1 : i32
    %eq3A_4 = arith.cmpi eq, %arg0, %eq3A_3 : i32
    %convert_element_type3A_5 = arith.extui %eq3A_4 : i1 to i32
    %cond3A_6 = arith.constant 0 : i32
    %cond3A_7 = arith.cmpi ne, %convert_element_type3A_5, %cond3A_6 : i32
    scf.if %cond3A_7 {
      %mul3A_19 = arith.constant 2 : i32
      %mul3A_20 = arith.muli %mul3A_19, %arg1 : i32
      %add3A = arith.constant 0 : i32
      %add3A_21 = arith.addi %mul3A_20, %add3A : i32
      "tpu.region"() ({
        %run_scoped3A = tpu.sem_alloc : memref<!tpu.dma_semaphore, #tpu.memory_space<semaphore_mem>>
        %dma_start3A_71 = arith.constant 0 : i32
        %dma_start3A_72 = arith.constant 0 : i32
        %dma_start3A_73 = tpu.memref_slice %arg4[%add3A_21, %dma_start3A_71, %dma_start3A_72] : memref<32x40x128xi32, #tpu.memory_space<hbm>> -> memref<1x40x128xi32, #tpu.memory_space<hbm>>
        %dma_start3A_74 = tpu.memref_squeeze %dma_start3A_73 : memref<1x40x128xi32, #tpu.memory_space<hbm>> -> memref<40x128xi32, #tpu.memory_space<hbm>>
        %dma_start3A_75 = arith.constant 0 : i32
        %dma_start3A_76 = arith.constant 0 : i32
        %dma_start3A_77 = tpu.memref_slice %arg4[%add3A_21, %dma_start3A_75, %dma_start3A_76] : memref<32x40x128xi32, #tpu.memory_space<hbm>> -> memref<1x40x128xi32, #tpu.memory_space<hbm>>
        %dma_start3A_78 = tpu.memref_squeeze %dma_start3A_77 : memref<1x40x128xi32, #tpu.memory_space<hbm>> -> memref<40x128xi32, #tpu.memory_space<hbm>>
        tpu.enqueue_dma source(%dma_start3A_78 : memref<40x128xi32, #tpu.memory_space<hbm>>) target(%arg10 : memref<40x128xi32, #tpu.memory_space<vmem>>) target_semaphore(%run_scoped3A : memref<!tpu.dma_semaphore, #tpu.memory_space<semaphore_mem>>)
        %dma_wait3A_79 = arith.constant 0 : i32
        %dma_wait3A_80 = arith.constant 0 : i32
        %dma_wait3A_81 = tpu.memref_slice %arg4[%add3A_21, %dma_wait3A_79, %dma_wait3A_80] : memref<32x40x128xi32, #tpu.memory_space<hbm>> -> memref<1x40x128xi32, #tpu.memory_space<hbm>>
        %dma_wait3A_82 = tpu.memref_squeeze %dma_wait3A_81 : memref<1x40x128xi32, #tpu.memory_space<hbm>> -> memref<40x128xi32, #tpu.memory_space<hbm>>
        %dma_wait3A_83 = arith.constant 0 : i32
        %dma_wait3A_84 = arith.constant 0 : i32
        %dma_wait3A_85 = tpu.memref_slice %arg4[%add3A_21, %dma_wait3A_83, %dma_wait3A_84] : memref<32x40x128xi32, #tpu.memory_space<hbm>> -> memref<1x40x128xi32, #tpu.memory_space<hbm>>
        %dma_wait3A_86 = tpu.memref_squeeze %dma_wait3A_85 : memref<1x40x128xi32, #tpu.memory_space<hbm>> -> memref<40x128xi32, #tpu.memory_space<hbm>>
        tpu.wait_dma2 semaphore(%run_scoped3A : memref<!tpu.dma_semaphore, #tpu.memory_space<semaphore_mem>>) src(%dma_wait3A_86 : memref<40x128xi32, #tpu.memory_space<hbm>>) dst(%arg10 : memref<40x128xi32, #tpu.memory_space<vmem>>)
        tpu.yield
      }) : () -> ()
      %mul3A_22 = arith.constant 2 : i32
      %mul3A_23 = arith.muli %mul3A_22, %arg1 : i32
      %add3A_24 = arith.constant 0 : i32
      %add3A_25 = arith.addi %mul3A_23, %add3A_24 : i32
      "tpu.region"() ({
        %run_scoped3A = tpu.sem_alloc : memref<!tpu.dma_semaphore, #tpu.memory_space<semaphore_mem>>
        %dma_start3A_71 = arith.constant 0 : i32
        %dma_start3A_72 = arith.constant 0 : i32
        %dma_start3A_73 = tpu.memref_slice %arg5[%add3A_25, %dma_start3A_71, %dma_start3A_72] : memref<32x40x128xi32, #tpu.memory_space<hbm>> -> memref<1x40x128xi32, #tpu.memory_space<hbm>>
        %dma_start3A_74 = tpu.memref_squeeze %dma_start3A_73 : memref<1x40x128xi32, #tpu.memory_space<hbm>> -> memref<40x128xi32, #tpu.memory_space<hbm>>
        %dma_start3A_75 = arith.constant 0 : i32
        %dma_start3A_76 = arith.constant 0 : i32
        %dma_start3A_77 = tpu.memref_slice %arg5[%add3A_25, %dma_start3A_75, %dma_start3A_76] : memref<32x40x128xi32, #tpu.memory_space<hbm>> -> memref<1x40x128xi32, #tpu.memory_space<hbm>>
        %dma_start3A_78 = tpu.memref_squeeze %dma_start3A_77 : memref<1x40x128xi32, #tpu.memory_space<hbm>> -> memref<40x128xi32, #tpu.memory_space<hbm>>
        tpu.enqueue_dma source(%dma_start3A_78 : memref<40x128xi32, #tpu.memory_space<hbm>>) target(%arg11 : memref<40x128xi32, #tpu.memory_space<vmem>>) target_semaphore(%run_scoped3A : memref<!tpu.dma_semaphore, #tpu.memory_space<semaphore_mem>>)
        %dma_wait3A_79 = arith.constant 0 : i32
        %dma_wait3A_80 = arith.constant 0 : i32
        %dma_wait3A_81 = tpu.memref_slice %arg5[%add3A_25, %dma_wait3A_79, %dma_wait3A_80] : memref<32x40x128xi32, #tpu.memory_space<hbm>> -> memref<1x40x128xi32, #tpu.memory_space<hbm>>
        %dma_wait3A_82 = tpu.memref_squeeze %dma_wait3A_81 : memref<1x40x128xi32, #tpu.memory_space<hbm>> -> memref<40x128xi32, #tpu.memory_space<hbm>>
        %dma_wait3A_83 = arith.constant 0 : i32
        %dma_wait3A_84 = arith.constant 0 : i32
        %dma_wait3A_85 = tpu.memref_slice %arg5[%add3A_25, %dma_wait3A_83, %dma_wait3A_84] : memref<32x40x128xi32, #tpu.memory_space<hbm>> -> memref<1x40x128xi32, #tpu.memory_space<hbm>>
        %dma_wait3A_86 = tpu.memref_squeeze %dma_wait3A_85 : memref<1x40x128xi32, #tpu.memory_space<hbm>> -> memref<40x128xi32, #tpu.memory_space<hbm>>
        tpu.wait_dma2 semaphore(%run_scoped3A : memref<!tpu.dma_semaphore, #tpu.memory_space<semaphore_mem>>) src(%dma_wait3A_86 : memref<40x128xi32, #tpu.memory_space<hbm>>) dst(%arg11 : memref<40x128xi32, #tpu.memory_space<vmem>>)
        tpu.yield
      }) : () -> ()
      %dma_start3A = arith.constant 0 : i32
      %dma_start3A_26 = arith.constant 0 : i32
      %dma_start3A_27 = tpu.memref_slice %arg10[%dma_start3A, %dma_start3A_26] : memref<40x128xi32, #tpu.memory_space<vmem>> -> memref<1x128xi32, #tpu.memory_space<vmem>>
      %dma_start3A_28 = tpu.memref_squeeze %dma_start3A_27 : memref<1x128xi32, #tpu.memory_space<vmem>> -> memref<128xi32, #tpu.memory_space<vmem>>
      %dma_start3A_29 = arith.constant 0 : i32
      %dma_start3A_30 = arith.constant 0 : i32
      %dma_start3A_31 = tpu.memref_slice %arg3[%dma_start3A_29, %dma_start3A_30] : memref<10000x128xf32, #tpu.memory_space<hbm>> -> memref<10000x128xf32, #tpu.memory_space<hbm>>
      tpu.enqueue_indirect_dma source(%dma_start3A_31 : memref<10000x128xf32, #tpu.memory_space<hbm>>) target(%arg12 : memref<128x128xf32, #tpu.memory_space<vmem>>) offsets(%dma_start3A_28 : memref<128xi32, #tpu.memory_space<vmem>>) semaphore(%arg14 : memref<!tpu.dma_semaphore, #tpu.memory_space<semaphore_mem>>)
      %scan3A = arith.constant 0 : i32
      %scan3A_32 = arith.constant 0 : i32
      %scan3A_33 = arith.constant 20 : i32
      %scan3A_34 = arith.addi %scan3A_32, %scan3A_33 : i32
      %scan3A_35 = arith.constant 1 : i32
      scf.for %scan3A_71 = %scan3A_32 to %scan3A_34 step %scan3A_35  : i32 {
        %mul3A_72 = arith.constant 2 : i32
        %mul3A_73 = arith.muli %mul3A_72, %scan3A_71 : i32
        %dma_wait3A_74 = arith.constant 0 : i32
        %dma_wait3A_75 = tpu.memref_slice %arg10[%mul3A_73, %dma_wait3A_74] : memref<40x128xi32, #tpu.memory_space<vmem>> -> memref<1x128xi32, #tpu.memory_space<vmem>>
        %dma_wait3A_76 = tpu.memref_squeeze %dma_wait3A_75 : memref<1x128xi32, #tpu.memory_space<vmem>> -> memref<128xi32, #tpu.memory_space<vmem>>
        %dma_wait3A_77 = arith.constant 0 : i32
        %dma_wait3A_78 = arith.constant 0 : i32
        %dma_wait3A_79 = tpu.memref_slice %arg3[%dma_wait3A_77, %dma_wait3A_78] : memref<10000x128xf32, #tpu.memory_space<hbm>> -> memref<10000x128xf32, #tpu.memory_space<hbm>>
        tpu.wait_indirect_dma semaphore(%arg14 : memref<!tpu.dma_semaphore, #tpu.memory_space<semaphore_mem>>) src(%dma_wait3A_79 : memref<10000x128xf32, #tpu.memory_space<hbm>>) dst(%arg12 : memref<128x128xf32, #tpu.memory_space<vmem>>)
        %dma_start3A_80 = arith.constant 0 : i32
        %dma_start3A_81 = tpu.memref_slice %arg11[%mul3A_73, %dma_start3A_80] : memref<40x128xi32, #tpu.memory_space<vmem>> -> memref<1x128xi32, #tpu.memory_space<vmem>>
        %dma_start3A_82 = tpu.memref_squeeze %dma_start3A_81 : memref<1x128xi32, #tpu.memory_space<vmem>> -> memref<128xi32, #tpu.memory_space<vmem>>
        %dma_start3A_83 = arith.constant 0 : i32
        %dma_start3A_84 = arith.constant 0 : i32
        %dma_start3A_85 = tpu.memref_slice %arg9[%dma_start3A_83, %dma_start3A_84] : memref<10112x128xf32, #tpu.memory_space<vmem_shared>> -> memref<10112x128xf32, #tpu.memory_space<vmem_shared>>
        tpu.enqueue_indirect_dma source(%arg12 : memref<128x128xf32, #tpu.memory_space<vmem>>) target(%dma_start3A_85 : memref<10112x128xf32, #tpu.memory_space<vmem_shared>>) offsets(%dma_start3A_82 : memref<128xi32, #tpu.memory_space<vmem>>) semaphore(%arg16 : memref<!tpu.dma_semaphore, #tpu.memory_space<semaphore_mem>>) {add = true}
        %gt3A = arith.constant 0 : i32
        %gt3A_86 = arith.cmpi sgt, %scan3A_71, %gt3A : i32
        %convert_element_type3A_87 = arith.extui %gt3A_86 : i1 to i32
        %cond3A_88 = arith.constant 0 : i32
        %cond3A_89 = arith.cmpi ne, %convert_element_type3A_87, %cond3A_88 : i32
        scf.if %cond3A_89 {
          %sub3A = arith.constant 1 : i32
          %sub3A_124 = arith.subi %mul3A_73, %sub3A : i32
          %dma_wait3A_125 = arith.constant 0 : i32
          %dma_wait3A_126 = tpu.memref_slice %arg11[%sub3A_124, %dma_wait3A_125] : memref<40x128xi32, #tpu.memory_space<vmem>> -> memref<1x128xi32, #tpu.memory_space<vmem>>
          %dma_wait3A_127 = tpu.memref_squeeze %dma_wait3A_126 : memref<1x128xi32, #tpu.memory_space<vmem>> -> memref<128xi32, #tpu.memory_space<vmem>>
          %dma_wait3A_128 = arith.constant 0 : i32
          %dma_wait3A_129 = arith.constant 0 : i32
          %dma_wait3A_130 = tpu.memref_slice %arg9[%dma_wait3A_128, %dma_wait3A_129] : memref<10112x128xf32, #tpu.memory_space<vmem_shared>> -> memref<10112x128xf32, #tpu.memory_space<vmem_shared>>
          tpu.wait_indirect_dma semaphore(%arg17 : memref<!tpu.dma_semaphore, #tpu.memory_space<semaphore_mem>>) src(%arg13 : memref<128x128xf32, #tpu.memory_space<vmem>>) dst(%dma_wait3A_130 : memref<10112x128xf32, #tpu.memory_space<vmem_shared>>)
        } else {
        }
        %add3A_90 = arith.constant 1 : i32
        %add3A_91 = arith.addi %mul3A_73, %add3A_90 : i32
        %dma_start3A_92 = arith.constant 0 : i32
        %dma_start3A_93 = tpu.memref_slice %arg10[%add3A_91, %dma_start3A_92] : memref<40x128xi32, #tpu.memory_space<vmem>> -> memref<1x128xi32, #tpu.memory_space<vmem>>
        %dma_start3A_94 = tpu.memref_squeeze %dma_start3A_93 : memref<1x128xi32, #tpu.memory_space<vmem>> -> memref<128xi32, #tpu.memory_space<vmem>>
        %dma_start3A_95 = arith.constant 0 : i32
        %dma_start3A_96 = arith.constant 0 : i32
        %dma_start3A_97 = tpu.memref_slice %arg3[%dma_start3A_95, %dma_start3A_96] : memref<10000x128xf32, #tpu.memory_space<hbm>> -> memref<10000x128xf32, #tpu.memory_space<hbm>>
        tpu.enqueue_indirect_dma source(%dma_start3A_97 : memref<10000x128xf32, #tpu.memory_space<hbm>>) target(%arg13 : memref<128x128xf32, #tpu.memory_space<vmem>>) offsets(%dma_start3A_94 : memref<128xi32, #tpu.memory_space<vmem>>) semaphore(%arg15 : memref<!tpu.dma_semaphore, #tpu.memory_space<semaphore_mem>>)
        %add3A_98 = arith.constant 1 : i32
        %add3A_99 = arith.addi %mul3A_73, %add3A_98 : i32
        %dma_wait3A_100 = arith.constant 0 : i32
        %dma_wait3A_101 = tpu.memref_slice %arg10[%add3A_99, %dma_wait3A_100] : memref<40x128xi32, #tpu.memory_space<vmem>> -> memref<1x128xi32, #tpu.memory_space<vmem>>
        %dma_wait3A_102 = tpu.memref_squeeze %dma_wait3A_101 : memref<1x128xi32, #tpu.memory_space<vmem>> -> memref<128xi32, #tpu.memory_space<vmem>>
        %dma_wait3A_103 = arith.constant 0 : i32
        %dma_wait3A_104 = arith.constant 0 : i32
        %dma_wait3A_105 = tpu.memref_slice %arg3[%dma_wait3A_103, %dma_wait3A_104] : memref<10000x128xf32, #tpu.memory_space<hbm>> -> memref<10000x128xf32, #tpu.memory_space<hbm>>
        tpu.wait_indirect_dma semaphore(%arg15 : memref<!tpu.dma_semaphore, #tpu.memory_space<semaphore_mem>>) src(%dma_wait3A_105 : memref<10000x128xf32, #tpu.memory_space<hbm>>) dst(%arg13 : memref<128x128xf32, #tpu.memory_space<vmem>>)
        %add3A_106 = arith.constant 1 : i32
        %add3A_107 = arith.addi %mul3A_73, %add3A_106 : i32
        %dma_start3A_108 = arith.constant 0 : i32
        %dma_start3A_109 = tpu.memref_slice %arg11[%add3A_107, %dma_start3A_108] : memref<40x128xi32, #tpu.memory_space<vmem>> -> memref<1x128xi32, #tpu.memory_space<vmem>>
        %dma_start3A_110 = tpu.memref_squeeze %dma_start3A_109 : memref<1x128xi32, #tpu.memory_space<vmem>> -> memref<128xi32, #tpu.memory_space<vmem>>
        %dma_start3A_111 = arith.constant 0 : i32
        %dma_start3A_112 = arith.constant 0 : i32
        %dma_start3A_113 = tpu.memref_slice %arg9[%dma_start3A_111, %dma_start3A_112] : memref<10112x128xf32, #tpu.memory_space<vmem_shared>> -> memref<10112x128xf32, #tpu.memory_space<vmem_shared>>
        tpu.enqueue_indirect_dma source(%arg13 : memref<128x128xf32, #tpu.memory_space<vmem>>) target(%dma_start3A_113 : memref<10112x128xf32, #tpu.memory_space<vmem_shared>>) offsets(%dma_start3A_110 : memref<128xi32, #tpu.memory_space<vmem>>) semaphore(%arg17 : memref<!tpu.dma_semaphore, #tpu.memory_space<semaphore_mem>>) {add = true}
        %dma_wait3A_114 = arith.constant 0 : i32
        %dma_wait3A_115 = tpu.memref_slice %arg11[%mul3A_73, %dma_wait3A_114] : memref<40x128xi32, #tpu.memory_space<vmem>> -> memref<1x128xi32, #tpu.memory_space<vmem>>
        %dma_wait3A_116 = tpu.memref_squeeze %dma_wait3A_115 : memref<1x128xi32, #tpu.memory_space<vmem>> -> memref<128xi32, #tpu.memory_space<vmem>>
        %dma_wait3A_117 = arith.constant 0 : i32
        %dma_wait3A_118 = arith.constant 0 : i32
        %dma_wait3A_119 = tpu.memref_slice %arg9[%dma_wait3A_117, %dma_wait3A_118] : memref<10112x128xf32, #tpu.memory_space<vmem_shared>> -> memref<10112x128xf32, #tpu.memory_space<vmem_shared>>
        tpu.wait_indirect_dma semaphore(%arg16 : memref<!tpu.dma_semaphore, #tpu.memory_space<semaphore_mem>>) src(%arg12 : memref<128x128xf32, #tpu.memory_space<vmem>>) dst(%dma_wait3A_119 : memref<10112x128xf32, #tpu.memory_space<vmem_shared>>)
        %lt3A = arith.constant 19 : i32
        %lt3A_120 = arith.cmpi slt, %scan3A_71, %lt3A : i32
        %convert_element_type3A_121 = arith.extui %lt3A_120 : i1 to i32
        %cond3A_122 = arith.constant 0 : i32
        %cond3A_123 = arith.cmpi ne, %convert_element_type3A_121, %cond3A_122 : i32
        scf.if %cond3A_123 {
          %add3A_124 = arith.constant 2 : i32
          %add3A_125 = arith.addi %mul3A_73, %add3A_124 : i32
          %dma_start3A_126 = arith.constant 0 : i32
          %dma_start3A_127 = tpu.memref_slice %arg10[%add3A_125, %dma_start3A_126] : memref<40x128xi32, #tpu.memory_space<vmem>> -> memref<1x128xi32, #tpu.memory_space<vmem>>
          %dma_start3A_128 = tpu.memref_squeeze %dma_start3A_127 : memref<1x128xi32, #tpu.memory_space<vmem>> -> memref<128xi32, #tpu.memory_space<vmem>>
          %dma_start3A_129 = arith.constant 0 : i32
          %dma_start3A_130 = arith.constant 0 : i32
          %dma_start3A_131 = tpu.memref_slice %arg3[%dma_start3A_129, %dma_start3A_130] : memref<10000x128xf32, #tpu.memory_space<hbm>> -> memref<10000x128xf32, #tpu.memory_space<hbm>>
          tpu.enqueue_indirect_dma source(%dma_start3A_131 : memref<10000x128xf32, #tpu.memory_space<hbm>>) target(%arg12 : memref<128x128xf32, #tpu.memory_space<vmem>>) offsets(%dma_start3A_128 : memref<128xi32, #tpu.memory_space<vmem>>) semaphore(%arg14 : memref<!tpu.dma_semaphore, #tpu.memory_space<semaphore_mem>>)
        } else {
        }
      }
      %scan3A_36 = arith.constant 20 : i32
      %dma_wait3A = arith.constant 39 : i32
      %dma_wait3A_37 = arith.constant 0 : i32
      %dma_wait3A_38 = tpu.memref_slice %arg11[%dma_wait3A, %dma_wait3A_37] : memref<40x128xi32, #tpu.memory_space<vmem>> -> memref<1x128xi32, #tpu.memory_space<vmem>>
      %dma_wait3A_39 = tpu.memref_squeeze %dma_wait3A_38 : memref<1x128xi32, #tpu.memory_space<vmem>> -> memref<128xi32, #tpu.memory_space<vmem>>
      %dma_wait3A_40 = arith.constant 0 : i32
      %dma_wait3A_41 = arith.constant 0 : i32
      %dma_wait3A_42 = tpu.memref_slice %arg9[%dma_wait3A_40, %dma_wait3A_41] : memref<10112x128xf32, #tpu.memory_space<vmem_shared>> -> memref<10112x128xf32, #tpu.memory_space<vmem_shared>>
      tpu.wait_indirect_dma semaphore(%arg17 : memref<!tpu.dma_semaphore, #tpu.memory_space<semaphore_mem>>) src(%arg13 : memref<128x128xf32, #tpu.memory_space<vmem>>) dst(%dma_wait3A_42 : memref<10112x128xf32, #tpu.memory_space<vmem_shared>>)
      %mul3A_43 = arith.constant 2 : i32
      %mul3A_44 = arith.muli %mul3A_43, %arg1 : i32
      %add3A_45 = arith.constant 1 : i32
      %add3A_46 = arith.addi %mul3A_44, %add3A_45 : i32
      "tpu.region"() ({
        %run_scoped3A = tpu.sem_alloc : memref<!tpu.dma_semaphore, #tpu.memory_space<semaphore_mem>>
        %dma_start3A_71 = arith.constant 0 : i32
        %dma_start3A_72 = arith.constant 0 : i32
        %dma_start3A_73 = tpu.memref_slice %arg4[%add3A_46, %dma_start3A_71, %dma_start3A_72] : memref<32x40x128xi32, #tpu.memory_space<hbm>> -> memref<1x40x128xi32, #tpu.memory_space<hbm>>
        %dma_start3A_74 = tpu.memref_squeeze %dma_start3A_73 : memref<1x40x128xi32, #tpu.memory_space<hbm>> -> memref<40x128xi32, #tpu.memory_space<hbm>>
        %dma_start3A_75 = arith.constant 0 : i32
        %dma_start3A_76 = arith.constant 0 : i32
        %dma_start3A_77 = tpu.memref_slice %arg4[%add3A_46, %dma_start3A_75, %dma_start3A_76] : memref<32x40x128xi32, #tpu.memory_space<hbm>> -> memref<1x40x128xi32, #tpu.memory_space<hbm>>
        %dma_start3A_78 = tpu.memref_squeeze %dma_start3A_77 : memref<1x40x128xi32, #tpu.memory_space<hbm>> -> memref<40x128xi32, #tpu.memory_space<hbm>>
        tpu.enqueue_dma source(%dma_start3A_78 : memref<40x128xi32, #tpu.memory_space<hbm>>) target(%arg10 : memref<40x128xi32, #tpu.memory_space<vmem>>) target_semaphore(%run_scoped3A : memref<!tpu.dma_semaphore, #tpu.memory_space<semaphore_mem>>)
        %dma_wait3A_79 = arith.constant 0 : i32
        %dma_wait3A_80 = arith.constant 0 : i32
        %dma_wait3A_81 = tpu.memref_slice %arg4[%add3A_46, %dma_wait3A_79, %dma_wait3A_80] : memref<32x40x128xi32, #tpu.memory_space<hbm>> -> memref<1x40x128xi32, #tpu.memory_space<hbm>>
        %dma_wait3A_82 = tpu.memref_squeeze %dma_wait3A_81 : memref<1x40x128xi32, #tpu.memory_space<hbm>> -> memref<40x128xi32, #tpu.memory_space<hbm>>
        %dma_wait3A_83 = arith.constant 0 : i32
        %dma_wait3A_84 = arith.constant 0 : i32
        %dma_wait3A_85 = tpu.memref_slice %arg4[%add3A_46, %dma_wait3A_83, %dma_wait3A_84] : memref<32x40x128xi32, #tpu.memory_space<hbm>> -> memref<1x40x128xi32, #tpu.memory_space<hbm>>
        %dma_wait3A_86 = tpu.memref_squeeze %dma_wait3A_85 : memref<1x40x128xi32, #tpu.memory_space<hbm>> -> memref<40x128xi32, #tpu.memory_space<hbm>>
        tpu.wait_dma2 semaphore(%run_scoped3A : memref<!tpu.dma_semaphore, #tpu.memory_space<semaphore_mem>>) src(%dma_wait3A_86 : memref<40x128xi32, #tpu.memory_space<hbm>>) dst(%arg10 : memref<40x128xi32, #tpu.memory_space<vmem>>)
        tpu.yield
      }) : () -> ()
      %mul3A_47 = arith.constant 2 : i32
      %mul3A_48 = arith.muli %mul3A_47, %arg1 : i32
      %add3A_49 = arith.constant 1 : i32
      %add3A_50 = arith.addi %mul3A_48, %add3A_49 : i32
      "tpu.region"() ({
        %run_scoped3A = tpu.sem_alloc : memref<!tpu.dma_semaphore, #tpu.memory_space<semaphore_mem>>
        %dma_start3A_71 = arith.constant 0 : i32
        %dma_start3A_72 = arith.constant 0 : i32
        %dma_start3A_73 = tpu.memref_slice %arg5[%add3A_50, %dma_start3A_71, %dma_start3A_72] : memref<32x40x128xi32, #tpu.memory_space<hbm>> -> memref<1x40x128xi32, #tpu.memory_space<hbm>>
        %dma_start3A_74 = tpu.memref_squeeze %dma_start3A_73 : memref<1x40x128xi32, #tpu.memory_space<hbm>> -> memref<40x128xi32, #tpu.memory_space<hbm>>
        %dma_start3A_75 = arith.constant 0 : i32
        %dma_start3A_76 = arith.constant 0 : i32
        %dma_start3A_77 = tpu.memref_slice %arg5[%add3A_50, %dma_start3A_75, %dma_start3A_76] : memref<32x40x128xi32, #tpu.memory_space<hbm>> -> memref<1x40x128xi32, #tpu.memory_space<hbm>>
        %dma_start3A_78 = tpu.memref_squeeze %dma_start3A_77 : memref<1x40x128xi32, #tpu.memory_space<hbm>> -> memref<40x128xi32, #tpu.memory_space<hbm>>
        tpu.enqueue_dma source(%dma_start3A_78 : memref<40x128xi32, #tpu.memory_space<hbm>>) target(%arg11 : memref<40x128xi32, #tpu.memory_space<vmem>>) target_semaphore(%run_scoped3A : memref<!tpu.dma_semaphore, #tpu.memory_space<semaphore_mem>>)
        %dma_wait3A_79 = arith.constant 0 : i32
        %dma_wait3A_80 = arith.constant 0 : i32
        %dma_wait3A_81 = tpu.memref_slice %arg5[%add3A_50, %dma_wait3A_79, %dma_wait3A_80] : memref<32x40x128xi32, #tpu.memory_space<hbm>> -> memref<1x40x128xi32, #tpu.memory_space<hbm>>
        %dma_wait3A_82 = tpu.memref_squeeze %dma_wait3A_81 : memref<1x40x128xi32, #tpu.memory_space<hbm>> -> memref<40x128xi32, #tpu.memory_space<hbm>>
        %dma_wait3A_83 = arith.constant 0 : i32
        %dma_wait3A_84 = arith.constant 0 : i32
        %dma_wait3A_85 = tpu.memref_slice %arg5[%add3A_50, %dma_wait3A_83, %dma_wait3A_84] : memref<32x40x128xi32, #tpu.memory_space<hbm>> -> memref<1x40x128xi32, #tpu.memory_space<hbm>>
        %dma_wait3A_86 = tpu.memref_squeeze %dma_wait3A_85 : memref<1x40x128xi32, #tpu.memory_space<hbm>> -> memref<40x128xi32, #tpu.memory_space<hbm>>
        tpu.wait_dma2 semaphore(%run_scoped3A : memref<!tpu.dma_semaphore, #tpu.memory_space<semaphore_mem>>) src(%dma_wait3A_86 : memref<40x128xi32, #tpu.memory_space<hbm>>) dst(%arg11 : memref<40x128xi32, #tpu.memory_space<vmem>>)
        tpu.yield
      }) : () -> ()
      %dma_start3A_51 = arith.constant 0 : i32
      %dma_start3A_52 = arith.constant 0 : i32
      %dma_start3A_53 = tpu.memref_slice %arg10[%dma_start3A_51, %dma_start3A_52] : memref<40x128xi32, #tpu.memory_space<vmem>> -> memref<1x128xi32, #tpu.memory_space<vmem>>
      %dma_start3A_54 = tpu.memref_squeeze %dma_start3A_53 : memref<1x128xi32, #tpu.memory_space<vmem>> -> memref<128xi32, #tpu.memory_space<vmem>>
      %dma_start3A_55 = arith.constant 0 : i32
      %dma_start3A_56 = arith.constant 0 : i32
      %dma_start3A_57 = tpu.memref_slice %arg3[%dma_start3A_55, %dma_start3A_56] : memref<10000x128xf32, #tpu.memory_space<hbm>> -> memref<10000x128xf32, #tpu.memory_space<hbm>>
      tpu.enqueue_indirect_dma source(%dma_start3A_57 : memref<10000x128xf32, #tpu.memory_space<hbm>>) target(%arg12 : memref<128x128xf32, #tpu.memory_space<vmem>>) offsets(%dma_start3A_54 : memref<128xi32, #tpu.memory_space<vmem>>) semaphore(%arg14 : memref<!tpu.dma_semaphore, #tpu.memory_space<semaphore_mem>>)
      %scan3A_58 = arith.constant 0 : i32
      %scan3A_59 = arith.constant 0 : i32
      %scan3A_60 = arith.constant 20 : i32
      %scan3A_61 = arith.addi %scan3A_59, %scan3A_60 : i32
      %scan3A_62 = arith.constant 1 : i32
      scf.for %scan3A_71 = %scan3A_59 to %scan3A_61 step %scan3A_62  : i32 {
        %mul3A_72 = arith.constant 2 : i32
        %mul3A_73 = arith.muli %mul3A_72, %scan3A_71 : i32
        %dma_wait3A_74 = arith.constant 0 : i32
        %dma_wait3A_75 = tpu.memref_slice %arg10[%mul3A_73, %dma_wait3A_74] : memref<40x128xi32, #tpu.memory_space<vmem>> -> memref<1x128xi32, #tpu.memory_space<vmem>>
        %dma_wait3A_76 = tpu.memref_squeeze %dma_wait3A_75 : memref<1x128xi32, #tpu.memory_space<vmem>> -> memref<128xi32, #tpu.memory_space<vmem>>
        %dma_wait3A_77 = arith.constant 0 : i32
        %dma_wait3A_78 = arith.constant 0 : i32
        %dma_wait3A_79 = tpu.memref_slice %arg3[%dma_wait3A_77, %dma_wait3A_78] : memref<10000x128xf32, #tpu.memory_space<hbm>> -> memref<10000x128xf32, #tpu.memory_space<hbm>>
        tpu.wait_indirect_dma semaphore(%arg14 : memref<!tpu.dma_semaphore, #tpu.memory_space<semaphore_mem>>) src(%dma_wait3A_79 : memref<10000x128xf32, #tpu.memory_space<hbm>>) dst(%arg12 : memref<128x128xf32, #tpu.memory_space<vmem>>)
        %dma_start3A_80 = arith.constant 0 : i32
        %dma_start3A_81 = tpu.memref_slice %arg11[%mul3A_73, %dma_start3A_80] : memref<40x128xi32, #tpu.memory_space<vmem>> -> memref<1x128xi32, #tpu.memory_space<vmem>>
        %dma_start3A_82 = tpu.memref_squeeze %dma_start3A_81 : memref<1x128xi32, #tpu.memory_space<vmem>> -> memref<128xi32, #tpu.memory_space<vmem>>
        %dma_start3A_83 = arith.constant 0 : i32
        %dma_start3A_84 = arith.constant 0 : i32
        %dma_start3A_85 = tpu.memref_slice %arg9[%dma_start3A_83, %dma_start3A_84] : memref<10112x128xf32, #tpu.memory_space<vmem_shared>> -> memref<10112x128xf32, #tpu.memory_space<vmem_shared>>
        tpu.enqueue_indirect_dma source(%arg12 : memref<128x128xf32, #tpu.memory_space<vmem>>) target(%dma_start3A_85 : memref<10112x128xf32, #tpu.memory_space<vmem_shared>>) offsets(%dma_start3A_82 : memref<128xi32, #tpu.memory_space<vmem>>) semaphore(%arg16 : memref<!tpu.dma_semaphore, #tpu.memory_space<semaphore_mem>>) {add = true}
        %gt3A = arith.constant 0 : i32
        %gt3A_86 = arith.cmpi sgt, %scan3A_71, %gt3A : i32
        %convert_element_type3A_87 = arith.extui %gt3A_86 : i1 to i32
        %cond3A_88 = arith.constant 0 : i32
        %cond3A_89 = arith.cmpi ne, %convert_element_type3A_87, %cond3A_88 : i32
        scf.if %cond3A_89 {
          %sub3A = arith.constant 1 : i32
          %sub3A_124 = arith.subi %mul3A_73, %sub3A : i32
          %dma_wait3A_125 = arith.constant 0 : i32
          %dma_wait3A_126 = tpu.memref_slice %arg11[%sub3A_124, %dma_wait3A_125] : memref<40x128xi32, #tpu.memory_space<vmem>> -> memref<1x128xi32, #tpu.memory_space<vmem>>
          %dma_wait3A_127 = tpu.memref_squeeze %dma_wait3A_126 : memref<1x128xi32, #tpu.memory_space<vmem>> -> memref<128xi32, #tpu.memory_space<vmem>>
          %dma_wait3A_128 = arith.constant 0 : i32
          %dma_wait3A_129 = arith.constant 0 : i32
          %dma_wait3A_130 = tpu.memref_slice %arg9[%dma_wait3A_128, %dma_wait3A_129] : memref<10112x128xf32, #tpu.memory_space<vmem_shared>> -> memref<10112x128xf32, #tpu.memory_space<vmem_shared>>
          tpu.wait_indirect_dma semaphore(%arg17 : memref<!tpu.dma_semaphore, #tpu.memory_space<semaphore_mem>>) src(%arg13 : memref<128x128xf32, #tpu.memory_space<vmem>>) dst(%dma_wait3A_130 : memref<10112x128xf32, #tpu.memory_space<vmem_shared>>)
        } else {
        }
        %add3A_90 = arith.constant 1 : i32
        %add3A_91 = arith.addi %mul3A_73, %add3A_90 : i32
        %dma_start3A_92 = arith.constant 0 : i32
        %dma_start3A_93 = tpu.memref_slice %arg10[%add3A_91, %dma_start3A_92] : memref<40x128xi32, #tpu.memory_space<vmem>> -> memref<1x128xi32, #tpu.memory_space<vmem>>
        %dma_start3A_94 = tpu.memref_squeeze %dma_start3A_93 : memref<1x128xi32, #tpu.memory_space<vmem>> -> memref<128xi32, #tpu.memory_space<vmem>>
        %dma_start3A_95 = arith.constant 0 : i32
        %dma_start3A_96 = arith.constant 0 : i32
        %dma_start3A_97 = tpu.memref_slice %arg3[%dma_start3A_95, %dma_start3A_96] : memref<10000x128xf32, #tpu.memory_space<hbm>> -> memref<10000x128xf32, #tpu.memory_space<hbm>>
        tpu.enqueue_indirect_dma source(%dma_start3A_97 : memref<10000x128xf32, #tpu.memory_space<hbm>>) target(%arg13 : memref<128x128xf32, #tpu.memory_space<vmem>>) offsets(%dma_start3A_94 : memref<128xi32, #tpu.memory_space<vmem>>) semaphore(%arg15 : memref<!tpu.dma_semaphore, #tpu.memory_space<semaphore_mem>>)
        %add3A_98 = arith.constant 1 : i32
        %add3A_99 = arith.addi %mul3A_73, %add3A_98 : i32
        %dma_wait3A_100 = arith.constant 0 : i32
        %dma_wait3A_101 = tpu.memref_slice %arg10[%add3A_99, %dma_wait3A_100] : memref<40x128xi32, #tpu.memory_space<vmem>> -> memref<1x128xi32, #tpu.memory_space<vmem>>
        %dma_wait3A_102 = tpu.memref_squeeze %dma_wait3A_101 : memref<1x128xi32, #tpu.memory_space<vmem>> -> memref<128xi32, #tpu.memory_space<vmem>>
        %dma_wait3A_103 = arith.constant 0 : i32
        %dma_wait3A_104 = arith.constant 0 : i32
        %dma_wait3A_105 = tpu.memref_slice %arg3[%dma_wait3A_103, %dma_wait3A_104] : memref<10000x128xf32, #tpu.memory_space<hbm>> -> memref<10000x128xf32, #tpu.memory_space<hbm>>
        tpu.wait_indirect_dma semaphore(%arg15 : memref<!tpu.dma_semaphore, #tpu.memory_space<semaphore_mem>>) src(%dma_wait3A_105 : memref<10000x128xf32, #tpu.memory_space<hbm>>) dst(%arg13 : memref<128x128xf32, #tpu.memory_space<vmem>>)
        %add3A_106 = arith.constant 1 : i32
        %add3A_107 = arith.addi %mul3A_73, %add3A_106 : i32
        %dma_start3A_108 = arith.constant 0 : i32
        %dma_start3A_109 = tpu.memref_slice %arg11[%add3A_107, %dma_start3A_108] : memref<40x128xi32, #tpu.memory_space<vmem>> -> memref<1x128xi32, #tpu.memory_space<vmem>>
        %dma_start3A_110 = tpu.memref_squeeze %dma_start3A_109 : memref<1x128xi32, #tpu.memory_space<vmem>> -> memref<128xi32, #tpu.memory_space<vmem>>
        %dma_start3A_111 = arith.constant 0 : i32
        %dma_start3A_112 = arith.constant 0 : i32
        %dma_start3A_113 = tpu.memref_slice %arg9[%dma_start3A_111, %dma_start3A_112] : memref<10112x128xf32, #tpu.memory_space<vmem_shared>> -> memref<10112x128xf32, #tpu.memory_space<vmem_shared>>
        tpu.enqueue_indirect_dma source(%arg13 : memref<128x128xf32, #tpu.memory_space<vmem>>) target(%dma_start3A_113 : memref<10112x128xf32, #tpu.memory_space<vmem_shared>>) offsets(%dma_start3A_110 : memref<128xi32, #tpu.memory_space<vmem>>) semaphore(%arg17 : memref<!tpu.dma_semaphore, #tpu.memory_space<semaphore_mem>>) {add = true}
        %dma_wait3A_114 = arith.constant 0 : i32
        %dma_wait3A_115 = tpu.memref_slice %arg11[%mul3A_73, %dma_wait3A_114] : memref<40x128xi32, #tpu.memory_space<vmem>> -> memref<1x128xi32, #tpu.memory_space<vmem>>
        %dma_wait3A_116 = tpu.memref_squeeze %dma_wait3A_115 : memref<1x128xi32, #tpu.memory_space<vmem>> -> memref<128xi32, #tpu.memory_space<vmem>>
        %dma_wait3A_117 = arith.constant 0 : i32
        %dma_wait3A_118 = arith.constant 0 : i32
        %dma_wait3A_119 = tpu.memref_slice %arg9[%dma_wait3A_117, %dma_wait3A_118] : memref<10112x128xf32, #tpu.memory_space<vmem_shared>> -> memref<10112x128xf32, #tpu.memory_space<vmem_shared>>
        tpu.wait_indirect_dma semaphore(%arg16 : memref<!tpu.dma_semaphore, #tpu.memory_space<semaphore_mem>>) src(%arg12 : memref<128x128xf32, #tpu.memory_space<vmem>>) dst(%dma_wait3A_119 : memref<10112x128xf32, #tpu.memory_space<vmem_shared>>)
        %lt3A = arith.constant 19 : i32
        %lt3A_120 = arith.cmpi slt, %scan3A_71, %lt3A : i32
        %convert_element_type3A_121 = arith.extui %lt3A_120 : i1 to i32
        %cond3A_122 = arith.constant 0 : i32
        %cond3A_123 = arith.cmpi ne, %convert_element_type3A_121, %cond3A_122 : i32
        scf.if %cond3A_123 {
          %add3A_124 = arith.constant 2 : i32
          %add3A_125 = arith.addi %mul3A_73, %add3A_124 : i32
          %dma_start3A_126 = arith.constant 0 : i32
          %dma_start3A_127 = tpu.memref_slice %arg10[%add3A_125, %dma_start3A_126] : memref<40x128xi32, #tpu.memory_space<vmem>> -> memref<1x128xi32, #tpu.memory_space<vmem>>
          %dma_start3A_128 = tpu.memref_squeeze %dma_start3A_127 : memref<1x128xi32, #tpu.memory_space<vmem>> -> memref<128xi32, #tpu.memory_space<vmem>>
          %dma_start3A_129 = arith.constant 0 : i32
          %dma_start3A_130 = arith.constant 0 : i32
          %dma_start3A_131 = tpu.memref_slice %arg3[%dma_start3A_129, %dma_start3A_130] : memref<10000x128xf32, #tpu.memory_space<hbm>> -> memref<10000x128xf32, #tpu.memory_space<hbm>>
          tpu.enqueue_indirect_dma source(%dma_start3A_131 : memref<10000x128xf32, #tpu.memory_space<hbm>>) target(%arg12 : memref<128x128xf32, #tpu.memory_space<vmem>>) offsets(%dma_start3A_128 : memref<128xi32, #tpu.memory_space<vmem>>) semaphore(%arg14 : memref<!tpu.dma_semaphore, #tpu.memory_space<semaphore_mem>>)
        } else {
        }
      }
      %scan3A_63 = arith.constant 20 : i32
      %dma_wait3A_64 = arith.constant 39 : i32
      %dma_wait3A_65 = arith.constant 0 : i32
      %dma_wait3A_66 = tpu.memref_slice %arg11[%dma_wait3A_64, %dma_wait3A_65] : memref<40x128xi32, #tpu.memory_space<vmem>> -> memref<1x128xi32, #tpu.memory_space<vmem>>
      %dma_wait3A_67 = tpu.memref_squeeze %dma_wait3A_66 : memref<1x128xi32, #tpu.memory_space<vmem>> -> memref<128xi32, #tpu.memory_space<vmem>>
      %dma_wait3A_68 = arith.constant 0 : i32
      %dma_wait3A_69 = arith.constant 0 : i32
      %dma_wait3A_70 = tpu.memref_slice %arg9[%dma_wait3A_68, %dma_wait3A_69] : memref<10112x128xf32, #tpu.memory_space<vmem_shared>> -> memref<10112x128xf32, #tpu.memory_space<vmem_shared>>
      tpu.wait_indirect_dma semaphore(%arg17 : memref<!tpu.dma_semaphore, #tpu.memory_space<semaphore_mem>>) src(%arg13 : memref<128x128xf32, #tpu.memory_space<vmem>>) dst(%dma_wait3A_70 : memref<10112x128xf32, #tpu.memory_space<vmem_shared>>)
    } else {
    }
    %barrier3A_8 = arith.constant 0 : index
    tpu.barrier barrier_id(%barrier3A_8)
    %eq3A_9 = arith.constant 0 : i32
    %eq3A_10 = arith.cmpi eq, %arg0, %eq3A_9 : i32
    %convert_element_type3A_11 = arith.extui %eq3A_10 : i1 to i32
    %cond3A_12 = arith.constant 0 : i32
    %cond3A_13 = arith.cmpi ne, %convert_element_type3A_11, %cond3A_12 : i32
    scf.if %cond3A_13 {
      %mul3A_19 = arith.constant 624 : i32
      %mul3A_20 = arith.muli %arg1, %mul3A_19 : i32
      "tpu.region"() ({
        %run_scoped3A = tpu.sem_alloc : memref<!tpu.dma_semaphore, #tpu.memory_space<semaphore_mem>>
        %dma_start3A = arith.constant 0 : i32
        %dma_start3A_26 = tpu.memref_slice %arg7[%mul3A_20, %dma_start3A] : memref<10000x128xf32, #tpu.memory_space<hbm>> -> memref<624x128xf32, #tpu.memory_space<hbm>>
        %dma_start3A_27 = arith.constant 0 : i32
        %dma_start3A_28 = tpu.memref_slice %arg9[%mul3A_20, %dma_start3A_27] : memref<10112x128xf32, #tpu.memory_space<vmem_shared>> -> memref<624x128xf32, #tpu.memory_space<vmem_shared>>
        tpu.enqueue_dma source(%dma_start3A_28 : memref<624x128xf32, #tpu.memory_space<vmem_shared>>) target(%dma_start3A_26 : memref<624x128xf32, #tpu.memory_space<hbm>>) target_semaphore(%run_scoped3A : memref<!tpu.dma_semaphore, #tpu.memory_space<semaphore_mem>>)
        %dma_wait3A = arith.constant 0 : i32
        %dma_wait3A_29 = tpu.memref_slice %arg7[%mul3A_20, %dma_wait3A] : memref<10000x128xf32, #tpu.memory_space<hbm>> -> memref<624x128xf32, #tpu.memory_space<hbm>>
        %dma_wait3A_30 = arith.constant 0 : i32
        %dma_wait3A_31 = tpu.memref_slice %arg9[%mul3A_20, %dma_wait3A_30] : memref<10112x128xf32, #tpu.memory_space<vmem_shared>> -> memref<624x128xf32, #tpu.memory_space<vmem_shared>>
        tpu.wait_dma2 semaphore(%run_scoped3A : memref<!tpu.dma_semaphore, #tpu.memory_space<semaphore_mem>>) src(%dma_wait3A_31 : memref<624x128xf32, #tpu.memory_space<vmem_shared>>) dst(%dma_wait3A_29 : memref<624x128xf32, #tpu.memory_space<hbm>>)
        tpu.yield
      }) : () -> ()
      %eq3A_21 = arith.constant 15 : i32
      %eq3A_22 = arith.cmpi eq, %arg1, %eq3A_21 : i32
      %convert_element_type3A_23 = arith.extui %eq3A_22 : i1 to i32
      %cond3A_24 = arith.constant 0 : i32
      %cond3A_25 = arith.cmpi ne, %convert_element_type3A_23, %cond3A_24 : i32
      scf.if %cond3A_25 {
        "tpu.region"() ({
          %run_scoped3A = tpu.sem_alloc : memref<!tpu.dma_semaphore, #tpu.memory_space<semaphore_mem>>
          %dma_start3A = arith.constant 9984 : i32
          %dma_start3A_26 = arith.constant 0 : i32
          %dma_start3A_27 = tpu.memref_slice %arg7[%dma_start3A, %dma_start3A_26] : memref<10000x128xf32, #tpu.memory_space<hbm>> -> memref<16x128xf32, #tpu.memory_space<hbm>>
          %dma_start3A_28 = arith.constant 9984 : i32
          %dma_start3A_29 = arith.constant 0 : i32
          %dma_start3A_30 = tpu.memref_slice %arg9[%dma_start3A_28, %dma_start3A_29] : memref<10112x128xf32, #tpu.memory_space<vmem_shared>> -> memref<16x128xf32, #tpu.memory_space<vmem_shared>>
          tpu.enqueue_dma source(%dma_start3A_30 : memref<16x128xf32, #tpu.memory_space<vmem_shared>>) target(%dma_start3A_27 : memref<16x128xf32, #tpu.memory_space<hbm>>) target_semaphore(%run_scoped3A : memref<!tpu.dma_semaphore, #tpu.memory_space<semaphore_mem>>)
          %dma_wait3A = arith.constant 9984 : i32
          %dma_wait3A_31 = arith.constant 0 : i32
          %dma_wait3A_32 = tpu.memref_slice %arg7[%dma_wait3A, %dma_wait3A_31] : memref<10000x128xf32, #tpu.memory_space<hbm>> -> memref<16x128xf32, #tpu.memory_space<hbm>>
          %dma_wait3A_33 = arith.constant 9984 : i32
          %dma_wait3A_34 = arith.constant 0 : i32
          %dma_wait3A_35 = tpu.memref_slice %arg9[%dma_wait3A_33, %dma_wait3A_34] : memref<10112x128xf32, #tpu.memory_space<vmem_shared>> -> memref<16x128xf32, #tpu.memory_space<vmem_shared>>
          tpu.wait_dma2 semaphore(%run_scoped3A : memref<!tpu.dma_semaphore, #tpu.memory_space<semaphore_mem>>) src(%dma_wait3A_35 : memref<16x128xf32, #tpu.memory_space<vmem_shared>>) dst(%dma_wait3A_32 : memref<16x128xf32, #tpu.memory_space<hbm>>)
          tpu.yield
        }) : () -> ()
      } else {
      }
    } else {
    }
    %eq3A_14 = arith.constant 1 : i32
    %eq3A_15 = arith.cmpi eq, %arg0, %eq3A_14 : i32
    %convert_element_type3A_16 = arith.extui %eq3A_15 : i1 to i32
    %cond3A_17 = arith.constant 0 : i32
    %cond3A_18 = arith.cmpi ne, %convert_element_type3A_16, %cond3A_17 : i32
    scf.if %cond3A_18 {
      %mul3A_19 = arith.constant 624 : i32
      %mul3A_20 = arith.muli %arg1, %mul3A_19 : i32
      "tpu.region"() ({
        %run_scoped3A = tpu.sem_alloc : memref<!tpu.dma_semaphore, #tpu.memory_space<semaphore_mem>>
        %dma_start3A = arith.constant 0 : i32
        %dma_start3A_26 = tpu.memref_slice %arg8[%mul3A_20, %dma_start3A] : memref<10000x128xf32, #tpu.memory_space<hbm>> -> memref<624x128xf32, #tpu.memory_space<hbm>>
        %dma_start3A_27 = arith.constant 0 : i32
        %dma_start3A_28 = tpu.memref_slice %arg9[%mul3A_20, %dma_start3A_27] : memref<10112x128xf32, #tpu.memory_space<vmem_shared>> -> memref<624x128xf32, #tpu.memory_space<vmem_shared>>
        tpu.enqueue_dma source(%dma_start3A_28 : memref<624x128xf32, #tpu.memory_space<vmem_shared>>) target(%dma_start3A_26 : memref<624x128xf32, #tpu.memory_space<hbm>>) target_semaphore(%run_scoped3A : memref<!tpu.dma_semaphore, #tpu.memory_space<semaphore_mem>>)
        %dma_wait3A = arith.constant 0 : i32
        %dma_wait3A_29 = tpu.memref_slice %arg8[%mul3A_20, %dma_wait3A] : memref<10000x128xf32, #tpu.memory_space<hbm>> -> memref<624x128xf32, #tpu.memory_space<hbm>>
        %dma_wait3A_30 = arith.constant 0 : i32
        %dma_wait3A_31 = tpu.memref_slice %arg9[%mul3A_20, %dma_wait3A_30] : memref<10112x128xf32, #tpu.memory_space<vmem_shared>> -> memref<624x128xf32, #tpu.memory_space<vmem_shared>>
        tpu.wait_dma2 semaphore(%run_scoped3A : memref<!tpu.dma_semaphore, #tpu.memory_space<semaphore_mem>>) src(%dma_wait3A_31 : memref<624x128xf32, #tpu.memory_space<vmem_shared>>) dst(%dma_wait3A_29 : memref<624x128xf32, #tpu.memory_space<hbm>>)
        tpu.yield
      }) : () -> ()
      %eq3A_21 = arith.constant 15 : i32
      %eq3A_22 = arith.cmpi eq, %arg1, %eq3A_21 : i32
      %convert_element_type3A_23 = arith.extui %eq3A_22 : i1 to i32
      %cond3A_24 = arith.constant 0 : i32
      %cond3A_25 = arith.cmpi ne, %convert_element_type3A_23, %cond3A_24 : i32
      scf.if %cond3A_25 {
        "tpu.region"() ({
          %run_scoped3A = tpu.sem_alloc : memref<!tpu.dma_semaphore, #tpu.memory_space<semaphore_mem>>
          %dma_start3A = arith.constant 9984 : i32
          %dma_start3A_26 = arith.constant 0 : i32
          %dma_start3A_27 = tpu.memref_slice %arg8[%dma_start3A, %dma_start3A_26] : memref<10000x128xf32, #tpu.memory_space<hbm>> -> memref<16x128xf32, #tpu.memory_space<hbm>>
          %dma_start3A_28 = arith.constant 9984 : i32
          %dma_start3A_29 = arith.constant 0 : i32
          %dma_start3A_30 = tpu.memref_slice %arg9[%dma_start3A_28, %dma_start3A_29] : memref<10112x128xf32, #tpu.memory_space<vmem_shared>> -> memref<16x128xf32, #tpu.memory_space<vmem_shared>>
          tpu.enqueue_dma source(%dma_start3A_30 : memref<16x128xf32, #tpu.memory_space<vmem_shared>>) target(%dma_start3A_27 : memref<16x128xf32, #tpu.memory_space<hbm>>) target_semaphore(%run_scoped3A : memref<!tpu.dma_semaphore, #tpu.memory_space<semaphore_mem>>)
          %dma_wait3A = arith.constant 9984 : i32
          %dma_wait3A_31 = arith.constant 0 : i32
          %dma_wait3A_32 = tpu.memref_slice %arg8[%dma_wait3A, %dma_wait3A_31] : memref<10000x128xf32, #tpu.memory_space<hbm>> -> memref<16x128xf32, #tpu.memory_space<hbm>>
          %dma_wait3A_33 = arith.constant 9984 : i32
          %dma_wait3A_34 = arith.constant 0 : i32
          %dma_wait3A_35 = tpu.memref_slice %arg9[%dma_wait3A_33, %dma_wait3A_34] : memref<10112x128xf32, #tpu.memory_space<vmem_shared>> -> memref<16x128xf32, #tpu.memory_space<vmem_shared>>
          tpu.wait_dma2 semaphore(%run_scoped3A : memref<!tpu.dma_semaphore, #tpu.memory_space<semaphore_mem>>) src(%dma_wait3A_35 : memref<16x128xf32, #tpu.memory_space<vmem_shared>>) dst(%dma_wait3A_32 : memref<16x128xf32, #tpu.memory_space<hbm>>)
          tpu.yield
        }) : () -> ()
      } else {
      }
    } else {
    }
    return
  }
}

#map = affine_map<(d0, d1) -> (0, 0, 0)>
#map1 = affine_map<(d0, d1) -> (0, 0)>
module attributes {stable_mosaic.version = 14 : i64} {
  func.func @cnt(%arg0: i32, %arg1: i32, %arg2: memref<32x40x128xi32, #tpu.memory_space<hbm>>, %arg3: memref<128x128xf32, #tpu.memory_space<hbm>>, %arg4: memref<632x128xf32, #tpu.memory_space<hbm>>, %arg5: memref<10000x128xf32, #tpu.memory_space<hbm>>, %arg6: memref<10000x128xf32, #tpu.memory_space<hbm>>, %arg7: memref<10112x128xf32, #tpu.memory_space<vmem_shared>>, %arg8: memref<40x128xi32, #tpu.memory_space<vmem>>, %arg9: memref<128x128xf32, #tpu.memory_space<vmem>>) attributes {dimension_semantics = [#tpu.dimension_semantics<core_parallel>, #tpu.dimension_semantics<subcore_parallel>], iteration_bounds = array<i64: 2, 16>, scalar_prefetch = 0 : i64, scratch_operands = 3 : i64, tpu.core_type = #tpu.core_type<sc_vector_subcore>, window_params = [{transform_indices = #map}, {transform_indices = #map1}, {transform_indices = #map1}, {transform_indices = #map1}, {transform_indices = #map1}]} {
    %mul3A = arith.constant 16 : i32
    %mul3A_0 = arith.muli %arg0, %mul3A : i32
    %add3A = arith.addi %mul3A_0, %arg1 : i32
    "tpu.region"() ({
      %run_scoped3A = tpu.sem_alloc : memref<!tpu.dma_semaphore, #tpu.memory_space<semaphore_mem>>
      %dma_start3A = arith.constant 0 : i32
      %dma_start3A_16 = arith.constant 0 : i32
      %dma_start3A_17 = tpu.memref_slice %arg2[%add3A, %dma_start3A, %dma_start3A_16] : memref<32x40x128xi32, #tpu.memory_space<hbm>> -> memref<1x40x128xi32, #tpu.memory_space<hbm>>
      %dma_start3A_18 = tpu.memref_squeeze %dma_start3A_17 : memref<1x40x128xi32, #tpu.memory_space<hbm>> -> memref<40x128xi32, #tpu.memory_space<hbm>>
      %dma_start3A_19 = arith.constant 0 : i32
      %dma_start3A_20 = arith.constant 0 : i32
      %dma_start3A_21 = tpu.memref_slice %arg2[%add3A, %dma_start3A_19, %dma_start3A_20] : memref<32x40x128xi32, #tpu.memory_space<hbm>> -> memref<1x40x128xi32, #tpu.memory_space<hbm>>
      %dma_start3A_22 = tpu.memref_squeeze %dma_start3A_21 : memref<1x40x128xi32, #tpu.memory_space<hbm>> -> memref<40x128xi32, #tpu.memory_space<hbm>>
      tpu.enqueue_dma source(%dma_start3A_22 : memref<40x128xi32, #tpu.memory_space<hbm>>) target(%arg8 : memref<40x128xi32, #tpu.memory_space<vmem>>) target_semaphore(%run_scoped3A : memref<!tpu.dma_semaphore, #tpu.memory_space<semaphore_mem>>)
      %dma_wait3A = arith.constant 0 : i32
      %dma_wait3A_23 = arith.constant 0 : i32
      %dma_wait3A_24 = tpu.memref_slice %arg2[%add3A, %dma_wait3A, %dma_wait3A_23] : memref<32x40x128xi32, #tpu.memory_space<hbm>> -> memref<1x40x128xi32, #tpu.memory_space<hbm>>
      %dma_wait3A_25 = tpu.memref_squeeze %dma_wait3A_24 : memref<1x40x128xi32, #tpu.memory_space<hbm>> -> memref<40x128xi32, #tpu.memory_space<hbm>>
      %dma_wait3A_26 = arith.constant 0 : i32
      %dma_wait3A_27 = arith.constant 0 : i32
      %dma_wait3A_28 = tpu.memref_slice %arg2[%add3A, %dma_wait3A_26, %dma_wait3A_27] : memref<32x40x128xi32, #tpu.memory_space<hbm>> -> memref<1x40x128xi32, #tpu.memory_space<hbm>>
      %dma_wait3A_29 = tpu.memref_squeeze %dma_wait3A_28 : memref<1x40x128xi32, #tpu.memory_space<hbm>> -> memref<40x128xi32, #tpu.memory_space<hbm>>
      tpu.wait_dma2 semaphore(%run_scoped3A : memref<!tpu.dma_semaphore, #tpu.memory_space<semaphore_mem>>) src(%dma_wait3A_29 : memref<40x128xi32, #tpu.memory_space<hbm>>) dst(%arg8 : memref<40x128xi32, #tpu.memory_space<vmem>>)
      tpu.yield
    }) : () -> ()
    "tpu.region"() ({
      %run_scoped3A = tpu.sem_alloc : memref<!tpu.dma_semaphore, #tpu.memory_space<semaphore_mem>>
      tpu.enqueue_dma source(%arg3 : memref<128x128xf32, #tpu.memory_space<hbm>>) target(%arg9 : memref<128x128xf32, #tpu.memory_space<vmem>>) target_semaphore(%run_scoped3A : memref<!tpu.dma_semaphore, #tpu.memory_space<semaphore_mem>>)
      tpu.wait_dma2 semaphore(%run_scoped3A : memref<!tpu.dma_semaphore, #tpu.memory_space<semaphore_mem>>) src(%arg3 : memref<128x128xf32, #tpu.memory_space<hbm>>) dst(%arg9 : memref<128x128xf32, #tpu.memory_space<vmem>>)
      tpu.yield
    }) : () -> ()
    %mul3A_1 = arith.constant 632 : i32
    %mul3A_2 = arith.muli %arg1, %mul3A_1 : i32
    "tpu.region"() ({
      %run_scoped3A = tpu.sem_alloc : memref<!tpu.dma_semaphore, #tpu.memory_space<semaphore_mem>>
      %dma_start3A = arith.constant 0 : i32
      %dma_start3A_16 = tpu.memref_slice %arg7[%mul3A_2, %dma_start3A] : memref<10112x128xf32, #tpu.memory_space<vmem_shared>> -> memref<632x128xf32, #tpu.memory_space<vmem_shared>>
      tpu.enqueue_dma source(%arg4 : memref<632x128xf32, #tpu.memory_space<hbm>>) target(%dma_start3A_16 : memref<632x128xf32, #tpu.memory_space<vmem_shared>>) target_semaphore(%run_scoped3A : memref<!tpu.dma_semaphore, #tpu.memory_space<semaphore_mem>>)
      %dma_wait3A = arith.constant 0 : i32
      %dma_wait3A_17 = tpu.memref_slice %arg7[%mul3A_2, %dma_wait3A] : memref<10112x128xf32, #tpu.memory_space<vmem_shared>> -> memref<632x128xf32, #tpu.memory_space<vmem_shared>>
      tpu.wait_dma2 semaphore(%run_scoped3A : memref<!tpu.dma_semaphore, #tpu.memory_space<semaphore_mem>>) src(%arg4 : memref<632x128xf32, #tpu.memory_space<hbm>>) dst(%dma_wait3A_17 : memref<632x128xf32, #tpu.memory_space<vmem_shared>>)
      tpu.yield
    }) : () -> ()
    %barrier3A = arith.constant 0 : index
    tpu.barrier barrier_id(%barrier3A)
    %scan3A = arith.constant 0 : i32
    %scan3A_3 = arith.constant 0 : i32
    %scan3A_4 = arith.constant 40 : i32
    %scan3A_5 = arith.addi %scan3A_3, %scan3A_4 : i32
    %scan3A_6 = arith.constant 1 : i32
    scf.for %scan3A_16 = %scan3A_3 to %scan3A_5 step %scan3A_6  : i32 {
      "tpu.region"() ({
        %run_scoped3A = tpu.sem_alloc : memref<!tpu.dma_semaphore, #tpu.memory_space<semaphore_mem>>
        %dma_start3A = arith.constant 0 : i32
        %dma_start3A_17 = tpu.memref_slice %arg8[%scan3A_16, %dma_start3A] : memref<40x128xi32, #tpu.memory_space<vmem>> -> memref<1x128xi32, #tpu.memory_space<vmem>>
        %dma_start3A_18 = tpu.memref_squeeze %dma_start3A_17 : memref<1x128xi32, #tpu.memory_space<vmem>> -> memref<128xi32, #tpu.memory_space<vmem>>
        %dma_start3A_19 = arith.constant 0 : i32
        %dma_start3A_20 = arith.constant 0 : i32
        %dma_start3A_21 = tpu.memref_slice %arg7[%dma_start3A_19, %dma_start3A_20] : memref<10112x128xf32, #tpu.memory_space<vmem_shared>> -> memref<10112x128xf32, #tpu.memory_space<vmem_shared>>
        tpu.enqueue_indirect_dma source(%arg9 : memref<128x128xf32, #tpu.memory_space<vmem>>) target(%dma_start3A_21 : memref<10112x128xf32, #tpu.memory_space<vmem_shared>>) offsets(%dma_start3A_18 : memref<128xi32, #tpu.memory_space<vmem>>) semaphore(%run_scoped3A : memref<!tpu.dma_semaphore, #tpu.memory_space<semaphore_mem>>) {add = true}
        %dma_wait3A = arith.constant 0 : i32
        %dma_wait3A_22 = tpu.memref_slice %arg8[%scan3A_16, %dma_wait3A] : memref<40x128xi32, #tpu.memory_space<vmem>> -> memref<1x128xi32, #tpu.memory_space<vmem>>
        %dma_wait3A_23 = tpu.memref_squeeze %dma_wait3A_22 : memref<1x128xi32, #tpu.memory_space<vmem>> -> memref<128xi32, #tpu.memory_space<vmem>>
        %dma_wait3A_24 = arith.constant 0 : i32
        %dma_wait3A_25 = arith.constant 0 : i32
        %dma_wait3A_26 = tpu.memref_slice %arg7[%dma_wait3A_24, %dma_wait3A_25] : memref<10112x128xf32, #tpu.memory_space<vmem_shared>> -> memref<10112x128xf32, #tpu.memory_space<vmem_shared>>
        tpu.wait_indirect_dma semaphore(%run_scoped3A : memref<!tpu.dma_semaphore, #tpu.memory_space<semaphore_mem>>) src(%arg9 : memref<128x128xf32, #tpu.memory_space<vmem>>) dst(%dma_wait3A_26 : memref<10112x128xf32, #tpu.memory_space<vmem_shared>>)
        tpu.yield
      }) : () -> ()
    }
    %scan3A_7 = arith.constant 40 : i32
    %barrier3A_8 = arith.constant 0 : index
    tpu.barrier barrier_id(%barrier3A_8)
    %eq3A = arith.constant 0 : i32
    %eq3A_9 = arith.cmpi eq, %arg0, %eq3A : i32
    %convert_element_type3A = arith.extui %eq3A_9 : i1 to i32
    %cond3A = arith.constant 0 : i32
    %cond3A_10 = arith.cmpi ne, %convert_element_type3A, %cond3A : i32
    scf.if %cond3A_10 {
      %mul3A_16 = arith.constant 624 : i32
      %mul3A_17 = arith.muli %arg1, %mul3A_16 : i32
      "tpu.region"() ({
        %run_scoped3A = tpu.sem_alloc : memref<!tpu.dma_semaphore, #tpu.memory_space<semaphore_mem>>
        %dma_start3A = arith.constant 0 : i32
        %dma_start3A_23 = tpu.memref_slice %arg5[%mul3A_17, %dma_start3A] : memref<10000x128xf32, #tpu.memory_space<hbm>> -> memref<624x128xf32, #tpu.memory_space<hbm>>
        %dma_start3A_24 = arith.constant 0 : i32
        %dma_start3A_25 = tpu.memref_slice %arg7[%mul3A_17, %dma_start3A_24] : memref<10112x128xf32, #tpu.memory_space<vmem_shared>> -> memref<624x128xf32, #tpu.memory_space<vmem_shared>>
        tpu.enqueue_dma source(%dma_start3A_25 : memref<624x128xf32, #tpu.memory_space<vmem_shared>>) target(%dma_start3A_23 : memref<624x128xf32, #tpu.memory_space<hbm>>) target_semaphore(%run_scoped3A : memref<!tpu.dma_semaphore, #tpu.memory_space<semaphore_mem>>)
        %dma_wait3A = arith.constant 0 : i32
        %dma_wait3A_26 = tpu.memref_slice %arg5[%mul3A_17, %dma_wait3A] : memref<10000x128xf32, #tpu.memory_space<hbm>> -> memref<624x128xf32, #tpu.memory_space<hbm>>
        %dma_wait3A_27 = arith.constant 0 : i32
        %dma_wait3A_28 = tpu.memref_slice %arg7[%mul3A_17, %dma_wait3A_27] : memref<10112x128xf32, #tpu.memory_space<vmem_shared>> -> memref<624x128xf32, #tpu.memory_space<vmem_shared>>
        tpu.wait_dma2 semaphore(%run_scoped3A : memref<!tpu.dma_semaphore, #tpu.memory_space<semaphore_mem>>) src(%dma_wait3A_28 : memref<624x128xf32, #tpu.memory_space<vmem_shared>>) dst(%dma_wait3A_26 : memref<624x128xf32, #tpu.memory_space<hbm>>)
        tpu.yield
      }) : () -> ()
      %eq3A_18 = arith.constant 15 : i32
      %eq3A_19 = arith.cmpi eq, %arg1, %eq3A_18 : i32
      %convert_element_type3A_20 = arith.extui %eq3A_19 : i1 to i32
      %cond3A_21 = arith.constant 0 : i32
      %cond3A_22 = arith.cmpi ne, %convert_element_type3A_20, %cond3A_21 : i32
      scf.if %cond3A_22 {
        "tpu.region"() ({
          %run_scoped3A = tpu.sem_alloc : memref<!tpu.dma_semaphore, #tpu.memory_space<semaphore_mem>>
          %dma_start3A = arith.constant 9984 : i32
          %dma_start3A_23 = arith.constant 0 : i32
          %dma_start3A_24 = tpu.memref_slice %arg5[%dma_start3A, %dma_start3A_23] : memref<10000x128xf32, #tpu.memory_space<hbm>> -> memref<16x128xf32, #tpu.memory_space<hbm>>
          %dma_start3A_25 = arith.constant 9984 : i32
          %dma_start3A_26 = arith.constant 0 : i32
          %dma_start3A_27 = tpu.memref_slice %arg7[%dma_start3A_25, %dma_start3A_26] : memref<10112x128xf32, #tpu.memory_space<vmem_shared>> -> memref<16x128xf32, #tpu.memory_space<vmem_shared>>
          tpu.enqueue_dma source(%dma_start3A_27 : memref<16x128xf32, #tpu.memory_space<vmem_shared>>) target(%dma_start3A_24 : memref<16x128xf32, #tpu.memory_space<hbm>>) target_semaphore(%run_scoped3A : memref<!tpu.dma_semaphore, #tpu.memory_space<semaphore_mem>>)
          %dma_wait3A = arith.constant 9984 : i32
          %dma_wait3A_28 = arith.constant 0 : i32
          %dma_wait3A_29 = tpu.memref_slice %arg5[%dma_wait3A, %dma_wait3A_28] : memref<10000x128xf32, #tpu.memory_space<hbm>> -> memref<16x128xf32, #tpu.memory_space<hbm>>
          %dma_wait3A_30 = arith.constant 9984 : i32
          %dma_wait3A_31 = arith.constant 0 : i32
          %dma_wait3A_32 = tpu.memref_slice %arg7[%dma_wait3A_30, %dma_wait3A_31] : memref<10112x128xf32, #tpu.memory_space<vmem_shared>> -> memref<16x128xf32, #tpu.memory_space<vmem_shared>>
          tpu.wait_dma2 semaphore(%run_scoped3A : memref<!tpu.dma_semaphore, #tpu.memory_space<semaphore_mem>>) src(%dma_wait3A_32 : memref<16x128xf32, #tpu.memory_space<vmem_shared>>) dst(%dma_wait3A_29 : memref<16x128xf32, #tpu.memory_space<hbm>>)
          tpu.yield
        }) : () -> ()
      } else {
      }
    } else {
    }
    %eq3A_11 = arith.constant 1 : i32
    %eq3A_12 = arith.cmpi eq, %arg0, %eq3A_11 : i32
    %convert_element_type3A_13 = arith.extui %eq3A_12 : i1 to i32
    %cond3A_14 = arith.constant 0 : i32
    %cond3A_15 = arith.cmpi ne, %convert_element_type3A_13, %cond3A_14 : i32
    scf.if %cond3A_15 {
      %mul3A_16 = arith.constant 624 : i32
      %mul3A_17 = arith.muli %arg1, %mul3A_16 : i32
      "tpu.region"() ({
        %run_scoped3A = tpu.sem_alloc : memref<!tpu.dma_semaphore, #tpu.memory_space<semaphore_mem>>
        %dma_start3A = arith.constant 0 : i32
        %dma_start3A_23 = tpu.memref_slice %arg6[%mul3A_17, %dma_start3A] : memref<10000x128xf32, #tpu.memory_space<hbm>> -> memref<624x128xf32, #tpu.memory_space<hbm>>
        %dma_start3A_24 = arith.constant 0 : i32
        %dma_start3A_25 = tpu.memref_slice %arg7[%mul3A_17, %dma_start3A_24] : memref<10112x128xf32, #tpu.memory_space<vmem_shared>> -> memref<624x128xf32, #tpu.memory_space<vmem_shared>>
        tpu.enqueue_dma source(%dma_start3A_25 : memref<624x128xf32, #tpu.memory_space<vmem_shared>>) target(%dma_start3A_23 : memref<624x128xf32, #tpu.memory_space<hbm>>) target_semaphore(%run_scoped3A : memref<!tpu.dma_semaphore, #tpu.memory_space<semaphore_mem>>)
        %dma_wait3A = arith.constant 0 : i32
        %dma_wait3A_26 = tpu.memref_slice %arg6[%mul3A_17, %dma_wait3A] : memref<10000x128xf32, #tpu.memory_space<hbm>> -> memref<624x128xf32, #tpu.memory_space<hbm>>
        %dma_wait3A_27 = arith.constant 0 : i32
        %dma_wait3A_28 = tpu.memref_slice %arg7[%mul3A_17, %dma_wait3A_27] : memref<10112x128xf32, #tpu.memory_space<vmem_shared>> -> memref<624x128xf32, #tpu.memory_space<vmem_shared>>
        tpu.wait_dma2 semaphore(%run_scoped3A : memref<!tpu.dma_semaphore, #tpu.memory_space<semaphore_mem>>) src(%dma_wait3A_28 : memref<624x128xf32, #tpu.memory_space<vmem_shared>>) dst(%dma_wait3A_26 : memref<624x128xf32, #tpu.memory_space<hbm>>)
        tpu.yield
      }) : () -> ()
      %eq3A_18 = arith.constant 15 : i32
      %eq3A_19 = arith.cmpi eq, %arg1, %eq3A_18 : i32
      %convert_element_type3A_20 = arith.extui %eq3A_19 : i1 to i32
      %cond3A_21 = arith.constant 0 : i32
      %cond3A_22 = arith.cmpi ne, %convert_element_type3A_20, %cond3A_21 : i32
      scf.if %cond3A_22 {
        "tpu.region"() ({
          %run_scoped3A = tpu.sem_alloc : memref<!tpu.dma_semaphore, #tpu.memory_space<semaphore_mem>>
          %dma_start3A = arith.constant 9984 : i32
          %dma_start3A_23 = arith.constant 0 : i32
          %dma_start3A_24 = tpu.memref_slice %arg6[%dma_start3A, %dma_start3A_23] : memref<10000x128xf32, #tpu.memory_space<hbm>> -> memref<16x128xf32, #tpu.memory_space<hbm>>
          %dma_start3A_25 = arith.constant 9984 : i32
          %dma_start3A_26 = arith.constant 0 : i32
          %dma_start3A_27 = tpu.memref_slice %arg7[%dma_start3A_25, %dma_start3A_26] : memref<10112x128xf32, #tpu.memory_space<vmem_shared>> -> memref<16x128xf32, #tpu.memory_space<vmem_shared>>
          tpu.enqueue_dma source(%dma_start3A_27 : memref<16x128xf32, #tpu.memory_space<vmem_shared>>) target(%dma_start3A_24 : memref<16x128xf32, #tpu.memory_space<hbm>>) target_semaphore(%run_scoped3A : memref<!tpu.dma_semaphore, #tpu.memory_space<semaphore_mem>>)
          %dma_wait3A = arith.constant 9984 : i32
          %dma_wait3A_28 = arith.constant 0 : i32
          %dma_wait3A_29 = tpu.memref_slice %arg6[%dma_wait3A, %dma_wait3A_28] : memref<10000x128xf32, #tpu.memory_space<hbm>> -> memref<16x128xf32, #tpu.memory_space<hbm>>
          %dma_wait3A_30 = arith.constant 9984 : i32
          %dma_wait3A_31 = arith.constant 0 : i32
          %dma_wait3A_32 = tpu.memref_slice %arg7[%dma_wait3A_30, %dma_wait3A_31] : memref<10112x128xf32, #tpu.memory_space<vmem_shared>> -> memref<16x128xf32, #tpu.memory_space<vmem_shared>>
          tpu.wait_dma2 semaphore(%run_scoped3A : memref<!tpu.dma_semaphore, #tpu.memory_space<semaphore_mem>>) src(%dma_wait3A_32 : memref<16x128xf32, #tpu.memory_space<vmem_shared>>) dst(%dma_wait3A_29 : memref<16x128xf32, #tpu.memory_space<hbm>>)
          tpu.yield
        }) : () -> ()
      } else {
      }
    } else {
    }
    return
  }
}

#map = affine_map<(d0, d1) -> (0, 0)>
#map1 = affine_map<(d0, d1) -> (0, 0, 0)>
module attributes {stable_mosaic.version = 14 : i64} {
  func.func @seg(%arg0: i32, %arg1: i32, %arg2: memref<10000x128xf32, #tpu.memory_space<hbm>>, %arg3: memref<10000x128xf32, #tpu.memory_space<hbm>>, %arg4: memref<32x40x128xi32, #tpu.memory_space<hbm>>, %arg5: memref<32x40x128xi32, #tpu.memory_space<hbm>>, %arg6: memref<632x128xf32, #tpu.memory_space<hbm>>, %arg7: memref<10000x128xf32, #tpu.memory_space<hbm>>, %arg8: memref<10000x128xf32, #tpu.memory_space<hbm>>, %arg9: memref<10112x128xf32, #tpu.memory_space<vmem_shared>>, %arg10: memref<40x128xi32, #tpu.memory_space<vmem>>, %arg11: memref<40x128xi32, #tpu.memory_space<vmem>>, %arg12: memref<128x128xf32, #tpu.memory_space<vmem>>, %arg13: memref<128x128xf32, #tpu.memory_space<vmem>>, %arg14: memref<!tpu.dma_semaphore, #tpu.memory_space<semaphore_mem>>, %arg15: memref<!tpu.dma_semaphore, #tpu.memory_space<semaphore_mem>>, %arg16: memref<!tpu.dma_semaphore, #tpu.memory_space<semaphore_mem>>, %arg17: memref<!tpu.dma_semaphore, #tpu.memory_space<semaphore_mem>>) attributes {dimension_semantics = [#tpu.dimension_semantics<core_parallel>, #tpu.dimension_semantics<subcore_parallel>], iteration_bounds = array<i64: 2, 16>, scalar_prefetch = 0 : i64, scratch_operands = 9 : i64, tpu.core_type = #tpu.core_type<sc_vector_subcore>, window_params = [{transform_indices = #map}, {transform_indices = #map}, {transform_indices = #map1}, {transform_indices = #map1}, {transform_indices = #map}, {transform_indices = #map}, {transform_indices = #map}]} {
    %mul3A = arith.constant 632 : i32
    %mul3A_0 = arith.muli %arg1, %mul3A : i32
    "tpu.region"() ({
      %run_scoped3A = tpu.sem_alloc : memref<!tpu.dma_semaphore, #tpu.memory_space<semaphore_mem>>
      %dma_start3A = arith.constant 0 : i32
      %dma_start3A_19 = tpu.memref_slice %arg9[%mul3A_0, %dma_start3A] : memref<10112x128xf32, #tpu.memory_space<vmem_shared>> -> memref<632x128xf32, #tpu.memory_space<vmem_shared>>
      tpu.enqueue_dma source(%arg6 : memref<632x128xf32, #tpu.memory_space<hbm>>) target(%dma_start3A_19 : memref<632x128xf32, #tpu.memory_space<vmem_shared>>) target_semaphore(%run_scoped3A : memref<!tpu.dma_semaphore, #tpu.memory_space<semaphore_mem>>)
      %dma_wait3A = arith.constant 0 : i32
      %dma_wait3A_20 = tpu.memref_slice %arg9[%mul3A_0, %dma_wait3A] : memref<10112x128xf32, #tpu.memory_space<vmem_shared>> -> memref<632x128xf32, #tpu.memory_space<vmem_shared>>
      tpu.wait_dma2 semaphore(%run_scoped3A : memref<!tpu.dma_semaphore, #tpu.memory_space<semaphore_mem>>) src(%arg6 : memref<632x128xf32, #tpu.memory_space<hbm>>) dst(%dma_wait3A_20 : memref<632x128xf32, #tpu.memory_space<vmem_shared>>)
      tpu.yield
    }) : () -> ()
    %barrier3A = arith.constant 0 : index
    tpu.barrier barrier_id(%barrier3A)
    %eq3A = arith.constant 0 : i32
    %eq3A_1 = arith.cmpi eq, %arg0, %eq3A : i32
    %convert_element_type3A = arith.extui %eq3A_1 : i1 to i32
    %cond3A = arith.constant 0 : i32
    %cond3A_2 = arith.cmpi ne, %convert_element_type3A, %cond3A : i32
    scf.if %cond3A_2 {
      %mul3A_19 = arith.constant 2 : i32
      %mul3A_20 = arith.muli %mul3A_19, %arg1 : i32
      %add3A = arith.constant 0 : i32
      %add3A_21 = arith.addi %mul3A_20, %add3A : i32
      "tpu.region"() ({
        %run_scoped3A = tpu.sem_alloc : memref<!tpu.dma_semaphore, #tpu.memory_space<semaphore_mem>>
        %dma_start3A_71 = arith.constant 0 : i32
        %dma_start3A_72 = arith.constant 0 : i32
        %dma_start3A_73 = tpu.memref_slice %arg4[%add3A_21, %dma_start3A_71, %dma_start3A_72] : memref<32x40x128xi32, #tpu.memory_space<hbm>> -> memref<1x40x128xi32, #tpu.memory_space<hbm>>
        %dma_start3A_74 = tpu.memref_squeeze %dma_start3A_73 : memref<1x40x128xi32, #tpu.memory_space<hbm>> -> memref<40x128xi32, #tpu.memory_space<hbm>>
        %dma_start3A_75 = arith.constant 0 : i32
        %dma_start3A_76 = arith.constant 0 : i32
        %dma_start3A_77 = tpu.memref_slice %arg4[%add3A_21, %dma_start3A_75, %dma_start3A_76] : memref<32x40x128xi32, #tpu.memory_space<hbm>> -> memref<1x40x128xi32, #tpu.memory_space<hbm>>
        %dma_start3A_78 = tpu.memref_squeeze %dma_start3A_77 : memref<1x40x128xi32, #tpu.memory_space<hbm>> -> memref<40x128xi32, #tpu.memory_space<hbm>>
        tpu.enqueue_dma source(%dma_start3A_78 : memref<40x128xi32, #tpu.memory_space<hbm>>) target(%arg10 : memref<40x128xi32, #tpu.memory_space<vmem>>) target_semaphore(%run_scoped3A : memref<!tpu.dma_semaphore, #tpu.memory_space<semaphore_mem>>)
        %dma_wait3A_79 = arith.constant 0 : i32
        %dma_wait3A_80 = arith.constant 0 : i32
        %dma_wait3A_81 = tpu.memref_slice %arg4[%add3A_21, %dma_wait3A_79, %dma_wait3A_80] : memref<32x40x128xi32, #tpu.memory_space<hbm>> -> memref<1x40x128xi32, #tpu.memory_space<hbm>>
        %dma_wait3A_82 = tpu.memref_squeeze %dma_wait3A_81 : memref<1x40x128xi32, #tpu.memory_space<hbm>> -> memref<40x128xi32, #tpu.memory_space<hbm>>
        %dma_wait3A_83 = arith.constant 0 : i32
        %dma_wait3A_84 = arith.constant 0 : i32
        %dma_wait3A_85 = tpu.memref_slice %arg4[%add3A_21, %dma_wait3A_83, %dma_wait3A_84] : memref<32x40x128xi32, #tpu.memory_space<hbm>> -> memref<1x40x128xi32, #tpu.memory_space<hbm>>
        %dma_wait3A_86 = tpu.memref_squeeze %dma_wait3A_85 : memref<1x40x128xi32, #tpu.memory_space<hbm>> -> memref<40x128xi32, #tpu.memory_space<hbm>>
        tpu.wait_dma2 semaphore(%run_scoped3A : memref<!tpu.dma_semaphore, #tpu.memory_space<semaphore_mem>>) src(%dma_wait3A_86 : memref<40x128xi32, #tpu.memory_space<hbm>>) dst(%arg10 : memref<40x128xi32, #tpu.memory_space<vmem>>)
        tpu.yield
      }) : () -> ()
      %mul3A_22 = arith.constant 2 : i32
      %mul3A_23 = arith.muli %mul3A_22, %arg1 : i32
      %add3A_24 = arith.constant 0 : i32
      %add3A_25 = arith.addi %mul3A_23, %add3A_24 : i32
      "tpu.region"() ({
        %run_scoped3A = tpu.sem_alloc : memref<!tpu.dma_semaphore, #tpu.memory_space<semaphore_mem>>
        %dma_start3A_71 = arith.constant 0 : i32
        %dma_start3A_72 = arith.constant 0 : i32
        %dma_start3A_73 = tpu.memref_slice %arg5[%add3A_25, %dma_start3A_71, %dma_start3A_72] : memref<32x40x128xi32, #tpu.memory_space<hbm>> -> memref<1x40x128xi32, #tpu.memory_space<hbm>>
        %dma_start3A_74 = tpu.memref_squeeze %dma_start3A_73 : memref<1x40x128xi32, #tpu.memory_space<hbm>> -> memref<40x128xi32, #tpu.memory_space<hbm>>
        %dma_start3A_75 = arith.constant 0 : i32
        %dma_start3A_76 = arith.constant 0 : i32
        %dma_start3A_77 = tpu.memref_slice %arg5[%add3A_25, %dma_start3A_75, %dma_start3A_76] : memref<32x40x128xi32, #tpu.memory_space<hbm>> -> memref<1x40x128xi32, #tpu.memory_space<hbm>>
        %dma_start3A_78 = tpu.memref_squeeze %dma_start3A_77 : memref<1x40x128xi32, #tpu.memory_space<hbm>> -> memref<40x128xi32, #tpu.memory_space<hbm>>
        tpu.enqueue_dma source(%dma_start3A_78 : memref<40x128xi32, #tpu.memory_space<hbm>>) target(%arg11 : memref<40x128xi32, #tpu.memory_space<vmem>>) target_semaphore(%run_scoped3A : memref<!tpu.dma_semaphore, #tpu.memory_space<semaphore_mem>>)
        %dma_wait3A_79 = arith.constant 0 : i32
        %dma_wait3A_80 = arith.constant 0 : i32
        %dma_wait3A_81 = tpu.memref_slice %arg5[%add3A_25, %dma_wait3A_79, %dma_wait3A_80] : memref<32x40x128xi32, #tpu.memory_space<hbm>> -> memref<1x40x128xi32, #tpu.memory_space<hbm>>
        %dma_wait3A_82 = tpu.memref_squeeze %dma_wait3A_81 : memref<1x40x128xi32, #tpu.memory_space<hbm>> -> memref<40x128xi32, #tpu.memory_space<hbm>>
        %dma_wait3A_83 = arith.constant 0 : i32
        %dma_wait3A_84 = arith.constant 0 : i32
        %dma_wait3A_85 = tpu.memref_slice %arg5[%add3A_25, %dma_wait3A_83, %dma_wait3A_84] : memref<32x40x128xi32, #tpu.memory_space<hbm>> -> memref<1x40x128xi32, #tpu.memory_space<hbm>>
        %dma_wait3A_86 = tpu.memref_squeeze %dma_wait3A_85 : memref<1x40x128xi32, #tpu.memory_space<hbm>> -> memref<40x128xi32, #tpu.memory_space<hbm>>
        tpu.wait_dma2 semaphore(%run_scoped3A : memref<!tpu.dma_semaphore, #tpu.memory_space<semaphore_mem>>) src(%dma_wait3A_86 : memref<40x128xi32, #tpu.memory_space<hbm>>) dst(%arg11 : memref<40x128xi32, #tpu.memory_space<vmem>>)
        tpu.yield
      }) : () -> ()
      %dma_start3A = arith.constant 0 : i32
      %dma_start3A_26 = arith.constant 0 : i32
      %dma_start3A_27 = tpu.memref_slice %arg10[%dma_start3A, %dma_start3A_26] : memref<40x128xi32, #tpu.memory_space<vmem>> -> memref<1x128xi32, #tpu.memory_space<vmem>>
      %dma_start3A_28 = tpu.memref_squeeze %dma_start3A_27 : memref<1x128xi32, #tpu.memory_space<vmem>> -> memref<128xi32, #tpu.memory_space<vmem>>
      %dma_start3A_29 = arith.constant 0 : i32
      %dma_start3A_30 = arith.constant 0 : i32
      %dma_start3A_31 = tpu.memref_slice %arg2[%dma_start3A_29, %dma_start3A_30] : memref<10000x128xf32, #tpu.memory_space<hbm>> -> memref<10000x128xf32, #tpu.memory_space<hbm>>
      tpu.enqueue_indirect_dma source(%dma_start3A_31 : memref<10000x128xf32, #tpu.memory_space<hbm>>) target(%arg12 : memref<128x128xf32, #tpu.memory_space<vmem>>) offsets(%dma_start3A_28 : memref<128xi32, #tpu.memory_space<vmem>>) semaphore(%arg14 : memref<!tpu.dma_semaphore, #tpu.memory_space<semaphore_mem>>)
      %scan3A = arith.constant 0 : i32
      %scan3A_32 = arith.constant 0 : i32
      %scan3A_33 = arith.constant 20 : i32
      %scan3A_34 = arith.addi %scan3A_32, %scan3A_33 : i32
      %scan3A_35 = arith.constant 1 : i32
      scf.for %scan3A_71 = %scan3A_32 to %scan3A_34 step %scan3A_35  : i32 {
        %mul3A_72 = arith.constant 2 : i32
        %mul3A_73 = arith.muli %mul3A_72, %scan3A_71 : i32
        %dma_wait3A_74 = arith.constant 0 : i32
        %dma_wait3A_75 = tpu.memref_slice %arg10[%mul3A_73, %dma_wait3A_74] : memref<40x128xi32, #tpu.memory_space<vmem>> -> memref<1x128xi32, #tpu.memory_space<vmem>>
        %dma_wait3A_76 = tpu.memref_squeeze %dma_wait3A_75 : memref<1x128xi32, #tpu.memory_space<vmem>> -> memref<128xi32, #tpu.memory_space<vmem>>
        %dma_wait3A_77 = arith.constant 0 : i32
        %dma_wait3A_78 = arith.constant 0 : i32
        %dma_wait3A_79 = tpu.memref_slice %arg2[%dma_wait3A_77, %dma_wait3A_78] : memref<10000x128xf32, #tpu.memory_space<hbm>> -> memref<10000x128xf32, #tpu.memory_space<hbm>>
        tpu.wait_indirect_dma semaphore(%arg14 : memref<!tpu.dma_semaphore, #tpu.memory_space<semaphore_mem>>) src(%dma_wait3A_79 : memref<10000x128xf32, #tpu.memory_space<hbm>>) dst(%arg12 : memref<128x128xf32, #tpu.memory_space<vmem>>)
        %dma_start3A_80 = arith.constant 0 : i32
        %dma_start3A_81 = tpu.memref_slice %arg11[%mul3A_73, %dma_start3A_80] : memref<40x128xi32, #tpu.memory_space<vmem>> -> memref<1x128xi32, #tpu.memory_space<vmem>>
        %dma_start3A_82 = tpu.memref_squeeze %dma_start3A_81 : memref<1x128xi32, #tpu.memory_space<vmem>> -> memref<128xi32, #tpu.memory_space<vmem>>
        %dma_start3A_83 = arith.constant 0 : i32
        %dma_start3A_84 = arith.constant 0 : i32
        %dma_start3A_85 = tpu.memref_slice %arg9[%dma_start3A_83, %dma_start3A_84] : memref<10112x128xf32, #tpu.memory_space<vmem_shared>> -> memref<10112x128xf32, #tpu.memory_space<vmem_shared>>
        tpu.enqueue_indirect_dma source(%arg12 : memref<128x128xf32, #tpu.memory_space<vmem>>) target(%dma_start3A_85 : memref<10112x128xf32, #tpu.memory_space<vmem_shared>>) offsets(%dma_start3A_82 : memref<128xi32, #tpu.memory_space<vmem>>) semaphore(%arg16 : memref<!tpu.dma_semaphore, #tpu.memory_space<semaphore_mem>>) {add = true}
        %gt3A = arith.constant 0 : i32
        %gt3A_86 = arith.cmpi sgt, %scan3A_71, %gt3A : i32
        %convert_element_type3A_87 = arith.extui %gt3A_86 : i1 to i32
        %cond3A_88 = arith.constant 0 : i32
        %cond3A_89 = arith.cmpi ne, %convert_element_type3A_87, %cond3A_88 : i32
        scf.if %cond3A_89 {
          %sub3A = arith.constant 1 : i32
          %sub3A_124 = arith.subi %mul3A_73, %sub3A : i32
          %dma_wait3A_125 = arith.constant 0 : i32
          %dma_wait3A_126 = tpu.memref_slice %arg11[%sub3A_124, %dma_wait3A_125] : memref<40x128xi32, #tpu.memory_space<vmem>> -> memref<1x128xi32, #tpu.memory_space<vmem>>
          %dma_wait3A_127 = tpu.memref_squeeze %dma_wait3A_126 : memref<1x128xi32, #tpu.memory_space<vmem>> -> memref<128xi32, #tpu.memory_space<vmem>>
          %dma_wait3A_128 = arith.constant 0 : i32
          %dma_wait3A_129 = arith.constant 0 : i32
          %dma_wait3A_130 = tpu.memref_slice %arg9[%dma_wait3A_128, %dma_wait3A_129] : memref<10112x128xf32, #tpu.memory_space<vmem_shared>> -> memref<10112x128xf32, #tpu.memory_space<vmem_shared>>
          tpu.wait_indirect_dma semaphore(%arg17 : memref<!tpu.dma_semaphore, #tpu.memory_space<semaphore_mem>>) src(%arg13 : memref<128x128xf32, #tpu.memory_space<vmem>>) dst(%dma_wait3A_130 : memref<10112x128xf32, #tpu.memory_space<vmem_shared>>)
        } else {
        }
        %add3A_90 = arith.constant 1 : i32
        %add3A_91 = arith.addi %mul3A_73, %add3A_90 : i32
        %dma_start3A_92 = arith.constant 0 : i32
        %dma_start3A_93 = tpu.memref_slice %arg10[%add3A_91, %dma_start3A_92] : memref<40x128xi32, #tpu.memory_space<vmem>> -> memref<1x128xi32, #tpu.memory_space<vmem>>
        %dma_start3A_94 = tpu.memref_squeeze %dma_start3A_93 : memref<1x128xi32, #tpu.memory_space<vmem>> -> memref<128xi32, #tpu.memory_space<vmem>>
        %dma_start3A_95 = arith.constant 0 : i32
        %dma_start3A_96 = arith.constant 0 : i32
        %dma_start3A_97 = tpu.memref_slice %arg2[%dma_start3A_95, %dma_start3A_96] : memref<10000x128xf32, #tpu.memory_space<hbm>> -> memref<10000x128xf32, #tpu.memory_space<hbm>>
        tpu.enqueue_indirect_dma source(%dma_start3A_97 : memref<10000x128xf32, #tpu.memory_space<hbm>>) target(%arg13 : memref<128x128xf32, #tpu.memory_space<vmem>>) offsets(%dma_start3A_94 : memref<128xi32, #tpu.memory_space<vmem>>) semaphore(%arg15 : memref<!tpu.dma_semaphore, #tpu.memory_space<semaphore_mem>>)
        %add3A_98 = arith.constant 1 : i32
        %add3A_99 = arith.addi %mul3A_73, %add3A_98 : i32
        %dma_wait3A_100 = arith.constant 0 : i32
        %dma_wait3A_101 = tpu.memref_slice %arg10[%add3A_99, %dma_wait3A_100] : memref<40x128xi32, #tpu.memory_space<vmem>> -> memref<1x128xi32, #tpu.memory_space<vmem>>
        %dma_wait3A_102 = tpu.memref_squeeze %dma_wait3A_101 : memref<1x128xi32, #tpu.memory_space<vmem>> -> memref<128xi32, #tpu.memory_space<vmem>>
        %dma_wait3A_103 = arith.constant 0 : i32
        %dma_wait3A_104 = arith.constant 0 : i32
        %dma_wait3A_105 = tpu.memref_slice %arg2[%dma_wait3A_103, %dma_wait3A_104] : memref<10000x128xf32, #tpu.memory_space<hbm>> -> memref<10000x128xf32, #tpu.memory_space<hbm>>
        tpu.wait_indirect_dma semaphore(%arg15 : memref<!tpu.dma_semaphore, #tpu.memory_space<semaphore_mem>>) src(%dma_wait3A_105 : memref<10000x128xf32, #tpu.memory_space<hbm>>) dst(%arg13 : memref<128x128xf32, #tpu.memory_space<vmem>>)
        %add3A_106 = arith.constant 1 : i32
        %add3A_107 = arith.addi %mul3A_73, %add3A_106 : i32
        %dma_start3A_108 = arith.constant 0 : i32
        %dma_start3A_109 = tpu.memref_slice %arg11[%add3A_107, %dma_start3A_108] : memref<40x128xi32, #tpu.memory_space<vmem>> -> memref<1x128xi32, #tpu.memory_space<vmem>>
        %dma_start3A_110 = tpu.memref_squeeze %dma_start3A_109 : memref<1x128xi32, #tpu.memory_space<vmem>> -> memref<128xi32, #tpu.memory_space<vmem>>
        %dma_start3A_111 = arith.constant 0 : i32
        %dma_start3A_112 = arith.constant 0 : i32
        %dma_start3A_113 = tpu.memref_slice %arg9[%dma_start3A_111, %dma_start3A_112] : memref<10112x128xf32, #tpu.memory_space<vmem_shared>> -> memref<10112x128xf32, #tpu.memory_space<vmem_shared>>
        tpu.enqueue_indirect_dma source(%arg13 : memref<128x128xf32, #tpu.memory_space<vmem>>) target(%dma_start3A_113 : memref<10112x128xf32, #tpu.memory_space<vmem_shared>>) offsets(%dma_start3A_110 : memref<128xi32, #tpu.memory_space<vmem>>) semaphore(%arg17 : memref<!tpu.dma_semaphore, #tpu.memory_space<semaphore_mem>>) {add = true}
        %dma_wait3A_114 = arith.constant 0 : i32
        %dma_wait3A_115 = tpu.memref_slice %arg11[%mul3A_73, %dma_wait3A_114] : memref<40x128xi32, #tpu.memory_space<vmem>> -> memref<1x128xi32, #tpu.memory_space<vmem>>
        %dma_wait3A_116 = tpu.memref_squeeze %dma_wait3A_115 : memref<1x128xi32, #tpu.memory_space<vmem>> -> memref<128xi32, #tpu.memory_space<vmem>>
        %dma_wait3A_117 = arith.constant 0 : i32
        %dma_wait3A_118 = arith.constant 0 : i32
        %dma_wait3A_119 = tpu.memref_slice %arg9[%dma_wait3A_117, %dma_wait3A_118] : memref<10112x128xf32, #tpu.memory_space<vmem_shared>> -> memref<10112x128xf32, #tpu.memory_space<vmem_shared>>
        tpu.wait_indirect_dma semaphore(%arg16 : memref<!tpu.dma_semaphore, #tpu.memory_space<semaphore_mem>>) src(%arg12 : memref<128x128xf32, #tpu.memory_space<vmem>>) dst(%dma_wait3A_119 : memref<10112x128xf32, #tpu.memory_space<vmem_shared>>)
        %lt3A = arith.constant 19 : i32
        %lt3A_120 = arith.cmpi slt, %scan3A_71, %lt3A : i32
        %convert_element_type3A_121 = arith.extui %lt3A_120 : i1 to i32
        %cond3A_122 = arith.constant 0 : i32
        %cond3A_123 = arith.cmpi ne, %convert_element_type3A_121, %cond3A_122 : i32
        scf.if %cond3A_123 {
          %add3A_124 = arith.constant 2 : i32
          %add3A_125 = arith.addi %mul3A_73, %add3A_124 : i32
          %dma_start3A_126 = arith.constant 0 : i32
          %dma_start3A_127 = tpu.memref_slice %arg10[%add3A_125, %dma_start3A_126] : memref<40x128xi32, #tpu.memory_space<vmem>> -> memref<1x128xi32, #tpu.memory_space<vmem>>
          %dma_start3A_128 = tpu.memref_squeeze %dma_start3A_127 : memref<1x128xi32, #tpu.memory_space<vmem>> -> memref<128xi32, #tpu.memory_space<vmem>>
          %dma_start3A_129 = arith.constant 0 : i32
          %dma_start3A_130 = arith.constant 0 : i32
          %dma_start3A_131 = tpu.memref_slice %arg2[%dma_start3A_129, %dma_start3A_130] : memref<10000x128xf32, #tpu.memory_space<hbm>> -> memref<10000x128xf32, #tpu.memory_space<hbm>>
          tpu.enqueue_indirect_dma source(%dma_start3A_131 : memref<10000x128xf32, #tpu.memory_space<hbm>>) target(%arg12 : memref<128x128xf32, #tpu.memory_space<vmem>>) offsets(%dma_start3A_128 : memref<128xi32, #tpu.memory_space<vmem>>) semaphore(%arg14 : memref<!tpu.dma_semaphore, #tpu.memory_space<semaphore_mem>>)
        } else {
        }
      }
      %scan3A_36 = arith.constant 20 : i32
      %dma_wait3A = arith.constant 39 : i32
      %dma_wait3A_37 = arith.constant 0 : i32
      %dma_wait3A_38 = tpu.memref_slice %arg11[%dma_wait3A, %dma_wait3A_37] : memref<40x128xi32, #tpu.memory_space<vmem>> -> memref<1x128xi32, #tpu.memory_space<vmem>>
      %dma_wait3A_39 = tpu.memref_squeeze %dma_wait3A_38 : memref<1x128xi32, #tpu.memory_space<vmem>> -> memref<128xi32, #tpu.memory_space<vmem>>
      %dma_wait3A_40 = arith.constant 0 : i32
      %dma_wait3A_41 = arith.constant 0 : i32
      %dma_wait3A_42 = tpu.memref_slice %arg9[%dma_wait3A_40, %dma_wait3A_41] : memref<10112x128xf32, #tpu.memory_space<vmem_shared>> -> memref<10112x128xf32, #tpu.memory_space<vmem_shared>>
      tpu.wait_indirect_dma semaphore(%arg17 : memref<!tpu.dma_semaphore, #tpu.memory_space<semaphore_mem>>) src(%arg13 : memref<128x128xf32, #tpu.memory_space<vmem>>) dst(%dma_wait3A_42 : memref<10112x128xf32, #tpu.memory_space<vmem_shared>>)
      %mul3A_43 = arith.constant 2 : i32
      %mul3A_44 = arith.muli %mul3A_43, %arg1 : i32
      %add3A_45 = arith.constant 1 : i32
      %add3A_46 = arith.addi %mul3A_44, %add3A_45 : i32
      "tpu.region"() ({
        %run_scoped3A = tpu.sem_alloc : memref<!tpu.dma_semaphore, #tpu.memory_space<semaphore_mem>>
        %dma_start3A_71 = arith.constant 0 : i32
        %dma_start3A_72 = arith.constant 0 : i32
        %dma_start3A_73 = tpu.memref_slice %arg4[%add3A_46, %dma_start3A_71, %dma_start3A_72] : memref<32x40x128xi32, #tpu.memory_space<hbm>> -> memref<1x40x128xi32, #tpu.memory_space<hbm>>
        %dma_start3A_74 = tpu.memref_squeeze %dma_start3A_73 : memref<1x40x128xi32, #tpu.memory_space<hbm>> -> memref<40x128xi32, #tpu.memory_space<hbm>>
        %dma_start3A_75 = arith.constant 0 : i32
        %dma_start3A_76 = arith.constant 0 : i32
        %dma_start3A_77 = tpu.memref_slice %arg4[%add3A_46, %dma_start3A_75, %dma_start3A_76] : memref<32x40x128xi32, #tpu.memory_space<hbm>> -> memref<1x40x128xi32, #tpu.memory_space<hbm>>
        %dma_start3A_78 = tpu.memref_squeeze %dma_start3A_77 : memref<1x40x128xi32, #tpu.memory_space<hbm>> -> memref<40x128xi32, #tpu.memory_space<hbm>>
        tpu.enqueue_dma source(%dma_start3A_78 : memref<40x128xi32, #tpu.memory_space<hbm>>) target(%arg10 : memref<40x128xi32, #tpu.memory_space<vmem>>) target_semaphore(%run_scoped3A : memref<!tpu.dma_semaphore, #tpu.memory_space<semaphore_mem>>)
        %dma_wait3A_79 = arith.constant 0 : i32
        %dma_wait3A_80 = arith.constant 0 : i32
        %dma_wait3A_81 = tpu.memref_slice %arg4[%add3A_46, %dma_wait3A_79, %dma_wait3A_80] : memref<32x40x128xi32, #tpu.memory_space<hbm>> -> memref<1x40x128xi32, #tpu.memory_space<hbm>>
        %dma_wait3A_82 = tpu.memref_squeeze %dma_wait3A_81 : memref<1x40x128xi32, #tpu.memory_space<hbm>> -> memref<40x128xi32, #tpu.memory_space<hbm>>
        %dma_wait3A_83 = arith.constant 0 : i32
        %dma_wait3A_84 = arith.constant 0 : i32
        %dma_wait3A_85 = tpu.memref_slice %arg4[%add3A_46, %dma_wait3A_83, %dma_wait3A_84] : memref<32x40x128xi32, #tpu.memory_space<hbm>> -> memref<1x40x128xi32, #tpu.memory_space<hbm>>
        %dma_wait3A_86 = tpu.memref_squeeze %dma_wait3A_85 : memref<1x40x128xi32, #tpu.memory_space<hbm>> -> memref<40x128xi32, #tpu.memory_space<hbm>>
        tpu.wait_dma2 semaphore(%run_scoped3A : memref<!tpu.dma_semaphore, #tpu.memory_space<semaphore_mem>>) src(%dma_wait3A_86 : memref<40x128xi32, #tpu.memory_space<hbm>>) dst(%arg10 : memref<40x128xi32, #tpu.memory_space<vmem>>)
        tpu.yield
      }) : () -> ()
      %mul3A_47 = arith.constant 2 : i32
      %mul3A_48 = arith.muli %mul3A_47, %arg1 : i32
      %add3A_49 = arith.constant 1 : i32
      %add3A_50 = arith.addi %mul3A_48, %add3A_49 : i32
      "tpu.region"() ({
        %run_scoped3A = tpu.sem_alloc : memref<!tpu.dma_semaphore, #tpu.memory_space<semaphore_mem>>
        %dma_start3A_71 = arith.constant 0 : i32
        %dma_start3A_72 = arith.constant 0 : i32
        %dma_start3A_73 = tpu.memref_slice %arg5[%add3A_50, %dma_start3A_71, %dma_start3A_72] : memref<32x40x128xi32, #tpu.memory_space<hbm>> -> memref<1x40x128xi32, #tpu.memory_space<hbm>>
        %dma_start3A_74 = tpu.memref_squeeze %dma_start3A_73 : memref<1x40x128xi32, #tpu.memory_space<hbm>> -> memref<40x128xi32, #tpu.memory_space<hbm>>
        %dma_start3A_75 = arith.constant 0 : i32
        %dma_start3A_76 = arith.constant 0 : i32
        %dma_start3A_77 = tpu.memref_slice %arg5[%add3A_50, %dma_start3A_75, %dma_start3A_76] : memref<32x40x128xi32, #tpu.memory_space<hbm>> -> memref<1x40x128xi32, #tpu.memory_space<hbm>>
        %dma_start3A_78 = tpu.memref_squeeze %dma_start3A_77 : memref<1x40x128xi32, #tpu.memory_space<hbm>> -> memref<40x128xi32, #tpu.memory_space<hbm>>
        tpu.enqueue_dma source(%dma_start3A_78 : memref<40x128xi32, #tpu.memory_space<hbm>>) target(%arg11 : memref<40x128xi32, #tpu.memory_space<vmem>>) target_semaphore(%run_scoped3A : memref<!tpu.dma_semaphore, #tpu.memory_space<semaphore_mem>>)
        %dma_wait3A_79 = arith.constant 0 : i32
        %dma_wait3A_80 = arith.constant 0 : i32
        %dma_wait3A_81 = tpu.memref_slice %arg5[%add3A_50, %dma_wait3A_79, %dma_wait3A_80] : memref<32x40x128xi32, #tpu.memory_space<hbm>> -> memref<1x40x128xi32, #tpu.memory_space<hbm>>
        %dma_wait3A_82 = tpu.memref_squeeze %dma_wait3A_81 : memref<1x40x128xi32, #tpu.memory_space<hbm>> -> memref<40x128xi32, #tpu.memory_space<hbm>>
        %dma_wait3A_83 = arith.constant 0 : i32
        %dma_wait3A_84 = arith.constant 0 : i32
        %dma_wait3A_85 = tpu.memref_slice %arg5[%add3A_50, %dma_wait3A_83, %dma_wait3A_84] : memref<32x40x128xi32, #tpu.memory_space<hbm>> -> memref<1x40x128xi32, #tpu.memory_space<hbm>>
        %dma_wait3A_86 = tpu.memref_squeeze %dma_wait3A_85 : memref<1x40x128xi32, #tpu.memory_space<hbm>> -> memref<40x128xi32, #tpu.memory_space<hbm>>
        tpu.wait_dma2 semaphore(%run_scoped3A : memref<!tpu.dma_semaphore, #tpu.memory_space<semaphore_mem>>) src(%dma_wait3A_86 : memref<40x128xi32, #tpu.memory_space<hbm>>) dst(%arg11 : memref<40x128xi32, #tpu.memory_space<vmem>>)
        tpu.yield
      }) : () -> ()
      %dma_start3A_51 = arith.constant 0 : i32
      %dma_start3A_52 = arith.constant 0 : i32
      %dma_start3A_53 = tpu.memref_slice %arg10[%dma_start3A_51, %dma_start3A_52] : memref<40x128xi32, #tpu.memory_space<vmem>> -> memref<1x128xi32, #tpu.memory_space<vmem>>
      %dma_start3A_54 = tpu.memref_squeeze %dma_start3A_53 : memref<1x128xi32, #tpu.memory_space<vmem>> -> memref<128xi32, #tpu.memory_space<vmem>>
      %dma_start3A_55 = arith.constant 0 : i32
      %dma_start3A_56 = arith.constant 0 : i32
      %dma_start3A_57 = tpu.memref_slice %arg2[%dma_start3A_55, %dma_start3A_56] : memref<10000x128xf32, #tpu.memory_space<hbm>> -> memref<10000x128xf32, #tpu.memory_space<hbm>>
      tpu.enqueue_indirect_dma source(%dma_start3A_57 : memref<10000x128xf32, #tpu.memory_space<hbm>>) target(%arg12 : memref<128x128xf32, #tpu.memory_space<vmem>>) offsets(%dma_start3A_54 : memref<128xi32, #tpu.memory_space<vmem>>) semaphore(%arg14 : memref<!tpu.dma_semaphore, #tpu.memory_space<semaphore_mem>>)
      %scan3A_58 = arith.constant 0 : i32
      %scan3A_59 = arith.constant 0 : i32
      %scan3A_60 = arith.constant 20 : i32
      %scan3A_61 = arith.addi %scan3A_59, %scan3A_60 : i32
      %scan3A_62 = arith.constant 1 : i32
      scf.for %scan3A_71 = %scan3A_59 to %scan3A_61 step %scan3A_62  : i32 {
        %mul3A_72 = arith.constant 2 : i32
        %mul3A_73 = arith.muli %mul3A_72, %scan3A_71 : i32
        %dma_wait3A_74 = arith.constant 0 : i32
        %dma_wait3A_75 = tpu.memref_slice %arg10[%mul3A_73, %dma_wait3A_74] : memref<40x128xi32, #tpu.memory_space<vmem>> -> memref<1x128xi32, #tpu.memory_space<vmem>>
        %dma_wait3A_76 = tpu.memref_squeeze %dma_wait3A_75 : memref<1x128xi32, #tpu.memory_space<vmem>> -> memref<128xi32, #tpu.memory_space<vmem>>
        %dma_wait3A_77 = arith.constant 0 : i32
        %dma_wait3A_78 = arith.constant 0 : i32
        %dma_wait3A_79 = tpu.memref_slice %arg2[%dma_wait3A_77, %dma_wait3A_78] : memref<10000x128xf32, #tpu.memory_space<hbm>> -> memref<10000x128xf32, #tpu.memory_space<hbm>>
        tpu.wait_indirect_dma semaphore(%arg14 : memref<!tpu.dma_semaphore, #tpu.memory_space<semaphore_mem>>) src(%dma_wait3A_79 : memref<10000x128xf32, #tpu.memory_space<hbm>>) dst(%arg12 : memref<128x128xf32, #tpu.memory_space<vmem>>)
        %dma_start3A_80 = arith.constant 0 : i32
        %dma_start3A_81 = tpu.memref_slice %arg11[%mul3A_73, %dma_start3A_80] : memref<40x128xi32, #tpu.memory_space<vmem>> -> memref<1x128xi32, #tpu.memory_space<vmem>>
        %dma_start3A_82 = tpu.memref_squeeze %dma_start3A_81 : memref<1x128xi32, #tpu.memory_space<vmem>> -> memref<128xi32, #tpu.memory_space<vmem>>
        %dma_start3A_83 = arith.constant 0 : i32
        %dma_start3A_84 = arith.constant 0 : i32
        %dma_start3A_85 = tpu.memref_slice %arg9[%dma_start3A_83, %dma_start3A_84] : memref<10112x128xf32, #tpu.memory_space<vmem_shared>> -> memref<10112x128xf32, #tpu.memory_space<vmem_shared>>
        tpu.enqueue_indirect_dma source(%arg12 : memref<128x128xf32, #tpu.memory_space<vmem>>) target(%dma_start3A_85 : memref<10112x128xf32, #tpu.memory_space<vmem_shared>>) offsets(%dma_start3A_82 : memref<128xi32, #tpu.memory_space<vmem>>) semaphore(%arg16 : memref<!tpu.dma_semaphore, #tpu.memory_space<semaphore_mem>>) {add = true}
        %gt3A = arith.constant 0 : i32
        %gt3A_86 = arith.cmpi sgt, %scan3A_71, %gt3A : i32
        %convert_element_type3A_87 = arith.extui %gt3A_86 : i1 to i32
        %cond3A_88 = arith.constant 0 : i32
        %cond3A_89 = arith.cmpi ne, %convert_element_type3A_87, %cond3A_88 : i32
        scf.if %cond3A_89 {
          %sub3A = arith.constant 1 : i32
          %sub3A_124 = arith.subi %mul3A_73, %sub3A : i32
          %dma_wait3A_125 = arith.constant 0 : i32
          %dma_wait3A_126 = tpu.memref_slice %arg11[%sub3A_124, %dma_wait3A_125] : memref<40x128xi32, #tpu.memory_space<vmem>> -> memref<1x128xi32, #tpu.memory_space<vmem>>
          %dma_wait3A_127 = tpu.memref_squeeze %dma_wait3A_126 : memref<1x128xi32, #tpu.memory_space<vmem>> -> memref<128xi32, #tpu.memory_space<vmem>>
          %dma_wait3A_128 = arith.constant 0 : i32
          %dma_wait3A_129 = arith.constant 0 : i32
          %dma_wait3A_130 = tpu.memref_slice %arg9[%dma_wait3A_128, %dma_wait3A_129] : memref<10112x128xf32, #tpu.memory_space<vmem_shared>> -> memref<10112x128xf32, #tpu.memory_space<vmem_shared>>
          tpu.wait_indirect_dma semaphore(%arg17 : memref<!tpu.dma_semaphore, #tpu.memory_space<semaphore_mem>>) src(%arg13 : memref<128x128xf32, #tpu.memory_space<vmem>>) dst(%dma_wait3A_130 : memref<10112x128xf32, #tpu.memory_space<vmem_shared>>)
        } else {
        }
        %add3A_90 = arith.constant 1 : i32
        %add3A_91 = arith.addi %mul3A_73, %add3A_90 : i32
        %dma_start3A_92 = arith.constant 0 : i32
        %dma_start3A_93 = tpu.memref_slice %arg10[%add3A_91, %dma_start3A_92] : memref<40x128xi32, #tpu.memory_space<vmem>> -> memref<1x128xi32, #tpu.memory_space<vmem>>
        %dma_start3A_94 = tpu.memref_squeeze %dma_start3A_93 : memref<1x128xi32, #tpu.memory_space<vmem>> -> memref<128xi32, #tpu.memory_space<vmem>>
        %dma_start3A_95 = arith.constant 0 : i32
        %dma_start3A_96 = arith.constant 0 : i32
        %dma_start3A_97 = tpu.memref_slice %arg2[%dma_start3A_95, %dma_start3A_96] : memref<10000x128xf32, #tpu.memory_space<hbm>> -> memref<10000x128xf32, #tpu.memory_space<hbm>>
        tpu.enqueue_indirect_dma source(%dma_start3A_97 : memref<10000x128xf32, #tpu.memory_space<hbm>>) target(%arg13 : memref<128x128xf32, #tpu.memory_space<vmem>>) offsets(%dma_start3A_94 : memref<128xi32, #tpu.memory_space<vmem>>) semaphore(%arg15 : memref<!tpu.dma_semaphore, #tpu.memory_space<semaphore_mem>>)
        %add3A_98 = arith.constant 1 : i32
        %add3A_99 = arith.addi %mul3A_73, %add3A_98 : i32
        %dma_wait3A_100 = arith.constant 0 : i32
        %dma_wait3A_101 = tpu.memref_slice %arg10[%add3A_99, %dma_wait3A_100] : memref<40x128xi32, #tpu.memory_space<vmem>> -> memref<1x128xi32, #tpu.memory_space<vmem>>
        %dma_wait3A_102 = tpu.memref_squeeze %dma_wait3A_101 : memref<1x128xi32, #tpu.memory_space<vmem>> -> memref<128xi32, #tpu.memory_space<vmem>>
        %dma_wait3A_103 = arith.constant 0 : i32
        %dma_wait3A_104 = arith.constant 0 : i32
        %dma_wait3A_105 = tpu.memref_slice %arg2[%dma_wait3A_103, %dma_wait3A_104] : memref<10000x128xf32, #tpu.memory_space<hbm>> -> memref<10000x128xf32, #tpu.memory_space<hbm>>
        tpu.wait_indirect_dma semaphore(%arg15 : memref<!tpu.dma_semaphore, #tpu.memory_space<semaphore_mem>>) src(%dma_wait3A_105 : memref<10000x128xf32, #tpu.memory_space<hbm>>) dst(%arg13 : memref<128x128xf32, #tpu.memory_space<vmem>>)
        %add3A_106 = arith.constant 1 : i32
        %add3A_107 = arith.addi %mul3A_73, %add3A_106 : i32
        %dma_start3A_108 = arith.constant 0 : i32
        %dma_start3A_109 = tpu.memref_slice %arg11[%add3A_107, %dma_start3A_108] : memref<40x128xi32, #tpu.memory_space<vmem>> -> memref<1x128xi32, #tpu.memory_space<vmem>>
        %dma_start3A_110 = tpu.memref_squeeze %dma_start3A_109 : memref<1x128xi32, #tpu.memory_space<vmem>> -> memref<128xi32, #tpu.memory_space<vmem>>
        %dma_start3A_111 = arith.constant 0 : i32
        %dma_start3A_112 = arith.constant 0 : i32
        %dma_start3A_113 = tpu.memref_slice %arg9[%dma_start3A_111, %dma_start3A_112] : memref<10112x128xf32, #tpu.memory_space<vmem_shared>> -> memref<10112x128xf32, #tpu.memory_space<vmem_shared>>
        tpu.enqueue_indirect_dma source(%arg13 : memref<128x128xf32, #tpu.memory_space<vmem>>) target(%dma_start3A_113 : memref<10112x128xf32, #tpu.memory_space<vmem_shared>>) offsets(%dma_start3A_110 : memref<128xi32, #tpu.memory_space<vmem>>) semaphore(%arg17 : memref<!tpu.dma_semaphore, #tpu.memory_space<semaphore_mem>>) {add = true}
        %dma_wait3A_114 = arith.constant 0 : i32
        %dma_wait3A_115 = tpu.memref_slice %arg11[%mul3A_73, %dma_wait3A_114] : memref<40x128xi32, #tpu.memory_space<vmem>> -> memref<1x128xi32, #tpu.memory_space<vmem>>
        %dma_wait3A_116 = tpu.memref_squeeze %dma_wait3A_115 : memref<1x128xi32, #tpu.memory_space<vmem>> -> memref<128xi32, #tpu.memory_space<vmem>>
        %dma_wait3A_117 = arith.constant 0 : i32
        %dma_wait3A_118 = arith.constant 0 : i32
        %dma_wait3A_119 = tpu.memref_slice %arg9[%dma_wait3A_117, %dma_wait3A_118] : memref<10112x128xf32, #tpu.memory_space<vmem_shared>> -> memref<10112x128xf32, #tpu.memory_space<vmem_shared>>
        tpu.wait_indirect_dma semaphore(%arg16 : memref<!tpu.dma_semaphore, #tpu.memory_space<semaphore_mem>>) src(%arg12 : memref<128x128xf32, #tpu.memory_space<vmem>>) dst(%dma_wait3A_119 : memref<10112x128xf32, #tpu.memory_space<vmem_shared>>)
        %lt3A = arith.constant 19 : i32
        %lt3A_120 = arith.cmpi slt, %scan3A_71, %lt3A : i32
        %convert_element_type3A_121 = arith.extui %lt3A_120 : i1 to i32
        %cond3A_122 = arith.constant 0 : i32
        %cond3A_123 = arith.cmpi ne, %convert_element_type3A_121, %cond3A_122 : i32
        scf.if %cond3A_123 {
          %add3A_124 = arith.constant 2 : i32
          %add3A_125 = arith.addi %mul3A_73, %add3A_124 : i32
          %dma_start3A_126 = arith.constant 0 : i32
          %dma_start3A_127 = tpu.memref_slice %arg10[%add3A_125, %dma_start3A_126] : memref<40x128xi32, #tpu.memory_space<vmem>> -> memref<1x128xi32, #tpu.memory_space<vmem>>
          %dma_start3A_128 = tpu.memref_squeeze %dma_start3A_127 : memref<1x128xi32, #tpu.memory_space<vmem>> -> memref<128xi32, #tpu.memory_space<vmem>>
          %dma_start3A_129 = arith.constant 0 : i32
          %dma_start3A_130 = arith.constant 0 : i32
          %dma_start3A_131 = tpu.memref_slice %arg2[%dma_start3A_129, %dma_start3A_130] : memref<10000x128xf32, #tpu.memory_space<hbm>> -> memref<10000x128xf32, #tpu.memory_space<hbm>>
          tpu.enqueue_indirect_dma source(%dma_start3A_131 : memref<10000x128xf32, #tpu.memory_space<hbm>>) target(%arg12 : memref<128x128xf32, #tpu.memory_space<vmem>>) offsets(%dma_start3A_128 : memref<128xi32, #tpu.memory_space<vmem>>) semaphore(%arg14 : memref<!tpu.dma_semaphore, #tpu.memory_space<semaphore_mem>>)
        } else {
        }
      }
      %scan3A_63 = arith.constant 20 : i32
      %dma_wait3A_64 = arith.constant 39 : i32
      %dma_wait3A_65 = arith.constant 0 : i32
      %dma_wait3A_66 = tpu.memref_slice %arg11[%dma_wait3A_64, %dma_wait3A_65] : memref<40x128xi32, #tpu.memory_space<vmem>> -> memref<1x128xi32, #tpu.memory_space<vmem>>
      %dma_wait3A_67 = tpu.memref_squeeze %dma_wait3A_66 : memref<1x128xi32, #tpu.memory_space<vmem>> -> memref<128xi32, #tpu.memory_space<vmem>>
      %dma_wait3A_68 = arith.constant 0 : i32
      %dma_wait3A_69 = arith.constant 0 : i32
      %dma_wait3A_70 = tpu.memref_slice %arg9[%dma_wait3A_68, %dma_wait3A_69] : memref<10112x128xf32, #tpu.memory_space<vmem_shared>> -> memref<10112x128xf32, #tpu.memory_space<vmem_shared>>
      tpu.wait_indirect_dma semaphore(%arg17 : memref<!tpu.dma_semaphore, #tpu.memory_space<semaphore_mem>>) src(%arg13 : memref<128x128xf32, #tpu.memory_space<vmem>>) dst(%dma_wait3A_70 : memref<10112x128xf32, #tpu.memory_space<vmem_shared>>)
    } else {
    }
    %eq3A_3 = arith.constant 1 : i32
    %eq3A_4 = arith.cmpi eq, %arg0, %eq3A_3 : i32
    %convert_element_type3A_5 = arith.extui %eq3A_4 : i1 to i32
    %cond3A_6 = arith.constant 0 : i32
    %cond3A_7 = arith.cmpi ne, %convert_element_type3A_5, %cond3A_6 : i32
    scf.if %cond3A_7 {
      %mul3A_19 = arith.constant 2 : i32
      %mul3A_20 = arith.muli %mul3A_19, %arg1 : i32
      %add3A = arith.constant 0 : i32
      %add3A_21 = arith.addi %mul3A_20, %add3A : i32
      "tpu.region"() ({
        %run_scoped3A = tpu.sem_alloc : memref<!tpu.dma_semaphore, #tpu.memory_space<semaphore_mem>>
        %dma_start3A_71 = arith.constant 0 : i32
        %dma_start3A_72 = arith.constant 0 : i32
        %dma_start3A_73 = tpu.memref_slice %arg4[%add3A_21, %dma_start3A_71, %dma_start3A_72] : memref<32x40x128xi32, #tpu.memory_space<hbm>> -> memref<1x40x128xi32, #tpu.memory_space<hbm>>
        %dma_start3A_74 = tpu.memref_squeeze %dma_start3A_73 : memref<1x40x128xi32, #tpu.memory_space<hbm>> -> memref<40x128xi32, #tpu.memory_space<hbm>>
        %dma_start3A_75 = arith.constant 0 : i32
        %dma_start3A_76 = arith.constant 0 : i32
        %dma_start3A_77 = tpu.memref_slice %arg4[%add3A_21, %dma_start3A_75, %dma_start3A_76] : memref<32x40x128xi32, #tpu.memory_space<hbm>> -> memref<1x40x128xi32, #tpu.memory_space<hbm>>
        %dma_start3A_78 = tpu.memref_squeeze %dma_start3A_77 : memref<1x40x128xi32, #tpu.memory_space<hbm>> -> memref<40x128xi32, #tpu.memory_space<hbm>>
        tpu.enqueue_dma source(%dma_start3A_78 : memref<40x128xi32, #tpu.memory_space<hbm>>) target(%arg10 : memref<40x128xi32, #tpu.memory_space<vmem>>) target_semaphore(%run_scoped3A : memref<!tpu.dma_semaphore, #tpu.memory_space<semaphore_mem>>)
        %dma_wait3A_79 = arith.constant 0 : i32
        %dma_wait3A_80 = arith.constant 0 : i32
        %dma_wait3A_81 = tpu.memref_slice %arg4[%add3A_21, %dma_wait3A_79, %dma_wait3A_80] : memref<32x40x128xi32, #tpu.memory_space<hbm>> -> memref<1x40x128xi32, #tpu.memory_space<hbm>>
        %dma_wait3A_82 = tpu.memref_squeeze %dma_wait3A_81 : memref<1x40x128xi32, #tpu.memory_space<hbm>> -> memref<40x128xi32, #tpu.memory_space<hbm>>
        %dma_wait3A_83 = arith.constant 0 : i32
        %dma_wait3A_84 = arith.constant 0 : i32
        %dma_wait3A_85 = tpu.memref_slice %arg4[%add3A_21, %dma_wait3A_83, %dma_wait3A_84] : memref<32x40x128xi32, #tpu.memory_space<hbm>> -> memref<1x40x128xi32, #tpu.memory_space<hbm>>
        %dma_wait3A_86 = tpu.memref_squeeze %dma_wait3A_85 : memref<1x40x128xi32, #tpu.memory_space<hbm>> -> memref<40x128xi32, #tpu.memory_space<hbm>>
        tpu.wait_dma2 semaphore(%run_scoped3A : memref<!tpu.dma_semaphore, #tpu.memory_space<semaphore_mem>>) src(%dma_wait3A_86 : memref<40x128xi32, #tpu.memory_space<hbm>>) dst(%arg10 : memref<40x128xi32, #tpu.memory_space<vmem>>)
        tpu.yield
      }) : () -> ()
      %mul3A_22 = arith.constant 2 : i32
      %mul3A_23 = arith.muli %mul3A_22, %arg1 : i32
      %add3A_24 = arith.constant 0 : i32
      %add3A_25 = arith.addi %mul3A_23, %add3A_24 : i32
      "tpu.region"() ({
        %run_scoped3A = tpu.sem_alloc : memref<!tpu.dma_semaphore, #tpu.memory_space<semaphore_mem>>
        %dma_start3A_71 = arith.constant 0 : i32
        %dma_start3A_72 = arith.constant 0 : i32
        %dma_start3A_73 = tpu.memref_slice %arg5[%add3A_25, %dma_start3A_71, %dma_start3A_72] : memref<32x40x128xi32, #tpu.memory_space<hbm>> -> memref<1x40x128xi32, #tpu.memory_space<hbm>>
        %dma_start3A_74 = tpu.memref_squeeze %dma_start3A_73 : memref<1x40x128xi32, #tpu.memory_space<hbm>> -> memref<40x128xi32, #tpu.memory_space<hbm>>
        %dma_start3A_75 = arith.constant 0 : i32
        %dma_start3A_76 = arith.constant 0 : i32
        %dma_start3A_77 = tpu.memref_slice %arg5[%add3A_25, %dma_start3A_75, %dma_start3A_76] : memref<32x40x128xi32, #tpu.memory_space<hbm>> -> memref<1x40x128xi32, #tpu.memory_space<hbm>>
        %dma_start3A_78 = tpu.memref_squeeze %dma_start3A_77 : memref<1x40x128xi32, #tpu.memory_space<hbm>> -> memref<40x128xi32, #tpu.memory_space<hbm>>
        tpu.enqueue_dma source(%dma_start3A_78 : memref<40x128xi32, #tpu.memory_space<hbm>>) target(%arg11 : memref<40x128xi32, #tpu.memory_space<vmem>>) target_semaphore(%run_scoped3A : memref<!tpu.dma_semaphore, #tpu.memory_space<semaphore_mem>>)
        %dma_wait3A_79 = arith.constant 0 : i32
        %dma_wait3A_80 = arith.constant 0 : i32
        %dma_wait3A_81 = tpu.memref_slice %arg5[%add3A_25, %dma_wait3A_79, %dma_wait3A_80] : memref<32x40x128xi32, #tpu.memory_space<hbm>> -> memref<1x40x128xi32, #tpu.memory_space<hbm>>
        %dma_wait3A_82 = tpu.memref_squeeze %dma_wait3A_81 : memref<1x40x128xi32, #tpu.memory_space<hbm>> -> memref<40x128xi32, #tpu.memory_space<hbm>>
        %dma_wait3A_83 = arith.constant 0 : i32
        %dma_wait3A_84 = arith.constant 0 : i32
        %dma_wait3A_85 = tpu.memref_slice %arg5[%add3A_25, %dma_wait3A_83, %dma_wait3A_84] : memref<32x40x128xi32, #tpu.memory_space<hbm>> -> memref<1x40x128xi32, #tpu.memory_space<hbm>>
        %dma_wait3A_86 = tpu.memref_squeeze %dma_wait3A_85 : memref<1x40x128xi32, #tpu.memory_space<hbm>> -> memref<40x128xi32, #tpu.memory_space<hbm>>
        tpu.wait_dma2 semaphore(%run_scoped3A : memref<!tpu.dma_semaphore, #tpu.memory_space<semaphore_mem>>) src(%dma_wait3A_86 : memref<40x128xi32, #tpu.memory_space<hbm>>) dst(%arg11 : memref<40x128xi32, #tpu.memory_space<vmem>>)
        tpu.yield
      }) : () -> ()
      %dma_start3A = arith.constant 0 : i32
      %dma_start3A_26 = arith.constant 0 : i32
      %dma_start3A_27 = tpu.memref_slice %arg10[%dma_start3A, %dma_start3A_26] : memref<40x128xi32, #tpu.memory_space<vmem>> -> memref<1x128xi32, #tpu.memory_space<vmem>>
      %dma_start3A_28 = tpu.memref_squeeze %dma_start3A_27 : memref<1x128xi32, #tpu.memory_space<vmem>> -> memref<128xi32, #tpu.memory_space<vmem>>
      %dma_start3A_29 = arith.constant 0 : i32
      %dma_start3A_30 = arith.constant 0 : i32
      %dma_start3A_31 = tpu.memref_slice %arg3[%dma_start3A_29, %dma_start3A_30] : memref<10000x128xf32, #tpu.memory_space<hbm>> -> memref<10000x128xf32, #tpu.memory_space<hbm>>
      tpu.enqueue_indirect_dma source(%dma_start3A_31 : memref<10000x128xf32, #tpu.memory_space<hbm>>) target(%arg12 : memref<128x128xf32, #tpu.memory_space<vmem>>) offsets(%dma_start3A_28 : memref<128xi32, #tpu.memory_space<vmem>>) semaphore(%arg14 : memref<!tpu.dma_semaphore, #tpu.memory_space<semaphore_mem>>)
      %scan3A = arith.constant 0 : i32
      %scan3A_32 = arith.constant 0 : i32
      %scan3A_33 = arith.constant 20 : i32
      %scan3A_34 = arith.addi %scan3A_32, %scan3A_33 : i32
      %scan3A_35 = arith.constant 1 : i32
      scf.for %scan3A_71 = %scan3A_32 to %scan3A_34 step %scan3A_35  : i32 {
        %mul3A_72 = arith.constant 2 : i32
        %mul3A_73 = arith.muli %mul3A_72, %scan3A_71 : i32
        %dma_wait3A_74 = arith.constant 0 : i32
        %dma_wait3A_75 = tpu.memref_slice %arg10[%mul3A_73, %dma_wait3A_74] : memref<40x128xi32, #tpu.memory_space<vmem>> -> memref<1x128xi32, #tpu.memory_space<vmem>>
        %dma_wait3A_76 = tpu.memref_squeeze %dma_wait3A_75 : memref<1x128xi32, #tpu.memory_space<vmem>> -> memref<128xi32, #tpu.memory_space<vmem>>
        %dma_wait3A_77 = arith.constant 0 : i32
        %dma_wait3A_78 = arith.constant 0 : i32
        %dma_wait3A_79 = tpu.memref_slice %arg3[%dma_wait3A_77, %dma_wait3A_78] : memref<10000x128xf32, #tpu.memory_space<hbm>> -> memref<10000x128xf32, #tpu.memory_space<hbm>>
        tpu.wait_indirect_dma semaphore(%arg14 : memref<!tpu.dma_semaphore, #tpu.memory_space<semaphore_mem>>) src(%dma_wait3A_79 : memref<10000x128xf32, #tpu.memory_space<hbm>>) dst(%arg12 : memref<128x128xf32, #tpu.memory_space<vmem>>)
        %dma_start3A_80 = arith.constant 0 : i32
        %dma_start3A_81 = tpu.memref_slice %arg11[%mul3A_73, %dma_start3A_80] : memref<40x128xi32, #tpu.memory_space<vmem>> -> memref<1x128xi32, #tpu.memory_space<vmem>>
        %dma_start3A_82 = tpu.memref_squeeze %dma_start3A_81 : memref<1x128xi32, #tpu.memory_space<vmem>> -> memref<128xi32, #tpu.memory_space<vmem>>
        %dma_start3A_83 = arith.constant 0 : i32
        %dma_start3A_84 = arith.constant 0 : i32
        %dma_start3A_85 = tpu.memref_slice %arg9[%dma_start3A_83, %dma_start3A_84] : memref<10112x128xf32, #tpu.memory_space<vmem_shared>> -> memref<10112x128xf32, #tpu.memory_space<vmem_shared>>
        tpu.enqueue_indirect_dma source(%arg12 : memref<128x128xf32, #tpu.memory_space<vmem>>) target(%dma_start3A_85 : memref<10112x128xf32, #tpu.memory_space<vmem_shared>>) offsets(%dma_start3A_82 : memref<128xi32, #tpu.memory_space<vmem>>) semaphore(%arg16 : memref<!tpu.dma_semaphore, #tpu.memory_space<semaphore_mem>>) {add = true}
        %gt3A = arith.constant 0 : i32
        %gt3A_86 = arith.cmpi sgt, %scan3A_71, %gt3A : i32
        %convert_element_type3A_87 = arith.extui %gt3A_86 : i1 to i32
        %cond3A_88 = arith.constant 0 : i32
        %cond3A_89 = arith.cmpi ne, %convert_element_type3A_87, %cond3A_88 : i32
        scf.if %cond3A_89 {
          %sub3A = arith.constant 1 : i32
          %sub3A_124 = arith.subi %mul3A_73, %sub3A : i32
          %dma_wait3A_125 = arith.constant 0 : i32
          %dma_wait3A_126 = tpu.memref_slice %arg11[%sub3A_124, %dma_wait3A_125] : memref<40x128xi32, #tpu.memory_space<vmem>> -> memref<1x128xi32, #tpu.memory_space<vmem>>
          %dma_wait3A_127 = tpu.memref_squeeze %dma_wait3A_126 : memref<1x128xi32, #tpu.memory_space<vmem>> -> memref<128xi32, #tpu.memory_space<vmem>>
          %dma_wait3A_128 = arith.constant 0 : i32
          %dma_wait3A_129 = arith.constant 0 : i32
          %dma_wait3A_130 = tpu.memref_slice %arg9[%dma_wait3A_128, %dma_wait3A_129] : memref<10112x128xf32, #tpu.memory_space<vmem_shared>> -> memref<10112x128xf32, #tpu.memory_space<vmem_shared>>
          tpu.wait_indirect_dma semaphore(%arg17 : memref<!tpu.dma_semaphore, #tpu.memory_space<semaphore_mem>>) src(%arg13 : memref<128x128xf32, #tpu.memory_space<vmem>>) dst(%dma_wait3A_130 : memref<10112x128xf32, #tpu.memory_space<vmem_shared>>)
        } else {
        }
        %add3A_90 = arith.constant 1 : i32
        %add3A_91 = arith.addi %mul3A_73, %add3A_90 : i32
        %dma_start3A_92 = arith.constant 0 : i32
        %dma_start3A_93 = tpu.memref_slice %arg10[%add3A_91, %dma_start3A_92] : memref<40x128xi32, #tpu.memory_space<vmem>> -> memref<1x128xi32, #tpu.memory_space<vmem>>
        %dma_start3A_94 = tpu.memref_squeeze %dma_start3A_93 : memref<1x128xi32, #tpu.memory_space<vmem>> -> memref<128xi32, #tpu.memory_space<vmem>>
        %dma_start3A_95 = arith.constant 0 : i32
        %dma_start3A_96 = arith.constant 0 : i32
        %dma_start3A_97 = tpu.memref_slice %arg3[%dma_start3A_95, %dma_start3A_96] : memref<10000x128xf32, #tpu.memory_space<hbm>> -> memref<10000x128xf32, #tpu.memory_space<hbm>>
        tpu.enqueue_indirect_dma source(%dma_start3A_97 : memref<10000x128xf32, #tpu.memory_space<hbm>>) target(%arg13 : memref<128x128xf32, #tpu.memory_space<vmem>>) offsets(%dma_start3A_94 : memref<128xi32, #tpu.memory_space<vmem>>) semaphore(%arg15 : memref<!tpu.dma_semaphore, #tpu.memory_space<semaphore_mem>>)
        %add3A_98 = arith.constant 1 : i32
        %add3A_99 = arith.addi %mul3A_73, %add3A_98 : i32
        %dma_wait3A_100 = arith.constant 0 : i32
        %dma_wait3A_101 = tpu.memref_slice %arg10[%add3A_99, %dma_wait3A_100] : memref<40x128xi32, #tpu.memory_space<vmem>> -> memref<1x128xi32, #tpu.memory_space<vmem>>
        %dma_wait3A_102 = tpu.memref_squeeze %dma_wait3A_101 : memref<1x128xi32, #tpu.memory_space<vmem>> -> memref<128xi32, #tpu.memory_space<vmem>>
        %dma_wait3A_103 = arith.constant 0 : i32
        %dma_wait3A_104 = arith.constant 0 : i32
        %dma_wait3A_105 = tpu.memref_slice %arg3[%dma_wait3A_103, %dma_wait3A_104] : memref<10000x128xf32, #tpu.memory_space<hbm>> -> memref<10000x128xf32, #tpu.memory_space<hbm>>
        tpu.wait_indirect_dma semaphore(%arg15 : memref<!tpu.dma_semaphore, #tpu.memory_space<semaphore_mem>>) src(%dma_wait3A_105 : memref<10000x128xf32, #tpu.memory_space<hbm>>) dst(%arg13 : memref<128x128xf32, #tpu.memory_space<vmem>>)
        %add3A_106 = arith.constant 1 : i32
        %add3A_107 = arith.addi %mul3A_73, %add3A_106 : i32
        %dma_start3A_108 = arith.constant 0 : i32
        %dma_start3A_109 = tpu.memref_slice %arg11[%add3A_107, %dma_start3A_108] : memref<40x128xi32, #tpu.memory_space<vmem>> -> memref<1x128xi32, #tpu.memory_space<vmem>>
        %dma_start3A_110 = tpu.memref_squeeze %dma_start3A_109 : memref<1x128xi32, #tpu.memory_space<vmem>> -> memref<128xi32, #tpu.memory_space<vmem>>
        %dma_start3A_111 = arith.constant 0 : i32
        %dma_start3A_112 = arith.constant 0 : i32
        %dma_start3A_113 = tpu.memref_slice %arg9[%dma_start3A_111, %dma_start3A_112] : memref<10112x128xf32, #tpu.memory_space<vmem_shared>> -> memref<10112x128xf32, #tpu.memory_space<vmem_shared>>
        tpu.enqueue_indirect_dma source(%arg13 : memref<128x128xf32, #tpu.memory_space<vmem>>) target(%dma_start3A_113 : memref<10112x128xf32, #tpu.memory_space<vmem_shared>>) offsets(%dma_start3A_110 : memref<128xi32, #tpu.memory_space<vmem>>) semaphore(%arg17 : memref<!tpu.dma_semaphore, #tpu.memory_space<semaphore_mem>>) {add = true}
        %dma_wait3A_114 = arith.constant 0 : i32
        %dma_wait3A_115 = tpu.memref_slice %arg11[%mul3A_73, %dma_wait3A_114] : memref<40x128xi32, #tpu.memory_space<vmem>> -> memref<1x128xi32, #tpu.memory_space<vmem>>
        %dma_wait3A_116 = tpu.memref_squeeze %dma_wait3A_115 : memref<1x128xi32, #tpu.memory_space<vmem>> -> memref<128xi32, #tpu.memory_space<vmem>>
        %dma_wait3A_117 = arith.constant 0 : i32
        %dma_wait3A_118 = arith.constant 0 : i32
        %dma_wait3A_119 = tpu.memref_slice %arg9[%dma_wait3A_117, %dma_wait3A_118] : memref<10112x128xf32, #tpu.memory_space<vmem_shared>> -> memref<10112x128xf32, #tpu.memory_space<vmem_shared>>
        tpu.wait_indirect_dma semaphore(%arg16 : memref<!tpu.dma_semaphore, #tpu.memory_space<semaphore_mem>>) src(%arg12 : memref<128x128xf32, #tpu.memory_space<vmem>>) dst(%dma_wait3A_119 : memref<10112x128xf32, #tpu.memory_space<vmem_shared>>)
        %lt3A = arith.constant 19 : i32
        %lt3A_120 = arith.cmpi slt, %scan3A_71, %lt3A : i32
        %convert_element_type3A_121 = arith.extui %lt3A_120 : i1 to i32
        %cond3A_122 = arith.constant 0 : i32
        %cond3A_123 = arith.cmpi ne, %convert_element_type3A_121, %cond3A_122 : i32
        scf.if %cond3A_123 {
          %add3A_124 = arith.constant 2 : i32
          %add3A_125 = arith.addi %mul3A_73, %add3A_124 : i32
          %dma_start3A_126 = arith.constant 0 : i32
          %dma_start3A_127 = tpu.memref_slice %arg10[%add3A_125, %dma_start3A_126] : memref<40x128xi32, #tpu.memory_space<vmem>> -> memref<1x128xi32, #tpu.memory_space<vmem>>
          %dma_start3A_128 = tpu.memref_squeeze %dma_start3A_127 : memref<1x128xi32, #tpu.memory_space<vmem>> -> memref<128xi32, #tpu.memory_space<vmem>>
          %dma_start3A_129 = arith.constant 0 : i32
          %dma_start3A_130 = arith.constant 0 : i32
          %dma_start3A_131 = tpu.memref_slice %arg3[%dma_start3A_129, %dma_start3A_130] : memref<10000x128xf32, #tpu.memory_space<hbm>> -> memref<10000x128xf32, #tpu.memory_space<hbm>>
          tpu.enqueue_indirect_dma source(%dma_start3A_131 : memref<10000x128xf32, #tpu.memory_space<hbm>>) target(%arg12 : memref<128x128xf32, #tpu.memory_space<vmem>>) offsets(%dma_start3A_128 : memref<128xi32, #tpu.memory_space<vmem>>) semaphore(%arg14 : memref<!tpu.dma_semaphore, #tpu.memory_space<semaphore_mem>>)
        } else {
        }
      }
      %scan3A_36 = arith.constant 20 : i32
      %dma_wait3A = arith.constant 39 : i32
      %dma_wait3A_37 = arith.constant 0 : i32
      %dma_wait3A_38 = tpu.memref_slice %arg11[%dma_wait3A, %dma_wait3A_37] : memref<40x128xi32, #tpu.memory_space<vmem>> -> memref<1x128xi32, #tpu.memory_space<vmem>>
      %dma_wait3A_39 = tpu.memref_squeeze %dma_wait3A_38 : memref<1x128xi32, #tpu.memory_space<vmem>> -> memref<128xi32, #tpu.memory_space<vmem>>
      %dma_wait3A_40 = arith.constant 0 : i32
      %dma_wait3A_41 = arith.constant 0 : i32
      %dma_wait3A_42 = tpu.memref_slice %arg9[%dma_wait3A_40, %dma_wait3A_41] : memref<10112x128xf32, #tpu.memory_space<vmem_shared>> -> memref<10112x128xf32, #tpu.memory_space<vmem_shared>>
      tpu.wait_indirect_dma semaphore(%arg17 : memref<!tpu.dma_semaphore, #tpu.memory_space<semaphore_mem>>) src(%arg13 : memref<128x128xf32, #tpu.memory_space<vmem>>) dst(%dma_wait3A_42 : memref<10112x128xf32, #tpu.memory_space<vmem_shared>>)
      %mul3A_43 = arith.constant 2 : i32
      %mul3A_44 = arith.muli %mul3A_43, %arg1 : i32
      %add3A_45 = arith.constant 1 : i32
      %add3A_46 = arith.addi %mul3A_44, %add3A_45 : i32
      "tpu.region"() ({
        %run_scoped3A = tpu.sem_alloc : memref<!tpu.dma_semaphore, #tpu.memory_space<semaphore_mem>>
        %dma_start3A_71 = arith.constant 0 : i32
        %dma_start3A_72 = arith.constant 0 : i32
        %dma_start3A_73 = tpu.memref_slice %arg4[%add3A_46, %dma_start3A_71, %dma_start3A_72] : memref<32x40x128xi32, #tpu.memory_space<hbm>> -> memref<1x40x128xi32, #tpu.memory_space<hbm>>
        %dma_start3A_74 = tpu.memref_squeeze %dma_start3A_73 : memref<1x40x128xi32, #tpu.memory_space<hbm>> -> memref<40x128xi32, #tpu.memory_space<hbm>>
        %dma_start3A_75 = arith.constant 0 : i32
        %dma_start3A_76 = arith.constant 0 : i32
        %dma_start3A_77 = tpu.memref_slice %arg4[%add3A_46, %dma_start3A_75, %dma_start3A_76] : memref<32x40x128xi32, #tpu.memory_space<hbm>> -> memref<1x40x128xi32, #tpu.memory_space<hbm>>
        %dma_start3A_78 = tpu.memref_squeeze %dma_start3A_77 : memref<1x40x128xi32, #tpu.memory_space<hbm>> -> memref<40x128xi32, #tpu.memory_space<hbm>>
        tpu.enqueue_dma source(%dma_start3A_78 : memref<40x128xi32, #tpu.memory_space<hbm>>) target(%arg10 : memref<40x128xi32, #tpu.memory_space<vmem>>) target_semaphore(%run_scoped3A : memref<!tpu.dma_semaphore, #tpu.memory_space<semaphore_mem>>)
        %dma_wait3A_79 = arith.constant 0 : i32
        %dma_wait3A_80 = arith.constant 0 : i32
        %dma_wait3A_81 = tpu.memref_slice %arg4[%add3A_46, %dma_wait3A_79, %dma_wait3A_80] : memref<32x40x128xi32, #tpu.memory_space<hbm>> -> memref<1x40x128xi32, #tpu.memory_space<hbm>>
        %dma_wait3A_82 = tpu.memref_squeeze %dma_wait3A_81 : memref<1x40x128xi32, #tpu.memory_space<hbm>> -> memref<40x128xi32, #tpu.memory_space<hbm>>
        %dma_wait3A_83 = arith.constant 0 : i32
        %dma_wait3A_84 = arith.constant 0 : i32
        %dma_wait3A_85 = tpu.memref_slice %arg4[%add3A_46, %dma_wait3A_83, %dma_wait3A_84] : memref<32x40x128xi32, #tpu.memory_space<hbm>> -> memref<1x40x128xi32, #tpu.memory_space<hbm>>
        %dma_wait3A_86 = tpu.memref_squeeze %dma_wait3A_85 : memref<1x40x128xi32, #tpu.memory_space<hbm>> -> memref<40x128xi32, #tpu.memory_space<hbm>>
        tpu.wait_dma2 semaphore(%run_scoped3A : memref<!tpu.dma_semaphore, #tpu.memory_space<semaphore_mem>>) src(%dma_wait3A_86 : memref<40x128xi32, #tpu.memory_space<hbm>>) dst(%arg10 : memref<40x128xi32, #tpu.memory_space<vmem>>)
        tpu.yield
      }) : () -> ()
      %mul3A_47 = arith.constant 2 : i32
      %mul3A_48 = arith.muli %mul3A_47, %arg1 : i32
      %add3A_49 = arith.constant 1 : i32
      %add3A_50 = arith.addi %mul3A_48, %add3A_49 : i32
      "tpu.region"() ({
        %run_scoped3A = tpu.sem_alloc : memref<!tpu.dma_semaphore, #tpu.memory_space<semaphore_mem>>
        %dma_start3A_71 = arith.constant 0 : i32
        %dma_start3A_72 = arith.constant 0 : i32
        %dma_start3A_73 = tpu.memref_slice %arg5[%add3A_50, %dma_start3A_71, %dma_start3A_72] : memref<32x40x128xi32, #tpu.memory_space<hbm>> -> memref<1x40x128xi32, #tpu.memory_space<hbm>>
        %dma_start3A_74 = tpu.memref_squeeze %dma_start3A_73 : memref<1x40x128xi32, #tpu.memory_space<hbm>> -> memref<40x128xi32, #tpu.memory_space<hbm>>
        %dma_start3A_75 = arith.constant 0 : i32
        %dma_start3A_76 = arith.constant 0 : i32
        %dma_start3A_77 = tpu.memref_slice %arg5[%add3A_50, %dma_start3A_75, %dma_start3A_76] : memref<32x40x128xi32, #tpu.memory_space<hbm>> -> memref<1x40x128xi32, #tpu.memory_space<hbm>>
        %dma_start3A_78 = tpu.memref_squeeze %dma_start3A_77 : memref<1x40x128xi32, #tpu.memory_space<hbm>> -> memref<40x128xi32, #tpu.memory_space<hbm>>
        tpu.enqueue_dma source(%dma_start3A_78 : memref<40x128xi32, #tpu.memory_space<hbm>>) target(%arg11 : memref<40x128xi32, #tpu.memory_space<vmem>>) target_semaphore(%run_scoped3A : memref<!tpu.dma_semaphore, #tpu.memory_space<semaphore_mem>>)
        %dma_wait3A_79 = arith.constant 0 : i32
        %dma_wait3A_80 = arith.constant 0 : i32
        %dma_wait3A_81 = tpu.memref_slice %arg5[%add3A_50, %dma_wait3A_79, %dma_wait3A_80] : memref<32x40x128xi32, #tpu.memory_space<hbm>> -> memref<1x40x128xi32, #tpu.memory_space<hbm>>
        %dma_wait3A_82 = tpu.memref_squeeze %dma_wait3A_81 : memref<1x40x128xi32, #tpu.memory_space<hbm>> -> memref<40x128xi32, #tpu.memory_space<hbm>>
        %dma_wait3A_83 = arith.constant 0 : i32
        %dma_wait3A_84 = arith.constant 0 : i32
        %dma_wait3A_85 = tpu.memref_slice %arg5[%add3A_50, %dma_wait3A_83, %dma_wait3A_84] : memref<32x40x128xi32, #tpu.memory_space<hbm>> -> memref<1x40x128xi32, #tpu.memory_space<hbm>>
        %dma_wait3A_86 = tpu.memref_squeeze %dma_wait3A_85 : memref<1x40x128xi32, #tpu.memory_space<hbm>> -> memref<40x128xi32, #tpu.memory_space<hbm>>
        tpu.wait_dma2 semaphore(%run_scoped3A : memref<!tpu.dma_semaphore, #tpu.memory_space<semaphore_mem>>) src(%dma_wait3A_86 : memref<40x128xi32, #tpu.memory_space<hbm>>) dst(%arg11 : memref<40x128xi32, #tpu.memory_space<vmem>>)
        tpu.yield
      }) : () -> ()
      %dma_start3A_51 = arith.constant 0 : i32
      %dma_start3A_52 = arith.constant 0 : i32
      %dma_start3A_53 = tpu.memref_slice %arg10[%dma_start3A_51, %dma_start3A_52] : memref<40x128xi32, #tpu.memory_space<vmem>> -> memref<1x128xi32, #tpu.memory_space<vmem>>
      %dma_start3A_54 = tpu.memref_squeeze %dma_start3A_53 : memref<1x128xi32, #tpu.memory_space<vmem>> -> memref<128xi32, #tpu.memory_space<vmem>>
      %dma_start3A_55 = arith.constant 0 : i32
      %dma_start3A_56 = arith.constant 0 : i32
      %dma_start3A_57 = tpu.memref_slice %arg3[%dma_start3A_55, %dma_start3A_56] : memref<10000x128xf32, #tpu.memory_space<hbm>> -> memref<10000x128xf32, #tpu.memory_space<hbm>>
      tpu.enqueue_indirect_dma source(%dma_start3A_57 : memref<10000x128xf32, #tpu.memory_space<hbm>>) target(%arg12 : memref<128x128xf32, #tpu.memory_space<vmem>>) offsets(%dma_start3A_54 : memref<128xi32, #tpu.memory_space<vmem>>) semaphore(%arg14 : memref<!tpu.dma_semaphore, #tpu.memory_space<semaphore_mem>>)
      %scan3A_58 = arith.constant 0 : i32
      %scan3A_59 = arith.constant 0 : i32
      %scan3A_60 = arith.constant 20 : i32
      %scan3A_61 = arith.addi %scan3A_59, %scan3A_60 : i32
      %scan3A_62 = arith.constant 1 : i32
      scf.for %scan3A_71 = %scan3A_59 to %scan3A_61 step %scan3A_62  : i32 {
        %mul3A_72 = arith.constant 2 : i32
        %mul3A_73 = arith.muli %mul3A_72, %scan3A_71 : i32
        %dma_wait3A_74 = arith.constant 0 : i32
        %dma_wait3A_75 = tpu.memref_slice %arg10[%mul3A_73, %dma_wait3A_74] : memref<40x128xi32, #tpu.memory_space<vmem>> -> memref<1x128xi32, #tpu.memory_space<vmem>>
        %dma_wait3A_76 = tpu.memref_squeeze %dma_wait3A_75 : memref<1x128xi32, #tpu.memory_space<vmem>> -> memref<128xi32, #tpu.memory_space<vmem>>
        %dma_wait3A_77 = arith.constant 0 : i32
        %dma_wait3A_78 = arith.constant 0 : i32
        %dma_wait3A_79 = tpu.memref_slice %arg3[%dma_wait3A_77, %dma_wait3A_78] : memref<10000x128xf32, #tpu.memory_space<hbm>> -> memref<10000x128xf32, #tpu.memory_space<hbm>>
        tpu.wait_indirect_dma semaphore(%arg14 : memref<!tpu.dma_semaphore, #tpu.memory_space<semaphore_mem>>) src(%dma_wait3A_79 : memref<10000x128xf32, #tpu.memory_space<hbm>>) dst(%arg12 : memref<128x128xf32, #tpu.memory_space<vmem>>)
        %dma_start3A_80 = arith.constant 0 : i32
        %dma_start3A_81 = tpu.memref_slice %arg11[%mul3A_73, %dma_start3A_80] : memref<40x128xi32, #tpu.memory_space<vmem>> -> memref<1x128xi32, #tpu.memory_space<vmem>>
        %dma_start3A_82 = tpu.memref_squeeze %dma_start3A_81 : memref<1x128xi32, #tpu.memory_space<vmem>> -> memref<128xi32, #tpu.memory_space<vmem>>
        %dma_start3A_83 = arith.constant 0 : i32
        %dma_start3A_84 = arith.constant 0 : i32
        %dma_start3A_85 = tpu.memref_slice %arg9[%dma_start3A_83, %dma_start3A_84] : memref<10112x128xf32, #tpu.memory_space<vmem_shared>> -> memref<10112x128xf32, #tpu.memory_space<vmem_shared>>
        tpu.enqueue_indirect_dma source(%arg12 : memref<128x128xf32, #tpu.memory_space<vmem>>) target(%dma_start3A_85 : memref<10112x128xf32, #tpu.memory_space<vmem_shared>>) offsets(%dma_start3A_82 : memref<128xi32, #tpu.memory_space<vmem>>) semaphore(%arg16 : memref<!tpu.dma_semaphore, #tpu.memory_space<semaphore_mem>>) {add = true}
        %gt3A = arith.constant 0 : i32
        %gt3A_86 = arith.cmpi sgt, %scan3A_71, %gt3A : i32
        %convert_element_type3A_87 = arith.extui %gt3A_86 : i1 to i32
        %cond3A_88 = arith.constant 0 : i32
        %cond3A_89 = arith.cmpi ne, %convert_element_type3A_87, %cond3A_88 : i32
        scf.if %cond3A_89 {
          %sub3A = arith.constant 1 : i32
          %sub3A_124 = arith.subi %mul3A_73, %sub3A : i32
          %dma_wait3A_125 = arith.constant 0 : i32
          %dma_wait3A_126 = tpu.memref_slice %arg11[%sub3A_124, %dma_wait3A_125] : memref<40x128xi32, #tpu.memory_space<vmem>> -> memref<1x128xi32, #tpu.memory_space<vmem>>
          %dma_wait3A_127 = tpu.memref_squeeze %dma_wait3A_126 : memref<1x128xi32, #tpu.memory_space<vmem>> -> memref<128xi32, #tpu.memory_space<vmem>>
          %dma_wait3A_128 = arith.constant 0 : i32
          %dma_wait3A_129 = arith.constant 0 : i32
          %dma_wait3A_130 = tpu.memref_slice %arg9[%dma_wait3A_128, %dma_wait3A_129] : memref<10112x128xf32, #tpu.memory_space<vmem_shared>> -> memref<10112x128xf32, #tpu.memory_space<vmem_shared>>
          tpu.wait_indirect_dma semaphore(%arg17 : memref<!tpu.dma_semaphore, #tpu.memory_space<semaphore_mem>>) src(%arg13 : memref<128x128xf32, #tpu.memory_space<vmem>>) dst(%dma_wait3A_130 : memref<10112x128xf32, #tpu.memory_space<vmem_shared>>)
        } else {
        }
        %add3A_90 = arith.constant 1 : i32
        %add3A_91 = arith.addi %mul3A_73, %add3A_90 : i32
        %dma_start3A_92 = arith.constant 0 : i32
        %dma_start3A_93 = tpu.memref_slice %arg10[%add3A_91, %dma_start3A_92] : memref<40x128xi32, #tpu.memory_space<vmem>> -> memref<1x128xi32, #tpu.memory_space<vmem>>
        %dma_start3A_94 = tpu.memref_squeeze %dma_start3A_93 : memref<1x128xi32, #tpu.memory_space<vmem>> -> memref<128xi32, #tpu.memory_space<vmem>>
        %dma_start3A_95 = arith.constant 0 : i32
        %dma_start3A_96 = arith.constant 0 : i32
        %dma_start3A_97 = tpu.memref_slice %arg3[%dma_start3A_95, %dma_start3A_96] : memref<10000x128xf32, #tpu.memory_space<hbm>> -> memref<10000x128xf32, #tpu.memory_space<hbm>>
        tpu.enqueue_indirect_dma source(%dma_start3A_97 : memref<10000x128xf32, #tpu.memory_space<hbm>>) target(%arg13 : memref<128x128xf32, #tpu.memory_space<vmem>>) offsets(%dma_start3A_94 : memref<128xi32, #tpu.memory_space<vmem>>) semaphore(%arg15 : memref<!tpu.dma_semaphore, #tpu.memory_space<semaphore_mem>>)
        %add3A_98 = arith.constant 1 : i32
        %add3A_99 = arith.addi %mul3A_73, %add3A_98 : i32
        %dma_wait3A_100 = arith.constant 0 : i32
        %dma_wait3A_101 = tpu.memref_slice %arg10[%add3A_99, %dma_wait3A_100] : memref<40x128xi32, #tpu.memory_space<vmem>> -> memref<1x128xi32, #tpu.memory_space<vmem>>
        %dma_wait3A_102 = tpu.memref_squeeze %dma_wait3A_101 : memref<1x128xi32, #tpu.memory_space<vmem>> -> memref<128xi32, #tpu.memory_space<vmem>>
        %dma_wait3A_103 = arith.constant 0 : i32
        %dma_wait3A_104 = arith.constant 0 : i32
        %dma_wait3A_105 = tpu.memref_slice %arg3[%dma_wait3A_103, %dma_wait3A_104] : memref<10000x128xf32, #tpu.memory_space<hbm>> -> memref<10000x128xf32, #tpu.memory_space<hbm>>
        tpu.wait_indirect_dma semaphore(%arg15 : memref<!tpu.dma_semaphore, #tpu.memory_space<semaphore_mem>>) src(%dma_wait3A_105 : memref<10000x128xf32, #tpu.memory_space<hbm>>) dst(%arg13 : memref<128x128xf32, #tpu.memory_space<vmem>>)
        %add3A_106 = arith.constant 1 : i32
        %add3A_107 = arith.addi %mul3A_73, %add3A_106 : i32
        %dma_start3A_108 = arith.constant 0 : i32
        %dma_start3A_109 = tpu.memref_slice %arg11[%add3A_107, %dma_start3A_108] : memref<40x128xi32, #tpu.memory_space<vmem>> -> memref<1x128xi32, #tpu.memory_space<vmem>>
        %dma_start3A_110 = tpu.memref_squeeze %dma_start3A_109 : memref<1x128xi32, #tpu.memory_space<vmem>> -> memref<128xi32, #tpu.memory_space<vmem>>
        %dma_start3A_111 = arith.constant 0 : i32
        %dma_start3A_112 = arith.constant 0 : i32
        %dma_start3A_113 = tpu.memref_slice %arg9[%dma_start3A_111, %dma_start3A_112] : memref<10112x128xf32, #tpu.memory_space<vmem_shared>> -> memref<10112x128xf32, #tpu.memory_space<vmem_shared>>
        tpu.enqueue_indirect_dma source(%arg13 : memref<128x128xf32, #tpu.memory_space<vmem>>) target(%dma_start3A_113 : memref<10112x128xf32, #tpu.memory_space<vmem_shared>>) offsets(%dma_start3A_110 : memref<128xi32, #tpu.memory_space<vmem>>) semaphore(%arg17 : memref<!tpu.dma_semaphore, #tpu.memory_space<semaphore_mem>>) {add = true}
        %dma_wait3A_114 = arith.constant 0 : i32
        %dma_wait3A_115 = tpu.memref_slice %arg11[%mul3A_73, %dma_wait3A_114] : memref<40x128xi32, #tpu.memory_space<vmem>> -> memref<1x128xi32, #tpu.memory_space<vmem>>
        %dma_wait3A_116 = tpu.memref_squeeze %dma_wait3A_115 : memref<1x128xi32, #tpu.memory_space<vmem>> -> memref<128xi32, #tpu.memory_space<vmem>>
        %dma_wait3A_117 = arith.constant 0 : i32
        %dma_wait3A_118 = arith.constant 0 : i32
        %dma_wait3A_119 = tpu.memref_slice %arg9[%dma_wait3A_117, %dma_wait3A_118] : memref<10112x128xf32, #tpu.memory_space<vmem_shared>> -> memref<10112x128xf32, #tpu.memory_space<vmem_shared>>
        tpu.wait_indirect_dma semaphore(%arg16 : memref<!tpu.dma_semaphore, #tpu.memory_space<semaphore_mem>>) src(%arg12 : memref<128x128xf32, #tpu.memory_space<vmem>>) dst(%dma_wait3A_119 : memref<10112x128xf32, #tpu.memory_space<vmem_shared>>)
        %lt3A = arith.constant 19 : i32
        %lt3A_120 = arith.cmpi slt, %scan3A_71, %lt3A : i32
        %convert_element_type3A_121 = arith.extui %lt3A_120 : i1 to i32
        %cond3A_122 = arith.constant 0 : i32
        %cond3A_123 = arith.cmpi ne, %convert_element_type3A_121, %cond3A_122 : i32
        scf.if %cond3A_123 {
          %add3A_124 = arith.constant 2 : i32
          %add3A_125 = arith.addi %mul3A_73, %add3A_124 : i32
          %dma_start3A_126 = arith.constant 0 : i32
          %dma_start3A_127 = tpu.memref_slice %arg10[%add3A_125, %dma_start3A_126] : memref<40x128xi32, #tpu.memory_space<vmem>> -> memref<1x128xi32, #tpu.memory_space<vmem>>
          %dma_start3A_128 = tpu.memref_squeeze %dma_start3A_127 : memref<1x128xi32, #tpu.memory_space<vmem>> -> memref<128xi32, #tpu.memory_space<vmem>>
          %dma_start3A_129 = arith.constant 0 : i32
          %dma_start3A_130 = arith.constant 0 : i32
          %dma_start3A_131 = tpu.memref_slice %arg3[%dma_start3A_129, %dma_start3A_130] : memref<10000x128xf32, #tpu.memory_space<hbm>> -> memref<10000x128xf32, #tpu.memory_space<hbm>>
          tpu.enqueue_indirect_dma source(%dma_start3A_131 : memref<10000x128xf32, #tpu.memory_space<hbm>>) target(%arg12 : memref<128x128xf32, #tpu.memory_space<vmem>>) offsets(%dma_start3A_128 : memref<128xi32, #tpu.memory_space<vmem>>) semaphore(%arg14 : memref<!tpu.dma_semaphore, #tpu.memory_space<semaphore_mem>>)
        } else {
        }
      }
      %scan3A_63 = arith.constant 20 : i32
      %dma_wait3A_64 = arith.constant 39 : i32
      %dma_wait3A_65 = arith.constant 0 : i32
      %dma_wait3A_66 = tpu.memref_slice %arg11[%dma_wait3A_64, %dma_wait3A_65] : memref<40x128xi32, #tpu.memory_space<vmem>> -> memref<1x128xi32, #tpu.memory_space<vmem>>
      %dma_wait3A_67 = tpu.memref_squeeze %dma_wait3A_66 : memref<1x128xi32, #tpu.memory_space<vmem>> -> memref<128xi32, #tpu.memory_space<vmem>>
      %dma_wait3A_68 = arith.constant 0 : i32
      %dma_wait3A_69 = arith.constant 0 : i32
      %dma_wait3A_70 = tpu.memref_slice %arg9[%dma_wait3A_68, %dma_wait3A_69] : memref<10112x128xf32, #tpu.memory_space<vmem_shared>> -> memref<10112x128xf32, #tpu.memory_space<vmem_shared>>
      tpu.wait_indirect_dma semaphore(%arg17 : memref<!tpu.dma_semaphore, #tpu.memory_space<semaphore_mem>>) src(%arg13 : memref<128x128xf32, #tpu.memory_space<vmem>>) dst(%dma_wait3A_70 : memref<10112x128xf32, #tpu.memory_space<vmem_shared>>)
    } else {
    }
    %barrier3A_8 = arith.constant 0 : index
    tpu.barrier barrier_id(%barrier3A_8)
    %eq3A_9 = arith.constant 0 : i32
    %eq3A_10 = arith.cmpi eq, %arg0, %eq3A_9 : i32
    %convert_element_type3A_11 = arith.extui %eq3A_10 : i1 to i32
    %cond3A_12 = arith.constant 0 : i32
    %cond3A_13 = arith.cmpi ne, %convert_element_type3A_11, %cond3A_12 : i32
    scf.if %cond3A_13 {
      %mul3A_19 = arith.constant 624 : i32
      %mul3A_20 = arith.muli %arg1, %mul3A_19 : i32
      "tpu.region"() ({
        %run_scoped3A = tpu.sem_alloc : memref<!tpu.dma_semaphore, #tpu.memory_space<semaphore_mem>>
        %dma_start3A = arith.constant 0 : i32
        %dma_start3A_26 = tpu.memref_slice %arg7[%mul3A_20, %dma_start3A] : memref<10000x128xf32, #tpu.memory_space<hbm>> -> memref<624x128xf32, #tpu.memory_space<hbm>>
        %dma_start3A_27 = arith.constant 0 : i32
        %dma_start3A_28 = tpu.memref_slice %arg9[%mul3A_20, %dma_start3A_27] : memref<10112x128xf32, #tpu.memory_space<vmem_shared>> -> memref<624x128xf32, #tpu.memory_space<vmem_shared>>
        tpu.enqueue_dma source(%dma_start3A_28 : memref<624x128xf32, #tpu.memory_space<vmem_shared>>) target(%dma_start3A_26 : memref<624x128xf32, #tpu.memory_space<hbm>>) target_semaphore(%run_scoped3A : memref<!tpu.dma_semaphore, #tpu.memory_space<semaphore_mem>>)
        %dma_wait3A = arith.constant 0 : i32
        %dma_wait3A_29 = tpu.memref_slice %arg7[%mul3A_20, %dma_wait3A] : memref<10000x128xf32, #tpu.memory_space<hbm>> -> memref<624x128xf32, #tpu.memory_space<hbm>>
        %dma_wait3A_30 = arith.constant 0 : i32
        %dma_wait3A_31 = tpu.memref_slice %arg9[%mul3A_20, %dma_wait3A_30] : memref<10112x128xf32, #tpu.memory_space<vmem_shared>> -> memref<624x128xf32, #tpu.memory_space<vmem_shared>>
        tpu.wait_dma2 semaphore(%run_scoped3A : memref<!tpu.dma_semaphore, #tpu.memory_space<semaphore_mem>>) src(%dma_wait3A_31 : memref<624x128xf32, #tpu.memory_space<vmem_shared>>) dst(%dma_wait3A_29 : memref<624x128xf32, #tpu.memory_space<hbm>>)
        tpu.yield
      }) : () -> ()
      %eq3A_21 = arith.constant 15 : i32
      %eq3A_22 = arith.cmpi eq, %arg1, %eq3A_21 : i32
      %convert_element_type3A_23 = arith.extui %eq3A_22 : i1 to i32
      %cond3A_24 = arith.constant 0 : i32
      %cond3A_25 = arith.cmpi ne, %convert_element_type3A_23, %cond3A_24 : i32
      scf.if %cond3A_25 {
        "tpu.region"() ({
          %run_scoped3A = tpu.sem_alloc : memref<!tpu.dma_semaphore, #tpu.memory_space<semaphore_mem>>
          %dma_start3A = arith.constant 9984 : i32
          %dma_start3A_26 = arith.constant 0 : i32
          %dma_start3A_27 = tpu.memref_slice %arg7[%dma_start3A, %dma_start3A_26] : memref<10000x128xf32, #tpu.memory_space<hbm>> -> memref<16x128xf32, #tpu.memory_space<hbm>>
          %dma_start3A_28 = arith.constant 9984 : i32
          %dma_start3A_29 = arith.constant 0 : i32
          %dma_start3A_30 = tpu.memref_slice %arg9[%dma_start3A_28, %dma_start3A_29] : memref<10112x128xf32, #tpu.memory_space<vmem_shared>> -> memref<16x128xf32, #tpu.memory_space<vmem_shared>>
          tpu.enqueue_dma source(%dma_start3A_30 : memref<16x128xf32, #tpu.memory_space<vmem_shared>>) target(%dma_start3A_27 : memref<16x128xf32, #tpu.memory_space<hbm>>) target_semaphore(%run_scoped3A : memref<!tpu.dma_semaphore, #tpu.memory_space<semaphore_mem>>)
          %dma_wait3A = arith.constant 9984 : i32
          %dma_wait3A_31 = arith.constant 0 : i32
          %dma_wait3A_32 = tpu.memref_slice %arg7[%dma_wait3A, %dma_wait3A_31] : memref<10000x128xf32, #tpu.memory_space<hbm>> -> memref<16x128xf32, #tpu.memory_space<hbm>>
          %dma_wait3A_33 = arith.constant 9984 : i32
          %dma_wait3A_34 = arith.constant 0 : i32
          %dma_wait3A_35 = tpu.memref_slice %arg9[%dma_wait3A_33, %dma_wait3A_34] : memref<10112x128xf32, #tpu.memory_space<vmem_shared>> -> memref<16x128xf32, #tpu.memory_space<vmem_shared>>
          tpu.wait_dma2 semaphore(%run_scoped3A : memref<!tpu.dma_semaphore, #tpu.memory_space<semaphore_mem>>) src(%dma_wait3A_35 : memref<16x128xf32, #tpu.memory_space<vmem_shared>>) dst(%dma_wait3A_32 : memref<16x128xf32, #tpu.memory_space<hbm>>)
          tpu.yield
        }) : () -> ()
      } else {
      }
    } else {
    }
    %eq3A_14 = arith.constant 1 : i32
    %eq3A_15 = arith.cmpi eq, %arg0, %eq3A_14 : i32
    %convert_element_type3A_16 = arith.extui %eq3A_15 : i1 to i32
    %cond3A_17 = arith.constant 0 : i32
    %cond3A_18 = arith.cmpi ne, %convert_element_type3A_16, %cond3A_17 : i32
    scf.if %cond3A_18 {
      %mul3A_19 = arith.constant 624 : i32
      %mul3A_20 = arith.muli %arg1, %mul3A_19 : i32
      "tpu.region"() ({
        %run_scoped3A = tpu.sem_alloc : memref<!tpu.dma_semaphore, #tpu.memory_space<semaphore_mem>>
        %dma_start3A = arith.constant 0 : i32
        %dma_start3A_26 = tpu.memref_slice %arg8[%mul3A_20, %dma_start3A] : memref<10000x128xf32, #tpu.memory_space<hbm>> -> memref<624x128xf32, #tpu.memory_space<hbm>>
        %dma_start3A_27 = arith.constant 0 : i32
        %dma_start3A_28 = tpu.memref_slice %arg9[%mul3A_20, %dma_start3A_27] : memref<10112x128xf32, #tpu.memory_space<vmem_shared>> -> memref<624x128xf32, #tpu.memory_space<vmem_shared>>
        tpu.enqueue_dma source(%dma_start3A_28 : memref<624x128xf32, #tpu.memory_space<vmem_shared>>) target(%dma_start3A_26 : memref<624x128xf32, #tpu.memory_space<hbm>>) target_semaphore(%run_scoped3A : memref<!tpu.dma_semaphore, #tpu.memory_space<semaphore_mem>>)
        %dma_wait3A = arith.constant 0 : i32
        %dma_wait3A_29 = tpu.memref_slice %arg8[%mul3A_20, %dma_wait3A] : memref<10000x128xf32, #tpu.memory_space<hbm>> -> memref<624x128xf32, #tpu.memory_space<hbm>>
        %dma_wait3A_30 = arith.constant 0 : i32
        %dma_wait3A_31 = tpu.memref_slice %arg9[%mul3A_20, %dma_wait3A_30] : memref<10112x128xf32, #tpu.memory_space<vmem_shared>> -> memref<624x128xf32, #tpu.memory_space<vmem_shared>>
        tpu.wait_dma2 semaphore(%run_scoped3A : memref<!tpu.dma_semaphore, #tpu.memory_space<semaphore_mem>>) src(%dma_wait3A_31 : memref<624x128xf32, #tpu.memory_space<vmem_shared>>) dst(%dma_wait3A_29 : memref<624x128xf32, #tpu.memory_space<hbm>>)
        tpu.yield
      }) : () -> ()
      %eq3A_21 = arith.constant 15 : i32
      %eq3A_22 = arith.cmpi eq, %arg1, %eq3A_21 : i32
      %convert_element_type3A_23 = arith.extui %eq3A_22 : i1 to i32
      %cond3A_24 = arith.constant 0 : i32
      %cond3A_25 = arith.cmpi ne, %convert_element_type3A_23, %cond3A_24 : i32
      scf.if %cond3A_25 {
        "tpu.region"() ({
          %run_scoped3A = tpu.sem_alloc : memref<!tpu.dma_semaphore, #tpu.memory_space<semaphore_mem>>
          %dma_start3A = arith.constant 9984 : i32
          %dma_start3A_26 = arith.constant 0 : i32
          %dma_start3A_27 = tpu.memref_slice %arg8[%dma_start3A, %dma_start3A_26] : memref<10000x128xf32, #tpu.memory_space<hbm>> -> memref<16x128xf32, #tpu.memory_space<hbm>>
          %dma_start3A_28 = arith.constant 9984 : i32
          %dma_start3A_29 = arith.constant 0 : i32
          %dma_start3A_30 = tpu.memref_slice %arg9[%dma_start3A_28, %dma_start3A_29] : memref<10112x128xf32, #tpu.memory_space<vmem_shared>> -> memref<16x128xf32, #tpu.memory_space<vmem_shared>>
          tpu.enqueue_dma source(%dma_start3A_30 : memref<16x128xf32, #tpu.memory_space<vmem_shared>>) target(%dma_start3A_27 : memref<16x128xf32, #tpu.memory_space<hbm>>) target_semaphore(%run_scoped3A : memref<!tpu.dma_semaphore, #tpu.memory_space<semaphore_mem>>)
          %dma_wait3A = arith.constant 9984 : i32
          %dma_wait3A_31 = arith.constant 0 : i32
          %dma_wait3A_32 = tpu.memref_slice %arg8[%dma_wait3A, %dma_wait3A_31] : memref<10000x128xf32, #tpu.memory_space<hbm>> -> memref<16x128xf32, #tpu.memory_space<hbm>>
          %dma_wait3A_33 = arith.constant 9984 : i32
          %dma_wait3A_34 = arith.constant 0 : i32
          %dma_wait3A_35 = tpu.memref_slice %arg9[%dma_wait3A_33, %dma_wait3A_34] : memref<10112x128xf32, #tpu.memory_space<vmem_shared>> -> memref<16x128xf32, #tpu.memory_space<vmem_shared>>
          tpu.wait_dma2 semaphore(%run_scoped3A : memref<!tpu.dma_semaphore, #tpu.memory_space<semaphore_mem>>) src(%dma_wait3A_35 : memref<16x128xf32, #tpu.memory_space<vmem_shared>>) dst(%dma_wait3A_32 : memref<16x128xf32, #tpu.memory_space<hbm>>)
          tpu.yield
        }) : () -> ()
      } else {
      }
    } else {
    }
    return
  }
}

#map = affine_map<(d0, d1) -> (0, 0)>
#map1 = affine_map<(d0, d1) -> (0, 0, 0)>
module attributes {stable_mosaic.version = 14 : i64} {
  func.func @seg(%arg0: i32, %arg1: i32, %arg2: memref<10000x128xf32, #tpu.memory_space<hbm>>, %arg3: memref<32x40x128xi32, #tpu.memory_space<hbm>>, %arg4: memref<32x40x128xi32, #tpu.memory_space<hbm>>, %arg5: memref<632x128xf32, #tpu.memory_space<hbm>>, %arg6: memref<10000x128xf32, #tpu.memory_space<hbm>>, %arg7: memref<10000x128xf32, #tpu.memory_space<hbm>>, %arg8: memref<10112x128xf32, #tpu.memory_space<vmem_shared>>, %arg9: memref<40x128xi32, #tpu.memory_space<vmem>>, %arg10: memref<40x128xi32, #tpu.memory_space<vmem>>, %arg11: memref<128x128xf32, #tpu.memory_space<vmem>>, %arg12: memref<128x128xf32, #tpu.memory_space<vmem>>, %arg13: memref<!tpu.dma_semaphore, #tpu.memory_space<semaphore_mem>>, %arg14: memref<!tpu.dma_semaphore, #tpu.memory_space<semaphore_mem>>, %arg15: memref<!tpu.dma_semaphore, #tpu.memory_space<semaphore_mem>>, %arg16: memref<!tpu.dma_semaphore, #tpu.memory_space<semaphore_mem>>) attributes {dimension_semantics = [#tpu.dimension_semantics<core_parallel>, #tpu.dimension_semantics<subcore_parallel>], iteration_bounds = array<i64: 2, 16>, scalar_prefetch = 0 : i64, scratch_operands = 9 : i64, tpu.core_type = #tpu.core_type<sc_vector_subcore>, window_params = [{transform_indices = #map}, {transform_indices = #map1}, {transform_indices = #map1}, {transform_indices = #map}, {transform_indices = #map}, {transform_indices = #map}]} {
    %mul3A = arith.constant 16 : i32
    %mul3A_0 = arith.muli %arg0, %mul3A : i32
    %add3A = arith.addi %mul3A_0, %arg1 : i32
    "tpu.region"() ({
      %run_scoped3A = tpu.sem_alloc : memref<!tpu.dma_semaphore, #tpu.memory_space<semaphore_mem>>
      %dma_start3A_28 = arith.constant 0 : i32
      %dma_start3A_29 = arith.constant 0 : i32
      %dma_start3A_30 = tpu.memref_slice %arg3[%add3A, %dma_start3A_28, %dma_start3A_29] : memref<32x40x128xi32, #tpu.memory_space<hbm>> -> memref<1x40x128xi32, #tpu.memory_space<hbm>>
      %dma_start3A_31 = tpu.memref_squeeze %dma_start3A_30 : memref<1x40x128xi32, #tpu.memory_space<hbm>> -> memref<40x128xi32, #tpu.memory_space<hbm>>
      %dma_start3A_32 = arith.constant 0 : i32
      %dma_start3A_33 = arith.constant 0 : i32
      %dma_start3A_34 = tpu.memref_slice %arg3[%add3A, %dma_start3A_32, %dma_start3A_33] : memref<32x40x128xi32, #tpu.memory_space<hbm>> -> memref<1x40x128xi32, #tpu.memory_space<hbm>>
      %dma_start3A_35 = tpu.memref_squeeze %dma_start3A_34 : memref<1x40x128xi32, #tpu.memory_space<hbm>> -> memref<40x128xi32, #tpu.memory_space<hbm>>
      tpu.enqueue_dma source(%dma_start3A_35 : memref<40x128xi32, #tpu.memory_space<hbm>>) target(%arg9 : memref<40x128xi32, #tpu.memory_space<vmem>>) target_semaphore(%run_scoped3A : memref<!tpu.dma_semaphore, #tpu.memory_space<semaphore_mem>>)
      %dma_wait3A_36 = arith.constant 0 : i32
      %dma_wait3A_37 = arith.constant 0 : i32
      %dma_wait3A_38 = tpu.memref_slice %arg3[%add3A, %dma_wait3A_36, %dma_wait3A_37] : memref<32x40x128xi32, #tpu.memory_space<hbm>> -> memref<1x40x128xi32, #tpu.memory_space<hbm>>
      %dma_wait3A_39 = tpu.memref_squeeze %dma_wait3A_38 : memref<1x40x128xi32, #tpu.memory_space<hbm>> -> memref<40x128xi32, #tpu.memory_space<hbm>>
      %dma_wait3A_40 = arith.constant 0 : i32
      %dma_wait3A_41 = arith.constant 0 : i32
      %dma_wait3A_42 = tpu.memref_slice %arg3[%add3A, %dma_wait3A_40, %dma_wait3A_41] : memref<32x40x128xi32, #tpu.memory_space<hbm>> -> memref<1x40x128xi32, #tpu.memory_space<hbm>>
      %dma_wait3A_43 = tpu.memref_squeeze %dma_wait3A_42 : memref<1x40x128xi32, #tpu.memory_space<hbm>> -> memref<40x128xi32, #tpu.memory_space<hbm>>
      tpu.wait_dma2 semaphore(%run_scoped3A : memref<!tpu.dma_semaphore, #tpu.memory_space<semaphore_mem>>) src(%dma_wait3A_43 : memref<40x128xi32, #tpu.memory_space<hbm>>) dst(%arg9 : memref<40x128xi32, #tpu.memory_space<vmem>>)
      tpu.yield
    }) : () -> ()
    "tpu.region"() ({
      %run_scoped3A = tpu.sem_alloc : memref<!tpu.dma_semaphore, #tpu.memory_space<semaphore_mem>>
      %dma_start3A_28 = arith.constant 0 : i32
      %dma_start3A_29 = arith.constant 0 : i32
      %dma_start3A_30 = tpu.memref_slice %arg4[%add3A, %dma_start3A_28, %dma_start3A_29] : memref<32x40x128xi32, #tpu.memory_space<hbm>> -> memref<1x40x128xi32, #tpu.memory_space<hbm>>
      %dma_start3A_31 = tpu.memref_squeeze %dma_start3A_30 : memref<1x40x128xi32, #tpu.memory_space<hbm>> -> memref<40x128xi32, #tpu.memory_space<hbm>>
      %dma_start3A_32 = arith.constant 0 : i32
      %dma_start3A_33 = arith.constant 0 : i32
      %dma_start3A_34 = tpu.memref_slice %arg4[%add3A, %dma_start3A_32, %dma_start3A_33] : memref<32x40x128xi32, #tpu.memory_space<hbm>> -> memref<1x40x128xi32, #tpu.memory_space<hbm>>
      %dma_start3A_35 = tpu.memref_squeeze %dma_start3A_34 : memref<1x40x128xi32, #tpu.memory_space<hbm>> -> memref<40x128xi32, #tpu.memory_space<hbm>>
      tpu.enqueue_dma source(%dma_start3A_35 : memref<40x128xi32, #tpu.memory_space<hbm>>) target(%arg10 : memref<40x128xi32, #tpu.memory_space<vmem>>) target_semaphore(%run_scoped3A : memref<!tpu.dma_semaphore, #tpu.memory_space<semaphore_mem>>)
      %dma_wait3A_36 = arith.constant 0 : i32
      %dma_wait3A_37 = arith.constant 0 : i32
      %dma_wait3A_38 = tpu.memref_slice %arg4[%add3A, %dma_wait3A_36, %dma_wait3A_37] : memref<32x40x128xi32, #tpu.memory_space<hbm>> -> memref<1x40x128xi32, #tpu.memory_space<hbm>>
      %dma_wait3A_39 = tpu.memref_squeeze %dma_wait3A_38 : memref<1x40x128xi32, #tpu.memory_space<hbm>> -> memref<40x128xi32, #tpu.memory_space<hbm>>
      %dma_wait3A_40 = arith.constant 0 : i32
      %dma_wait3A_41 = arith.constant 0 : i32
      %dma_wait3A_42 = tpu.memref_slice %arg4[%add3A, %dma_wait3A_40, %dma_wait3A_41] : memref<32x40x128xi32, #tpu.memory_space<hbm>> -> memref<1x40x128xi32, #tpu.memory_space<hbm>>
      %dma_wait3A_43 = tpu.memref_squeeze %dma_wait3A_42 : memref<1x40x128xi32, #tpu.memory_space<hbm>> -> memref<40x128xi32, #tpu.memory_space<hbm>>
      tpu.wait_dma2 semaphore(%run_scoped3A : memref<!tpu.dma_semaphore, #tpu.memory_space<semaphore_mem>>) src(%dma_wait3A_43 : memref<40x128xi32, #tpu.memory_space<hbm>>) dst(%arg10 : memref<40x128xi32, #tpu.memory_space<vmem>>)
      tpu.yield
    }) : () -> ()
    %mul3A_1 = arith.constant 632 : i32
    %mul3A_2 = arith.muli %arg1, %mul3A_1 : i32
    "tpu.region"() ({
      %run_scoped3A = tpu.sem_alloc : memref<!tpu.dma_semaphore, #tpu.memory_space<semaphore_mem>>
      %dma_start3A_28 = arith.constant 0 : i32
      %dma_start3A_29 = tpu.memref_slice %arg8[%mul3A_2, %dma_start3A_28] : memref<10112x128xf32, #tpu.memory_space<vmem_shared>> -> memref<632x128xf32, #tpu.memory_space<vmem_shared>>
      tpu.enqueue_dma source(%arg5 : memref<632x128xf32, #tpu.memory_space<hbm>>) target(%dma_start3A_29 : memref<632x128xf32, #tpu.memory_space<vmem_shared>>) target_semaphore(%run_scoped3A : memref<!tpu.dma_semaphore, #tpu.memory_space<semaphore_mem>>)
      %dma_wait3A_30 = arith.constant 0 : i32
      %dma_wait3A_31 = tpu.memref_slice %arg8[%mul3A_2, %dma_wait3A_30] : memref<10112x128xf32, #tpu.memory_space<vmem_shared>> -> memref<632x128xf32, #tpu.memory_space<vmem_shared>>
      tpu.wait_dma2 semaphore(%run_scoped3A : memref<!tpu.dma_semaphore, #tpu.memory_space<semaphore_mem>>) src(%arg5 : memref<632x128xf32, #tpu.memory_space<hbm>>) dst(%dma_wait3A_31 : memref<632x128xf32, #tpu.memory_space<vmem_shared>>)
      tpu.yield
    }) : () -> ()
    %barrier3A = arith.constant 0 : index
    tpu.barrier barrier_id(%barrier3A)
    %dma_start3A = arith.constant 0 : i32
    %dma_start3A_3 = arith.constant 0 : i32
    %dma_start3A_4 = tpu.memref_slice %arg9[%dma_start3A, %dma_start3A_3] : memref<40x128xi32, #tpu.memory_space<vmem>> -> memref<1x128xi32, #tpu.memory_space<vmem>>
    %dma_start3A_5 = tpu.memref_squeeze %dma_start3A_4 : memref<1x128xi32, #tpu.memory_space<vmem>> -> memref<128xi32, #tpu.memory_space<vmem>>
    %dma_start3A_6 = arith.constant 0 : i32
    %dma_start3A_7 = arith.constant 0 : i32
    %dma_start3A_8 = tpu.memref_slice %arg2[%dma_start3A_6, %dma_start3A_7] : memref<10000x128xf32, #tpu.memory_space<hbm>> -> memref<10000x128xf32, #tpu.memory_space<hbm>>
    tpu.enqueue_indirect_dma source(%dma_start3A_8 : memref<10000x128xf32, #tpu.memory_space<hbm>>) target(%arg11 : memref<128x128xf32, #tpu.memory_space<vmem>>) offsets(%dma_start3A_5 : memref<128xi32, #tpu.memory_space<vmem>>) semaphore(%arg13 : memref<!tpu.dma_semaphore, #tpu.memory_space<semaphore_mem>>)
    %scan3A = arith.constant 0 : i32
    %scan3A_9 = arith.constant 0 : i32
    %scan3A_10 = arith.constant 20 : i32
    %scan3A_11 = arith.addi %scan3A_9, %scan3A_10 : i32
    %scan3A_12 = arith.constant 1 : i32
    scf.for %scan3A_28 = %scan3A_9 to %scan3A_11 step %scan3A_12  : i32 {
      %mul3A_29 = arith.constant 2 : i32
      %mul3A_30 = arith.muli %mul3A_29, %scan3A_28 : i32
      %dma_wait3A_31 = arith.constant 0 : i32
      %dma_wait3A_32 = tpu.memref_slice %arg9[%mul3A_30, %dma_wait3A_31] : memref<40x128xi32, #tpu.memory_space<vmem>> -> memref<1x128xi32, #tpu.memory_space<vmem>>
      %dma_wait3A_33 = tpu.memref_squeeze %dma_wait3A_32 : memref<1x128xi32, #tpu.memory_space<vmem>> -> memref<128xi32, #tpu.memory_space<vmem>>
      %dma_wait3A_34 = arith.constant 0 : i32
      %dma_wait3A_35 = arith.constant 0 : i32
      %dma_wait3A_36 = tpu.memref_slice %arg2[%dma_wait3A_34, %dma_wait3A_35] : memref<10000x128xf32, #tpu.memory_space<hbm>> -> memref<10000x128xf32, #tpu.memory_space<hbm>>
      tpu.wait_indirect_dma semaphore(%arg13 : memref<!tpu.dma_semaphore, #tpu.memory_space<semaphore_mem>>) src(%dma_wait3A_36 : memref<10000x128xf32, #tpu.memory_space<hbm>>) dst(%arg11 : memref<128x128xf32, #tpu.memory_space<vmem>>)
      %dma_start3A_37 = arith.constant 0 : i32
      %dma_start3A_38 = tpu.memref_slice %arg10[%mul3A_30, %dma_start3A_37] : memref<40x128xi32, #tpu.memory_space<vmem>> -> memref<1x128xi32, #tpu.memory_space<vmem>>
      %dma_start3A_39 = tpu.memref_squeeze %dma_start3A_38 : memref<1x128xi32, #tpu.memory_space<vmem>> -> memref<128xi32, #tpu.memory_space<vmem>>
      %dma_start3A_40 = arith.constant 0 : i32
      %dma_start3A_41 = arith.constant 0 : i32
      %dma_start3A_42 = tpu.memref_slice %arg8[%dma_start3A_40, %dma_start3A_41] : memref<10112x128xf32, #tpu.memory_space<vmem_shared>> -> memref<10112x128xf32, #tpu.memory_space<vmem_shared>>
      tpu.enqueue_indirect_dma source(%arg11 : memref<128x128xf32, #tpu.memory_space<vmem>>) target(%dma_start3A_42 : memref<10112x128xf32, #tpu.memory_space<vmem_shared>>) offsets(%dma_start3A_39 : memref<128xi32, #tpu.memory_space<vmem>>) semaphore(%arg15 : memref<!tpu.dma_semaphore, #tpu.memory_space<semaphore_mem>>) {add = true}
      %gt3A = arith.constant 0 : i32
      %gt3A_43 = arith.cmpi sgt, %scan3A_28, %gt3A : i32
      %convert_element_type3A_44 = arith.extui %gt3A_43 : i1 to i32
      %cond3A_45 = arith.constant 0 : i32
      %cond3A_46 = arith.cmpi ne, %convert_element_type3A_44, %cond3A_45 : i32
      scf.if %cond3A_46 {
        %sub3A = arith.constant 1 : i32
        %sub3A_81 = arith.subi %mul3A_30, %sub3A : i32
        %dma_wait3A_82 = arith.constant 0 : i32
        %dma_wait3A_83 = tpu.memref_slice %arg10[%sub3A_81, %dma_wait3A_82] : memref<40x128xi32, #tpu.memory_space<vmem>> -> memref<1x128xi32, #tpu.memory_space<vmem>>
        %dma_wait3A_84 = tpu.memref_squeeze %dma_wait3A_83 : memref<1x128xi32, #tpu.memory_space<vmem>> -> memref<128xi32, #tpu.memory_space<vmem>>
        %dma_wait3A_85 = arith.constant 0 : i32
        %dma_wait3A_86 = arith.constant 0 : i32
        %dma_wait3A_87 = tpu.memref_slice %arg8[%dma_wait3A_85, %dma_wait3A_86] : memref<10112x128xf32, #tpu.memory_space<vmem_shared>> -> memref<10112x128xf32, #tpu.memory_space<vmem_shared>>
        tpu.wait_indirect_dma semaphore(%arg16 : memref<!tpu.dma_semaphore, #tpu.memory_space<semaphore_mem>>) src(%arg12 : memref<128x128xf32, #tpu.memory_space<vmem>>) dst(%dma_wait3A_87 : memref<10112x128xf32, #tpu.memory_space<vmem_shared>>)
      } else {
      }
      %add3A_47 = arith.constant 1 : i32
      %add3A_48 = arith.addi %mul3A_30, %add3A_47 : i32
      %dma_start3A_49 = arith.constant 0 : i32
      %dma_start3A_50 = tpu.memref_slice %arg9[%add3A_48, %dma_start3A_49] : memref<40x128xi32, #tpu.memory_space<vmem>> -> memref<1x128xi32, #tpu.memory_space<vmem>>
      %dma_start3A_51 = tpu.memref_squeeze %dma_start3A_50 : memref<1x128xi32, #tpu.memory_space<vmem>> -> memref<128xi32, #tpu.memory_space<vmem>>
      %dma_start3A_52 = arith.constant 0 : i32
      %dma_start3A_53 = arith.constant 0 : i32
      %dma_start3A_54 = tpu.memref_slice %arg2[%dma_start3A_52, %dma_start3A_53] : memref<10000x128xf32, #tpu.memory_space<hbm>> -> memref<10000x128xf32, #tpu.memory_space<hbm>>
      tpu.enqueue_indirect_dma source(%dma_start3A_54 : memref<10000x128xf32, #tpu.memory_space<hbm>>) target(%arg12 : memref<128x128xf32, #tpu.memory_space<vmem>>) offsets(%dma_start3A_51 : memref<128xi32, #tpu.memory_space<vmem>>) semaphore(%arg14 : memref<!tpu.dma_semaphore, #tpu.memory_space<semaphore_mem>>)
      %add3A_55 = arith.constant 1 : i32
      %add3A_56 = arith.addi %mul3A_30, %add3A_55 : i32
      %dma_wait3A_57 = arith.constant 0 : i32
      %dma_wait3A_58 = tpu.memref_slice %arg9[%add3A_56, %dma_wait3A_57] : memref<40x128xi32, #tpu.memory_space<vmem>> -> memref<1x128xi32, #tpu.memory_space<vmem>>
      %dma_wait3A_59 = tpu.memref_squeeze %dma_wait3A_58 : memref<1x128xi32, #tpu.memory_space<vmem>> -> memref<128xi32, #tpu.memory_space<vmem>>
      %dma_wait3A_60 = arith.constant 0 : i32
      %dma_wait3A_61 = arith.constant 0 : i32
      %dma_wait3A_62 = tpu.memref_slice %arg2[%dma_wait3A_60, %dma_wait3A_61] : memref<10000x128xf32, #tpu.memory_space<hbm>> -> memref<10000x128xf32, #tpu.memory_space<hbm>>
      tpu.wait_indirect_dma semaphore(%arg14 : memref<!tpu.dma_semaphore, #tpu.memory_space<semaphore_mem>>) src(%dma_wait3A_62 : memref<10000x128xf32, #tpu.memory_space<hbm>>) dst(%arg12 : memref<128x128xf32, #tpu.memory_space<vmem>>)
      %add3A_63 = arith.constant 1 : i32
      %add3A_64 = arith.addi %mul3A_30, %add3A_63 : i32
      %dma_start3A_65 = arith.constant 0 : i32
      %dma_start3A_66 = tpu.memref_slice %arg10[%add3A_64, %dma_start3A_65] : memref<40x128xi32, #tpu.memory_space<vmem>> -> memref<1x128xi32, #tpu.memory_space<vmem>>
      %dma_start3A_67 = tpu.memref_squeeze %dma_start3A_66 : memref<1x128xi32, #tpu.memory_space<vmem>> -> memref<128xi32, #tpu.memory_space<vmem>>
      %dma_start3A_68 = arith.constant 0 : i32
      %dma_start3A_69 = arith.constant 0 : i32
      %dma_start3A_70 = tpu.memref_slice %arg8[%dma_start3A_68, %dma_start3A_69] : memref<10112x128xf32, #tpu.memory_space<vmem_shared>> -> memref<10112x128xf32, #tpu.memory_space<vmem_shared>>
      tpu.enqueue_indirect_dma source(%arg12 : memref<128x128xf32, #tpu.memory_space<vmem>>) target(%dma_start3A_70 : memref<10112x128xf32, #tpu.memory_space<vmem_shared>>) offsets(%dma_start3A_67 : memref<128xi32, #tpu.memory_space<vmem>>) semaphore(%arg16 : memref<!tpu.dma_semaphore, #tpu.memory_space<semaphore_mem>>) {add = true}
      %dma_wait3A_71 = arith.constant 0 : i32
      %dma_wait3A_72 = tpu.memref_slice %arg10[%mul3A_30, %dma_wait3A_71] : memref<40x128xi32, #tpu.memory_space<vmem>> -> memref<1x128xi32, #tpu.memory_space<vmem>>
      %dma_wait3A_73 = tpu.memref_squeeze %dma_wait3A_72 : memref<1x128xi32, #tpu.memory_space<vmem>> -> memref<128xi32, #tpu.memory_space<vmem>>
      %dma_wait3A_74 = arith.constant 0 : i32
      %dma_wait3A_75 = arith.constant 0 : i32
      %dma_wait3A_76 = tpu.memref_slice %arg8[%dma_wait3A_74, %dma_wait3A_75] : memref<10112x128xf32, #tpu.memory_space<vmem_shared>> -> memref<10112x128xf32, #tpu.memory_space<vmem_shared>>
      tpu.wait_indirect_dma semaphore(%arg15 : memref<!tpu.dma_semaphore, #tpu.memory_space<semaphore_mem>>) src(%arg11 : memref<128x128xf32, #tpu.memory_space<vmem>>) dst(%dma_wait3A_76 : memref<10112x128xf32, #tpu.memory_space<vmem_shared>>)
      %lt3A = arith.constant 19 : i32
      %lt3A_77 = arith.cmpi slt, %scan3A_28, %lt3A : i32
      %convert_element_type3A_78 = arith.extui %lt3A_77 : i1 to i32
      %cond3A_79 = arith.constant 0 : i32
      %cond3A_80 = arith.cmpi ne, %convert_element_type3A_78, %cond3A_79 : i32
      scf.if %cond3A_80 {
        %add3A_81 = arith.constant 2 : i32
        %add3A_82 = arith.addi %mul3A_30, %add3A_81 : i32
        %dma_start3A_83 = arith.constant 0 : i32
        %dma_start3A_84 = tpu.memref_slice %arg9[%add3A_82, %dma_start3A_83] : memref<40x128xi32, #tpu.memory_space<vmem>> -> memref<1x128xi32, #tpu.memory_space<vmem>>
        %dma_start3A_85 = tpu.memref_squeeze %dma_start3A_84 : memref<1x128xi32, #tpu.memory_space<vmem>> -> memref<128xi32, #tpu.memory_space<vmem>>
        %dma_start3A_86 = arith.constant 0 : i32
        %dma_start3A_87 = arith.constant 0 : i32
        %dma_start3A_88 = tpu.memref_slice %arg2[%dma_start3A_86, %dma_start3A_87] : memref<10000x128xf32, #tpu.memory_space<hbm>> -> memref<10000x128xf32, #tpu.memory_space<hbm>>
        tpu.enqueue_indirect_dma source(%dma_start3A_88 : memref<10000x128xf32, #tpu.memory_space<hbm>>) target(%arg11 : memref<128x128xf32, #tpu.memory_space<vmem>>) offsets(%dma_start3A_85 : memref<128xi32, #tpu.memory_space<vmem>>) semaphore(%arg13 : memref<!tpu.dma_semaphore, #tpu.memory_space<semaphore_mem>>)
      } else {
      }
    }
    %scan3A_13 = arith.constant 20 : i32
    %dma_wait3A = arith.constant 39 : i32
    %dma_wait3A_14 = arith.constant 0 : i32
    %dma_wait3A_15 = tpu.memref_slice %arg10[%dma_wait3A, %dma_wait3A_14] : memref<40x128xi32, #tpu.memory_space<vmem>> -> memref<1x128xi32, #tpu.memory_space<vmem>>
    %dma_wait3A_16 = tpu.memref_squeeze %dma_wait3A_15 : memref<1x128xi32, #tpu.memory_space<vmem>> -> memref<128xi32, #tpu.memory_space<vmem>>
    %dma_wait3A_17 = arith.constant 0 : i32
    %dma_wait3A_18 = arith.constant 0 : i32
    %dma_wait3A_19 = tpu.memref_slice %arg8[%dma_wait3A_17, %dma_wait3A_18] : memref<10112x128xf32, #tpu.memory_space<vmem_shared>> -> memref<10112x128xf32, #tpu.memory_space<vmem_shared>>
    tpu.wait_indirect_dma semaphore(%arg16 : memref<!tpu.dma_semaphore, #tpu.memory_space<semaphore_mem>>) src(%arg12 : memref<128x128xf32, #tpu.memory_space<vmem>>) dst(%dma_wait3A_19 : memref<10112x128xf32, #tpu.memory_space<vmem_shared>>)
    %barrier3A_20 = arith.constant 0 : index
    tpu.barrier barrier_id(%barrier3A_20)
    %eq3A = arith.constant 0 : i32
    %eq3A_21 = arith.cmpi eq, %arg0, %eq3A : i32
    %convert_element_type3A = arith.extui %eq3A_21 : i1 to i32
    %cond3A = arith.constant 0 : i32
    %cond3A_22 = arith.cmpi ne, %convert_element_type3A, %cond3A : i32
    scf.if %cond3A_22 {
      %mul3A_28 = arith.constant 624 : i32
      %mul3A_29 = arith.muli %arg1, %mul3A_28 : i32
      "tpu.region"() ({
        %run_scoped3A = tpu.sem_alloc : memref<!tpu.dma_semaphore, #tpu.memory_space<semaphore_mem>>
        %dma_start3A_35 = arith.constant 0 : i32
        %dma_start3A_36 = tpu.memref_slice %arg6[%mul3A_29, %dma_start3A_35] : memref<10000x128xf32, #tpu.memory_space<hbm>> -> memref<624x128xf32, #tpu.memory_space<hbm>>
        %dma_start3A_37 = arith.constant 0 : i32
        %dma_start3A_38 = tpu.memref_slice %arg8[%mul3A_29, %dma_start3A_37] : memref<10112x128xf32, #tpu.memory_space<vmem_shared>> -> memref<624x128xf32, #tpu.memory_space<vmem_shared>>
        tpu.enqueue_dma source(%dma_start3A_38 : memref<624x128xf32, #tpu.memory_space<vmem_shared>>) target(%dma_start3A_36 : memref<624x128xf32, #tpu.memory_space<hbm>>) target_semaphore(%run_scoped3A : memref<!tpu.dma_semaphore, #tpu.memory_space<semaphore_mem>>)
        %dma_wait3A_39 = arith.constant 0 : i32
        %dma_wait3A_40 = tpu.memref_slice %arg6[%mul3A_29, %dma_wait3A_39] : memref<10000x128xf32, #tpu.memory_space<hbm>> -> memref<624x128xf32, #tpu.memory_space<hbm>>
        %dma_wait3A_41 = arith.constant 0 : i32
        %dma_wait3A_42 = tpu.memref_slice %arg8[%mul3A_29, %dma_wait3A_41] : memref<10112x128xf32, #tpu.memory_space<vmem_shared>> -> memref<624x128xf32, #tpu.memory_space<vmem_shared>>
        tpu.wait_dma2 semaphore(%run_scoped3A : memref<!tpu.dma_semaphore, #tpu.memory_space<semaphore_mem>>) src(%dma_wait3A_42 : memref<624x128xf32, #tpu.memory_space<vmem_shared>>) dst(%dma_wait3A_40 : memref<624x128xf32, #tpu.memory_space<hbm>>)
        tpu.yield
      }) : () -> ()
      %eq3A_30 = arith.constant 15 : i32
      %eq3A_31 = arith.cmpi eq, %arg1, %eq3A_30 : i32
      %convert_element_type3A_32 = arith.extui %eq3A_31 : i1 to i32
      %cond3A_33 = arith.constant 0 : i32
      %cond3A_34 = arith.cmpi ne, %convert_element_type3A_32, %cond3A_33 : i32
      scf.if %cond3A_34 {
        "tpu.region"() ({
          %run_scoped3A = tpu.sem_alloc : memref<!tpu.dma_semaphore, #tpu.memory_space<semaphore_mem>>
          %dma_start3A_35 = arith.constant 9984 : i32
          %dma_start3A_36 = arith.constant 0 : i32
          %dma_start3A_37 = tpu.memref_slice %arg6[%dma_start3A_35, %dma_start3A_36] : memref<10000x128xf32, #tpu.memory_space<hbm>> -> memref<16x128xf32, #tpu.memory_space<hbm>>
          %dma_start3A_38 = arith.constant 9984 : i32
          %dma_start3A_39 = arith.constant 0 : i32
          %dma_start3A_40 = tpu.memref_slice %arg8[%dma_start3A_38, %dma_start3A_39] : memref<10112x128xf32, #tpu.memory_space<vmem_shared>> -> memref<16x128xf32, #tpu.memory_space<vmem_shared>>
          tpu.enqueue_dma source(%dma_start3A_40 : memref<16x128xf32, #tpu.memory_space<vmem_shared>>) target(%dma_start3A_37 : memref<16x128xf32, #tpu.memory_space<hbm>>) target_semaphore(%run_scoped3A : memref<!tpu.dma_semaphore, #tpu.memory_space<semaphore_mem>>)
          %dma_wait3A_41 = arith.constant 9984 : i32
          %dma_wait3A_42 = arith.constant 0 : i32
          %dma_wait3A_43 = tpu.memref_slice %arg6[%dma_wait3A_41, %dma_wait3A_42] : memref<10000x128xf32, #tpu.memory_space<hbm>> -> memref<16x128xf32, #tpu.memory_space<hbm>>
          %dma_wait3A_44 = arith.constant 9984 : i32
          %dma_wait3A_45 = arith.constant 0 : i32
          %dma_wait3A_46 = tpu.memref_slice %arg8[%dma_wait3A_44, %dma_wait3A_45] : memref<10112x128xf32, #tpu.memory_space<vmem_shared>> -> memref<16x128xf32, #tpu.memory_space<vmem_shared>>
          tpu.wait_dma2 semaphore(%run_scoped3A : memref<!tpu.dma_semaphore, #tpu.memory_space<semaphore_mem>>) src(%dma_wait3A_46 : memref<16x128xf32, #tpu.memory_space<vmem_shared>>) dst(%dma_wait3A_43 : memref<16x128xf32, #tpu.memory_space<hbm>>)
          tpu.yield
        }) : () -> ()
      } else {
      }
    } else {
    }
    %eq3A_23 = arith.constant 1 : i32
    %eq3A_24 = arith.cmpi eq, %arg0, %eq3A_23 : i32
    %convert_element_type3A_25 = arith.extui %eq3A_24 : i1 to i32
    %cond3A_26 = arith.constant 0 : i32
    %cond3A_27 = arith.cmpi ne, %convert_element_type3A_25, %cond3A_26 : i32
    scf.if %cond3A_27 {
      %mul3A_28 = arith.constant 624 : i32
      %mul3A_29 = arith.muli %arg1, %mul3A_28 : i32
      "tpu.region"() ({
        %run_scoped3A = tpu.sem_alloc : memref<!tpu.dma_semaphore, #tpu.memory_space<semaphore_mem>>
        %dma_start3A_35 = arith.constant 0 : i32
        %dma_start3A_36 = tpu.memref_slice %arg7[%mul3A_29, %dma_start3A_35] : memref<10000x128xf32, #tpu.memory_space<hbm>> -> memref<624x128xf32, #tpu.memory_space<hbm>>
        %dma_start3A_37 = arith.constant 0 : i32
        %dma_start3A_38 = tpu.memref_slice %arg8[%mul3A_29, %dma_start3A_37] : memref<10112x128xf32, #tpu.memory_space<vmem_shared>> -> memref<624x128xf32, #tpu.memory_space<vmem_shared>>
        tpu.enqueue_dma source(%dma_start3A_38 : memref<624x128xf32, #tpu.memory_space<vmem_shared>>) target(%dma_start3A_36 : memref<624x128xf32, #tpu.memory_space<hbm>>) target_semaphore(%run_scoped3A : memref<!tpu.dma_semaphore, #tpu.memory_space<semaphore_mem>>)
        %dma_wait3A_39 = arith.constant 0 : i32
        %dma_wait3A_40 = tpu.memref_slice %arg7[%mul3A_29, %dma_wait3A_39] : memref<10000x128xf32, #tpu.memory_space<hbm>> -> memref<624x128xf32, #tpu.memory_space<hbm>>
        %dma_wait3A_41 = arith.constant 0 : i32
        %dma_wait3A_42 = tpu.memref_slice %arg8[%mul3A_29, %dma_wait3A_41] : memref<10112x128xf32, #tpu.memory_space<vmem_shared>> -> memref<624x128xf32, #tpu.memory_space<vmem_shared>>
        tpu.wait_dma2 semaphore(%run_scoped3A : memref<!tpu.dma_semaphore, #tpu.memory_space<semaphore_mem>>) src(%dma_wait3A_42 : memref<624x128xf32, #tpu.memory_space<vmem_shared>>) dst(%dma_wait3A_40 : memref<624x128xf32, #tpu.memory_space<hbm>>)
        tpu.yield
      }) : () -> ()
      %eq3A_30 = arith.constant 15 : i32
      %eq3A_31 = arith.cmpi eq, %arg1, %eq3A_30 : i32
      %convert_element_type3A_32 = arith.extui %eq3A_31 : i1 to i32
      %cond3A_33 = arith.constant 0 : i32
      %cond3A_34 = arith.cmpi ne, %convert_element_type3A_32, %cond3A_33 : i32
      scf.if %cond3A_34 {
        "tpu.region"() ({
          %run_scoped3A = tpu.sem_alloc : memref<!tpu.dma_semaphore, #tpu.memory_space<semaphore_mem>>
          %dma_start3A_35 = arith.constant 9984 : i32
          %dma_start3A_36 = arith.constant 0 : i32
          %dma_start3A_37 = tpu.memref_slice %arg7[%dma_start3A_35, %dma_start3A_36] : memref<10000x128xf32, #tpu.memory_space<hbm>> -> memref<16x128xf32, #tpu.memory_space<hbm>>
          %dma_start3A_38 = arith.constant 9984 : i32
          %dma_start3A_39 = arith.constant 0 : i32
          %dma_start3A_40 = tpu.memref_slice %arg8[%dma_start3A_38, %dma_start3A_39] : memref<10112x128xf32, #tpu.memory_space<vmem_shared>> -> memref<16x128xf32, #tpu.memory_space<vmem_shared>>
          tpu.enqueue_dma source(%dma_start3A_40 : memref<16x128xf32, #tpu.memory_space<vmem_shared>>) target(%dma_start3A_37 : memref<16x128xf32, #tpu.memory_space<hbm>>) target_semaphore(%run_scoped3A : memref<!tpu.dma_semaphore, #tpu.memory_space<semaphore_mem>>)
          %dma_wait3A_41 = arith.constant 9984 : i32
          %dma_wait3A_42 = arith.constant 0 : i32
          %dma_wait3A_43 = tpu.memref_slice %arg7[%dma_wait3A_41, %dma_wait3A_42] : memref<10000x128xf32, #tpu.memory_space<hbm>> -> memref<16x128xf32, #tpu.memory_space<hbm>>
          %dma_wait3A_44 = arith.constant 9984 : i32
          %dma_wait3A_45 = arith.constant 0 : i32
          %dma_wait3A_46 = tpu.memref_slice %arg8[%dma_wait3A_44, %dma_wait3A_45] : memref<10112x128xf32, #tpu.memory_space<vmem_shared>> -> memref<16x128xf32, #tpu.memory_space<vmem_shared>>
          tpu.wait_dma2 semaphore(%run_scoped3A : memref<!tpu.dma_semaphore, #tpu.memory_space<semaphore_mem>>) src(%dma_wait3A_46 : memref<16x128xf32, #tpu.memory_space<vmem_shared>>) dst(%dma_wait3A_43 : memref<16x128xf32, #tpu.memory_space<hbm>>)
          tpu.yield
        }) : () -> ()
      } else {
      }
    } else {
    }
    return
  }
}

module attributes {stable_mosaic.version = 14 : i64} {
  func.func @body(%arg0: i32, %arg1: memref<1000x128xf32, #tpu.memory_space<vmem>>, %arg2: memref<1000x128xf32, #tpu.memory_space<vmem>>, %arg3: memref<1000x16xf32, #tpu.memory_space<vmem>>, %arg4: memref<1000x256xf32, #tpu.memory_space<vmem>>, %arg5: memref<256x256xf32, #tpu.memory_space<vmem>>, %arg6: memref<256x256xf32, #tpu.memory_space<vmem>>, %arg7: memref<1x256xf32, #tpu.memory_space<vmem>>, %arg8: memref<1000x128xf32, #tpu.memory_space<vmem>>, %arg9: memref<1000x128xf32, #tpu.memory_space<vmem>>, %arg10: memref<1000x256xf32, #tpu.memory_space<vmem>>) attributes {dimension_semantics = [#tpu.dimension_semantics<arbitrary>], iteration_bounds = array<i64: 10>, scalar_prefetch = 0 : i64, scratch_operands = 0 : i64, tpu.core_type = #tpu.core_type<tc>, window_params = [{transform_indices = @transform_0, window_bounds = array<i64: 1000, 128>}, {transform_indices = @transform_1, window_bounds = array<i64: 1000, 128>}, {transform_indices = @transform_2, window_bounds = array<i64: 1000, 16>}, {transform_indices = @transform_3, window_bounds = array<i64: 1000, 256>}, {pipeline_mode = #tpu.pipeline_mode<synchronous>, transform_indices = @transform_4, window_bounds = array<i64: 256, 256>}, {pipeline_mode = #tpu.pipeline_mode<synchronous>, transform_indices = @transform_5, window_bounds = array<i64: 256, 256>}, {pipeline_mode = #tpu.pipeline_mode<synchronous>, transform_indices = @transform_6, window_bounds = array<i64: 1, 256>}, {transform_indices = @transform_7, window_bounds = array<i64: 1000, 128>}, {transform_indices = @transform_8, window_bounds = array<i64: 1000, 128>}, {transform_indices = @transform_9, window_bounds = array<i64: 1000, 256>}]} {
    %get3A = arith.constant 0 : index
    %get3A_0 = arith.constant 0 : index
    %get3A_1 = vector.load %arg3[%get3A, %get3A_0] : memref<1000x16xf32, #tpu.memory_space<vmem>>, vector<1000x1xf32>
    %get3A_2 = arith.constant 0 : index
    %get3A_3 = arith.constant 0 : index
    %get3A_4 = vector.load %arg1[%get3A_2, %get3A_3] : memref<1000x128xf32, #tpu.memory_space<vmem>>, vector<1000x128xf32>
    %get3A_5 = arith.constant 0 : index
    %get3A_6 = arith.constant 0 : index
    %get3A_7 = vector.load %arg2[%get3A_5, %get3A_6] : memref<1000x128xf32, #tpu.memory_space<vmem>>, vector<1000x128xf32>
    %concatenate3A = tpu.concatenate %get3A_4, %get3A_7 in 1 : vector<1000x128xf32>, vector<1000x128xf32> -> vector<1000x256xf32>
    %mul3A = vector.broadcast %get3A_1 : vector<1000x1xf32> to vector<1000x256xf32>
    %mul3A_8 = arith.mulf %concatenate3A, %mul3A : vector<1000x256xf32>
    %get3A_9 = arith.constant 0 : index
    %get3A_10 = arith.constant 0 : index
    %get3A_11 = vector.load %arg4[%get3A_9, %get3A_10] : memref<1000x256xf32, #tpu.memory_space<vmem>>, vector<1000x256xf32>
    %add3A = arith.addf %mul3A_8, %get3A_11 : vector<1000x256xf32>
    %max3A = arith.constant 0.000000e+00 : f32
    %max3A_12 = vector.broadcast %max3A : f32 to vector<1000x256xf32>
    %max3A_13 = arith.maximumf %add3A, %max3A_12 : vector<1000x256xf32>
    %get3A_14 = arith.constant 0 : index
    %get3A_15 = arith.constant 0 : index
    %get3A_16 = vector.load %arg5[%get3A_14, %get3A_15] : memref<256x256xf32, #tpu.memory_space<vmem>>, vector<256x256xf32>
    %dot_general3A = arith.constant dense<0.000000e+00> : vector<1000x256xf32>
    %dot_general3A_17 = tpu.matmul %max3A_13, %get3A_16, %dot_general3A {dimension_numbers = #tpu.dot_dimension_numbers<[1], [0], [0], [1], [0, 0, 1, 1], [], []>, transpose_lhs_hint = false} : vector<1000x256xf32>, vector<256x256xf32>, vector<1000x256xf32> -> vector<1000x256xf32>
    %slice3A = vector.extract_strided_slice %dot_general3A_17 {offsets = [0, 0], sizes = [1000, 128], strides = [1, 1]} : vector<1000x256xf32> to vector<1000x128xf32>
    %swap3A = arith.constant 0 : index
    %swap3A_18 = arith.constant 0 : index
    %swap3A_19 = vector.load %arg8[%swap3A, %swap3A_18] : memref<1000x128xf32, #tpu.memory_space<vmem>>, vector<1000x128xf32>
    tpu.vector_store %arg8[%swap3A, %swap3A_18], %slice3A {strides = array<i32>} : memref<1000x128xf32, #tpu.memory_space<vmem>>, vector<1000x128xf32>,
    %slice3A_20 = vector.extract_strided_slice %dot_general3A_17 {offsets = [0, 128], sizes = [1000, 128], strides = [1, 1]} : vector<1000x256xf32> to vector<1000x128xf32>
    %swap3A_21 = arith.constant 0 : index
    %swap3A_22 = arith.constant 0 : index
    %swap3A_23 = vector.load %arg9[%swap3A_21, %swap3A_22] : memref<1000x128xf32, #tpu.memory_space<vmem>>, vector<1000x128xf32>
    tpu.vector_store %arg9[%swap3A_21, %swap3A_22], %slice3A_20 {strides = array<i32>} : memref<1000x128xf32, #tpu.memory_space<vmem>>, vector<1000x128xf32>,
    %get3A_24 = arith.constant 0 : index
    %get3A_25 = arith.constant 0 : index
    %get3A_26 = vector.load %arg6[%get3A_24, %get3A_25] : memref<256x256xf32, #tpu.memory_space<vmem>>, vector<256x256xf32>
    %dot_general3A_27 = arith.constant dense<0.000000e+00> : vector<1000x256xf32>
    %dot_general3A_28 = tpu.matmul %max3A_13, %get3A_26, %dot_general3A_27 {dimension_numbers = #tpu.dot_dimension_numbers<[1], [0], [0], [1], [0, 0, 1, 1], [], []>, transpose_lhs_hint = false} : vector<1000x256xf32>, vector<256x256xf32>, vector<1000x256xf32> -> vector<1000x256xf32>
    %get3A_29 = arith.constant 0 : index
    %get3A_30 = arith.constant 0 : index
    %get3A_31 = vector.load %arg7[%get3A_29, %get3A_30] : memref<1x256xf32, #tpu.memory_space<vmem>>, vector<1x256xf32>
    %add3A_32 = vector.broadcast %get3A_31 : vector<1x256xf32> to vector<1000x256xf32>
    %add3A_33 = arith.addf %dot_general3A_28, %add3A_32 : vector<1000x256xf32>
    %swap3A_34 = arith.constant 0 : index
    %swap3A_35 = arith.constant 0 : index
    %swap3A_36 = vector.load %arg10[%swap3A_34, %swap3A_35] : memref<1000x256xf32, #tpu.memory_space<vmem>>, vector<1000x256xf32>
    tpu.vector_store %arg10[%swap3A_34, %swap3A_35], %add3A_33 {strides = array<i32>} : memref<1000x256xf32, #tpu.memory_space<vmem>>, vector<1000x256xf32>,
    return
  }
  func.func @transform_0(%arg0: i32) -> (i32, i32) {
    %c0_i32 = arith.constant 0 : i32
    %c0_i32_0 = arith.constant 0 : i32
    return %arg0, %c0_i32 : i32, i32
  }
  func.func @transform_1(%arg0: i32) -> (i32, i32) {
    %c0_i32 = arith.constant 0 : i32
    %c0_i32_0 = arith.constant 0 : i32
    return %arg0, %c0_i32 : i32, i32
  }
  func.func @transform_2(%arg0: i32) -> (i32, i32) {
    %c0_i32 = arith.constant 0 : i32
    %c0_i32_0 = arith.constant 0 : i32
    return %arg0, %c0_i32 : i32, i32
  }
  func.func @transform_3(%arg0: i32) -> (i32, i32) {
    %c0_i32 = arith.constant 0 : i32
    %c0_i32_0 = arith.constant 0 : i32
    return %arg0, %c0_i32 : i32, i32
  }
  func.func @transform_4(%arg0: i32) -> (i32, i32) {
    %c0_i32 = arith.constant 0 : i32
    %c0_i32_0 = arith.constant 0 : i32
    %c0_i32_1 = arith.constant 0 : i32
    return %c0_i32, %c0_i32_0 : i32, i32
  }
  func.func @transform_5(%arg0: i32) -> (i32, i32) {
    %c0_i32 = arith.constant 0 : i32
    %c0_i32_0 = arith.constant 0 : i32
    %c0_i32_1 = arith.constant 0 : i32
    return %c0_i32, %c0_i32_0 : i32, i32
  }
  func.func @transform_6(%arg0: i32) -> (i32, i32) {
    %c0_i32 = arith.constant 0 : i32
    %c0_i32_0 = arith.constant 0 : i32
    %c0_i32_1 = arith.constant 0 : i32
    return %c0_i32, %c0_i32_0 : i32, i32
  }
  func.func @transform_7(%arg0: i32) -> (i32, i32) {
    %c0_i32 = arith.constant 0 : i32
    %c0_i32_0 = arith.constant 0 : i32
    return %arg0, %c0_i32 : i32, i32
  }
  func.func @transform_8(%arg0: i32) -> (i32, i32) {
    %c0_i32 = arith.constant 0 : i32
    %c0_i32_0 = arith.constant 0 : i32
    return %arg0, %c0_i32 : i32, i32
  }
  func.func @transform_9(%arg0: i32) -> (i32, i32) {
    %c0_i32 = arith.constant 0 : i32
    %c0_i32_0 = arith.constant 0 : i32
    return %arg0, %c0_i32 : i32, i32
  }
}

module attributes {stable_mosaic.version = 14 : i64} {
  func.func @body(%arg0: i32, %arg1: memref<1000x256xf32, #tpu.memory_space<vmem>>, %arg2: memref<256x256xf32, #tpu.memory_space<vmem>>, %arg3: memref<256x256xf32, #tpu.memory_space<vmem>>, %arg4: memref<1x256xf32, #tpu.memory_space<vmem>>, %arg5: memref<1000x128xf32, #tpu.memory_space<vmem>>, %arg6: memref<1000x128xf32, #tpu.memory_space<vmem>>, %arg7: memref<1000x256xf32, #tpu.memory_space<vmem>>) attributes {dimension_semantics = [#tpu.dimension_semantics<arbitrary>], iteration_bounds = array<i64: 10>, scalar_prefetch = 0 : i64, scratch_operands = 0 : i64, tpu.core_type = #tpu.core_type<tc>, window_params = [{transform_indices = @transform_0, window_bounds = array<i64: 1000, 256>}, {pipeline_mode = #tpu.pipeline_mode<synchronous>, transform_indices = @transform_1, window_bounds = array<i64: 256, 256>}, {pipeline_mode = #tpu.pipeline_mode<synchronous>, transform_indices = @transform_2, window_bounds = array<i64: 256, 256>}, {pipeline_mode = #tpu.pipeline_mode<synchronous>, transform_indices = @transform_3, window_bounds = array<i64: 1, 256>}, {transform_indices = @transform_4, window_bounds = array<i64: 1000, 128>}, {transform_indices = @transform_5, window_bounds = array<i64: 1000, 128>}, {transform_indices = @transform_6, window_bounds = array<i64: 1000, 256>}]} {
    %get3A = arith.constant 0 : index
    %get3A_0 = arith.constant 0 : index
    %get3A_1 = vector.load %arg1[%get3A, %get3A_0] : memref<1000x256xf32, #tpu.memory_space<vmem>>, vector<1000x256xf32>
    %get3A_2 = arith.constant 0 : index
    %get3A_3 = arith.constant 0 : index
    %get3A_4 = vector.load %arg2[%get3A_2, %get3A_3] : memref<256x256xf32, #tpu.memory_space<vmem>>, vector<256x256xf32>
    %dot_general3A = arith.constant dense<0.000000e+00> : vector<1000x256xf32>
    %dot_general3A_5 = tpu.matmul %get3A_1, %get3A_4, %dot_general3A {dimension_numbers = #tpu.dot_dimension_numbers<[1], [0], [0], [1], [0, 0, 1, 1], [], []>, transpose_lhs_hint = false} : vector<1000x256xf32>, vector<256x256xf32>, vector<1000x256xf32> -> vector<1000x256xf32>
    %slice3A = vector.extract_strided_slice %dot_general3A_5 {offsets = [0, 0], sizes = [1000, 128], strides = [1, 1]} : vector<1000x256xf32> to vector<1000x128xf32>
    %swap3A = arith.constant 0 : index
    %swap3A_6 = arith.constant 0 : index
    %swap3A_7 = vector.load %arg5[%swap3A, %swap3A_6] : memref<1000x128xf32, #tpu.memory_space<vmem>>, vector<1000x128xf32>
    tpu.vector_store %arg5[%swap3A, %swap3A_6], %slice3A {strides = array<i32>} : memref<1000x128xf32, #tpu.memory_space<vmem>>, vector<1000x128xf32>,
    %slice3A_8 = vector.extract_strided_slice %dot_general3A_5 {offsets = [0, 128], sizes = [1000, 128], strides = [1, 1]} : vector<1000x256xf32> to vector<1000x128xf32>
    %swap3A_9 = arith.constant 0 : index
    %swap3A_10 = arith.constant 0 : index
    %swap3A_11 = vector.load %arg6[%swap3A_9, %swap3A_10] : memref<1000x128xf32, #tpu.memory_space<vmem>>, vector<1000x128xf32>
    tpu.vector_store %arg6[%swap3A_9, %swap3A_10], %slice3A_8 {strides = array<i32>} : memref<1000x128xf32, #tpu.memory_space<vmem>>, vector<1000x128xf32>,
    %get3A_12 = arith.constant 0 : index
    %get3A_13 = arith.constant 0 : index
    %get3A_14 = vector.load %arg3[%get3A_12, %get3A_13] : memref<256x256xf32, #tpu.memory_space<vmem>>, vector<256x256xf32>
    %dot_general3A_15 = arith.constant dense<0.000000e+00> : vector<1000x256xf32>
    %dot_general3A_16 = tpu.matmul %get3A_1, %get3A_14, %dot_general3A_15 {dimension_numbers = #tpu.dot_dimension_numbers<[1], [0], [0], [1], [0, 0, 1, 1], [], []>, transpose_lhs_hint = false} : vector<1000x256xf32>, vector<256x256xf32>, vector<1000x256xf32> -> vector<1000x256xf32>
    %get3A_17 = arith.constant 0 : index
    %get3A_18 = arith.constant 0 : index
    %get3A_19 = vector.load %arg4[%get3A_17, %get3A_18] : memref<1x256xf32, #tpu.memory_space<vmem>>, vector<1x256xf32>
    %add3A = vector.broadcast %get3A_19 : vector<1x256xf32> to vector<1000x256xf32>
    %add3A_20 = arith.addf %dot_general3A_16, %add3A : vector<1000x256xf32>
    %swap3A_21 = arith.constant 0 : index
    %swap3A_22 = arith.constant 0 : index
    %swap3A_23 = vector.load %arg7[%swap3A_21, %swap3A_22] : memref<1000x256xf32, #tpu.memory_space<vmem>>, vector<1000x256xf32>
    tpu.vector_store %arg7[%swap3A_21, %swap3A_22], %add3A_20 {strides = array<i32>} : memref<1000x256xf32, #tpu.memory_space<vmem>>, vector<1000x256xf32>,
    return
  }
  func.func @transform_0(%arg0: i32) -> (i32, i32) {
    %c0_i32 = arith.constant 0 : i32
    %c0_i32_0 = arith.constant 0 : i32
    return %arg0, %c0_i32 : i32, i32
  }
  func.func @transform_1(%arg0: i32) -> (i32, i32) {
    %c0_i32 = arith.constant 0 : i32
    %c0_i32_0 = arith.constant 0 : i32
    %c0_i32_1 = arith.constant 0 : i32
    return %c0_i32, %c0_i32_0 : i32, i32
  }
  func.func @transform_2(%arg0: i32) -> (i32, i32) {
    %c0_i32 = arith.constant 0 : i32
    %c0_i32_0 = arith.constant 0 : i32
    %c0_i32_1 = arith.constant 0 : i32
    return %c0_i32, %c0_i32_0 : i32, i32
  }
  func.func @transform_3(%arg0: i32) -> (i32, i32) {
    %c0_i32 = arith.constant 0 : i32
    %c0_i32_0 = arith.constant 0 : i32
    %c0_i32_1 = arith.constant 0 : i32
    return %c0_i32, %c0_i32_0 : i32, i32
  }
  func.func @transform_4(%arg0: i32) -> (i32, i32) {
    %c0_i32 = arith.constant 0 : i32
    %c0_i32_0 = arith.constant 0 : i32
    return %arg0, %c0_i32 : i32, i32
  }
  func.func @transform_5(%arg0: i32) -> (i32, i32) {
    %c0_i32 = arith.constant 0 : i32
    %c0_i32_0 = arith.constant 0 : i32
    return %arg0, %c0_i32 : i32, i32
  }
  func.func @transform_6(%arg0: i32) -> (i32, i32) {
    %c0_i32 = arith.constant 0 : i32
    %c0_i32_0 = arith.constant 0 : i32
    return %arg0, %c0_i32 : i32, i32
  }
}

module attributes {stable_mosaic.version = 14 : i64} {
  func.func @body(%arg0: i32, %arg1: memref<1000x128xf32, #tpu.memory_space<vmem>>, %arg2: memref<1000x128xf32, #tpu.memory_space<vmem>>, %arg3: memref<1000x16xf32, #tpu.memory_space<vmem>>) attributes {dimension_semantics = [#tpu.dimension_semantics<arbitrary>], iteration_bounds = array<i64: 10>, scalar_prefetch = 0 : i64, scratch_operands = 0 : i64, tpu.core_type = #tpu.core_type<tc>, window_params = [{transform_indices = @transform_0, window_bounds = array<i64: 1000, 128>}, {transform_indices = @transform_1, window_bounds = array<i64: 1000, 128>}, {transform_indices = @transform_2, window_bounds = array<i64: 1000, 16>}]} {
    %get3A = arith.constant 0 : index
    %get3A_0 = arith.constant 0 : index
    %get3A_1 = vector.load %arg1[%get3A, %get3A_0] : memref<1000x128xf32, #tpu.memory_space<vmem>>, vector<1000x16xf32>
    %get3A_2 = arith.constant 0 : index
    %get3A_3 = arith.constant 0 : index
    %get3A_4 = vector.load %arg2[%get3A_2, %get3A_3] : memref<1000x128xf32, #tpu.memory_space<vmem>>, vector<1000x16xf32>
    %add3A = arith.addf %get3A_1, %get3A_4 : vector<1000x16xf32>
    %max3A = arith.constant 1.000000e+00 : f32
    %max3A_5 = vector.broadcast %max3A : f32 to vector<1000x16xf32>
    %max3A_6 = arith.maximumf %add3A, %max3A_5 : vector<1000x16xf32>
    %div3A = arith.constant 1.000000e+00 : f32
    %div3A_7 = vector.broadcast %div3A : f32 to vector<1000x16xf32>
    %div3A_8 = arith.divf %div3A_7, %max3A_6 : vector<1000x16xf32>
    %swap3A = arith.constant 0 : index
    %swap3A_9 = arith.constant 0 : index
    %swap3A_10 = vector.load %arg3[%swap3A, %swap3A_9] : memref<1000x16xf32, #tpu.memory_space<vmem>>, vector<1000x16xf32>
    tpu.vector_store %arg3[%swap3A, %swap3A_9], %div3A_8 {strides = array<i32>} : memref<1000x16xf32, #tpu.memory_space<vmem>>, vector<1000x16xf32>,
    return
  }
  func.func @transform_0(%arg0: i32) -> (i32, i32) {
    %c0_i32 = arith.constant 0 : i32
    %c0_i32_0 = arith.constant 0 : i32
    return %arg0, %c0_i32 : i32, i32
  }
  func.func @transform_1(%arg0: i32) -> (i32, i32) {
    %c0_i32 = arith.constant 0 : i32
    %c0_i32_0 = arith.constant 0 : i32
    return %arg0, %c0_i32 : i32, i32
  }
  func.func @transform_2(%arg0: i32) -> (i32, i32) {
    %c0_i32 = arith.constant 0 : i32
    %c0_i32_0 = arith.constant 0 : i32
    return %arg0, %c0_i32 : i32, i32
  }
}

module attributes {stable_mosaic.version = 14 : i64} {
  func.func @body(%arg0: i32, %arg1: memref<1000x128xf32, #tpu.memory_space<vmem>>, %arg2: memref<1000x128xf32, #tpu.memory_space<vmem>>, %arg3: memref<1000x16xf32, #tpu.memory_space<vmem>>, %arg4: memref<1000x256xf32, #tpu.memory_space<vmem>>, %arg5: memref<256x64xf32, #tpu.memory_space<vmem>>, %arg6: memref<256x64xf32, #tpu.memory_space<vmem>>, %arg7: memref<1x64xf32, #tpu.memory_space<vmem>>, %arg8: memref<1000x128xf32, #tpu.memory_space<vmem>>, %arg9: memref<1000x8xf32, #tpu.memory_space<vmem>>, %arg10: memref<1000x64xf32, #tpu.memory_space<vmem>>) attributes {dimension_semantics = [#tpu.dimension_semantics<arbitrary>], iteration_bounds = array<i64: 10>, scalar_prefetch = 0 : i64, scratch_operands = 0 : i64, tpu.core_type = #tpu.core_type<tc>, window_params = [{transform_indices = @transform_0, window_bounds = array<i64: 1000, 128>}, {transform_indices = @transform_1, window_bounds = array<i64: 1000, 128>}, {transform_indices = @transform_2, window_bounds = array<i64: 1000, 16>}, {transform_indices = @transform_3, window_bounds = array<i64: 1000, 256>}, {pipeline_mode = #tpu.pipeline_mode<synchronous>, transform_indices = @transform_4, window_bounds = array<i64: 256, 64>}, {pipeline_mode = #tpu.pipeline_mode<synchronous>, transform_indices = @transform_5, window_bounds = array<i64: 256, 64>}, {pipeline_mode = #tpu.pipeline_mode<synchronous>, transform_indices = @transform_6, window_bounds = array<i64: 1, 64>}, {transform_indices = @transform_7, window_bounds = array<i64: 1000, 128>}, {transform_indices = @transform_8, window_bounds = array<i64: 1000, 8>}, {transform_indices = @transform_9, window_bounds = array<i64: 1000, 64>}]} {
    %get3A = arith.constant 0 : index
    %get3A_0 = arith.constant 0 : index
    %get3A_1 = vector.load %arg3[%get3A, %get3A_0] : memref<1000x16xf32, #tpu.memory_space<vmem>>, vector<1000x1xf32>
    %get3A_2 = arith.constant 0 : index
    %get3A_3 = arith.constant 0 : index
    %get3A_4 = vector.load %arg1[%get3A_2, %get3A_3] : memref<1000x128xf32, #tpu.memory_space<vmem>>, vector<1000x128xf32>
    %get3A_5 = arith.constant 0 : index
    %get3A_6 = arith.constant 0 : index
    %get3A_7 = vector.load %arg2[%get3A_5, %get3A_6] : memref<1000x128xf32, #tpu.memory_space<vmem>>, vector<1000x128xf32>
    %concatenate3A = tpu.concatenate %get3A_4, %get3A_7 in 1 : vector<1000x128xf32>, vector<1000x128xf32> -> vector<1000x256xf32>
    %mul3A = vector.broadcast %get3A_1 : vector<1000x1xf32> to vector<1000x256xf32>
    %mul3A_8 = arith.mulf %concatenate3A, %mul3A : vector<1000x256xf32>
    %get3A_9 = arith.constant 0 : index
    %get3A_10 = arith.constant 0 : index
    %get3A_11 = vector.load %arg4[%get3A_9, %get3A_10] : memref<1000x256xf32, #tpu.memory_space<vmem>>, vector<1000x256xf32>
    %add3A = arith.addf %mul3A_8, %get3A_11 : vector<1000x256xf32>
    %max3A = arith.constant 0.000000e+00 : f32
    %max3A_12 = vector.broadcast %max3A : f32 to vector<1000x256xf32>
    %max3A_13 = arith.maximumf %add3A, %max3A_12 : vector<1000x256xf32>
    %get3A_14 = arith.constant 0 : index
    %get3A_15 = arith.constant 0 : index
    %get3A_16 = vector.load %arg5[%get3A_14, %get3A_15] : memref<256x64xf32, #tpu.memory_space<vmem>>, vector<256x64xf32>
    %dot_general3A = arith.constant dense<0.000000e+00> : vector<1000x64xf32>
    %dot_general3A_17 = tpu.matmul %max3A_13, %get3A_16, %dot_general3A {dimension_numbers = #tpu.dot_dimension_numbers<[1], [0], [0], [1], [0, 0, 1, 1], [], []>, transpose_lhs_hint = false} : vector<1000x256xf32>, vector<256x64xf32>, vector<1000x64xf32> -> vector<1000x64xf32>
    %broadcast_in_dim3A = arith.constant 0.000000e+00 : f32
    %broadcast_in_dim3A_18 = vector.broadcast %broadcast_in_dim3A : f32 to vector<1000x64xf32>
    %concatenate3A_19 = tpu.concatenate %dot_general3A_17, %broadcast_in_dim3A_18 in 1 : vector<1000x64xf32>, vector<1000x64xf32> -> vector<1000x128xf32>
    %swap3A = arith.constant 0 : index
    %swap3A_20 = arith.constant 0 : index
    %swap3A_21 = vector.load %arg8[%swap3A, %swap3A_20] : memref<1000x128xf32, #tpu.memory_space<vmem>>, vector<1000x128xf32>
    tpu.vector_store %arg8[%swap3A, %swap3A_20], %concatenate3A_19 {strides = array<i32>} : memref<1000x128xf32, #tpu.memory_space<vmem>>, vector<1000x128xf32>,
    %broadcast_in_dim3A_22 = arith.constant 0.000000e+00 : f32
    %broadcast_in_dim3A_23 = vector.broadcast %broadcast_in_dim3A_22 : f32 to vector<1000x8xf32>
    %swap3A_24 = arith.constant 0 : index
    %swap3A_25 = arith.constant 0 : index
    %swap3A_26 = vector.load %arg9[%swap3A_24, %swap3A_25] : memref<1000x8xf32, #tpu.memory_space<vmem>>, vector<1000x8xf32>
    tpu.vector_store %arg9[%swap3A_24, %swap3A_25], %broadcast_in_dim3A_23 {strides = array<i32>} : memref<1000x8xf32, #tpu.memory_space<vmem>>, vector<1000x8xf32>,
    %get3A_27 = arith.constant 0 : index
    %get3A_28 = arith.constant 0 : index
    %get3A_29 = vector.load %arg6[%get3A_27, %get3A_28] : memref<256x64xf32, #tpu.memory_space<vmem>>, vector<256x64xf32>
    %dot_general3A_30 = arith.constant dense<0.000000e+00> : vector<1000x64xf32>
    %dot_general3A_31 = tpu.matmul %max3A_13, %get3A_29, %dot_general3A_30 {dimension_numbers = #tpu.dot_dimension_numbers<[1], [0], [0], [1], [0, 0, 1, 1], [], []>, transpose_lhs_hint = false} : vector<1000x256xf32>, vector<256x64xf32>, vector<1000x64xf32> -> vector<1000x64xf32>
    %get3A_32 = arith.constant 0 : index
    %get3A_33 = arith.constant 0 : index
    %get3A_34 = vector.load %arg7[%get3A_32, %get3A_33] : memref<1x64xf32, #tpu.memory_space<vmem>>, vector<1x64xf32>
    %add3A_35 = vector.broadcast %get3A_34 : vector<1x64xf32> to vector<1000x64xf32>
    %add3A_36 = arith.addf %dot_general3A_31, %add3A_35 : vector<1000x64xf32>
    %swap3A_37 = arith.constant 0 : index
    %swap3A_38 = arith.constant 0 : index
    %swap3A_39 = vector.load %arg10[%swap3A_37, %swap3A_38] : memref<1000x64xf32, #tpu.memory_space<vmem>>, vector<1000x64xf32>
    tpu.vector_store %arg10[%swap3A_37, %swap3A_38], %add3A_36 {strides = array<i32>} : memref<1000x64xf32, #tpu.memory_space<vmem>>, vector<1000x64xf32>,
    return
  }
  func.func @transform_0(%arg0: i32) -> (i32, i32) {
    %c0_i32 = arith.constant 0 : i32
    %c0_i32_0 = arith.constant 0 : i32
    return %arg0, %c0_i32 : i32, i32
  }
  func.func @transform_1(%arg0: i32) -> (i32, i32) {
    %c0_i32 = arith.constant 0 : i32
    %c0_i32_0 = arith.constant 0 : i32
    return %arg0, %c0_i32 : i32, i32
  }
  func.func @transform_2(%arg0: i32) -> (i32, i32) {
    %c0_i32 = arith.constant 0 : i32
    %c0_i32_0 = arith.constant 0 : i32
    return %arg0, %c0_i32 : i32, i32
  }
  func.func @transform_3(%arg0: i32) -> (i32, i32) {
    %c0_i32 = arith.constant 0 : i32
    %c0_i32_0 = arith.constant 0 : i32
    return %arg0, %c0_i32 : i32, i32
  }
  func.func @transform_4(%arg0: i32) -> (i32, i32) {
    %c0_i32 = arith.constant 0 : i32
    %c0_i32_0 = arith.constant 0 : i32
    %c0_i32_1 = arith.constant 0 : i32
    return %c0_i32, %c0_i32_0 : i32, i32
  }
  func.func @transform_5(%arg0: i32) -> (i32, i32) {
    %c0_i32 = arith.constant 0 : i32
    %c0_i32_0 = arith.constant 0 : i32
    %c0_i32_1 = arith.constant 0 : i32
    return %c0_i32, %c0_i32_0 : i32, i32
  }
  func.func @transform_6(%arg0: i32) -> (i32, i32) {
    %c0_i32 = arith.constant 0 : i32
    %c0_i32_0 = arith.constant 0 : i32
    %c0_i32_1 = arith.constant 0 : i32
    return %c0_i32, %c0_i32_0 : i32, i32
  }
  func.func @transform_7(%arg0: i32) -> (i32, i32) {
    %c0_i32 = arith.constant 0 : i32
    %c0_i32_0 = arith.constant 0 : i32
    return %arg0, %c0_i32 : i32, i32
  }
  func.func @transform_8(%arg0: i32) -> (i32, i32) {
    %c0_i32 = arith.constant 0 : i32
    %c0_i32_0 = arith.constant 0 : i32
    return %arg0, %c0_i32 : i32, i32
  }
  func.func @transform_9(%arg0: i32) -> (i32, i32) {
    %c0_i32 = arith.constant 0 : i32
    %c0_i32_0 = arith.constant 0 : i32
    return %arg0, %c0_i32 : i32, i32
  }
}

module attributes {stable_mosaic.version = 14 : i64} {
  func.func @body(%arg0: i32, %arg1: memref<1000x128xf32, #tpu.memory_space<vmem>>, %arg2: memref<1000x128xf32, #tpu.memory_space<vmem>>, %arg3: memref<1000x16xf32, #tpu.memory_space<vmem>>, %arg4: memref<1000x64xf32, #tpu.memory_space<vmem>>, %arg5: memref<1000x64xf32, #tpu.memory_space<vmem>>) attributes {dimension_semantics = [#tpu.dimension_semantics<arbitrary>], iteration_bounds = array<i64: 10>, scalar_prefetch = 0 : i64, scratch_operands = 0 : i64, tpu.core_type = #tpu.core_type<tc>, window_params = [{transform_indices = @transform_0, window_bounds = array<i64: 1000, 128>}, {transform_indices = @transform_1, window_bounds = array<i64: 1000, 128>}, {transform_indices = @transform_2, window_bounds = array<i64: 1000, 16>}, {transform_indices = @transform_3, window_bounds = array<i64: 1000, 64>}, {transform_indices = @transform_4, window_bounds = array<i64: 1000, 64>}]} {
    %get3A = arith.constant 0 : index
    %get3A_0 = arith.constant 0 : index
    %get3A_1 = vector.load %arg1[%get3A, %get3A_0] : memref<1000x128xf32, #tpu.memory_space<vmem>>, vector<1000x128xf32>
    %get3A_2 = arith.constant 0 : index
    %get3A_3 = arith.constant 0 : index
    %get3A_4 = vector.load %arg2[%get3A_2, %get3A_3] : memref<1000x128xf32, #tpu.memory_space<vmem>>, vector<1000x128xf32>
    %add3A = arith.addf %get3A_1, %get3A_4 : vector<1000x128xf32>
    %slice3A = vector.extract_strided_slice %add3A {offsets = [0, 0], sizes = [1000, 64], strides = [1, 1]} : vector<1000x128xf32> to vector<1000x64xf32>
    %get3A_5 = arith.constant 0 : index
    %get3A_6 = arith.constant 0 : index
    %get3A_7 = vector.load %arg3[%get3A_5, %get3A_6] : memref<1000x16xf32, #tpu.memory_space<vmem>>, vector<1000x1xf32>
    %mul3A = vector.broadcast %get3A_7 : vector<1000x1xf32> to vector<1000x64xf32>
    %mul3A_8 = arith.mulf %slice3A, %mul3A : vector<1000x64xf32>
    %get3A_9 = arith.constant 0 : index
    %get3A_10 = arith.constant 0 : index
    %get3A_11 = vector.load %arg4[%get3A_9, %get3A_10] : memref<1000x64xf32, #tpu.memory_space<vmem>>, vector<1000x64xf32>
    %add3A_12 = arith.addf %mul3A_8, %get3A_11 : vector<1000x64xf32>
    %reduce_max3A = arith.constant dense<0xFF800000> : vector<1000xf32>
    %reduce_max3A_13 = vector.multi_reduction <maximumf>, %add3A_12, %reduce_max3A [1] : vector<1000x64xf32> to vector<1000xf32>
    %broadcast_in_dim3A = vector.shape_cast %reduce_max3A_13 : vector<1000xf32> to vector<1000x1xf32>
    %sub3A = vector.broadcast %broadcast_in_dim3A : vector<1000x1xf32> to vector<1000x64xf32>
    %sub3A_14 = arith.subf %add3A_12, %sub3A : vector<1000x64xf32>
    %exp3A = math.exp %sub3A_14 : vector<1000x64xf32>
    %reduce_sum3A = arith.constant dense<0.000000e+00> : vector<1000xf32>
    %reduce_sum3A_15 = vector.multi_reduction <add>, %exp3A, %reduce_sum3A [1] : vector<1000x64xf32> to vector<1000xf32>
    %broadcast_in_dim3A_16 = vector.shape_cast %reduce_sum3A_15 : vector<1000xf32> to vector<1000x1xf32>
    %log3A = math.log %broadcast_in_dim3A_16 : vector<1000x1xf32>
    %add3A_17 = arith.addf %log3A, %broadcast_in_dim3A : vector<1000x1xf32>
    %sub3A_18 = vector.broadcast %add3A_17 : vector<1000x1xf32> to vector<1000x64xf32>
    %sub3A_19 = arith.subf %add3A_12, %sub3A_18 : vector<1000x64xf32>
    %swap3A = arith.constant 0 : index
    %swap3A_20 = arith.constant 0 : index
    %swap3A_21 = vector.load %arg5[%swap3A, %swap3A_20] : memref<1000x64xf32, #tpu.memory_space<vmem>>, vector<1000x64xf32>
    tpu.vector_store %arg5[%swap3A, %swap3A_20], %sub3A_19 {strides = array<i32>} : memref<1000x64xf32, #tpu.memory_space<vmem>>, vector<1000x64xf32>,
    return
  }
  func.func @transform_0(%arg0: i32) -> (i32, i32) {
    %c0_i32 = arith.constant 0 : i32
    %c0_i32_0 = arith.constant 0 : i32
    return %arg0, %c0_i32 : i32, i32
  }
  func.func @transform_1(%arg0: i32) -> (i32, i32) {
    %c0_i32 = arith.constant 0 : i32
    %c0_i32_0 = arith.constant 0 : i32
    return %arg0, %c0_i32 : i32, i32
  }
  func.func @transform_2(%arg0: i32) -> (i32, i32) {
    %c0_i32 = arith.constant 0 : i32
    %c0_i32_0 = arith.constant 0 : i32
    return %arg0, %c0_i32 : i32, i32
  }
  func.func @transform_3(%arg0: i32) -> (i32, i32) {
    %c0_i32 = arith.constant 0 : i32
    %c0_i32_0 = arith.constant 0 : i32
    return %arg0, %c0_i32 : i32, i32
  }
  func.func @transform_4(%arg0: i32) -> (i32, i32) {
    %c0_i32 = arith.constant 0 : i32
    %c0_i32_0 = arith.constant 0 : i32
    return %arg0, %c0_i32 : i32, i32
  }
}

</mosaic_0001>

<sc_bundles>
// kernel: kernel.11.cloned.1.call-start
scs
__scs_entry_jumppad:
0x0: {  	(pc) =	sbr.rel $0x88, $3  }
0x1: {  	(tag) =	ssettag $0x0;
	lr =	simm.s32 $0x1  }
0x2: {  	[smem:$0x3F96] =	sst lr;
	_ =	strace $0xD0000000  }
0x3: {  	_ = 	snop  }
0x4: {  	_ = 	snop  }
0x5: {  	_ = 	snop  }
0x6: {  	_ = 	snop  }
0x7: {  	_ = 	snop  }
__scs_overlays_trampoline_lowered:
0x8: {  	[smem:$0x3FA5] =	sst s0  }
0x9: {  	[smem:$0x3FA6] =	sst s1  }
0xa: {  	[smem:$0x3FA7] =	sst s2  }
0xb: {  	[smem:$0x3FA8] =	sst s3  }
0xc: {  	[smem:$0x3FA9] =	sst s4  }
0xd: {  	[smem:$0x3FAA] =	sst s5  }
0xe: {  	[smem:$0x3FAB] =	sst s6  }
0xf: {  	[smem:$0x3FAC] =	sst s7  }
0x10: {  	[smem:$0x3FAD] =	sst s8  }
0x11: {  	[smem:$0x3FAE] =	sst s9;
	s0 =	simm.s32 @!p0 $0x0  }
0x12: {  	s1 =	sld [smem:$0x3F94];
	s0 =	simm.s32 @p0 $0x1  }
0x13: {  	[smem:$0x3FAF] =	sst s0;
	s0 =	simm.s32 @!p1 $0x0  }
0x14: {  	s2 =	sld [smem:$0x3F93];
	s0 =	simm.s32 @p1 $0x1  }
0x15: {  	[smem:$0x3FB0] =	sst s0;
	s0 =	simm.s32 @!p2 $0x0  }
0x16: {  	s3 =	sld [smem:$0x3FDB];
	s0 =	simm.s32 @p2 $0x1  }
0x17: {  	s4 =	simm.s32 $0x1BF5;
	[smem:$0x3FB2] =	sst s0  }
0x18: {  	s0 =	sld [smem:$0x3F95];
	_ =	swait.ge [sflag:s4], $0x0  }
0x19: {  	s7 =	sld [smem:$0x3F96]  }
0x1a: {  	s8 =	sadd.s32 $0xFFFFE003, lr  }
0x1b: {  	s9 =	sadd.s32 $0xFFFFFEF7, lr;
	s5 =	simm.s32 $0xFFFFFFFF;
	p2 =	slt.u32 s8, $0xFFFFF086  }
0x1c: {  	p1 =	slt.u32 s9, $0xF7A;
	s5 =	simm.s32 @!p2 $0x0  }
0x1d: {  	s5 =	simm.s32 @p1 $0x1;
	p0 =	seq.s32 s7, s2  }
0x1e: {  	s7 =	smul.u32 @!p0 $0xF7A, s2;
	p2 =	seq.s32 @!p0 s5, $0x0  }
0x1f: {  	s9 =	smul.u32 $0xF7A, s1;
	s8 =	simm.s32 @!p0 $0x1BF5;
	p2 =	por !p2, p0  }
0x20: {  	[sflag:s8] =	ssyncset.s32 @!p0 $0xFFFFF086;
	s6 =	sadd.s32 @!p0 s3, s7;
	s7 =	simm.s32 @!p0 $0x108  }
0x21: {  	s3 =	sadd.s32 s3, s9;
	s6 =	sadd.s32 @!p0 $0x88, s6;
	s7 =	simm.s32 @p2 $0x1082  }
0x22: {  	[simem:s7], [sflag:s8] =	dma.local @!p0 [hbm:s6], $0xF7A  }
0x23: {  	s9 =	sor.u32 $0xD0000000, s2;
	s6 =	simm.s32 $0x108;
	_ =	swait.ge @!p0 [sflag:s8], $0x0  }
0x24: {  	s3 =	sadd.s32 $0x88, s3;
	s6 =	simm.s32 @!p1 $0x1082;
	[sflag:s4] =	ssyncset.s32 $0xFFFFF086  }
0x25: {  	[simem:s6], [sflag:s4] =	dma.local [hbm:s3], $0xF7A  }
0x26: {  	[smem:$0x3F96] =	sst s1;
	(tag) =	ssettag s2;
	_ =	strace s9  }
0x27: {  	s1 =	sld [smem:$0x3FA6]  }
0x28: {  	s2 =	sld [smem:$0x3FA7]  }
0x29: {  	s4 =	sld [smem:$0x3FA9]  }
0x2a: {  	p0 =	seq.s32 s5, $0x0;
	s5 =	sld [smem:$0x3FAA]  }
0x2b: {  	s6 =	sld [smem:$0x3FAB]  }
0x2c: {  	s7 =	sld [smem:$0x3FAC]  }
0x2d: {  	s3 =	simm.s32 $0x108;
	s8 =	sld [smem:$0x3FAD]  }
0x2e: {  	s3 =	simm.s32 @!p0 $0x1082;
	s9 =	sld [smem:$0x3FAE]  }
0x2f: {  	lr =	sadd.s32 s0, s3;
	s0 =	sld [smem:$0x3FA5]  }
0x30: {  	s3 =	sld [smem:$0x3FA8]  }
0x31: {  	[smem:$0x3FB1] =	sst s10  }
0x32: {  	s10 =	sld [smem:$0x3FAF];
	_ =	sdelay $0x3  }
0x33: {  	p0 =	seq.s32 s10, $0x1;
	s10 =	sld [smem:$0x3FB1];
	_ =	sdelay $0x3  }
0x34: {  	[smem:$0x3FB1] =	sst s10  }
0x35: {  	s10 =	sld [smem:$0x3FB0];
	_ =	sdelay $0x3  }
0x36: {  	p1 =	seq.s32 s10, $0x1;
	s10 =	sld [smem:$0x3FB1];
	_ =	sdelay $0x3  }
0x37: {  	[smem:$0x3FB1] =	sst s10  }
0x38: {  	s10 =	sld [smem:$0x3FB2]  }
0x39: {  	_ = 	snop;
	(pc) =	sbr.ind lr, $3  }
0x3a: {  	_ = 	snop  }
0x3b: {  	_ = 	snop  }
0x3c: {  	p2 =	seq.s32 s10, $0x1;
	s10 =	sld [smem:$0x3FB1]  }
0x3d: {  	_ =	shalt  }
0x3e: {  	_ =	shalt  }
0x3f: {  	_ =	shalt  }
0x40: {  	_ =	shalt  }
0x41: {  	_ =	shalt  }
0x42: {  	_ =	shalt  }
0x43: {  	_ =	shalt  }
0x44: {  	_ =	shalt  }
0x45: {  	_ =	shalt  }
0x46: {  	_ =	shalt  }
0x47: {  	_ =	shalt  }
0x48: {  	_ =	shalt  }
0x49: {  	_ =	shalt  }
0x4a: {  	_ =	shalt  }
0x4b: {  	_ =	shalt  }
0x4c: {  	_ =	shalt  }
0x4d: {  	_ =	shalt  }
0x4e: {  	_ =	shalt  }
0x4f: {  	_ =	shalt  }
0x50: {  	_ =	shalt  }
0x51: {  	_ =	shalt  }
0x52: {  	_ =	shalt  }
0x53: {  	_ =	shalt  }
0x54: {  	_ =	shalt  }
0x55: {  	_ =	shalt  }
0x56: {  	_ =	shalt  }
0x57: {  	_ =	shalt  }
0x58: {  	_ =	shalt  }
0x59: {  	_ =	shalt  }
0x5a: {  	_ =	shalt  }
0x5b: {  	_ =	shalt  }
0x5c: {  	_ =	shalt  }
0x5d: {  	_ =	shalt  }
0x5e: {  	_ =	shalt  }
0x5f: {  	_ =	shalt  }
0x60: {  	_ =	shalt  }
0x61: {  	_ =	shalt  }
0x62: {  	_ =	shalt  }
0x63: {  	_ =	shalt  }
0x64: {  	_ =	shalt  }
0x65: {  	_ =	shalt  }
0x66: {  	_ =	shalt  }
0x67: {  	_ =	shalt  }
0x68: {  	_ =	shalt  }
0x69: {  	_ =	shalt  }
0x6a: {  	_ =	shalt  }
0x6b: {  	_ =	shalt  }
0x6c: {  	_ =	shalt  }
0x6d: {  	_ =	shalt  }
0x6e: {  	_ =	shalt  }
0x6f: {  	_ =	shalt  }
0x70: {  	_ =	shalt  }
0x71: {  	_ =	shalt  }
0x72: {  	_ =	shalt  }
0x73: {  	_ =	shalt  }
0x74: {  	_ =	shalt  }
0x75: {  	_ =	shalt  }
0x76: {  	_ =	shalt  }
0x77: {  	_ =	shalt  }
0x78: {  	_ =	shalt  }
0x79: {  	_ =	shalt  }
0x7a: {  	_ =	shalt  }
0x7b: {  	_ =	shalt  }
0x7c: {  	_ =	shalt  }
0x7d: {  	_ =	shalt  }
0x7e: {  	_ =	shalt  }
0x7f: {  	_ =	shalt  }
0x80: {  	_ =	shalt  }
0x81: {  	_ =	shalt  }
0x82: {  	_ =	shalt  }
0x83: {  	_ =	shalt  }
0x84: {  	_ =	shalt  }
0x85: {  	_ =	shalt  }
0x86: {  	_ =	shalt  }
0x87: {  	_ =	shalt  }
.Lfunc_end0:
.L_simem_size_0:
called_computation_lowered:
.L_overlay_start_0:
0x88: {  	s2 =	sld [smem:$0x3FD9]  }
0x89: {  	s3 =	sld [smem:$0x3FFE];
	_ =	sdelay $0x1  }
0x8a: {  	s1 =	srdreg.scid  }
0x8b: {  	s0 =	sand.u32 $0x1, s1  }
0x8c: {  	s16 =	sshll.u32 s0, $0xA;
	s2 =	sadd.s32 s3, s2  }
0x8d: {  	s2 =	sadd.s32 s2, s16  }
0x8e: {  	[smem:$0x3FBD] =	sst s2  }
0x8f: {  	_ = 	snop  }
0x90: {  	(tm) =	ssettm $0x1  }
0x91: {  	s17 =	sld [smem:$0x3FFB];
	_ =	sdelay $0x3  }
0x92: {  	_ =	strace s17  }
0x93: {  	s2 =	sld [smem:$0x3FFC];
	_ =	sdelay $0x3  }
0x94: {  	_ =	strace s2  }
0x95: {  	s2 =	sld [smem:$0x3FFD];
	_ =	sdelay $0x3  }
0x96: {  	_ =	strace s2  }
0x97: {  	_ =	strace $0x8FFFFFFF  }
0x98: {  	s18 =	sld [smem:$0x3FDB];
	_ =	sdelay $0x1  }
0x99: {  	s19 =	simm.s32 $_scs_section_size  }
0x9a: {  	s4 =	simm.s32 $_size__tile_overlayer_lowered;
	s5 =	simm.s32 $_tile_overlayer_lowered  }
0x9b: {  	s22 =	simm.s32 $0x1BFF;
	s21 =	sshll.u32 s5, $0x1;
	s2 =	sadd.s32 s19, s18  }
0x9c: {  	s6 =	simm.s32 $0x0;
	s20 =	sshll.u32 s4, $0x1;
	s4 =	sadd.s32 s21, s2  }
0x9d: {  	[timem:s6], [sflag:s22] =	dma.local [hbm:s4], s20  }
0x9e: {  	_ =	swait.ge [sflag:s22], s20  }
0x9f: {  	s3 =	ssub.s32 $0x0, s20;
	[sflag:s22] =	ssyncset.done $0x0  }
0xa0: {  	[sflag:s22] =	ssyncadd.s32 s3;
	_ =	sdelay $0x1  }
0xa1: {  	s23 =	simm.s32 $0x1B8B  }
0xa2: {  	_ =	swait.ge [sflag:s23], $0x1  }
0xa3: {  	[sflag:s23] =	ssyncset.done $0x0  }
0xa4: {  	s25 =	simm.s32 $0x1B8E;
	s24 =	sld [smem:$0x3FFE];
	[sflag:s23] =	ssyncadd.s32 $0xFFFFFFFF  }
0xa5: {  	s26 =	simm.s32 $execute0_lowered;
	[smem:$0x3FD2] =	sst s25  }
0xa6: {  	s4 =	sshll.u32 s26, $0x1;
	_ =	strace $0x80000046;
	[dreg:$0x1] =	wrdreg $0xFFFFFFFF  }
0xa7: {  	s28 =	simm.s32 $_size_execute0_lowered;
	s2 =	sadd.s32 s2, s4;
	[dreg:$0x0] =	wrdreg $0x0  }
0xa8: {  	s4 =	sshll.u32 s28, $0x1;
	[dreg:$0x2] =	wrdreg s2  }
0xa9: {  	[dreg:$0x3] =	wrdreg s4  }
0xaa: {  	[dreg:$0x4] =	wrdreg $0xC0  }
0xab: {  	_ =	task [dreg:s6], $0x5FFFF  }
0xac: {  	[dreg:$0x1] =	wrdreg $0xFFFFFFFF  }
0xad: {  	[dreg:$0x0] =	wrdreg $0x60  }
0xae: {  	[dreg:$0x2] =	wrdreg s24  }
0xaf: {  	[dreg:$0x3] =	wrdreg $0x0  }
0xb0: {  	[dreg:$0x4] =	wrdreg $0x9  }
0xb1: {  	_ =	task.clear_ibuf [dreg:s6], $0x5FFFF;
	_ =	strace $0x90000046  }
0xb2: {  	s29 =	simm.s32 $0x9;
	_ =	strace $0x80000048  }
0xb3: {  	_ =	swait.ge [sflag:s29], $0x1  }
0xb4: {  	[sflag:s29] =	ssyncadd.s32 $0xFFFFFFFF  }
0xb5: {  	_ =	strace $0x90000048  }
0xb6: {  	_ =	sfence  }
0xb7: {  	s30 =	sld [smem:$0x0];
	_ =	sdelay $0x2  }
0xb8: {  	s31 =	sshll.u32 s1, $0xD;
	s1 =	sshrl.u32 s1, $0x2  }
0xb9: {  	s3 =	sand.u32 $0x4000, s31;
	s1 =	sadd.s32 s1, s30  }
0xba: {  	s0 =	sor.u32 s3, s0;
	s1 =	sshll.u32 s1, $0x11  }
0xbb: {  	s0 =	sor.u32 s1, s0  }
0xbc: {  	s0 =	sadd.s32 $0x8F2B, s0  }
0xbd: {  	[sflag:s0] =	ssyncadd.remote.s32 $0x1  }
0xbe: {  	_ =	sfence.sel $0xFFFF  }
0xbf: {  	[dreg:$0x0] =	wrdreg $0xFFFFFFFF;
	(pc) =	sbr.abs _section_cstart, $3  }
0xc0: {  	[dreg:$0x1] =	wrdreg $0xFFFFFFFF  }
0xc1: {  	_ =	task.clear_ibuf [dreg:s6], $0x2FFFF;
	_ =	strace $0x9FFFFFFF  }
0xc2: {  	(tm) =	ssettm $0x7FFFFFFF  }
0xc3: {  	_ =	shalt  }
tec
execute0_lowered:
.L_overlay_start_1:
0x0: {  	(tag) =	ssettag $0x1  }
0x1: {  	s0 =	srdreg.scid;
	s7 =	rddreg [dreg:$0x0]  }
0x2: {  	s2 =	rddreg [dreg:$0x1];
	s1 =	stileid.u32  }
0x3: {  	s3 =	simm.s32 $0x0;
	s14 =	simm.s32 $0x15000;
	s17 =	simm.s32 $0x80  }
0x4: {  	s9 =	sand.u32 $0x1, s0;
	s0 =	rddreg [dreg:$0x2];
	s11 =	smul.u32 $0x4F000, s1  }
0x5: {  	s20 =	simm.s32 $0x0;
	[smem:$0x7FF] =	sst s3;
	s13 =	smul.u32 $0x4E000, s1  }
0x6: {  	s5 =	sadd.s32 $0xA800, s7;
	s6 =	sadd.s32 $0xD800, s7;
	s30 =	smul.u32 $0x2700, s1  }
0x7: {  	s19 =	sadd.s32 $0x138000, s2;
	s15 =	sshll.u32 s1, $0x6;
	p1 =	sne.s32 s1, $0xF  }
0x8: {  	p2 =	seq.s32 s1, $0xF;
	s4 =	sshll.u32 s9, $0x4;
	_ =	strace $0x80000047  }
0x9: {  	s10 =	ssub.s32 $0x2, s9;
	p0 =	seq.s32 s9, $0x1;
	s15 =	sor.u32 $0x1C01, s15  }
0xa: {  	s19 =	sshrl.u32 s19, $0x3;
	s4 =	sor.u32 s1, s4;
	s12 =	sshrl.u32 s10, $0x1  }
0xb: {  	s29 =	sshrl.u32 s11, $0x2;
	s31 =	sshrl.u32 s13, $0x2;
	s4 =	smul.u32 $0x280, s4  }
.Ltmp0:
0xc: {  	s9 =	sadd.s32 s6, s30;
	s13 =	simm.s32 $0x1;
	(pc) =	sbr.rel .LBB2_1-.Ltmp0, $4  }
0xd: {  	s12 =	ssub.s32 s10, s12;
	s16 =	sadd.s32 s29, s2;
	s18 =	sadd.s32 s31, s2  }
0xe: {  	s11 =	smax.u32 s12, $0x1;
	s12 =	simm.s32 $0x13C00;
	s16 =	sshrl.u32 s16, $0x3  }
0xf: {  	s8 =	sadd.s32 s4, s7;
	s4 =	sadd.s32 $0xD000, s7;
	s7 =	sadd.s32 $0x34A00, s7  }
0x10: {  	s18 =	sshrl.u32 s18, $0x3;
	s8 =	sadd.s32 $0x5800, s8;
	s10 =	sadd.s32 s7, s30  }
.LBB2_6:
0x11: {  	s21 =	sadd.s32 $0x27000, s21  }
0x12: {  	[hbm:s21], [sflag:s15] =	dma.local [spmem:s19], $0x100  }
0x13: {  	_ =	swait.ge [sflag:s13], $0x100  }
0x14: {  	[sflag:s13] =	ssyncset.done $0x0  }
0x15: {  	[sflag:s13] =	ssyncadd.s32 $0xFFFFFF00  }
.LBB2_7:
0x16: {  	s20 =	sadd.s32 $0x1, s20  }
0x17: {  	p3 =	sne.s32 s20, s11  }
.Ltmp1:
0x18: {  	_ = 	snop;
	(pc) =	sbr.rel @!p3 .LBB2_8-.Ltmp1, $1  }
0x19: {  	_ =	sdelay $0x3  }
.LBB2_1:
0x1a: {  	[tilespmem:s12], [sflag:$0x1] =	stream.linear.gather [hbm4b:s8+s3], $0x1400, $0x38;
	[tilespmem:$0x19000] =	vst v63  }
0x1b: {  	_ =	swait.ge [sflag:s13], $0x1400  }
0x1c: {  	[sflag:s13] =	ssyncset.done $0x0  }
0x1d: {  	[sflag:s13] =	ssyncadd.s32 $0xFFFFEC00  }
0x1e: {  	[tilespmem:s14], [sflag:$0x1] =	stream.linear.gather [hbm4b:s4+s3], $0x4000, $0x38;
	[tilespmem:$0x19000] =	vst v63  }
0x1f: {  	_ =	swait.ge [sflag:s13], $0x4000  }
0x20: {  	[sflag:s13] =	ssyncset.done $0x0  }
0x21: {  	[sflag:s13] =	ssyncadd.s32 $0xFFFFC000  }
0x22: {  	[spmem:s16], [sflag:s15] =	dma.local [hbm:s5], $0x2780  }
0x23: {  	_ =	swait.ge [sflag:s13], $0x2780  }
0x24: {  	[sflag:s13] =	ssyncset.done $0x0  }
0x25: {  	[sflag:s13] =	ssyncadd.s32 $0xFFFFD880  }
0x26: {  	s21 =	simm.s32 $0x13C00;
	[bflag:$0x0] =	sbarrier.arrive $0xFFFF  }
0x27: {  	[spmem:s2] =	stream.indirect.scatter.add.f32 [tilespmem:s14], [sflag:$0x1], $0x80, s21, s17, $0xb8;
	[tilespmem:$0x19000] =	vst v63  }
0x28: {  	s21 =	simm.s32 $0x200;
	_ =	swait.ge [sflag:s13], $0x4000  }
.LBB2_2:
0x29: {  	s22 =	sshra.s32 s21, $0x2;
	[sflag:s13] =	ssyncset.done $0x0;
	p3 =	sne.s32 s21, $0x4E00  }
.Ltmp2:
0x2a: {  	s22 =	sadd.s32 $0x13C00, s22;
	[sflag:s13] =	ssyncadd.s32 $0xFFFFC000;
	(pc) =	sbr.rel @p3 .LBB2_2-.Ltmp2, $3  }
0x2b: {  	[spmem:s2] =	stream.indirect.scatter.add.f32 [tilespmem:s14], [sflag:$0x1], $0x80, s22, s17, $0xb8;
	[tilespmem:$0x19000] =	vst v63  }
0x2c: {  	s21 =	sadd.s32 $0x200, s21;
	_ =	sdelay $0x1  }
0x2d: {  	_ =	swait.ge [sflag:s13], $0x4000  }
.Ltmp3:
0x2e: {  	(pc) =	sbr.rel @!p0 .LBB2_4-.Ltmp3, $3  }
0x2f: {  	[sflag:s13] =	ssyncset.done $0x0  }
0x30: {  	[sflag:s13] =	ssyncadd.s32 $0xFFFFC000  }
0x31: {  	[bflag:$0x0] =	sbarrier.arrive $0xFFFF;
	_ =	sdelay $0x1  }
0x32: {  	[hbm:s10], [sflag:s15] =	dma.local [spmem:s18], $0x2700  }
.Ltmp4:
0x33: {  	_ = 	snop;
	(pc) =	sbr.rel @p1 .LBB2_7-.Ltmp4, $4  }
.Ltmp5:
0x34: {  	_ = 	snop;
	(pc) =	sbr.rel @!p1 .LBB2_6-.Ltmp5, $4  }
0x35: {  	_ =	swait.ge [sflag:s13], $0x2700  }
0x36: {  	[sflag:s13] =	ssyncset.done $0x0  }
0x37: {  	s21 =	smov.u32 s7;
	[sflag:s13] =	ssyncadd.s32 $0xFFFFD900  }
0x38: {  	_ = 	snop  }
.LBB2_4:
0x39: {  	[hbm:s9], [sflag:s15] =	dma.local [spmem:s18], $0x2700  }
.Ltmp6:
0x3a: {  	_ = 	snop;
	(pc) =	sbr.rel @p2 .LBB2_6-.Ltmp6, $4  }
.Ltmp7:
0x3b: {  	_ = 	snop;
	(pc) =	sbr.rel @!p2 .LBB2_7-.Ltmp7, $4  }
0x3c: {  	_ =	swait.ge [sflag:s13], $0x2700  }
0x3d: {  	[sflag:s13] =	ssyncset.done $0x0  }
0x3e: {  	s21 =	smov.u32 s6;
	[sflag:s13] =	ssyncadd.s32 $0xFFFFD900  }
0x3f: {  	_ = 	snop  }
.LBB2_8:
0x40: {  	_ =	sfence.sel $0x180000  }
0x41: {  	[bflag:$0x0] =	sbarrier.arrive $0xFFFF  }
0x42: {  	p0 =	sne.s32 s1, $0x0;
	_ =	strace $0x90000047  }
0x43: {  	s0 =	sadd.s32 @!p0 $0x100000, s0;
	[bflag:$0x2] =	sbarrier.arrive $0xFFFF  }
0x44: {  	[sflag:s0] =	ssyncadd.tile.s32 @!p0 $0x1;
	_ =	shalt  }
.Lfunc_end2:
_tile_overlayer_lowered:
.L_overlay_start_2:
0x45: {  	(tag) =	ssettag $0x2  }
0x46: {  	s0 =	rddreg [dreg:$0x0];
	s2 =	stileid.u32  }
0x47: {  	s1 =	rddreg [dreg:$0x1];
	p0 =	sne.s32 s2, $0x0  }
0x48: {  	s3 =	rddreg [dreg:$0x2];
	[bflag:$0x3] =	sbarrier.arrive $0xFFFF;
	s2 =	simm.s32 @!p0 $0x1C01  }
0x49: {  	[timem:s3], [sflag:s2] =	dma.local @!p0 [hbm:s0], s1  }
0x4a: {  	s0 =	simm.s32 @!p0 $0x1  }
0x4b: {  	_ =	swait.ge @!p0 [sflag:s0], s1  }
0x4c: {  	s1 =	ssub.s32 @!p0 $0x0, s1;
	[sflag:s0] =	ssyncset.done @!p0 $0x0  }
0x4d: {  	[sflag:s0] =	ssyncadd.s32 @!p0 s1  }
0x4e: {  	[bflag:$0x3] =	sbarrier.arrive $0xFFFF  }
0x4f: {  	_ =	shalt  }

// kernel: kernel.14.cloned.1.call-start
scs
__scs_entry_jumppad:
0x0: {  	(pc) =	sbr.rel $0x88, $3  }
0x1: {  	(tag) =	ssettag $0x0;
	lr =	simm.s32 $0x1  }
0x2: {  	[smem:$0x3F96] =	sst lr;
	_ =	strace $0xD0000000  }
0x3: {  	_ = 	snop  }
0x4: {  	_ = 	snop  }
0x5: {  	_ = 	snop  }
0x6: {  	_ = 	snop  }
0x7: {  	_ = 	snop  }
__scs_overlays_trampoline_lowered:
0x8: {  	[smem:$0x3FA5] =	sst s0  }
0x9: {  	[smem:$0x3FA6] =	sst s1  }
0xa: {  	[smem:$0x3FA7] =	sst s2  }
0xb: {  	[smem:$0x3FA8] =	sst s3  }
0xc: {  	[smem:$0x3FA9] =	sst s4  }
0xd: {  	[smem:$0x3FAA] =	sst s5  }
0xe: {  	[smem:$0x3FAB] =	sst s6  }
0xf: {  	[smem:$0x3FAC] =	sst s7  }
0x10: {  	[smem:$0x3FAD] =	sst s8  }
0x11: {  	[smem:$0x3FAE] =	sst s9;
	s0 =	simm.s32 @!p0 $0x0  }
0x12: {  	s1 =	sld [smem:$0x3F94];
	s0 =	simm.s32 @p0 $0x1  }
0x13: {  	[smem:$0x3FAF] =	sst s0;
	s0 =	simm.s32 @!p1 $0x0  }
0x14: {  	s2 =	sld [smem:$0x3F93];
	s0 =	simm.s32 @p1 $0x1  }
0x15: {  	[smem:$0x3FB0] =	sst s0;
	s0 =	simm.s32 @!p2 $0x0  }
0x16: {  	s3 =	sld [smem:$0x3FDB];
	s0 =	simm.s32 @p2 $0x1  }
0x17: {  	s4 =	simm.s32 $0x1BF5;
	[smem:$0x3FB2] =	sst s0  }
0x18: {  	s0 =	sld [smem:$0x3F95];
	_ =	swait.ge [sflag:s4], $0x0  }
0x19: {  	s7 =	sld [smem:$0x3F96]  }
0x1a: {  	s8 =	sadd.s32 $0xFFFFE003, lr  }
0x1b: {  	s9 =	sadd.s32 $0xFFFFFEF7, lr;
	s5 =	simm.s32 $0xFFFFFFFF;
	p2 =	slt.u32 s8, $0xFFFFF086  }
0x1c: {  	p1 =	slt.u32 s9, $0xF7A;
	s5 =	simm.s32 @!p2 $0x0  }
0x1d: {  	s5 =	simm.s32 @p1 $0x1;
	p0 =	seq.s32 s7, s2  }
0x1e: {  	s7 =	smul.u32 @!p0 $0xF7A, s2;
	p2 =	seq.s32 @!p0 s5, $0x0  }
0x1f: {  	s9 =	smul.u32 $0xF7A, s1;
	s8 =	simm.s32 @!p0 $0x1BF5;
	p2 =	por !p2, p0  }
0x20: {  	[sflag:s8] =	ssyncset.s32 @!p0 $0xFFFFF086;
	s6 =	sadd.s32 @!p0 s3, s7;
	s7 =	simm.s32 @!p0 $0x108  }
0x21: {  	s3 =	sadd.s32 s3, s9;
	s6 =	sadd.s32 @!p0 $0x88, s6;
	s7 =	simm.s32 @p2 $0x1082  }
0x22: {  	[simem:s7], [sflag:s8] =	dma.local @!p0 [hbm:s6], $0xF7A  }
0x23: {  	s9 =	sor.u32 $0xD0000000, s2;
	s6 =	simm.s32 $0x108;
	_ =	swait.ge @!p0 [sflag:s8], $0x0  }
0x24: {  	s3 =	sadd.s32 $0x88, s3;
	s6 =	simm.s32 @!p1 $0x1082;
	[sflag:s4] =	ssyncset.s32 $0xFFFFF086  }
0x25: {  	[simem:s6], [sflag:s4] =	dma.local [hbm:s3], $0xF7A  }
0x26: {  	[smem:$0x3F96] =	sst s1;
	(tag) =	ssettag s2;
	_ =	strace s9  }
0x27: {  	s1 =	sld [smem:$0x3FA6]  }
0x28: {  	s2 =	sld [smem:$0x3FA7]  }
0x29: {  	s4 =	sld [smem:$0x3FA9]  }
0x2a: {  	p0 =	seq.s32 s5, $0x0;
	s5 =	sld [smem:$0x3FAA]  }
0x2b: {  	s6 =	sld [smem:$0x3FAB]  }
0x2c: {  	s7 =	sld [smem:$0x3FAC]  }
0x2d: {  	s3 =	simm.s32 $0x108;
	s8 =	sld [smem:$0x3FAD]  }
0x2e: {  	s3 =	simm.s32 @!p0 $0x1082;
	s9 =	sld [smem:$0x3FAE]  }
0x2f: {  	lr =	sadd.s32 s0, s3;
	s0 =	sld [smem:$0x3FA5]  }
0x30: {  	s3 =	sld [smem:$0x3FA8]  }
0x31: {  	[smem:$0x3FB1] =	sst s10  }
0x32: {  	s10 =	sld [smem:$0x3FAF];
	_ =	sdelay $0x3  }
0x33: {  	p0 =	seq.s32 s10, $0x1;
	s10 =	sld [smem:$0x3FB1];
	_ =	sdelay $0x3  }
0x34: {  	[smem:$0x3FB1] =	sst s10  }
0x35: {  	s10 =	sld [smem:$0x3FB0];
	_ =	sdelay $0x3  }
0x36: {  	p1 =	seq.s32 s10, $0x1;
	s10 =	sld [smem:$0x3FB1];
	_ =	sdelay $0x3  }
0x37: {  	[smem:$0x3FB1] =	sst s10  }
0x38: {  	s10 =	sld [smem:$0x3FB2]  }
0x39: {  	_ = 	snop;
	(pc) =	sbr.ind lr, $3  }
0x3a: {  	_ = 	snop  }
0x3b: {  	_ = 	snop  }
0x3c: {  	p2 =	seq.s32 s10, $0x1;
	s10 =	sld [smem:$0x3FB1]  }
0x3d: {  	_ =	shalt  }
0x3e: {  	_ =	shalt  }
0x3f: {  	_ =	shalt  }
0x40: {  	_ =	shalt  }
0x41: {  	_ =	shalt  }
0x42: {  	_ =	shalt  }
0x43: {  	_ =	shalt  }
0x44: {  	_ =	shalt  }
0x45: {  	_ =	shalt  }
0x46: {  	_ =	shalt  }
0x47: {  	_ =	shalt  }
0x48: {  	_ =	shalt  }
0x49: {  	_ =	shalt  }
0x4a: {  	_ =	shalt  }
0x4b: {  	_ =	shalt  }
0x4c: {  	_ =	shalt  }
0x4d: {  	_ =	shalt  }
0x4e: {  	_ =	shalt  }
0x4f: {  	_ =	shalt  }
0x50: {  	_ =	shalt  }
0x51: {  	_ =	shalt  }
0x52: {  	_ =	shalt  }
0x53: {  	_ =	shalt  }
0x54: {  	_ =	shalt  }
0x55: {  	_ =	shalt  }
0x56: {  	_ =	shalt  }
0x57: {  	_ =	shalt  }
0x58: {  	_ =	shalt  }
0x59: {  	_ =	shalt  }
0x5a: {  	_ =	shalt  }
0x5b: {  	_ =	shalt  }
0x5c: {  	_ =	shalt  }
0x5d: {  	_ =	shalt  }
0x5e: {  	_ =	shalt  }
0x5f: {  	_ =	shalt  }
0x60: {  	_ =	shalt  }
0x61: {  	_ =	shalt  }
0x62: {  	_ =	shalt  }
0x63: {  	_ =	shalt  }
0x64: {  	_ =	shalt  }
0x65: {  	_ =	shalt  }
0x66: {  	_ =	shalt  }
0x67: {  	_ =	shalt  }
0x68: {  	_ =	shalt  }
0x69: {  	_ =	shalt  }
0x6a: {  	_ =	shalt  }
0x6b: {  	_ =	shalt  }
0x6c: {  	_ =	shalt  }
0x6d: {  	_ =	shalt  }
0x6e: {  	_ =	shalt  }
0x6f: {  	_ =	shalt  }
0x70: {  	_ =	shalt  }
0x71: {  	_ =	shalt  }
0x72: {  	_ =	shalt  }
0x73: {  	_ =	shalt  }
0x74: {  	_ =	shalt  }
0x75: {  	_ =	shalt  }
0x76: {  	_ =	shalt  }
0x77: {  	_ =	shalt  }
0x78: {  	_ =	shalt  }
0x79: {  	_ =	shalt  }
0x7a: {  	_ =	shalt  }
0x7b: {  	_ =	shalt  }
0x7c: {  	_ =	shalt  }
0x7d: {  	_ =	shalt  }
0x7e: {  	_ =	shalt  }
0x7f: {  	_ =	shalt  }
0x80: {  	_ =	shalt  }
0x81: {  	_ =	shalt  }
0x82: {  	_ =	shalt  }
0x83: {  	_ =	shalt  }
0x84: {  	_ =	shalt  }
0x85: {  	_ =	shalt  }
0x86: {  	_ =	shalt  }
0x87: {  	_ =	shalt  }
.Lfunc_end0:
.L_simem_size_0:
called_computation.1_lowered:
.L_overlay_start_0:
0x88: {  	s2 =	sld [smem:$0x3FD9]  }
0x89: {  	s3 =	sld [smem:$0x3FFE];
	_ =	sdelay $0x1  }
0x8a: {  	s1 =	srdreg.scid  }
0x8b: {  	s0 =	sand.u32 $0x1, s1  }
0x8c: {  	s17 =	sshll.u32 s0, $0xA;
	s2 =	sadd.s32 s3, s2  }
0x8d: {  	s2 =	sadd.s32 s2, s17  }
0x8e: {  	[smem:$0x3FBD] =	sst s2  }
0x8f: {  	_ = 	snop  }
0x90: {  	s18 =	sld [smem:$0x3FD0];
	(tm) =	ssettm $0x1  }
0x91: {  	s19 =	sld [smem:$0x3FFB];
	_ =	sdelay $0x3  }
0x92: {  	_ =	strace s19  }
0x93: {  	s2 =	sld [smem:$0x3FFC];
	_ =	sdelay $0x3  }
0x94: {  	_ =	strace s2  }
0x95: {  	s2 =	sld [smem:$0x3FFD];
	_ =	sdelay $0x3  }
0x96: {  	_ =	strace s2  }
0x97: {  	_ =	strace $0x8FFFFFFF  }
0x98: {  	s20 =	sld [smem:$0x3FDB];
	_ =	sdelay $0x1  }
0x99: {  	s4 =	simm.s32 $_scs_section_size  }
0x9a: {  	s5 =	simm.s32 $_size__tile_overlayer_lowered;
	s6 =	simm.s32 $_tile_overlayer_lowered  }
0x9b: {  	s7 =	simm.s32 $0x1BFF;
	s21 =	sshll.u32 s6, $0x1;
	s4 =	sadd.s32 s4, s20  }
0x9c: {  	s22 =	simm.s32 $0x0;
	s5 =	sshll.u32 s5, $0x1;
	s6 =	sadd.s32 s21, s4  }
0x9d: {  	[timem:s22], [sflag:s7] =	dma.local [hbm:s6], s5  }
0x9e: {  	_ =	swait.ge [sflag:s7], s5  }
0x9f: {  	s5 =	ssub.s32 $0x0, s5;
	[sflag:s7] =	ssyncset.done $0x0  }
0xa0: {  	[sflag:s7] =	ssyncadd.s32 s5;
	_ =	sdelay $0x1  }
0xa1: {  	s23 =	simm.s32 $0x1B8B  }
0xa2: {  	_ =	swait.ge [sflag:s23], $0x1  }
0xa3: {  	[sflag:s23] =	ssyncset.done $0x0  }
0xa4: {  	[sflag:s23] =	ssyncadd.s32 $0xFFFFFFFF  }
0xa5: {  	s5 =	sld [smem:$0x0]  }
0xa6: {  	s6 =	sand.u32 $0xFFFFFFFE, s1  }
0xa7: {  	p0 =	sne.s32 s1, s6  }
0xa8: {  	s6 =	sshll.u32 @p0 s6, $0xE  }
0xa9: {  	s6 =	sadd.s32 @p0 $0x11B8D, s6;
	s7 =	sshll.u32 @p0 s5, $0x11  }
0xaa: {  	s6 =	sor.u32 @p0 s7, s6  }
0xab: {  	[sflag:s6] =	ssyncadd.remote.s32 @p0 $0x1;
	_ =	sdelay $0x1  }
0xac: {  	s6 =	simm.s32 @p0 $0x1B8D  }
0xad: {  	_ =	swait.eq @p0 [sflag:s6], $0x1  }
0xae: {  	[sflag:s6] =	ssyncadd.s32 @p0 $0xFFFFFFFF  }
0xaf: {  	s7 =	sshll.u32 @!p0 s1, $0xE  }
0xb0: {  	s7 =	sor.u32 @!p0 $0x4000, s7;
	s6 =	simm.s32 @!p0 $0x1B8D  }
0xb1: {  	s5 =	sshll.u32 @!p0 s5, $0x11;
	s7 =	sadd.s32 @!p0 $0x11B8D, s7;
	_ =	swait.eq @!p0 [sflag:s6], $0x1  }
0xb2: {  	s5 =	sor.u32 @!p0 s5, s7;
	[sflag:s6] =	ssyncadd.s32 @!p0 $0xFFFFFFFF  }
0xb3: {  	s25 =	simm.s32 $0x1B8E;
	s24 =	sld [smem:$0x3FFE];
	[sflag:s5] =	ssyncadd.remote.s32 @!p0 $0x1  }
0xb4: {  	s26 =	simm.s32 $execute0_lowered;
	[smem:$0x3FD2] =	sst s25  }
0xb5: {  	s6 =	sshll.u32 s26, $0x1;
	_ =	strace $0x80000049;
	[dreg:$0x1] =	wrdreg $0xFFFFFFFF  }
0xb6: {  	s28 =	simm.s32 $_size_execute0_lowered;
	s4 =	sadd.s32 s4, s6;
	[dreg:$0x0] =	wrdreg $0x0  }
0xb7: {  	s6 =	sshll.u32 s28, $0x1;
	[dreg:$0x2] =	wrdreg s4  }
0xb8: {  	[dreg:$0x3] =	wrdreg s6  }
0xb9: {  	[dreg:$0x4] =	wrdreg $0xC0  }
0xba: {  	_ =	task [dreg:s22], $0x5FFFF  }
0xbb: {  	[dreg:$0x1] =	wrdreg $0xFFFFFFFF  }
0xbc: {  	[dreg:$0x0] =	wrdreg $0x60  }
0xbd: {  	[dreg:$0x2] =	wrdreg s24  }
0xbe: {  	[dreg:$0x3] =	wrdreg s18  }
0xbf: {  	[dreg:$0x4] =	wrdreg $0x0  }
0xc0: {  	[dreg:$0x5] =	wrdreg $0xA  }
0xc1: {  	_ =	task.clear_ibuf [dreg:s22], $0x6FFFF;
	_ =	strace $0x90000049  }
0xc2: {  	s29 =	simm.s32 $0xA;
	_ =	strace $0x8000004B  }
0xc3: {  	_ =	swait.ge [sflag:s29], $0x1  }
0xc4: {  	[sflag:s29] =	ssyncadd.s32 $0xFFFFFFFF  }
0xc5: {  	_ =	strace $0x9000004B  }
0xc6: {  	_ =	sfence  }
0xc7: {  	s30 =	sld [smem:$0x0];
	_ =	sdelay $0x2  }
0xc8: {  	s31 =	sshll.u32 s1, $0xD;
	s1 =	sshrl.u32 s1, $0x2  }
0xc9: {  	s4 =	sand.u32 $0x4000, s31;
	s1 =	sadd.s32 s1, s30  }
0xca: {  	s0 =	sor.u32 s4, s0;
	s1 =	sshll.u32 s1, $0x11  }
0xcb: {  	s0 =	sor.u32 s1, s0  }
0xcc: {  	s0 =	sadd.s32 $0x8F2B, s0  }
0xcd: {  	[sflag:s0] =	ssyncadd.remote.s32 $0x1  }
0xce: {  	_ =	sfence.sel $0xFFFF  }
0xcf: {  	[dreg:$0x0] =	wrdreg $0xFFFFFFFF;
	(pc) =	sbr.abs _section_cstart, $3  }
0xd0: {  	[dreg:$0x1] =	wrdreg $0xFFFFFFFF  }
0xd1: {  	_ =	task.clear_ibuf [dreg:s22], $0x2FFFF;
	_ =	strace $0x9FFFFFFF  }
0xd2: {  	(tm) =	ssettm $0x7FFFFFFF  }
0xd3: {  	_ =	shalt  }
tec
execute0_lowered:
.L_overlay_start_1:
0x0: {  	(tag) =	ssettag $0x1  }
0x1: {  	s0 =	rddreg [dreg:$0x0]  }
0x2: {  	s4 =	rddreg [dreg:$0x1]  }
0x3: {  	s1 =	rddreg [dreg:$0x2]  }
0x4: {  	s2 =	simm.s32 $0x0;
	s8 =	srdreg.scid;
	s26 =	stileid.u32  }
0x5: {  	s19 =	simm.s32 $0x5;
	s20 =	simm.s32 $0x13C00;
	s28 =	simm.s32 $0x1A400  }
0x6: {  	s29 =	simm.s32 $0x2;
	s30 =	simm.s32 $0x15080;
	s31 =	simm.s32 $0x3  }
0x7: {  	[smem:$0x7FF] =	sst s2;
	s3 =	sadd.s32 $0x5BC00, s0;
	s10 =	smul.u32 $0x4F000, s26  }
0x8: {  	s5 =	sadd.s32 $0x82E00, s0;
	s7 =	sadd.s32 $0x5800, s0;
	s11 =	smul.u32 $0x500, s26  }
0x9: {  	s6 =	sadd.s32 $0xA800, s0;
	s8 =	sand.u32 $0x1, s8;
	s13 =	smul.u32 $0x2800, s26  }
0xa: {  	s17 =	sadd.s32 $0xF8200, s0;
	s18 =	sadd.s32 $0x11F400, s0;
	s14 =	smul.u32 $0x4E000, s26  }
0xb: {  	s12 =	sshll.u32 s26, $0x6;
	s16 =	smul.u32 $0x2700, s26;
	p1 =	seq.s32 s26, $0xF  }
0xc: {  	p2 =	sne.s32 s26, $0xF;
	_ =	strace $0x8000004A;
	[dreg:$0x5] =	wrdreg s18  }
0xd: {  	s26 =	simm.s32 $0x13C80;
	s9 =	ssub.s32 $0x2, s8;
	[dreg:$0x4] =	wrdreg s17  }
0xe: {  	p0 =	sne.s32 s8, $0x0;
	s21 =	sshrl.u32 s9, $0x1;
	s10 =	sshrl.u32 s10, $0x2  }
0xf: {  	s22 =	sshrl.u32 s13, $0x3;
	s23 =	sshrl.u32 s14, $0x2;
	s24 =	sadd.s32 s18, s16  }
0x10: {  	s25 =	sadd.s32 s17, s16;
	s0 =	ssub.s32 s9, s21;
	s15 =	sadd.s32 s10, s1  }
0x11: {  	s9 =	sor.u32 $0x1C05, s12;
	s10 =	sadd.s32 s4, s11;
	s11 =	sadd.s32 s7, s11  }
0x12: {  	s13 =	sadd.s32 $0x280, s22;
	s14 =	sadd.s32 s23, s1;
	[dreg:$0x6] =	wrdreg s24  }
.Ltmp0:
0x13: {  	[dreg:$0x7] =	wrdreg s25;
	s21 =	simm.s32 $0x15000;
	(pc) =	sbr.rel .LBB2_1-.Ltmp0, $4  }
0x14: {  	s22 =	simm.s32 $0x80;
	s23 =	simm.s32 $0x16400;
	s24 =	simm.s32 $0x1  }
0x15: {  	s12 =	sadd.s32 s4, s13;
	s13 =	sadd.s32 s7, s13;
	s4 =	sadd.s32 $0x138000, s1  }
0x16: {  	s17 =	smax.u32 s0, $0x1;
	s18 =	sshrl.u32 s15, $0x3;
	s0 =	simm.s32 $0x13D00  }
0x17: {  	s7 =	simm.s32 $0x0;
	s25 =	sshrl.u32 s4, $0x3;
	s4 =	simm.s32 $0x4  }
.LBB2_16:
0x18: {  	s8 =	sadd.s32 $0x27000, s8  }
0x19: {  	[hbm:s8], [sflag:s9] =	dma.local [spmem:s25], $0x100  }
0x1a: {  	_ =	swait.ge [sflag:s19], $0x100  }
0x1b: {  	[sflag:s19] =	ssyncset.done $0x0  }
0x1c: {  	[sflag:s19] =	ssyncadd.s32 $0xFFFFFF00  }
.LBB2_17:
0x1d: {  	s7 =	sadd.s32 $0x1, s7  }
0x1e: {  	p3 =	sne.s32 s7, s17  }
.Ltmp1:
0x1f: {  	_ = 	snop;
	(pc) =	sbr.rel @!p3 .LBB2_18-.Ltmp1, $1  }
0x20: {  	_ =	sdelay $0x3  }
.LBB2_1:
0x21: {  	[spmem:s18], [sflag:s9] =	dma.local [hbm:s6], $0x2780  }
0x22: {  	_ =	swait.ge [sflag:s19], $0x2780  }
0x23: {  	[sflag:s19] =	ssyncset.done $0x0  }
0x24: {  	[sflag:s19] =	ssyncadd.s32 $0xFFFFD880  }
0x25: {  	[bflag:$0x0] =	sbarrier.arrive $0xFFFF  }
0x26: {  	[tilespmem:s20], [sflag:$0x5] =	stream.linear.gather [hbm4b:s10+s2], $0x1400, $0x38;
	[tilespmem:$0x1E400] =	vst v63  }
0x27: {  	_ =	swait.ge [sflag:s19], $0x1400  }
0x28: {  	[sflag:s19] =	ssyncset.done $0x0  }
.Ltmp2:
0x29: {  	[sflag:s19] =	ssyncadd.s32 $0xFFFFEC00;
	(pc) =	sbr.rel @p0 .LBB2_9-.Ltmp2, $4  }
0x2a: {  	[tilespmem:s21], [sflag:$0x5] =	stream.linear.gather [hbm4b:s11+s2], $0x1400, $0x38;
	[tilespmem:$0x1E400] =	vst v63  }
0x2b: {  	_ =	swait.ge [sflag:s19], $0x1400  }
0x2c: {  	[sflag:s19] =	ssyncset.done $0x0  }
0x2d: {  	[sflag:s19] =	ssyncadd.s32 $0xFFFFEC00  }
0x2e: {  	[tilespmem:s23], [sflag:$0x1] =	stream.indirect.gather [hbm4b:s3+s22], $0x80, s20, s22, $0xb8;
	[tilespmem:$0x1E400] =	vst v63  }
0x2f: {  	_ =	swait.ge [sflag:s24], $0x4000  }
0x30: {  	[sflag:s24] =	ssyncset.done $0x0  }
0x31: {  	[sflag:s24] =	ssyncadd.s32 $0xFFFFC000  }
0x32: {  	[spmem:s1] =	stream.indirect.scatter.add.f32 [tilespmem:s23], [sflag:$0x3], $0x80, s21, s22, $0xb8;
	[tilespmem:$0x1E400] =	vst v63  }
0x33: {  	_ = 	snop  }
0x34: {  	[tilespmem:s28], [sflag:$0x2] =	stream.indirect.gather [hbm4b:s3+s22], $0x80, s26, s22, $0xb8;
	[tilespmem:$0x1E400] =	vst v63  }
0x35: {  	_ =	swait.ge [sflag:s29], $0x4000  }
0x36: {  	[sflag:s29] =	ssyncset.done $0x0  }
0x37: {  	[sflag:s29] =	ssyncadd.s32 $0xFFFFC000  }
0x38: {  	[spmem:s1] =	stream.indirect.scatter.add.f32 [tilespmem:s28], [sflag:$0x4], $0x80, s30, s22, $0xb8;
	[tilespmem:$0x1E400] =	vst v63  }
0x39: {  	_ =	swait.ge [sflag:s31], $0x4000  }
0x3a: {  	[sflag:s31] =	ssyncset.done $0x0  }
0x3b: {  	s15 =	simm.s32 $0xFFFFB800;
	[sflag:s31] =	ssyncadd.s32 $0xFFFFC000  }
0x3c: {  	[tilespmem:s23], [sflag:$0x1] =	stream.indirect.gather [hbm4b:s3+s22], $0x80, s0, s22, $0xb8;
	[tilespmem:$0x1E400] =	vst v63  }
.LBB2_3:
0x3d: {  	_ =	swait.ge [sflag:s24], $0x4000  }
0x3e: {  	s8 =	sshra.s32 s15, $0x2;
	[sflag:s24] =	ssyncset.done $0x0  }
0x3f: {  	s16 =	sadd.s32 $0x16300, s8;
	[sflag:s24] =	ssyncadd.s32 $0xFFFFC000  }
0x40: {  	[spmem:s1] =	stream.indirect.scatter.add.f32 [tilespmem:s23], [sflag:$0x3], $0x80, s16, s22, $0xb8;
	[tilespmem:$0x1E400] =	vst v63  }
0x41: {  	_ =	swait.ge [sflag:s4], $0x4000  }
0x42: {  	[sflag:s4] =	ssyncset.done $0x0  }
0x43: {  	s16 =	sadd.s32 $0x14F80, s8;
	[sflag:s4] =	ssyncadd.s32 $0xFFFFC000  }
0x44: {  	[tilespmem:s28], [sflag:$0x2] =	stream.indirect.gather [hbm4b:s3+s22], $0x80, s16, s22, $0xb8;
	[tilespmem:$0x1E400] =	vst v63  }
0x45: {  	_ =	swait.ge [sflag:s29], $0x4000  }
0x46: {  	p3 =	seq.s32 s15, $0x0;
	[sflag:s29] =	ssyncset.done $0x0  }
.Ltmp3:
0x47: {  	s16 =	sadd.s32 $0x16380, s8;
	[sflag:s29] =	ssyncadd.s32 $0xFFFFC000;
	(pc) =	sbr.rel @p3 .LBB2_5-.Ltmp3, $4  }
0x48: {  	[spmem:s1] =	stream.indirect.scatter.add.f32 [tilespmem:s28], [sflag:$0x4], $0x80, s16, s22, $0xb8;
	[tilespmem:$0x1E400] =	vst v63  }
0x49: {  	_ =	swait.ge [sflag:s31], $0x4000  }
0x4a: {  	[sflag:s31] =	ssyncset.done $0x0  }
0x4b: {  	[sflag:s31] =	ssyncadd.s32 $0xFFFFC000  }
.Ltmp4:
0x4c: {  	(pc) =	sbr.rel .LBB2_3-.Ltmp4, $3  }
0x4d: {  	_ =	sdelay $0x1  }
0x4e: {  	s8 =	sadd.s32 $0x15000, s8;
	s15 =	sadd.s32 $0x400, s15  }
0x4f: {  	[tilespmem:s23], [sflag:$0x1] =	stream.indirect.gather [hbm4b:s3+s22], $0x80, s8, s22, $0xb8;
	[tilespmem:$0x1E400] =	vst v63  }
.LBB2_9:
0x50: {  	[tilespmem:s23], [sflag:$0x1] =	stream.indirect.gather [hbm4b:s5+s22], $0x80, s20, s22, $0xb8;
	[tilespmem:$0x1E400] =	vst v63  }
0x51: {  	_ =	swait.ge [sflag:s24], $0x4000  }
0x52: {  	[sflag:s24] =	ssyncset.done $0x0  }
0x53: {  	[sflag:s24] =	ssyncadd.s32 $0xFFFFC000  }
0x54: {  	[spmem:s1] =	stream.indirect.scatter.add.f32 [tilespmem:s23], [sflag:$0x3], $0x80, s21, s22, $0xb8;
	[tilespmem:$0x1E400] =	vst v63  }
0x55: {  	_ = 	snop  }
0x56: {  	[tilespmem:s28], [sflag:$0x2] =	stream.indirect.gather [hbm4b:s5+s22], $0x80, s26, s22, $0xb8;
	[tilespmem:$0x1E400] =	vst v63  }
0x57: {  	_ =	swait.ge [sflag:s29], $0x4000  }
0x58: {  	[sflag:s29] =	ssyncset.done $0x0  }
0x59: {  	[sflag:s29] =	ssyncadd.s32 $0xFFFFC000  }
0x5a: {  	[spmem:s1] =	stream.indirect.scatter.add.f32 [tilespmem:s28], [sflag:$0x4], $0x80, s30, s22, $0xb8;
	[tilespmem:$0x1E400] =	vst v63  }
0x5b: {  	_ =	swait.ge [sflag:s31], $0x4000  }
0x5c: {  	[sflag:s31] =	ssyncset.done $0x0  }
0x5d: {  	s15 =	simm.s32 $0xFFFFB800;
	[sflag:s31] =	ssyncadd.s32 $0xFFFFC000  }
0x5e: {  	[tilespmem:s23], [sflag:$0x1] =	stream.indirect.gather [hbm4b:s5+s22], $0x80, s0, s22, $0xb8;
	[tilespmem:$0x1E400] =	vst v63  }
.LBB2_10:
0x5f: {  	_ =	swait.ge [sflag:s24], $0x4000  }
0x60: {  	s8 =	sshra.s32 s15, $0x2;
	[sflag:s24] =	ssyncset.done $0x0  }
0x61: {  	s16 =	sadd.s32 $0x16300, s8;
	[sflag:s24] =	ssyncadd.s32 $0xFFFFC000  }
0x62: {  	[spmem:s1] =	stream.indirect.scatter.add.f32 [tilespmem:s23], [sflag:$0x3], $0x80, s16, s22, $0xb8;
	[tilespmem:$0x1E400] =	vst v63  }
0x63: {  	_ =	swait.ge [sflag:s4], $0x4000  }
0x64: {  	[sflag:s4] =	ssyncset.done $0x0  }
0x65: {  	s16 =	sadd.s32 $0x14F80, s8;
	[sflag:s4] =	ssyncadd.s32 $0xFFFFC000  }
0x66: {  	[tilespmem:s28], [sflag:$0x2] =	stream.indirect.gather [hbm4b:s5+s22], $0x80, s16, s22, $0xb8;
	[tilespmem:$0x1E400] =	vst v63  }
0x67: {  	_ =	swait.ge [sflag:s29], $0x4000  }
0x68: {  	p3 =	seq.s32 s15, $0x0;
	[sflag:s29] =	ssyncset.done $0x0  }
.Ltmp5:
0x69: {  	s16 =	sadd.s32 $0x16380, s8;
	[sflag:s29] =	ssyncadd.s32 $0xFFFFC000;
	(pc) =	sbr.rel @p3 .LBB2_12-.Ltmp5, $4  }
0x6a: {  	[spmem:s1] =	stream.indirect.scatter.add.f32 [tilespmem:s28], [sflag:$0x4], $0x80, s16, s22, $0xb8;
	[tilespmem:$0x1E400] =	vst v63  }
0x6b: {  	_ =	swait.ge [sflag:s31], $0x4000  }
0x6c: {  	[sflag:s31] =	ssyncset.done $0x0  }
0x6d: {  	[sflag:s31] =	ssyncadd.s32 $0xFFFFC000  }
.Ltmp6:
0x6e: {  	(pc) =	sbr.rel .LBB2_10-.Ltmp6, $3  }
0x6f: {  	_ =	sdelay $0x1  }
0x70: {  	s8 =	sadd.s32 $0x15000, s8;
	s15 =	sadd.s32 $0x400, s15  }
0x71: {  	[tilespmem:s23], [sflag:$0x1] =	stream.indirect.gather [hbm4b:s5+s22], $0x80, s8, s22, $0xb8;
	[tilespmem:$0x1E400] =	vst v63  }
.LBB2_5:
0x72: {  	_ =	swait.ge [sflag:s4], $0x4000  }
0x73: {  	[sflag:s4] =	ssyncset.done $0x0  }
0x74: {  	[sflag:s4] =	ssyncadd.s32 $0xFFFFC000  }
0x75: {  	[tilespmem:s20], [sflag:$0x5] =	stream.linear.gather [hbm4b:s12+s2], $0x1400, $0x38;
	[tilespmem:$0x1E400] =	vst v63  }
0x76: {  	_ =	swait.ge [sflag:s19], $0x1400  }
0x77: {  	[sflag:s19] =	ssyncset.done $0x0  }
0x78: {  	[sflag:s19] =	ssyncadd.s32 $0xFFFFEC00  }
0x79: {  	[tilespmem:s21], [sflag:$0x5] =	stream.linear.gather [hbm4b:s13+s2], $0x1400, $0x38;
	[tilespmem:$0x1E400] =	vst v63  }
0x7a: {  	_ =	swait.ge [sflag:s19], $0x1400  }
0x7b: {  	[sflag:s19] =	ssyncset.done $0x0  }
0x7c: {  	[sflag:s19] =	ssyncadd.s32 $0xFFFFEC00  }
0x7d: {  	[tilespmem:s23], [sflag:$0x1] =	stream.indirect.gather [hbm4b:s3+s22], $0x80, s20, s22, $0xb8;
	[tilespmem:$0x1E400] =	vst v63  }
0x7e: {  	_ =	swait.ge [sflag:s24], $0x4000  }
0x7f: {  	[sflag:s24] =	ssyncset.done $0x0  }
0x80: {  	[sflag:s24] =	ssyncadd.s32 $0xFFFFC000  }
0x81: {  	[spmem:s1] =	stream.indirect.scatter.add.f32 [tilespmem:s23], [sflag:$0x3], $0x80, s21, s22, $0xb8;
	[tilespmem:$0x1E400] =	vst v63  }
0x82: {  	_ = 	snop  }
0x83: {  	[tilespmem:s28], [sflag:$0x2] =	stream.indirect.gather [hbm4b:s3+s22], $0x80, s26, s22, $0xb8;
	[tilespmem:$0x1E400] =	vst v63  }
0x84: {  	_ =	swait.ge [sflag:s29], $0x4000  }
0x85: {  	[sflag:s29] =	ssyncset.done $0x0  }
0x86: {  	[sflag:s29] =	ssyncadd.s32 $0xFFFFC000  }
0x87: {  	[spmem:s1] =	stream.indirect.scatter.add.f32 [tilespmem:s28], [sflag:$0x4], $0x80, s30, s22, $0xb8;
	[tilespmem:$0x1E400] =	vst v63  }
0x88: {  	_ =	swait.ge [sflag:s31], $0x4000  }
0x89: {  	[sflag:s31] =	ssyncset.done $0x0  }
0x8a: {  	s15 =	simm.s32 $0xFFFFB800;
	[sflag:s31] =	ssyncadd.s32 $0xFFFFC000  }
0x8b: {  	[tilespmem:s23], [sflag:$0x1] =	stream.indirect.gather [hbm4b:s3+s22], $0x80, s0, s22, $0xb8;
	[tilespmem:$0x1E400] =	vst v63  }
.LBB2_6:
0x8c: {  	_ =	swait.ge [sflag:s24], $0x4000  }
0x8d: {  	s8 =	sshra.s32 s15, $0x2;
	[sflag:s24] =	ssyncset.done $0x0  }
0x8e: {  	s16 =	sadd.s32 $0x16300, s8;
	[sflag:s24] =	ssyncadd.s32 $0xFFFFC000  }
0x8f: {  	[spmem:s1] =	stream.indirect.scatter.add.f32 [tilespmem:s23], [sflag:$0x3], $0x80, s16, s22, $0xb8;
	[tilespmem:$0x1E400] =	vst v63  }
0x90: {  	_ =	swait.ge [sflag:s4], $0x4000  }
0x91: {  	[sflag:s4] =	ssyncset.done $0x0  }
0x92: {  	s16 =	sadd.s32 $0x14F80, s8;
	[sflag:s4] =	ssyncadd.s32 $0xFFFFC000  }
0x93: {  	[tilespmem:s28], [sflag:$0x2] =	stream.indirect.gather [hbm4b:s3+s22], $0x80, s16, s22, $0xb8;
	[tilespmem:$0x1E400] =	vst v63  }
0x94: {  	_ =	swait.ge [sflag:s29], $0x4000  }
0x95: {  	p3 =	seq.s32 s15, $0x0;
	[sflag:s29] =	ssyncset.done $0x0  }
.Ltmp7:
0x96: {  	s16 =	sadd.s32 $0x16380, s8;
	[sflag:s29] =	ssyncadd.s32 $0xFFFFC000;
	(pc) =	sbr.rel @p3 .LBB2_8-.Ltmp7, $4  }
0x97: {  	[spmem:s1] =	stream.indirect.scatter.add.f32 [tilespmem:s28], [sflag:$0x4], $0x80, s16, s22, $0xb8;
	[tilespmem:$0x1E400] =	vst v63  }
0x98: {  	_ =	swait.ge [sflag:s31], $0x4000  }
0x99: {  	[sflag:s31] =	ssyncset.done $0x0  }
0x9a: {  	[sflag:s31] =	ssyncadd.s32 $0xFFFFC000  }
.Ltmp8:
0x9b: {  	(pc) =	sbr.rel .LBB2_6-.Ltmp8, $3  }
0x9c: {  	_ =	sdelay $0x1  }
0x9d: {  	s8 =	sadd.s32 $0x15000, s8;
	s15 =	sadd.s32 $0x400, s15  }
0x9e: {  	[tilespmem:s23], [sflag:$0x1] =	stream.indirect.gather [hbm4b:s3+s22], $0x80, s8, s22, $0xb8;
	[tilespmem:$0x1E400] =	vst v63  }
.LBB2_12:
0x9f: {  	_ =	swait.ge [sflag:s4], $0x4000  }
0xa0: {  	[sflag:s4] =	ssyncset.done $0x0  }
0xa1: {  	[sflag:s4] =	ssyncadd.s32 $0xFFFFC000  }
0xa2: {  	[tilespmem:s20], [sflag:$0x5] =	stream.linear.gather [hbm4b:s12+s2], $0x1400, $0x38;
	[tilespmem:$0x1E400] =	vst v63  }
0xa3: {  	_ =	swait.ge [sflag:s19], $0x1400  }
0xa4: {  	[sflag:s19] =	ssyncset.done $0x0  }
0xa5: {  	[sflag:s19] =	ssyncadd.s32 $0xFFFFEC00  }
0xa6: {  	[tilespmem:s21], [sflag:$0x5] =	stream.linear.gather [hbm4b:s13+s2], $0x1400, $0x38;
	[tilespmem:$0x1E400] =	vst v63  }
0xa7: {  	_ =	swait.ge [sflag:s19], $0x1400  }
0xa8: {  	[sflag:s19] =	ssyncset.done $0x0  }
0xa9: {  	[sflag:s19] =	ssyncadd.s32 $0xFFFFEC00  }
0xaa: {  	[tilespmem:s23], [sflag:$0x1] =	stream.indirect.gather [hbm4b:s5+s22], $0x80, s20, s22, $0xb8;
	[tilespmem:$0x1E400] =	vst v63  }
0xab: {  	_ =	swait.ge [sflag:s24], $0x4000  }
0xac: {  	[sflag:s24] =	ssyncset.done $0x0  }
0xad: {  	[sflag:s24] =	ssyncadd.s32 $0xFFFFC000  }
0xae: {  	[spmem:s1] =	stream.indirect.scatter.add.f32 [tilespmem:s23], [sflag:$0x3], $0x80, s21, s22, $0xb8;
	[tilespmem:$0x1E400] =	vst v63  }
0xaf: {  	_ = 	snop  }
0xb0: {  	[tilespmem:s28], [sflag:$0x2] =	stream.indirect.gather [hbm4b:s5+s22], $0x80, s26, s22, $0xb8;
	[tilespmem:$0x1E400] =	vst v63  }
0xb1: {  	_ =	swait.ge [sflag:s29], $0x4000  }
0xb2: {  	[sflag:s29] =	ssyncset.done $0x0  }
0xb3: {  	[sflag:s29] =	ssyncadd.s32 $0xFFFFC000  }
0xb4: {  	[spmem:s1] =	stream.indirect.scatter.add.f32 [tilespmem:s28], [sflag:$0x4], $0x80, s30, s22, $0xb8;
	[tilespmem:$0x1E400] =	vst v63  }
0xb5: {  	_ =	swait.ge [sflag:s31], $0x4000  }
0xb6: {  	[sflag:s31] =	ssyncset.done $0x0  }
0xb7: {  	s15 =	simm.s32 $0xFFFFB800;
	[sflag:s31] =	ssyncadd.s32 $0xFFFFC000  }
0xb8: {  	[tilespmem:s23], [sflag:$0x1] =	stream.indirect.gather [hbm4b:s5+s22], $0x80, s0, s22, $0xb8;
	[tilespmem:$0x1E400] =	vst v63  }
.LBB2_13:
0xb9: {  	_ =	swait.ge [sflag:s24], $0x4000  }
0xba: {  	s8 =	sshra.s32 s15, $0x2;
	[sflag:s24] =	ssyncset.done $0x0  }
0xbb: {  	s16 =	sadd.s32 $0x16300, s8;
	[sflag:s24] =	ssyncadd.s32 $0xFFFFC000  }
0xbc: {  	[spmem:s1] =	stream.indirect.scatter.add.f32 [tilespmem:s23], [sflag:$0x3], $0x80, s16, s22, $0xb8;
	[tilespmem:$0x1E400] =	vst v63  }
0xbd: {  	_ =	swait.ge [sflag:s4], $0x4000  }
0xbe: {  	[sflag:s4] =	ssyncset.done $0x0  }
0xbf: {  	s16 =	sadd.s32 $0x14F80, s8;
	[sflag:s4] =	ssyncadd.s32 $0xFFFFC000  }
0xc0: {  	[tilespmem:s28], [sflag:$0x2] =	stream.indirect.gather [hbm4b:s5+s22], $0x80, s16, s22, $0xb8;
	[tilespmem:$0x1E400] =	vst v63  }
0xc1: {  	_ =	swait.ge [sflag:s29], $0x4000  }
0xc2: {  	p3 =	seq.s32 s15, $0x0;
	[sflag:s29] =	ssyncset.done $0x0  }
.Ltmp9:
0xc3: {  	s16 =	sadd.s32 $0x16380, s8;
	[sflag:s29] =	ssyncadd.s32 $0xFFFFC000;
	(pc) =	sbr.rel @p3 .LBB2_15-.Ltmp9, $4  }
0xc4: {  	[spmem:s1] =	stream.indirect.scatter.add.f32 [tilespmem:s28], [sflag:$0x4], $0x80, s16, s22, $0xb8;
	[tilespmem:$0x1E400] =	vst v63  }
0xc5: {  	_ =	swait.ge [sflag:s31], $0x4000  }
0xc6: {  	[sflag:s31] =	ssyncset.done $0x0  }
0xc7: {  	[sflag:s31] =	ssyncadd.s32 $0xFFFFC000  }
.Ltmp10:
0xc8: {  	(pc) =	sbr.rel .LBB2_13-.Ltmp10, $3  }
0xc9: {  	_ =	sdelay $0x1  }
0xca: {  	s8 =	sadd.s32 $0x15000, s8;
	s15 =	sadd.s32 $0x400, s15  }
0xcb: {  	[tilespmem:s23], [sflag:$0x1] =	stream.indirect.gather [hbm4b:s5+s22], $0x80, s8, s22, $0xb8;
	[tilespmem:$0x1E400] =	vst v63  }
.LBB2_8:
0xcc: {  	_ =	swait.ge [sflag:s4], $0x4000  }
0xcd: {  	[sflag:s4] =	ssyncset.done $0x0  }
0xce: {  	[sflag:s4] =	ssyncadd.s32 $0xFFFFC000  }
0xcf: {  	[bflag:$0x0] =	sbarrier.arrive $0xFFFF  }
0xd0: {  	s8 =	sshrl.u32 s14, $0x3;
	s15 =	rddreg [dreg:$0x7]  }
0xd1: {  	[hbm:s15], [sflag:s9] =	dma.local [spmem:s8], $0x2700  }
.Ltmp11:
0xd2: {  	_ = 	snop;
	(pc) =	sbr.rel @p1 .LBB2_16-.Ltmp11, $4  }
.Ltmp12:
0xd3: {  	_ = 	snop;
	(pc) =	sbr.rel @!p1 .LBB2_17-.Ltmp12, $4  }
0xd4: {  	_ =	swait.ge [sflag:s19], $0x2700  }
0xd5: {  	[sflag:s19] =	ssyncset.done $0x0  }
0xd6: {  	s8 =	rddreg [dreg:$0x4];
	[sflag:s19] =	ssyncadd.s32 $0xFFFFD900  }
0xd7: {  	_ = 	snop  }
.LBB2_15:
0xd8: {  	_ =	swait.ge [sflag:s4], $0x4000  }
0xd9: {  	[sflag:s4] =	ssyncset.done $0x0  }
0xda: {  	[sflag:s4] =	ssyncadd.s32 $0xFFFFC000  }
0xdb: {  	[bflag:$0x0] =	sbarrier.arrive $0xFFFF  }
0xdc: {  	s8 =	sshrl.u32 s14, $0x3;
	s15 =	rddreg [dreg:$0x6]  }
0xdd: {  	[hbm:s15], [sflag:s9] =	dma.local [spmem:s8], $0x2700  }
.Ltmp13:
0xde: {  	_ = 	snop;
	(pc) =	sbr.rel @p2 .LBB2_17-.Ltmp13, $4  }
.Ltmp14:
0xdf: {  	_ = 	snop;
	(pc) =	sbr.rel @!p2 .LBB2_16-.Ltmp14, $4  }
0xe0: {  	_ =	swait.ge [sflag:s19], $0x2700  }
0xe1: {  	[sflag:s19] =	ssyncset.done $0x0  }
0xe2: {  	s8 =	rddreg [dreg:$0x5];
	[sflag:s19] =	ssyncadd.s32 $0xFFFFD900  }
0xe3: {  	_ = 	snop  }
.LBB2_18:
0xe4: {  	_ =	sfence.sel $0x180000  }
0xe5: {  	[bflag:$0x0] =	sbarrier.arrive $0xFFFF  }
0xe6: {  	_ =	strace $0x9000004A  }
0xe7: {  	s0 =	stileid.u32;
	[bflag:$0x2] =	sbarrier.arrive $0xFFFF  }
0xe8: {  	p0 =	sne.s32 s0, $0x0;
	s0 =	rddreg [dreg:$0x3]  }
0xe9: {  	s0 =	sadd.s32 @!p0 $0x100000, s0  }
0xea: {  	[sflag:s0] =	ssyncadd.tile.s32 @!p0 $0x1;
	_ =	shalt  }
.Lfunc_end2:
_tile_overlayer_lowered:
.L_overlay_start_2:
0xeb: {  	(tag) =	ssettag $0x2  }
0xec: {  	s0 =	rddreg [dreg:$0x0];
	s2 =	stileid.u32  }
0xed: {  	s1 =	rddreg [dreg:$0x1];
	p0 =	sne.s32 s2, $0x0  }
0xee: {  	s3 =	rddreg [dreg:$0x2];
	[bflag:$0x3] =	sbarrier.arrive $0xFFFF;
	s2 =	simm.s32 @!p0 $0x1C05  }
0xef: {  	[timem:s3], [sflag:s2] =	dma.local @!p0 [hbm:s0], s1  }
0xf0: {  	s0 =	simm.s32 @!p0 $0x5  }
0xf1: {  	_ =	swait.ge @!p0 [sflag:s0], s1  }
0xf2: {  	s1 =	ssub.s32 @!p0 $0x0, s1;
	[sflag:s0] =	ssyncset.done @!p0 $0x0  }
0xf3: {  	[sflag:s0] =	ssyncadd.s32 @!p0 s1  }
0xf4: {  	[bflag:$0x3] =	sbarrier.arrive $0xFFFF  }
0xf5: {  	_ =	shalt  }

// kernel: kernel.17.cloned.1.call-start
scs
__scs_entry_jumppad:
0x0: {  	(pc) =	sbr.rel $0x88, $3  }
0x1: {  	(tag) =	ssettag $0x0;
	lr =	simm.s32 $0x1  }
0x2: {  	[smem:$0x3F96] =	sst lr;
	_ =	strace $0xD0000000  }
0x3: {  	_ = 	snop  }
0x4: {  	_ = 	snop  }
0x5: {  	_ = 	snop  }
0x6: {  	_ = 	snop  }
0x7: {  	_ = 	snop  }
__scs_overlays_trampoline_lowered:
0x8: {  	[smem:$0x3FA5] =	sst s0  }
0x9: {  	[smem:$0x3FA6] =	sst s1  }
0xa: {  	[smem:$0x3FA7] =	sst s2  }
0xb: {  	[smem:$0x3FA8] =	sst s3  }
0xc: {  	[smem:$0x3FA9] =	sst s4  }
0xd: {  	[smem:$0x3FAA] =	sst s5  }
0xe: {  	[smem:$0x3FAB] =	sst s6  }
0xf: {  	[smem:$0x3FAC] =	sst s7  }
0x10: {  	[smem:$0x3FAD] =	sst s8  }
0x11: {  	[smem:$0x3FAE] =	sst s9;
	s0 =	simm.s32 @!p0 $0x0  }
0x12: {  	s1 =	sld [smem:$0x3F94];
	s0 =	simm.s32 @p0 $0x1  }
0x13: {  	[smem:$0x3FAF] =	sst s0;
	s0 =	simm.s32 @!p1 $0x0  }
0x14: {  	s2 =	sld [smem:$0x3F93];
	s0 =	simm.s32 @p1 $0x1  }
0x15: {  	[smem:$0x3FB0] =	sst s0;
	s0 =	simm.s32 @!p2 $0x0  }
0x16: {  	s3 =	sld [smem:$0x3FDB];
	s0 =	simm.s32 @p2 $0x1  }
0x17: {  	s4 =	simm.s32 $0x1BF5;
	[smem:$0x3FB2] =	sst s0  }
0x18: {  	s0 =	sld [smem:$0x3F95];
	_ =	swait.ge [sflag:s4], $0x0  }
0x19: {  	s7 =	sld [smem:$0x3F96]  }
0x1a: {  	s8 =	sadd.s32 $0xFFFFE003, lr  }
0x1b: {  	s9 =	sadd.s32 $0xFFFFFEF7, lr;
	s5 =	simm.s32 $0xFFFFFFFF;
	p2 =	slt.u32 s8, $0xFFFFF086  }
0x1c: {  	p1 =	slt.u32 s9, $0xF7A;
	s5 =	simm.s32 @!p2 $0x0  }
0x1d: {  	s5 =	simm.s32 @p1 $0x1;
	p0 =	seq.s32 s7, s2  }
0x1e: {  	s7 =	smul.u32 @!p0 $0xF7A, s2;
	p2 =	seq.s32 @!p0 s5, $0x0  }
0x1f: {  	s9 =	smul.u32 $0xF7A, s1;
	s8 =	simm.s32 @!p0 $0x1BF5;
	p2 =	por !p2, p0  }
0x20: {  	[sflag:s8] =	ssyncset.s32 @!p0 $0xFFFFF086;
	s6 =	sadd.s32 @!p0 s3, s7;
	s7 =	simm.s32 @!p0 $0x108  }
0x21: {  	s3 =	sadd.s32 s3, s9;
	s6 =	sadd.s32 @!p0 $0x88, s6;
	s7 =	simm.s32 @p2 $0x1082  }
0x22: {  	[simem:s7], [sflag:s8] =	dma.local @!p0 [hbm:s6], $0xF7A  }
0x23: {  	s9 =	sor.u32 $0xD0000000, s2;
	s6 =	simm.s32 $0x108;
	_ =	swait.ge @!p0 [sflag:s8], $0x0  }
0x24: {  	s3 =	sadd.s32 $0x88, s3;
	s6 =	simm.s32 @!p1 $0x1082;
	[sflag:s4] =	ssyncset.s32 $0xFFFFF086  }
0x25: {  	[simem:s6], [sflag:s4] =	dma.local [hbm:s3], $0xF7A  }
0x26: {  	[smem:$0x3F96] =	sst s1;
	(tag) =	ssettag s2;
	_ =	strace s9  }
0x27: {  	s1 =	sld [smem:$0x3FA6]  }
0x28: {  	s2 =	sld [smem:$0x3FA7]  }
0x29: {  	s4 =	sld [smem:$0x3FA9]  }
0x2a: {  	p0 =	seq.s32 s5, $0x0;
	s5 =	sld [smem:$0x3FAA]  }
0x2b: {  	s6 =	sld [smem:$0x3FAB]  }
0x2c: {  	s7 =	sld [smem:$0x3FAC]  }
0x2d: {  	s3 =	simm.s32 $0x108;
	s8 =	sld [smem:$0x3FAD]  }
0x2e: {  	s3 =	simm.s32 @!p0 $0x1082;
	s9 =	sld [smem:$0x3FAE]  }
0x2f: {  	lr =	sadd.s32 s0, s3;
	s0 =	sld [smem:$0x3FA5]  }
0x30: {  	s3 =	sld [smem:$0x3FA8]  }
0x31: {  	[smem:$0x3FB1] =	sst s10  }
0x32: {  	s10 =	sld [smem:$0x3FAF];
	_ =	sdelay $0x3  }
0x33: {  	p0 =	seq.s32 s10, $0x1;
	s10 =	sld [smem:$0x3FB1];
	_ =	sdelay $0x3  }
0x34: {  	[smem:$0x3FB1] =	sst s10  }
0x35: {  	s10 =	sld [smem:$0x3FB0];
	_ =	sdelay $0x3  }
0x36: {  	p1 =	seq.s32 s10, $0x1;
	s10 =	sld [smem:$0x3FB1];
	_ =	sdelay $0x3  }
0x37: {  	[smem:$0x3FB1] =	sst s10  }
0x38: {  	s10 =	sld [smem:$0x3FB2]  }
0x39: {  	_ = 	snop;
	(pc) =	sbr.ind lr, $3  }
0x3a: {  	_ = 	snop  }
0x3b: {  	_ = 	snop  }
0x3c: {  	p2 =	seq.s32 s10, $0x1;
	s10 =	sld [smem:$0x3FB1]  }
0x3d: {  	_ =	shalt  }
0x3e: {  	_ =	shalt  }
0x3f: {  	_ =	shalt  }
0x40: {  	_ =	shalt  }
0x41: {  	_ =	shalt  }
0x42: {  	_ =	shalt  }
0x43: {  	_ =	shalt  }
0x44: {  	_ =	shalt  }
0x45: {  	_ =	shalt  }
0x46: {  	_ =	shalt  }
0x47: {  	_ =	shalt  }
0x48: {  	_ =	shalt  }
0x49: {  	_ =	shalt  }
0x4a: {  	_ =	shalt  }
0x4b: {  	_ =	shalt  }
0x4c: {  	_ =	shalt  }
0x4d: {  	_ =	shalt  }
0x4e: {  	_ =	shalt  }
0x4f: {  	_ =	shalt  }
0x50: {  	_ =	shalt  }
0x51: {  	_ =	shalt  }
0x52: {  	_ =	shalt  }
0x53: {  	_ =	shalt  }
0x54: {  	_ =	shalt  }
0x55: {  	_ =	shalt  }
0x56: {  	_ =	shalt  }
0x57: {  	_ =	shalt  }
0x58: {  	_ =	shalt  }
0x59: {  	_ =	shalt  }
0x5a: {  	_ =	shalt  }
0x5b: {  	_ =	shalt  }
0x5c: {  	_ =	shalt  }
0x5d: {  	_ =	shalt  }
0x5e: {  	_ =	shalt  }
0x5f: {  	_ =	shalt  }
0x60: {  	_ =	shalt  }
0x61: {  	_ =	shalt  }
0x62: {  	_ =	shalt  }
0x63: {  	_ =	shalt  }
0x64: {  	_ =	shalt  }
0x65: {  	_ =	shalt  }
0x66: {  	_ =	shalt  }
0x67: {  	_ =	shalt  }
0x68: {  	_ =	shalt  }
0x69: {  	_ =	shalt  }
0x6a: {  	_ =	shalt  }
0x6b: {  	_ =	shalt  }
0x6c: {  	_ =	shalt  }
0x6d: {  	_ =	shalt  }
0x6e: {  	_ =	shalt  }
0x6f: {  	_ =	shalt  }
0x70: {  	_ =	shalt  }
0x71: {  	_ =	shalt  }
0x72: {  	_ =	shalt  }
0x73: {  	_ =	shalt  }
0x74: {  	_ =	shalt  }
0x75: {  	_ =	shalt  }
0x76: {  	_ =	shalt  }
0x77: {  	_ =	shalt  }
0x78: {  	_ =	shalt  }
0x79: {  	_ =	shalt  }
0x7a: {  	_ =	shalt  }
0x7b: {  	_ =	shalt  }
0x7c: {  	_ =	shalt  }
0x7d: {  	_ =	shalt  }
0x7e: {  	_ =	shalt  }
0x7f: {  	_ =	shalt  }
0x80: {  	_ =	shalt  }
0x81: {  	_ =	shalt  }
0x82: {  	_ =	shalt  }
0x83: {  	_ =	shalt  }
0x84: {  	_ =	shalt  }
0x85: {  	_ =	shalt  }
0x86: {  	_ =	shalt  }
0x87: {  	_ =	shalt  }
.Lfunc_end0:
.L_simem_size_0:
called_computation.2_lowered:
.L_overlay_start_0:
0x88: {  	s2 =	sld [smem:$0x3FD9]  }
0x89: {  	s3 =	sld [smem:$0x3FFE];
	_ =	sdelay $0x1  }
0x8a: {  	s1 =	srdreg.scid  }
0x8b: {  	s0 =	sand.u32 $0x1, s1  }
0x8c: {  	s17 =	sshll.u32 s0, $0xA;
	s2 =	sadd.s32 s3, s2  }
0x8d: {  	s2 =	sadd.s32 s2, s17  }
0x8e: {  	[smem:$0x3FBD] =	sst s2  }
0x8f: {  	_ = 	snop  }
0x90: {  	s2 =	sld [smem:$0x3FD0];
	(tm) =	ssettm $0x1  }
0x91: {  	s18 =	sld [smem:$0x3FFB];
	_ =	sdelay $0x3  }
0x92: {  	_ =	strace s18  }
0x93: {  	s3 =	sld [smem:$0x3FFC];
	_ =	sdelay $0x3  }
0x94: {  	_ =	strace s3  }
0x95: {  	s3 =	sld [smem:$0x3FFD];
	_ =	sdelay $0x3  }
0x96: {  	_ =	strace s3  }
0x97: {  	_ =	strace $0x8FFFFFFF  }
0x98: {  	s19 =	sld [smem:$0x3FDB];
	_ =	sdelay $0x1  }
0x99: {  	s4 =	simm.s32 $_scs_section_size  }
0x9a: {  	s5 =	simm.s32 $_size__tile_overlayer_lowered;
	s6 =	simm.s32 $_tile_overlayer_lowered  }
0x9b: {  	s22 =	simm.s32 $0x1BFF;
	s21 =	sshll.u32 s6, $0x1;
	s3 =	sadd.s32 s4, s19  }
0x9c: {  	s7 =	simm.s32 $0x0;
	s20 =	sshll.u32 s5, $0x1;
	s5 =	sadd.s32 s21, s3  }
0x9d: {  	[timem:s7], [sflag:s22] =	dma.local [hbm:s5], s20  }
0x9e: {  	_ =	swait.ge [sflag:s22], s20  }
0x9f: {  	s4 =	ssub.s32 $0x0, s20;
	[sflag:s22] =	ssyncset.done $0x0  }
0xa0: {  	[sflag:s22] =	ssyncadd.s32 s4;
	_ =	sdelay $0x1  }
0xa1: {  	s23 =	simm.s32 $0x1B8B  }
0xa2: {  	_ =	swait.ge [sflag:s23], $0x1  }
0xa3: {  	[sflag:s23] =	ssyncset.done $0x0  }
0xa4: {  	s25 =	simm.s32 $0x1B8E;
	s24 =	sld [smem:$0x3FFE];
	[sflag:s23] =	ssyncadd.s32 $0xFFFFFFFF  }
0xa5: {  	s26 =	simm.s32 $execute0_lowered;
	[smem:$0x3FD2] =	sst s25  }
0xa6: {  	s5 =	sshll.u32 s26, $0x1;
	_ =	strace $0x8000004C;
	[dreg:$0x1] =	wrdreg $0xFFFFFFFF  }
0xa7: {  	s28 =	simm.s32 $_size_execute0_lowered;
	s3 =	sadd.s32 s3, s5;
	[dreg:$0x0] =	wrdreg $0x0  }
0xa8: {  	s5 =	sshll.u32 s28, $0x1;
	[dreg:$0x2] =	wrdreg s3  }
0xa9: {  	[dreg:$0x3] =	wrdreg s5  }
0xaa: {  	[dreg:$0x4] =	wrdreg $0xC0  }
0xab: {  	_ =	task [dreg:s7], $0x5FFFF  }
0xac: {  	[dreg:$0x1] =	wrdreg $0xFFFFFFFF  }
0xad: {  	[dreg:$0x0] =	wrdreg $0x60  }
0xae: {  	[dreg:$0x2] =	wrdreg s24  }
0xaf: {  	[dreg:$0x3] =	wrdreg s2  }
0xb0: {  	[dreg:$0x4] =	wrdreg $0x0  }
0xb1: {  	[dreg:$0x5] =	wrdreg $0x9  }
0xb2: {  	_ =	task.clear_ibuf [dreg:s7], $0x6FFFF;
	_ =	strace $0x9000004C  }
0xb3: {  	s29 =	simm.s32 $0x9;
	_ =	strace $0x8000004E  }
0xb4: {  	_ =	swait.ge [sflag:s29], $0x1  }
0xb5: {  	[sflag:s29] =	ssyncadd.s32 $0xFFFFFFFF  }
0xb6: {  	_ =	strace $0x9000004E  }
0xb7: {  	_ =	sfence  }
0xb8: {  	s30 =	sld [smem:$0x0];
	_ =	sdelay $0x2  }
0xb9: {  	s31 =	sshll.u32 s1, $0xD;
	s1 =	sshrl.u32 s1, $0x2  }
0xba: {  	s3 =	sand.u32 $0x4000, s31;
	s1 =	sadd.s32 s1, s30  }
0xbb: {  	s0 =	sor.u32 s3, s0;
	s1 =	sshll.u32 s1, $0x11  }
0xbc: {  	s0 =	sor.u32 s1, s0  }
0xbd: {  	s0 =	sadd.s32 $0x8F2B, s0  }
0xbe: {  	[sflag:s0] =	ssyncadd.remote.s32 $0x1  }
0xbf: {  	_ =	sfence.sel $0xFFFF  }
0xc0: {  	[dreg:$0x0] =	wrdreg $0xFFFFFFFF;
	(pc) =	sbr.abs _section_cstart, $3  }
0xc1: {  	[dreg:$0x1] =	wrdreg $0xFFFFFFFF  }
0xc2: {  	_ =	task.clear_ibuf [dreg:s7], $0x2FFFF;
	_ =	strace $0x9FFFFFFF  }
0xc3: {  	(tm) =	ssettm $0x7FFFFFFF  }
tec
execute0_lowered:
.L_overlay_start_1:
0x0: {  	(tag) =	ssettag $0x1  }
0x1: {  	s0 =	rddreg [dreg:$0x0]  }
0x2: {  	s4 =	rddreg [dreg:$0x1]  }
0x3: {  	s1 =	rddreg [dreg:$0x2]  }
0x4: {  	s2 =	simm.s32 $0x0;
	s8 =	srdreg.scid;
	s26 =	stileid.u32  }
0x5: {  	s19 =	simm.s32 $0x5;
	s20 =	simm.s32 $0x13C00;
	s28 =	simm.s32 $0x1A400  }
0x6: {  	s29 =	simm.s32 $0x2;
	s30 =	simm.s32 $0x15080;
	s31 =	simm.s32 $0x3  }
0x7: {  	[smem:$0x7FF] =	sst s2;
	s3 =	sadd.s32 $0x82400, s0;
	s10 =	smul.u32 $0x4F000, s26  }
0x8: {  	s5 =	sadd.s32 $0xA9600, s0;
	s7 =	sadd.s32 $0x5800, s0;
	s11 =	smul.u32 $0x500, s26  }
0x9: {  	s6 =	sadd.s32 $0xA800, s0;
	s8 =	sand.u32 $0x1, s8;
	s13 =	smul.u32 $0x2800, s26  }
0xa: {  	s17 =	sadd.s32 $0xD0800, s0;
	s18 =	sadd.s32 $0xF7A00, s0;
	s14 =	smul.u32 $0x4E000, s26  }
0xb: {  	s12 =	sshll.u32 s26, $0x6;
	s16 =	smul.u32 $0x2700, s26;
	p1 =	seq.s32 s26, $0xF  }
0xc: {  	p2 =	sne.s32 s26, $0xF;
	_ =	strace $0x8000004D;
	[dreg:$0x5] =	wrdreg s18  }
0xd: {  	s26 =	simm.s32 $0x13C80;
	s9 =	ssub.s32 $0x2, s8;
	[dreg:$0x4] =	wrdreg s17  }
0xe: {  	p0 =	sne.s32 s8, $0x0;
	s21 =	sshrl.u32 s9, $0x1;
	s10 =	sshrl.u32 s10, $0x2  }
0xf: {  	s22 =	sshrl.u32 s13, $0x3;
	s23 =	sshrl.u32 s14, $0x2;
	s24 =	sadd.s32 s18, s16  }
0x10: {  	s25 =	sadd.s32 s17, s16;
	s0 =	ssub.s32 s9, s21;
	s15 =	sadd.s32 s10, s1  }
0x11: {  	s9 =	sor.u32 $0x1C05, s12;
	s10 =	sadd.s32 s4, s11;
	s11 =	sadd.s32 s7, s11  }
0x12: {  	s13 =	sadd.s32 $0x280, s22;
	s14 =	sadd.s32 s23, s1;
	[dreg:$0x6] =	wrdreg s24  }
.Ltmp0:
0x13: {  	[dreg:$0x7] =	wrdreg s25;
	s21 =	simm.s32 $0x15000;
	(pc) =	sbr.rel .LBB2_1-.Ltmp0, $4  }
0x14: {  	s22 =	simm.s32 $0x80;
	s23 =	simm.s32 $0x16400;
	s24 =	simm.s32 $0x1  }
0x15: {  	s12 =	sadd.s32 s4, s13;
	s13 =	sadd.s32 s7, s13;
	s4 =	sadd.s32 $0x138000, s1  }
0x16: {  	s17 =	smax.u32 s0, $0x1;
	s18 =	sshrl.u32 s15, $0x3;
	s0 =	simm.s32 $0x13D00  }
0x17: {  	s7 =	simm.s32 $0x0;
	s25 =	sshrl.u32 s4, $0x3;
	s4 =	simm.s32 $0x4  }
.LBB2_16:
0x18: {  	s8 =	sadd.s32 $0x27000, s8  }
0x19: {  	[hbm:s8], [sflag:s9] =	dma.local [spmem:s25], $0x100  }
0x1a: {  	_ =	swait.ge [sflag:s19], $0x100  }
0x1b: {  	[sflag:s19] =	ssyncset.done $0x0  }
0x1c: {  	[sflag:s19] =	ssyncadd.s32 $0xFFFFFF00  }
.LBB2_17:
0x1d: {  	s7 =	sadd.s32 $0x1, s7  }
0x1e: {  	p3 =	sne.s32 s7, s17  }
.Ltmp1:
0x1f: {  	_ = 	snop;
	(pc) =	sbr.rel @!p3 .LBB2_18-.Ltmp1, $1  }
0x20: {  	_ =	sdelay $0x3  }
.LBB2_1:
0x21: {  	[spmem:s18], [sflag:s9] =	dma.local [hbm:s6], $0x2780  }
0x22: {  	_ =	swait.ge [sflag:s19], $0x2780  }
0x23: {  	[sflag:s19] =	ssyncset.done $0x0  }
0x24: {  	[sflag:s19] =	ssyncadd.s32 $0xFFFFD880  }
0x25: {  	[bflag:$0x0] =	sbarrier.arrive $0xFFFF  }
0x26: {  	[tilespmem:s20], [sflag:$0x5] =	stream.linear.gather [hbm4b:s10+s2], $0x1400, $0x38;
	[tilespmem:$0x1E400] =	vst v63  }
0x27: {  	_ =	swait.ge [sflag:s19], $0x1400  }
0x28: {  	[sflag:s19] =	ssyncset.done $0x0  }
.Ltmp2:
0x29: {  	[sflag:s19] =	ssyncadd.s32 $0xFFFFEC00;
	(pc) =	sbr.rel @p0 .LBB2_9-.Ltmp2, $4  }
0x2a: {  	[tilespmem:s21], [sflag:$0x5] =	stream.linear.gather [hbm4b:s11+s2], $0x1400, $0x38;
	[tilespmem:$0x1E400] =	vst v63  }
0x2b: {  	_ =	swait.ge [sflag:s19], $0x1400  }
0x2c: {  	[sflag:s19] =	ssyncset.done $0x0  }
0x2d: {  	[sflag:s19] =	ssyncadd.s32 $0xFFFFEC00  }
0x2e: {  	[tilespmem:s23], [sflag:$0x1] =	stream.indirect.gather [hbm4b:s3+s22], $0x80, s20, s22, $0xb8;
	[tilespmem:$0x1E400] =	vst v63  }
0x2f: {  	_ =	swait.ge [sflag:s24], $0x4000  }
0x30: {  	[sflag:s24] =	ssyncset.done $0x0  }
0x31: {  	[sflag:s24] =	ssyncadd.s32 $0xFFFFC000  }
0x32: {  	[spmem:s1] =	stream.indirect.scatter.add.f32 [tilespmem:s23], [sflag:$0x3], $0x80, s21, s22, $0xb8;
	[tilespmem:$0x1E400] =	vst v63  }
0x33: {  	_ = 	snop  }
0x34: {  	[tilespmem:s28], [sflag:$0x2] =	stream.indirect.gather [hbm4b:s3+s22], $0x80, s26, s22, $0xb8;
	[tilespmem:$0x1E400] =	vst v63  }
0x35: {  	_ =	swait.ge [sflag:s29], $0x4000  }
0x36: {  	[sflag:s29] =	ssyncset.done $0x0  }
0x37: {  	[sflag:s29] =	ssyncadd.s32 $0xFFFFC000  }
0x38: {  	[spmem:s1] =	stream.indirect.scatter.add.f32 [tilespmem:s28], [sflag:$0x4], $0x80, s30, s22, $0xb8;
	[tilespmem:$0x1E400] =	vst v63  }
0x39: {  	_ =	swait.ge [sflag:s31], $0x4000  }
0x3a: {  	[sflag:s31] =	ssyncset.done $0x0  }
0x3b: {  	s15 =	simm.s32 $0xFFFFB800;
	[sflag:s31] =	ssyncadd.s32 $0xFFFFC000  }
0x3c: {  	[tilespmem:s23], [sflag:$0x1] =	stream.indirect.gather [hbm4b:s3+s22], $0x80, s0, s22, $0xb8;
	[tilespmem:$0x1E400] =	vst v63  }
.LBB2_3:
0x3d: {  	_ =	swait.ge [sflag:s24], $0x4000  }
0x3e: {  	s8 =	sshra.s32 s15, $0x2;
	[sflag:s24] =	ssyncset.done $0x0  }
0x3f: {  	s16 =	sadd.s32 $0x16300, s8;
	[sflag:s24] =	ssyncadd.s32 $0xFFFFC000  }
0x40: {  	[spmem:s1] =	stream.indirect.scatter.add.f32 [tilespmem:s23], [sflag:$0x3], $0x80, s16, s22, $0xb8;
	[tilespmem:$0x1E400] =	vst v63  }
0x41: {  	_ =	swait.ge [sflag:s4], $0x4000  }
0x42: {  	[sflag:s4] =	ssyncset.done $0x0  }
0x43: {  	s16 =	sadd.s32 $0x14F80, s8;
	[sflag:s4] =	ssyncadd.s32 $0xFFFFC000  }
0x44: {  	[tilespmem:s28], [sflag:$0x2] =	stream.indirect.gather [hbm4b:s3+s22], $0x80, s16, s22, $0xb8;
	[tilespmem:$0x1E400] =	vst v63  }
0x45: {  	_ =	swait.ge [sflag:s29], $0x4000  }
0x46: {  	p3 =	seq.s32 s15, $0x0;
	[sflag:s29] =	ssyncset.done $0x0  }
.Ltmp3:
0x47: {  	s16 =	sadd.s32 $0x16380, s8;
	[sflag:s29] =	ssyncadd.s32 $0xFFFFC000;
	(pc) =	sbr.rel @p3 .LBB2_5-.Ltmp3, $4  }
0x48: {  	[spmem:s1] =	stream.indirect.scatter.add.f32 [tilespmem:s28], [sflag:$0x4], $0x80, s16, s22, $0xb8;
	[tilespmem:$0x1E400] =	vst v63  }
0x49: {  	_ =	swait.ge [sflag:s31], $0x4000  }
0x4a: {  	[sflag:s31] =	ssyncset.done $0x0  }
0x4b: {  	[sflag:s31] =	ssyncadd.s32 $0xFFFFC000  }
.Ltmp4:
0x4c: {  	(pc) =	sbr.rel .LBB2_3-.Ltmp4, $3  }
0x4d: {  	_ =	sdelay $0x1  }
0x4e: {  	s8 =	sadd.s32 $0x15000, s8;
	s15 =	sadd.s32 $0x400, s15  }
0x4f: {  	[tilespmem:s23], [sflag:$0x1] =	stream.indirect.gather [hbm4b:s3+s22], $0x80, s8, s22, $0xb8;
	[tilespmem:$0x1E400] =	vst v63  }
.LBB2_9:
0x50: {  	[tilespmem:s23], [sflag:$0x1] =	stream.indirect.gather [hbm4b:s5+s22], $0x80, s20, s22, $0xb8;
	[tilespmem:$0x1E400] =	vst v63  }
0x51: {  	_ =	swait.ge [sflag:s24], $0x4000  }
0x52: {  	[sflag:s24] =	ssyncset.done $0x0  }
0x53: {  	[sflag:s24] =	ssyncadd.s32 $0xFFFFC000  }
0x54: {  	[spmem:s1] =	stream.indirect.scatter.add.f32 [tilespmem:s23], [sflag:$0x3], $0x80, s21, s22, $0xb8;
	[tilespmem:$0x1E400] =	vst v63  }
0x55: {  	_ = 	snop  }
0x56: {  	[tilespmem:s28], [sflag:$0x2] =	stream.indirect.gather [hbm4b:s5+s22], $0x80, s26, s22, $0xb8;
	[tilespmem:$0x1E400] =	vst v63  }
0x57: {  	_ =	swait.ge [sflag:s29], $0x4000  }
0x58: {  	[sflag:s29] =	ssyncset.done $0x0  }
0x59: {  	[sflag:s29] =	ssyncadd.s32 $0xFFFFC000  }
0x5a: {  	[spmem:s1] =	stream.indirect.scatter.add.f32 [tilespmem:s28], [sflag:$0x4], $0x80, s30, s22, $0xb8;
	[tilespmem:$0x1E400] =	vst v63  }
0x5b: {  	_ =	swait.ge [sflag:s31], $0x4000  }
0x5c: {  	[sflag:s31] =	ssyncset.done $0x0  }
0x5d: {  	s15 =	simm.s32 $0xFFFFB800;
	[sflag:s31] =	ssyncadd.s32 $0xFFFFC000  }
0x5e: {  	[tilespmem:s23], [sflag:$0x1] =	stream.indirect.gather [hbm4b:s5+s22], $0x80, s0, s22, $0xb8;
	[tilespmem:$0x1E400] =	vst v63  }
.LBB2_10:
0x5f: {  	_ =	swait.ge [sflag:s24], $0x4000  }
0x60: {  	s8 =	sshra.s32 s15, $0x2;
	[sflag:s24] =	ssyncset.done $0x0  }
0x61: {  	s16 =	sadd.s32 $0x16300, s8;
	[sflag:s24] =	ssyncadd.s32 $0xFFFFC000  }
0x62: {  	[spmem:s1] =	stream.indirect.scatter.add.f32 [tilespmem:s23], [sflag:$0x3], $0x80, s16, s22, $0xb8;
	[tilespmem:$0x1E400] =	vst v63  }
0x63: {  	_ =	swait.ge [sflag:s4], $0x4000  }
0x64: {  	[sflag:s4] =	ssyncset.done $0x0  }
0x65: {  	s16 =	sadd.s32 $0x14F80, s8;
	[sflag:s4] =	ssyncadd.s32 $0xFFFFC000  }
0x66: {  	[tilespmem:s28], [sflag:$0x2] =	stream.indirect.gather [hbm4b:s5+s22], $0x80, s16, s22, $0xb8;
	[tilespmem:$0x1E400] =	vst v63  }
0x67: {  	_ =	swait.ge [sflag:s29], $0x4000  }
0x68: {  	p3 =	seq.s32 s15, $0x0;
	[sflag:s29] =	ssyncset.done $0x0  }
.Ltmp5:
0x69: {  	s16 =	sadd.s32 $0x16380, s8;
	[sflag:s29] =	ssyncadd.s32 $0xFFFFC000;
	(pc) =	sbr.rel @p3 .LBB2_12-.Ltmp5, $4  }
0x6a: {  	[spmem:s1] =	stream.indirect.scatter.add.f32 [tilespmem:s28], [sflag:$0x4], $0x80, s16, s22, $0xb8;
	[tilespmem:$0x1E400] =	vst v63  }
0x6b: {  	_ =	swait.ge [sflag:s31], $0x4000  }
0x6c: {  	[sflag:s31] =	ssyncset.done $0x0  }
0x6d: {  	[sflag:s31] =	ssyncadd.s32 $0xFFFFC000  }
.Ltmp6:
0x6e: {  	(pc) =	sbr.rel .LBB2_10-.Ltmp6, $3  }
0x6f: {  	_ =	sdelay $0x1  }
0x70: {  	s8 =	sadd.s32 $0x15000, s8;
	s15 =	sadd.s32 $0x400, s15  }
0x71: {  	[tilespmem:s23], [sflag:$0x1] =	stream.indirect.gather [hbm4b:s5+s22], $0x80, s8, s22, $0xb8;
	[tilespmem:$0x1E400] =	vst v63  }
.LBB2_5:
0x72: {  	_ =	swait.ge [sflag:s4], $0x4000  }
0x73: {  	[sflag:s4] =	ssyncset.done $0x0  }
0x74: {  	[sflag:s4] =	ssyncadd.s32 $0xFFFFC000  }
0x75: {  	[tilespmem:s20], [sflag:$0x5] =	stream.linear.gather [hbm4b:s12+s2], $0x1400, $0x38;
	[tilespmem:$0x1E400] =	vst v63  }
0x76: {  	_ =	swait.ge [sflag:s19], $0x1400  }
0x77: {  	[sflag:s19] =	ssyncset.done $0x0  }
0x78: {  	[sflag:s19] =	ssyncadd.s32 $0xFFFFEC00  }
0x79: {  	[tilespmem:s21], [sflag:$0x5] =	stream.linear.gather [hbm4b:s13+s2], $0x1400, $0x38;
	[tilespmem:$0x1E400] =	vst v63  }
0x7a: {  	_ =	swait.ge [sflag:s19], $0x1400  }
0x7b: {  	[sflag:s19] =	ssyncset.done $0x0  }
0x7c: {  	[sflag:s19] =	ssyncadd.s32 $0xFFFFEC00  }
0x7d: {  	[tilespmem:s23], [sflag:$0x1] =	stream.indirect.gather [hbm4b:s3+s22], $0x80, s20, s22, $0xb8;
	[tilespmem:$0x1E400] =	vst v63  }
0x7e: {  	_ =	swait.ge [sflag:s24], $0x4000  }
0x7f: {  	[sflag:s24] =	ssyncset.done $0x0  }
0x80: {  	[sflag:s24] =	ssyncadd.s32 $0xFFFFC000  }
0x81: {  	[spmem:s1] =	stream.indirect.scatter.add.f32 [tilespmem:s23], [sflag:$0x3], $0x80, s21, s22, $0xb8;
	[tilespmem:$0x1E400] =	vst v63  }
0x82: {  	_ = 	snop  }
0x83: {  	[tilespmem:s28], [sflag:$0x2] =	stream.indirect.gather [hbm4b:s3+s22], $0x80, s26, s22, $0xb8;
	[tilespmem:$0x1E400] =	vst v63  }
0x84: {  	_ =	swait.ge [sflag:s29], $0x4000  }
0x85: {  	[sflag:s29] =	ssyncset.done $0x0  }
0x86: {  	[sflag:s29] =	ssyncadd.s32 $0xFFFFC000  }
0x87: {  	[spmem:s1] =	stream.indirect.scatter.add.f32 [tilespmem:s28], [sflag:$0x4], $0x80, s30, s22, $0xb8;
	[tilespmem:$0x1E400] =	vst v63  }
0x88: {  	_ =	swait.ge [sflag:s31], $0x4000  }
0x89: {  	[sflag:s31] =	ssyncset.done $0x0  }
0x8a: {  	s15 =	simm.s32 $0xFFFFB800;
	[sflag:s31] =	ssyncadd.s32 $0xFFFFC000  }
0x8b: {  	[tilespmem:s23], [sflag:$0x1] =	stream.indirect.gather [hbm4b:s3+s22], $0x80, s0, s22, $0xb8;
	[tilespmem:$0x1E400] =	vst v63  }
.LBB2_6:
0x8c: {  	_ =	swait.ge [sflag:s24], $0x4000  }
0x8d: {  	s8 =	sshra.s32 s15, $0x2;
	[sflag:s24] =	ssyncset.done $0x0  }
0x8e: {  	s16 =	sadd.s32 $0x16300, s8;
	[sflag:s24] =	ssyncadd.s32 $0xFFFFC000  }
0x8f: {  	[spmem:s1] =	stream.indirect.scatter.add.f32 [tilespmem:s23], [sflag:$0x3], $0x80, s16, s22, $0xb8;
	[tilespmem:$0x1E400] =	vst v63  }
0x90: {  	_ =	swait.ge [sflag:s4], $0x4000  }
0x91: {  	[sflag:s4] =	ssyncset.done $0x0  }
0x92: {  	s16 =	sadd.s32 $0x14F80, s8;
	[sflag:s4] =	ssyncadd.s32 $0xFFFFC000  }
0x93: {  	[tilespmem:s28], [sflag:$0x2] =	stream.indirect.gather [hbm4b:s3+s22], $0x80, s16, s22, $0xb8;
	[tilespmem:$0x1E400] =	vst v63  }
0x94: {  	_ =	swait.ge [sflag:s29], $0x4000  }
0x95: {  	p3 =	seq.s32 s15, $0x0;
	[sflag:s29] =	ssyncset.done $0x0  }
.Ltmp7:
0x96: {  	s16 =	sadd.s32 $0x16380, s8;
	[sflag:s29] =	ssyncadd.s32 $0xFFFFC000;
	(pc) =	sbr.rel @p3 .LBB2_8-.Ltmp7, $4  }
0x97: {  	[spmem:s1] =	stream.indirect.scatter.add.f32 [tilespmem:s28], [sflag:$0x4], $0x80, s16, s22, $0xb8;
	[tilespmem:$0x1E400] =	vst v63  }
0x98: {  	_ =	swait.ge [sflag:s31], $0x4000  }
0x99: {  	[sflag:s31] =	ssyncset.done $0x0  }
0x9a: {  	[sflag:s31] =	ssyncadd.s32 $0xFFFFC000  }
.Ltmp8:
0x9b: {  	(pc) =	sbr.rel .LBB2_6-.Ltmp8, $3  }
0x9c: {  	_ =	sdelay $0x1  }
0x9d: {  	s8 =	sadd.s32 $0x15000, s8;
	s15 =	sadd.s32 $0x400, s15  }
0x9e: {  	[tilespmem:s23], [sflag:$0x1] =	stream.indirect.gather [hbm4b:s3+s22], $0x80, s8, s22, $0xb8;
	[tilespmem:$0x1E400] =	vst v63  }
.LBB2_12:
0x9f: {  	_ =	swait.ge [sflag:s4], $0x4000  }
0xa0: {  	[sflag:s4] =	ssyncset.done $0x0  }
0xa1: {  	[sflag:s4] =	ssyncadd.s32 $0xFFFFC000  }
0xa2: {  	[tilespmem:s20], [sflag:$0x5] =	stream.linear.gather [hbm4b:s12+s2], $0x1400, $0x38;
	[tilespmem:$0x1E400] =	vst v63  }
0xa3: {  	_ =	swait.ge [sflag:s19], $0x1400  }
0xa4: {  	[sflag:s19] =	ssyncset.done $0x0  }
0xa5: {  	[sflag:s19] =	ssyncadd.s32 $0xFFFFEC00  }
0xa6: {  	[tilespmem:s21], [sflag:$0x5] =	stream.linear.gather [hbm4b:s13+s2], $0x1400, $0x38;
	[tilespmem:$0x1E400] =	vst v63  }
0xa7: {  	_ =	swait.ge [sflag:s19], $0x1400  }
0xa8: {  	[sflag:s19] =	ssyncset.done $0x0  }
0xa9: {  	[sflag:s19] =	ssyncadd.s32 $0xFFFFEC00  }
0xaa: {  	[tilespmem:s23], [sflag:$0x1] =	stream.indirect.gather [hbm4b:s5+s22], $0x80, s20, s22, $0xb8;
	[tilespmem:$0x1E400] =	vst v63  }
0xab: {  	_ =	swait.ge [sflag:s24], $0x4000  }
0xac: {  	[sflag:s24] =	ssyncset.done $0x0  }
0xad: {  	[sflag:s24] =	ssyncadd.s32 $0xFFFFC000  }
0xae: {  	[spmem:s1] =	stream.indirect.scatter.add.f32 [tilespmem:s23], [sflag:$0x3], $0x80, s21, s22, $0xb8;
	[tilespmem:$0x1E400] =	vst v63  }
0xaf: {  	_ = 	snop  }
0xb0: {  	[tilespmem:s28], [sflag:$0x2] =	stream.indirect.gather [hbm4b:s5+s22], $0x80, s26, s22, $0xb8;
	[tilespmem:$0x1E400] =	vst v63  }
0xb1: {  	_ =	swait.ge [sflag:s29], $0x4000  }
0xb2: {  	[sflag:s29] =	ssyncset.done $0x0  }
0xb3: {  	[sflag:s29] =	ssyncadd.s32 $0xFFFFC000  }
0xb4: {  	[spmem:s1] =	stream.indirect.scatter.add.f32 [tilespmem:s28], [sflag:$0x4], $0x80, s30, s22, $0xb8;
	[tilespmem:$0x1E400] =	vst v63  }
0xb5: {  	_ =	swait.ge [sflag:s31], $0x4000  }
0xb6: {  	[sflag:s31] =	ssyncset.done $0x0  }
0xb7: {  	s15 =	simm.s32 $0xFFFFB800;
	[sflag:s31] =	ssyncadd.s32 $0xFFFFC000  }
0xb8: {  	[tilespmem:s23], [sflag:$0x1] =	stream.indirect.gather [hbm4b:s5+s22], $0x80, s0, s22, $0xb8;
	[tilespmem:$0x1E400] =	vst v63  }
.LBB2_13:
0xb9: {  	_ =	swait.ge [sflag:s24], $0x4000  }
0xba: {  	s8 =	sshra.s32 s15, $0x2;
	[sflag:s24] =	ssyncset.done $0x0  }
0xbb: {  	s16 =	sadd.s32 $0x16300, s8;
	[sflag:s24] =	ssyncadd.s32 $0xFFFFC000  }
0xbc: {  	[spmem:s1] =	stream.indirect.scatter.add.f32 [tilespmem:s23], [sflag:$0x3], $0x80, s16, s22, $0xb8;
	[tilespmem:$0x1E400] =	vst v63  }
0xbd: {  	_ =	swait.ge [sflag:s4], $0x4000  }
0xbe: {  	[sflag:s4] =	ssyncset.done $0x0  }
0xbf: {  	s16 =	sadd.s32 $0x14F80, s8;
	[sflag:s4] =	ssyncadd.s32 $0xFFFFC000  }
0xc0: {  	[tilespmem:s28], [sflag:$0x2] =	stream.indirect.gather [hbm4b:s5+s22], $0x80, s16, s22, $0xb8;
	[tilespmem:$0x1E400] =	vst v63  }
0xc1: {  	_ =	swait.ge [sflag:s29], $0x4000  }
0xc2: {  	p3 =	seq.s32 s15, $0x0;
	[sflag:s29] =	ssyncset.done $0x0  }
.Ltmp9:
0xc3: {  	s16 =	sadd.s32 $0x16380, s8;
	[sflag:s29] =	ssyncadd.s32 $0xFFFFC000;
	(pc) =	sbr.rel @p3 .LBB2_15-.Ltmp9, $4  }
0xc4: {  	[spmem:s1] =	stream.indirect.scatter.add.f32 [tilespmem:s28], [sflag:$0x4], $0x80, s16, s22, $0xb8;
	[tilespmem:$0x1E400] =	vst v63  }
0xc5: {  	_ =	swait.ge [sflag:s31], $0x4000  }
0xc6: {  	[sflag:s31] =	ssyncset.done $0x0  }
0xc7: {  	[sflag:s31] =	ssyncadd.s32 $0xFFFFC000  }
.Ltmp10:
0xc8: {  	(pc) =	sbr.rel .LBB2_13-.Ltmp10, $3  }
0xc9: {  	_ =	sdelay $0x1  }
0xca: {  	s8 =	sadd.s32 $0x15000, s8;
	s15 =	sadd.s32 $0x400, s15  }
0xcb: {  	[tilespmem:s23], [sflag:$0x1] =	stream.indirect.gather [hbm4b:s5+s22], $0x80, s8, s22, $0xb8;
	[tilespmem:$0x1E400] =	vst v63  }
.LBB2_8:
0xcc: {  	_ =	swait.ge [sflag:s4], $0x4000  }
0xcd: {  	[sflag:s4] =	ssyncset.done $0x0  }
0xce: {  	[sflag:s4] =	ssyncadd.s32 $0xFFFFC000  }
0xcf: {  	[bflag:$0x0] =	sbarrier.arrive $0xFFFF  }
0xd0: {  	s8 =	sshrl.u32 s14, $0x3;
	s15 =	rddreg [dreg:$0x7]  }
0xd1: {  	[hbm:s15], [sflag:s9] =	dma.local [spmem:s8], $0x2700  }
.Ltmp11:
0xd2: {  	_ = 	snop;
	(pc) =	sbr.rel @p1 .LBB2_16-.Ltmp11, $4  }
.Ltmp12:
0xd3: {  	_ = 	snop;
	(pc) =	sbr.rel @!p1 .LBB2_17-.Ltmp12, $4  }
0xd4: {  	_ =	swait.ge [sflag:s19], $0x2700  }
0xd5: {  	[sflag:s19] =	ssyncset.done $0x0  }
0xd6: {  	s8 =	rddreg [dreg:$0x4];
	[sflag:s19] =	ssyncadd.s32 $0xFFFFD900  }
0xd7: {  	_ = 	snop  }
.LBB2_15:
0xd8: {  	_ =	swait.ge [sflag:s4], $0x4000  }
0xd9: {  	[sflag:s4] =	ssyncset.done $0x0  }
0xda: {  	[sflag:s4] =	ssyncadd.s32 $0xFFFFC000  }
0xdb: {  	[bflag:$0x0] =	sbarrier.arrive $0xFFFF  }
0xdc: {  	s8 =	sshrl.u32 s14, $0x3;
	s15 =	rddreg [dreg:$0x6]  }
0xdd: {  	[hbm:s15], [sflag:s9] =	dma.local [spmem:s8], $0x2700  }
.Ltmp13:
0xde: {  	_ = 	snop;
	(pc) =	sbr.rel @p2 .LBB2_17-.Ltmp13, $4  }
.Ltmp14:
0xdf: {  	_ = 	snop;
	(pc) =	sbr.rel @!p2 .LBB2_16-.Ltmp14, $4  }
0xe0: {  	_ =	swait.ge [sflag:s19], $0x2700  }
0xe1: {  	[sflag:s19] =	ssyncset.done $0x0  }
0xe2: {  	s8 =	rddreg [dreg:$0x5];
	[sflag:s19] =	ssyncadd.s32 $0xFFFFD900  }
0xe3: {  	_ = 	snop  }
.LBB2_18:
0xe4: {  	_ =	sfence.sel $0x180000  }
0xe5: {  	[bflag:$0x0] =	sbarrier.arrive $0xFFFF  }
0xe6: {  	_ =	strace $0x9000004D  }
0xe7: {  	s0 =	stileid.u32;
	[bflag:$0x2] =	sbarrier.arrive $0xFFFF  }
0xe8: {  	p0 =	sne.s32 s0, $0x0;
	s0 =	rddreg [dreg:$0x3]  }
0xe9: {  	s0 =	sadd.s32 @!p0 $0x100000, s0  }
0xea: {  	[sflag:s0] =	ssyncadd.tile.s32 @!p0 $0x1;
	_ =	shalt  }
.Lfunc_end2:
_tile_overlayer_lowered:
.L_overlay_start_2:
0xeb: {  	(tag) =	ssettag $0x2  }
0xec: {  	s0 =	rddreg [dreg:$0x0];
	s2 =	stileid.u32  }
0xed: {  	s1 =	rddreg [dreg:$0x1];
	p0 =	sne.s32 s2, $0x0  }
0xee: {  	s3 =	rddreg [dreg:$0x2];
	[bflag:$0x3] =	sbarrier.arrive $0xFFFF;
	s2 =	simm.s32 @!p0 $0x1C05  }
0xef: {  	[timem:s3], [sflag:s2] =	dma.local @!p0 [hbm:s0], s1  }
0xf0: {  	s0 =	simm.s32 @!p0 $0x5  }
0xf1: {  	_ =	swait.ge @!p0 [sflag:s0], s1  }
0xf2: {  	s1 =	ssub.s32 @!p0 $0x0, s1;
	[sflag:s0] =	ssyncset.done @!p0 $0x0  }
0xf3: {  	[sflag:s0] =	ssyncadd.s32 @!p0 s1  }
0xf4: {  	[bflag:$0x3] =	sbarrier.arrive $0xFFFF  }
0xf5: {  	_ =	shalt  }

// kernel: kernel.20.cloned.1.call-start
scs
__scs_entry_jumppad:
0x0: {  	(pc) =	sbr.rel $0x88, $3  }
0x1: {  	(tag) =	ssettag $0x0;
	lr =	simm.s32 $0x1  }
0x2: {  	[smem:$0x3F96] =	sst lr;
	_ =	strace $0xD0000000  }
0x3: {  	_ = 	snop  }
0x4: {  	_ = 	snop  }
0x5: {  	_ = 	snop  }
0x6: {  	_ = 	snop  }
0x7: {  	_ = 	snop  }
__scs_overlays_trampoline_lowered:
0x8: {  	[smem:$0x3FA5] =	sst s0  }
0x9: {  	[smem:$0x3FA6] =	sst s1  }
0xa: {  	[smem:$0x3FA7] =	sst s2  }
0xb: {  	[smem:$0x3FA8] =	sst s3  }
0xc: {  	[smem:$0x3FA9] =	sst s4  }
0xd: {  	[smem:$0x3FAA] =	sst s5  }
0xe: {  	[smem:$0x3FAB] =	sst s6  }
0xf: {  	[smem:$0x3FAC] =	sst s7  }
0x10: {  	[smem:$0x3FAD] =	sst s8  }
0x11: {  	[smem:$0x3FAE] =	sst s9;
	s0 =	simm.s32 @!p0 $0x0  }
0x12: {  	s1 =	sld [smem:$0x3F94];
	s0 =	simm.s32 @p0 $0x1  }
0x13: {  	[smem:$0x3FAF] =	sst s0;
	s0 =	simm.s32 @!p1 $0x0  }
0x14: {  	s2 =	sld [smem:$0x3F93];
	s0 =	simm.s32 @p1 $0x1  }
0x15: {  	[smem:$0x3FB0] =	sst s0;
	s0 =	simm.s32 @!p2 $0x0  }
0x16: {  	s3 =	sld [smem:$0x3FDB];
	s0 =	simm.s32 @p2 $0x1  }
0x17: {  	s4 =	simm.s32 $0x1BF5;
	[smem:$0x3FB2] =	sst s0  }
0x18: {  	s0 =	sld [smem:$0x3F95];
	_ =	swait.ge [sflag:s4], $0x0  }
0x19: {  	s7 =	sld [smem:$0x3F96]  }
0x1a: {  	s8 =	sadd.s32 $0xFFFFE003, lr  }
0x1b: {  	s9 =	sadd.s32 $0xFFFFFEF7, lr;
	s5 =	simm.s32 $0xFFFFFFFF;
	p2 =	slt.u32 s8, $0xFFFFF086  }
0x1c: {  	p1 =	slt.u32 s9, $0xF7A;
	s5 =	simm.s32 @!p2 $0x0  }
0x1d: {  	s5 =	simm.s32 @p1 $0x1;
	p0 =	seq.s32 s7, s2  }
0x1e: {  	s7 =	smul.u32 @!p0 $0xF7A, s2;
	p2 =	seq.s32 @!p0 s5, $0x0  }
0x1f: {  	s9 =	smul.u32 $0xF7A, s1;
	s8 =	simm.s32 @!p0 $0x1BF5;
	p2 =	por !p2, p0  }
0x20: {  	[sflag:s8] =	ssyncset.s32 @!p0 $0xFFFFF086;
	s6 =	sadd.s32 @!p0 s3, s7;
	s7 =	simm.s32 @!p0 $0x108  }
0x21: {  	s3 =	sadd.s32 s3, s9;
	s6 =	sadd.s32 @!p0 $0x88, s6;
	s7 =	simm.s32 @p2 $0x1082  }
0x22: {  	[simem:s7], [sflag:s8] =	dma.local @!p0 [hbm:s6], $0xF7A  }
0x23: {  	s9 =	sor.u32 $0xD0000000, s2;
	s6 =	simm.s32 $0x108;
	_ =	swait.ge @!p0 [sflag:s8], $0x0  }
0x24: {  	s3 =	sadd.s32 $0x88, s3;
	s6 =	simm.s32 @!p1 $0x1082;
	[sflag:s4] =	ssyncset.s32 $0xFFFFF086  }
0x25: {  	[simem:s6], [sflag:s4] =	dma.local [hbm:s3], $0xF7A  }
0x26: {  	[smem:$0x3F96] =	sst s1;
	(tag) =	ssettag s2;
	_ =	strace s9  }
0x27: {  	s1 =	sld [smem:$0x3FA6]  }
0x28: {  	s2 =	sld [smem:$0x3FA7]  }
0x29: {  	s4 =	sld [smem:$0x3FA9]  }
0x2a: {  	p0 =	seq.s32 s5, $0x0;
	s5 =	sld [smem:$0x3FAA]  }
0x2b: {  	s6 =	sld [smem:$0x3FAB]  }
0x2c: {  	s7 =	sld [smem:$0x3FAC]  }
0x2d: {  	s3 =	simm.s32 $0x108;
	s8 =	sld [smem:$0x3FAD]  }
0x2e: {  	s3 =	simm.s32 @!p0 $0x1082;
	s9 =	sld [smem:$0x3FAE]  }
0x2f: {  	lr =	sadd.s32 s0, s3;
	s0 =	sld [smem:$0x3FA5]  }
0x30: {  	s3 =	sld [smem:$0x3FA8]  }
0x31: {  	[smem:$0x3FB1] =	sst s10  }
0x32: {  	s10 =	sld [smem:$0x3FAF];
	_ =	sdelay $0x3  }
0x33: {  	p0 =	seq.s32 s10, $0x1;
	s10 =	sld [smem:$0x3FB1];
	_ =	sdelay $0x3  }
0x34: {  	[smem:$0x3FB1] =	sst s10  }
0x35: {  	s10 =	sld [smem:$0x3FB0];
	_ =	sdelay $0x3  }
0x36: {  	p1 =	seq.s32 s10, $0x1;
	s10 =	sld [smem:$0x3FB1];
	_ =	sdelay $0x3  }
0x37: {  	[smem:$0x3FB1] =	sst s10  }
0x38: {  	s10 =	sld [smem:$0x3FB2]  }
0x39: {  	_ = 	snop;
	(pc) =	sbr.ind lr, $3  }
0x3a: {  	_ = 	snop  }
0x3b: {  	_ = 	snop  }
0x3c: {  	p2 =	seq.s32 s10, $0x1;
	s10 =	sld [smem:$0x3FB1]  }
0x3d: {  	_ =	shalt  }
0x3e: {  	_ =	shalt  }
0x3f: {  	_ =	shalt  }
0x40: {  	_ =	shalt  }
0x41: {  	_ =	shalt  }
0x42: {  	_ =	shalt  }
0x43: {  	_ =	shalt  }
0x44: {  	_ =	shalt  }
0x45: {  	_ =	shalt  }
0x46: {  	_ =	shalt  }
0x47: {  	_ =	shalt  }
0x48: {  	_ =	shalt  }
0x49: {  	_ =	shalt  }
0x4a: {  	_ =	shalt  }
0x4b: {  	_ =	shalt  }
0x4c: {  	_ =	shalt  }
0x4d: {  	_ =	shalt  }
0x4e: {  	_ =	shalt  }
0x4f: {  	_ =	shalt  }
0x50: {  	_ =	shalt  }
0x51: {  	_ =	shalt  }
0x52: {  	_ =	shalt  }
0x53: {  	_ =	shalt  }
0x54: {  	_ =	shalt  }
0x55: {  	_ =	shalt  }
0x56: {  	_ =	shalt  }
0x57: {  	_ =	shalt  }
0x58: {  	_ =	shalt  }
0x59: {  	_ =	shalt  }
0x5a: {  	_ =	shalt  }
0x5b: {  	_ =	shalt  }
0x5c: {  	_ =	shalt  }
0x5d: {  	_ =	shalt  }
0x5e: {  	_ =	shalt  }
0x5f: {  	_ =	shalt  }
0x60: {  	_ =	shalt  }
0x61: {  	_ =	shalt  }
0x62: {  	_ =	shalt  }
0x63: {  	_ =	shalt  }
0x64: {  	_ =	shalt  }
0x65: {  	_ =	shalt  }
0x66: {  	_ =	shalt  }
0x67: {  	_ =	shalt  }
0x68: {  	_ =	shalt  }
0x69: {  	_ =	shalt  }
0x6a: {  	_ =	shalt  }
0x6b: {  	_ =	shalt  }
0x6c: {  	_ =	shalt  }
0x6d: {  	_ =	shalt  }
0x6e: {  	_ =	shalt  }
0x6f: {  	_ =	shalt  }
0x70: {  	_ =	shalt  }
0x71: {  	_ =	shalt  }
0x72: {  	_ =	shalt  }
0x73: {  	_ =	shalt  }
0x74: {  	_ =	shalt  }
0x75: {  	_ =	shalt  }
0x76: {  	_ =	shalt  }
0x77: {  	_ =	shalt  }
0x78: {  	_ =	shalt  }
0x79: {  	_ =	shalt  }
0x7a: {  	_ =	shalt  }
0x7b: {  	_ =	shalt  }
0x7c: {  	_ =	shalt  }
0x7d: {  	_ =	shalt  }
0x7e: {  	_ =	shalt  }
0x7f: {  	_ =	shalt  }
0x80: {  	_ =	shalt  }
0x81: {  	_ =	shalt  }
0x82: {  	_ =	shalt  }
0x83: {  	_ =	shalt  }
0x84: {  	_ =	shalt  }
0x85: {  	_ =	shalt  }
0x86: {  	_ =	shalt  }
0x87: {  	_ =	shalt  }
.Lfunc_end0:
.L_simem_size_0:
called_computation.3_lowered:
.L_overlay_start_0:
0x88: {  	s2 =	sld [smem:$0x3FD9]  }
0x89: {  	s3 =	sld [smem:$0x3FFE];
	_ =	sdelay $0x1  }
0x8a: {  	s1 =	srdreg.scid  }
0x8b: {  	s0 =	sand.u32 $0x1, s1  }
0x8c: {  	s17 =	sshll.u32 s0, $0xA;
	s2 =	sadd.s32 s3, s2  }
0x8d: {  	s2 =	sadd.s32 s2, s17  }
0x8e: {  	[smem:$0x3FBD] =	sst s2  }
0x8f: {  	_ = 	snop  }
0x90: {  	s2 =	sld [smem:$0x3FD0];
	(tm) =	ssettm $0x1  }
0x91: {  	s18 =	sld [smem:$0x3FFB];
	_ =	sdelay $0x3  }
0x92: {  	_ =	strace s18  }
0x93: {  	s3 =	sld [smem:$0x3FFC];
	_ =	sdelay $0x3  }
0x94: {  	_ =	strace s3  }
0x95: {  	s3 =	sld [smem:$0x3FFD];
	_ =	sdelay $0x3  }
0x96: {  	_ =	strace s3  }
0x97: {  	_ =	strace $0x8FFFFFFF  }
0x98: {  	s19 =	sld [smem:$0x3FDB];
	_ =	sdelay $0x1  }
0x99: {  	s4 =	simm.s32 $_scs_section_size  }
0x9a: {  	s5 =	simm.s32 $_size__tile_overlayer_lowered;
	s6 =	simm.s32 $_tile_overlayer_lowered  }
0x9b: {  	s22 =	simm.s32 $0x1BFF;
	s21 =	sshll.u32 s6, $0x1;
	s3 =	sadd.s32 s4, s19  }
0x9c: {  	s7 =	simm.s32 $0x0;
	s20 =	sshll.u32 s5, $0x1;
	s5 =	sadd.s32 s21, s3  }
0x9d: {  	[timem:s7], [sflag:s22] =	dma.local [hbm:s5], s20  }
0x9e: {  	_ =	swait.ge [sflag:s22], s20  }
0x9f: {  	s4 =	ssub.s32 $0x0, s20;
	[sflag:s22] =	ssyncset.done $0x0  }
0xa0: {  	[sflag:s22] =	ssyncadd.s32 s4;
	_ =	sdelay $0x1  }
0xa1: {  	s23 =	simm.s32 $0x1B8B  }
0xa2: {  	_ =	swait.ge [sflag:s23], $0x1  }
0xa3: {  	[sflag:s23] =	ssyncset.done $0x0  }
0xa4: {  	s25 =	simm.s32 $0x1B8E;
	s24 =	sld [smem:$0x3FFE];
	[sflag:s23] =	ssyncadd.s32 $0xFFFFFFFF  }
0xa5: {  	s26 =	simm.s32 $execute0_lowered;
	[smem:$0x3FD2] =	sst s25  }
0xa6: {  	s5 =	sshll.u32 s26, $0x1;
	_ =	strace $0x8000004F;
	[dreg:$0x1] =	wrdreg $0xFFFFFFFF  }
0xa7: {  	s28 =	simm.s32 $_size_execute0_lowered;
	s3 =	sadd.s32 s3, s5;
	[dreg:$0x0] =	wrdreg $0x0  }
0xa8: {  	s5 =	sshll.u32 s28, $0x1;
	[dreg:$0x2] =	wrdreg s3  }
0xa9: {  	[dreg:$0x3] =	wrdreg s5  }
0xaa: {  	[dreg:$0x4] =	wrdreg $0xC0  }
0xab: {  	_ =	task [dreg:s7], $0x5FFFF  }
0xac: {  	[dreg:$0x1] =	wrdreg $0xFFFFFFFF  }
0xad: {  	[dreg:$0x0] =	wrdreg $0x60  }
0xae: {  	[dreg:$0x2] =	wrdreg s24  }
0xaf: {  	[dreg:$0x3] =	wrdreg s2  }
0xb0: {  	[dreg:$0x4] =	wrdreg $0x0  }
0xb1: {  	[dreg:$0x5] =	wrdreg $0x9  }
0xb2: {  	_ =	task.clear_ibuf [dreg:s7], $0x6FFFF;
	_ =	strace $0x9000004F  }
0xb3: {  	s29 =	simm.s32 $0x9;
	_ =	strace $0x80000051  }
0xb4: {  	_ =	swait.ge [sflag:s29], $0x1  }
0xb5: {  	[sflag:s29] =	ssyncadd.s32 $0xFFFFFFFF  }
0xb6: {  	_ =	strace $0x90000051  }
0xb7: {  	_ =	sfence  }
0xb8: {  	s30 =	sld [smem:$0x0];
	_ =	sdelay $0x2  }
0xb9: {  	s31 =	sshll.u32 s1, $0xD;
	s1 =	sshrl.u32 s1, $0x2  }
0xba: {  	s3 =	sand.u32 $0x4000, s31;
	s1 =	sadd.s32 s1, s30  }
0xbb: {  	s0 =	sor.u32 s3, s0;
	s1 =	sshll.u32 s1, $0x11  }
0xbc: {  	s0 =	sor.u32 s1, s0  }
0xbd: {  	s0 =	sadd.s32 $0x8F2B, s0  }
0xbe: {  	[sflag:s0] =	ssyncadd.remote.s32 $0x1  }
0xbf: {  	_ =	sfence.sel $0xFFFF  }
0xc0: {  	[dreg:$0x0] =	wrdreg $0xFFFFFFFF;
	(pc) =	sbr.abs _section_cstart, $3  }
0xc1: {  	[dreg:$0x1] =	wrdreg $0xFFFFFFFF  }
0xc2: {  	_ =	task.clear_ibuf [dreg:s7], $0x2FFFF;
	_ =	strace $0x9FFFFFFF  }
0xc3: {  	(tm) =	ssettm $0x7FFFFFFF  }
tec
execute0_lowered:
.L_overlay_start_1:
0x0: {  	(tag) =	ssettag $0x1  }
0x1: {  	s0 =	rddreg [dreg:$0x0]  }
0x2: {  	s8 =	rddreg [dreg:$0x1]  }
0x3: {  	s1 =	srdreg.scid;
	s2 =	rddreg [dreg:$0x2]  }
0x4: {  	s6 =	stileid.u32;
	s3 =	simm.s32 $0x0;
	s16 =	simm.s32 $0x15000  }
0x5: {  	s19 =	simm.s32 $0x80;
	s28 =	simm.s32 $0x3;
	s29 =	simm.s32 $0x13D00  }
0x6: {  	s30 =	simm.s32 $0x4;
	s31 =	simm.s32 $0x0;
	s1 =	sand.u32 $0x1, s1  }
0x7: {  	[smem:$0x7FF] =	sst s3;
	s5 =	sadd.s32 $0xA800, s0;
	s12 =	smul.u32 $0x4F000, s6  }
0x8: {  	s14 =	sadd.s32 $0x82600, s0;
	s15 =	sadd.s32 $0xA9800, s0;
	s13 =	smul.u32 $0x4E000, s6  }
0x9: {  	s23 =	smul.u32 $0x2700, s6;
	s25 =	sadd.s32 $0x138000, s2;
	s26 =	sshll.u32 s6, $0x6  }
0xa: {  	p1 =	sne.s32 s6, $0xF;
	p2 =	seq.s32 s6, $0xF;
	s4 =	sshll.u32 s1, $0x4  }
0xb: {  	_ =	strace $0x80000050;
	s11 =	ssub.s32 $0x2, s1;
	p0 =	seq.s32 s1, $0x1  }
0xc: {  	s7 =	smov.u32 s14;
	s17 =	sor.u32 $0x1C05, s26;
	s25 =	sshrl.u32 s25, $0x3  }
0xd: {  	s26 =	simm.s32 $0x15080;
	s4 =	sor.u32 s6, s4;
	s20 =	sshrl.u32 s11, $0x1  }
0xe: {  	s21 =	sshrl.u32 s12, $0x2;
	s22 =	sshrl.u32 s13, $0x2;
	s24 =	sadd.s32 s14, s23  }
0xf: {  	s12 =	sadd.s32 s15, s23;
	s14 =	simm.s32 $0x13C00;
	s23 =	simm.s32 $0x1A400  }
0x10: {  	s9 =	smul.u32 $0x280, s4;
	s4 =	sadd.s32 $0x34200, s0;
	s18 =	sadd.s32 s21, s2  }
.Ltmp0:
0x11: {  	[dreg:$0x4] =	wrdreg s24;
	s21 =	simm.s32 $0x1;
	(pc) =	sbr.rel .LBB2_1-.Ltmp0, $4  }
0x12: {  	s24 =	simm.s32 $0x2;
	s18 =	sshrl.u32 s18, $0x3;
	s10 =	sadd.s32 s9, s0  }
0x13: {  	s0 =	ssub.s32 s11, s20;
	s8 =	sadd.s32 s8, s9;
	s11 =	smov.u32 s15  }
0x14: {  	s15 =	simm.s32 $0x5;
	s20 =	simm.s32 $0x16400;
	s9 =	sadd.s32 $0x5800, s10  }
0x15: {  	s10 =	sadd.s32 s22, s2;
	s13 =	smax.u32 s0, $0x1;
	s22 =	simm.s32 $0x13C80  }
.LBB2_7:
0x16: {  	s0 =	sadd.s32 $0x27000, s0  }
0x17: {  	[hbm:s0], [sflag:s17] =	dma.local [spmem:s25], $0x100  }
0x18: {  	_ =	swait.ge [sflag:s15], $0x100  }
0x19: {  	[sflag:s15] =	ssyncset.done $0x0  }
0x1a: {  	[sflag:s15] =	ssyncadd.s32 $0xFFFFFF00  }
.LBB2_8:
0x1b: {  	s31 =	sadd.s32 $0x1, s31  }
0x1c: {  	p3 =	sne.s32 s31, s13  }
.Ltmp1:
0x1d: {  	_ = 	snop;
	(pc) =	sbr.rel @!p3 .LBB2_9-.Ltmp1, $1  }
0x1e: {  	_ =	sdelay $0x3  }
.LBB2_1:
0x1f: {  	[tilespmem:s14], [sflag:$0x5] =	stream.linear.gather [hbm4b:s8+s3], $0x1400, $0x38;
	[tilespmem:$0x1E400] =	vst v63  }
0x20: {  	_ =	swait.ge [sflag:s15], $0x1400  }
0x21: {  	[sflag:s15] =	ssyncset.done $0x0  }
0x22: {  	[sflag:s15] =	ssyncadd.s32 $0xFFFFEC00  }
0x23: {  	[tilespmem:s16], [sflag:$0x5] =	stream.linear.gather [hbm4b:s9+s3], $0x1400, $0x38;
	[tilespmem:$0x1E400] =	vst v63  }
0x24: {  	_ =	swait.ge [sflag:s15], $0x1400  }
0x25: {  	[sflag:s15] =	ssyncset.done $0x0  }
0x26: {  	[sflag:s15] =	ssyncadd.s32 $0xFFFFEC00  }
0x27: {  	[spmem:s18], [sflag:s17] =	dma.local [hbm:s5], $0x2780  }
0x28: {  	_ =	swait.ge [sflag:s15], $0x2780  }
0x29: {  	[sflag:s15] =	ssyncset.done $0x0  }
0x2a: {  	[sflag:s15] =	ssyncadd.s32 $0xFFFFD880  }
0x2b: {  	[bflag:$0x0] =	sbarrier.arrive $0xFFFF  }
0x2c: {  	[tilespmem:s20], [sflag:$0x1] =	stream.indirect.gather [hbm4b:s4+s19], $0x80, s14, s19, $0xb8;
	[tilespmem:$0x1E400] =	vst v63  }
0x2d: {  	_ =	swait.ge [sflag:s21], $0x4000  }
0x2e: {  	[sflag:s21] =	ssyncset.done $0x0  }
0x2f: {  	[sflag:s21] =	ssyncadd.s32 $0xFFFFC000  }
0x30: {  	[spmem:s2] =	stream.indirect.scatter.add.f32 [tilespmem:s20], [sflag:$0x3], $0x80, s16, s19, $0xb8;
	[tilespmem:$0x1E400] =	vst v63  }
0x31: {  	_ = 	snop  }
0x32: {  	[tilespmem:s23], [sflag:$0x2] =	stream.indirect.gather [hbm4b:s4+s19], $0x80, s22, s19, $0xb8;
	[tilespmem:$0x1E400] =	vst v63  }
0x33: {  	_ =	swait.ge [sflag:s24], $0x4000  }
0x34: {  	[sflag:s24] =	ssyncset.done $0x0  }
0x35: {  	[sflag:s24] =	ssyncadd.s32 $0xFFFFC000  }
0x36: {  	[spmem:s2] =	stream.indirect.scatter.add.f32 [tilespmem:s23], [sflag:$0x4], $0x80, s26, s19, $0xb8;
	[tilespmem:$0x1E400] =	vst v63  }
0x37: {  	_ =	swait.ge [sflag:s28], $0x4000  }
0x38: {  	[sflag:s28] =	ssyncset.done $0x0  }
0x39: {  	s0 =	simm.s32 $0xFFFFB800;
	[sflag:s28] =	ssyncadd.s32 $0xFFFFC000  }
0x3a: {  	[tilespmem:s20], [sflag:$0x1] =	stream.indirect.gather [hbm4b:s4+s19], $0x80, s29, s19, $0xb8;
	[tilespmem:$0x1E400] =	vst v63  }
.LBB2_2:
0x3b: {  	_ =	swait.ge [sflag:s21], $0x4000  }
0x3c: {  	s1 =	sshra.s32 s0, $0x2;
	[sflag:s21] =	ssyncset.done $0x0  }
0x3d: {  	s6 =	sadd.s32 $0x16300, s1;
	[sflag:s21] =	ssyncadd.s32 $0xFFFFC000  }
0x3e: {  	[spmem:s2] =	stream.indirect.scatter.add.f32 [tilespmem:s20], [sflag:$0x3], $0x80, s6, s19, $0xb8;
	[tilespmem:$0x1E400] =	vst v63  }
0x3f: {  	_ =	swait.ge [sflag:s30], $0x4000  }
0x40: {  	[sflag:s30] =	ssyncset.done $0x0  }
0x41: {  	s6 =	sadd.s32 $0x14F80, s1;
	[sflag:s30] =	ssyncadd.s32 $0xFFFFC000  }
0x42: {  	[tilespmem:s23], [sflag:$0x2] =	stream.indirect.gather [hbm4b:s4+s19], $0x80, s6, s19, $0xb8;
	[tilespmem:$0x1E400] =	vst v63  }
0x43: {  	_ =	swait.ge [sflag:s24], $0x4000  }
0x44: {  	p3 =	seq.s32 s0, $0x0;
	[sflag:s24] =	ssyncset.done $0x0  }
.Ltmp2:
0x45: {  	s6 =	sadd.s32 $0x16380, s1;
	[sflag:s24] =	ssyncadd.s32 $0xFFFFC000;
	(pc) =	sbr.rel @p3 .LBB2_4-.Ltmp2, $4  }
0x46: {  	[spmem:s2] =	stream.indirect.scatter.add.f32 [tilespmem:s23], [sflag:$0x4], $0x80, s6, s19, $0xb8;
	[tilespmem:$0x1E400] =	vst v63  }
0x47: {  	_ =	swait.ge [sflag:s28], $0x4000  }
0x48: {  	[sflag:s28] =	ssyncset.done $0x0  }
0x49: {  	[sflag:s28] =	ssyncadd.s32 $0xFFFFC000  }
.Ltmp3:
0x4a: {  	(pc) =	sbr.rel .LBB2_2-.Ltmp3, $3  }
0x4b: {  	_ =	sdelay $0x1  }
0x4c: {  	s1 =	sadd.s32 $0x15000, s1;
	s0 =	sadd.s32 $0x400, s0  }
0x4d: {  	[tilespmem:s20], [sflag:$0x1] =	stream.indirect.gather [hbm4b:s4+s19], $0x80, s1, s19, $0xb8;
	[tilespmem:$0x1E400] =	vst v63  }
.LBB2_4:
.Ltmp4:
0x4e: {  	_ =	swait.ge [sflag:s30], $0x4000;
	(pc) =	sbr.rel @!p0 .LBB2_5-.Ltmp4, $4  }
0x4f: {  	[sflag:s30] =	ssyncset.done $0x0  }
0x50: {  	[sflag:s30] =	ssyncadd.s32 $0xFFFFC000  }
0x51: {  	[bflag:$0x0] =	sbarrier.arrive $0xFFFF  }
0x52: {  	s0 =	sshrl.u32 s10, $0x3  }
0x53: {  	[hbm:s12], [sflag:s17] =	dma.local [spmem:s0], $0x2700  }
.Ltmp5:
0x54: {  	_ = 	snop;
	(pc) =	sbr.rel @p1 .LBB2_8-.Ltmp5, $4  }
.Ltmp6:
0x55: {  	_ = 	snop;
	(pc) =	sbr.rel @!p1 .LBB2_7-.Ltmp6, $4  }
0x56: {  	_ =	swait.ge [sflag:s15], $0x2700  }
0x57: {  	[sflag:s15] =	ssyncset.done $0x0  }
0x58: {  	s0 =	smov.u32 s11;
	[sflag:s15] =	ssyncadd.s32 $0xFFFFD900  }
0x59: {  	_ = 	snop  }
.LBB2_5:
0x5a: {  	s1 =	rddreg [dreg:$0x4]  }
0x5b: {  	[hbm:s1], [sflag:s17] =	dma.local [spmem:s0], $0x2700  }
.Ltmp7:
0x5c: {  	_ = 	snop;
	(pc) =	sbr.rel @p2 .LBB2_7-.Ltmp7, $4  }
.Ltmp8:
0x5d: {  	_ = 	snop;
	(pc) =	sbr.rel @!p2 .LBB2_8-.Ltmp8, $4  }
0x5e: {  	_ =	swait.ge [sflag:s15], $0x2700  }
0x5f: {  	[sflag:s15] =	ssyncset.done $0x0  }
0x60: {  	s0 =	smov.u32 s7;
	[sflag:s15] =	ssyncadd.s32 $0xFFFFD900  }
0x61: {  	_ = 	snop  }
.LBB2_9:
0x62: {  	_ =	sfence.sel $0x180000  }
0x63: {  	[bflag:$0x0] =	sbarrier.arrive $0xFFFF  }
0x64: {  	_ =	strace $0x90000050  }
0x65: {  	s0 =	stileid.u32;
	[bflag:$0x2] =	sbarrier.arrive $0xFFFF  }
0x66: {  	p0 =	sne.s32 s0, $0x0;
	s0 =	rddreg [dreg:$0x3]  }
0x67: {  	s0 =	sadd.s32 @!p0 $0x100000, s0  }
0x68: {  	[sflag:s0] =	ssyncadd.tile.s32 @!p0 $0x1;
	_ =	shalt  }
.Lfunc_end2:
_tile_overlayer_lowered:
.L_overlay_start_2:
0x69: {  	(tag) =	ssettag $0x2  }
0x6a: {  	s0 =	rddreg [dreg:$0x0];
	s2 =	stileid.u32  }
0x6b: {  	s1 =	rddreg [dreg:$0x1];
	p0 =	sne.s32 s2, $0x0  }
0x6c: {  	s3 =	rddreg [dreg:$0x2];
	[bflag:$0x3] =	sbarrier.arrive $0xFFFF;
	s2 =	simm.s32 @!p0 $0x1C05  }
0x6d: {  	[timem:s3], [sflag:s2] =	dma.local @!p0 [hbm:s0], s1  }
0x6e: {  	s0 =	simm.s32 @!p0 $0x5  }
0x6f: {  	_ =	swait.ge @!p0 [sflag:s0], s1  }
0x70: {  	s1 =	ssub.s32 @!p0 $0x0, s1;
	[sflag:s0] =	ssyncset.done @!p0 $0x0  }
0x71: {  	[sflag:s0] =	ssyncadd.s32 @!p0 s1  }
0x72: {  	[bflag:$0x3] =	sbarrier.arrive $0xFFFF  }
0x73: {  	_ =	shalt  }

</sc_bundles>
